<compile_context>
chip_gen: v7x
topology: tpu7x:2x2x1
jax: 0.10.2.dev20260603
libtpu: 0.0.44.dev20260713+nightly
codegen_flags: <defaults>
</compile_context>

<pallas_src>
import functools

import jax
import jax.numpy as jnp
from jax import lax
from jax.experimental import pallas as pl
from jax.experimental.pallas import tpu as pltpu
from jax.experimental.pallas import tpu_sc as plsc

NC = 2
NS = 16
NW = NC * NS
CHUNK = 80
TL = 640
BN_EPS = 1e-5


def _make_gather(rows_total, d, nchunks):
    mesh = plsc.VectorSubcoreMesh(core_axis_name="c", subcore_axis_name="s",
                                  num_cores=NC, num_subcores=NS)
    rows_per_w = nchunks * CHUNK

    K = 4
    ng = nchunks // K

    @functools.partial(
        pl.kernel,
        out_type=jax.ShapeDtypeStruct((rows_total, d), jnp.float32),
        mesh=mesh,
        scratch_types=[
            pltpu.VMEM((nchunks, CHUNK), jnp.int32),
            [pltpu.VMEM((CHUNK, d), jnp.float32)] * K,
            [pltpu.SemaphoreType.DMA] * K,
            pltpu.SemaphoreType.DMA,
        ],
    )
    def gather(table_hbm, idx_hbm, out_hbm, idx_v, rows, gsems, wsem):
        wid = lax.axis_index("s") * NC + lax.axis_index("c")
        pltpu.sync_copy(idx_hbm.at[wid], idx_v)
        base = wid * rows_per_w

        def dst(i):
            return out_hbm.at[pl.ds(base + i * CHUNK, CHUNK)]

        def group(g, carry):
            i0 = g * K
            gd = [pltpu.async_copy(table_hbm.at[idx_v.at[i0 + j]], rows[j],
                                   gsems[j]) for j in range(K)]
            wd = []
            for j in range(K):
                gd[j].wait()
                wd.append(pltpu.async_copy(rows[j], dst(i0 + j), wsem))
            for j in range(K):
                wd[j].wait()
            return carry

        lax.fori_loop(0, ng, group, 0)
        for i in range(ng * K, nchunks):
            pltpu.async_copy(table_hbm.at[idx_v.at[i]], rows[0], gsems[0]).wait()
            pltpu.sync_copy(rows[0], dst(i))

    return gather


def _make_scatter(bsz, l, d, n_pad, nchunks):
    mesh = plsc.VectorSubcoreMesh(core_axis_name="c", subcore_axis_name="s",
                                  num_cores=NC, num_subcores=NS)
    rows_per_w = nchunks * CHUNK
    seg = n_pad // NS
    wch = CHUNK
    nw_seg = seg // wch
    K = 3
    ng = nchunks // K

    @functools.partial(
        pl.kernel,
        out_type=jax.ShapeDtypeStruct((bsz, n_pad, d), jnp.float32),
        mesh=mesh,
        scratch_types=[
            pltpu.VMEM((nchunks, CHUNK), jnp.int32),
            [pltpu.VMEM((CHUNK, d), jnp.float32)] * K,
            [pltpu.SemaphoreType.DMA] * K,
            pltpu.SemaphoreType.DMA,
            pltpu.VMEM_SHARED((n_pad, d), jnp.float32),
        ],
    )
    def scatter(lup_hbm, idx_hbm, zeros_hbm, sums_hbm,
                idx_v, rows, lsems, ssem, sums_acc):
        stage_v = rows[0]
        c = lax.axis_index("c")
        s = lax.axis_index("s")
        pltpu.sync_copy(idx_hbm.at[c, s], idx_v)

        def zinit(k, carry):
            off = s * seg + k * wch
            pltpu.sync_copy(zeros_hbm.at[pl.ds(k * wch, wch)], stage_v)
            pltpu.sync_copy(stage_v, sums_acc.at[pl.ds(off, wch)])
            return carry

        lax.fori_loop(0, nw_seg, zinit, 0)
        plsc.subcore_barrier()
        base = s * rows_per_w

        def src_at(i):
            return lup_hbm.at[c, pl.ds(base + i * CHUNK, CHUNK)]

        def group(g, carry):
            i0 = g * K
            ld = [pltpu.async_copy(src_at(i0 + j), rows[j], lsems[j])
                  for j in range(K)]
            sd = []
            for j in range(K):
                ld[j].wait()
                sd.append(pltpu.async_copy(rows[j], sums_acc.at[idx_v.at[i0 + j]],
                                           ssem, add=True))
            for j in range(K):
                sd[j].wait()
            return carry

        lax.fori_loop(0, ng, group, 0)
        for i in range(ng * K, nchunks):
            pltpu.sync_copy(src_at(i), rows[0])
            pltpu.sync_copy(rows[0], sums_acc.at[idx_v.at[i]], add=True)
        plsc.subcore_barrier()

        def wback(k, carry):
            off = s * seg + k * wch
            pltpu.sync_copy(sums_acc.at[pl.ds(off, wch)], stage_v)
            pltpu.sync_copy(stage_v, sums_hbm.at[c, pl.ds(off, wch)])
            return carry

        lax.fori_loop(0, nw_seg, wback, 0)

    return scatter


def _make_counts(bsz, l, d, n_pad, nchunks):
    mesh = plsc.VectorSubcoreMesh(core_axis_name="c", subcore_axis_name="s",
                                  num_cores=NC, num_subcores=NS)
    seg = n_pad // NS
    wch = 64
    nw_seg = seg // wch
    K = 8
    ng = nchunks // K

    @functools.partial(
        pl.kernel,
        out_type=jax.ShapeDtypeStruct((bsz, n_pad, d), jnp.float32),
        mesh=mesh,
        scratch_types=[
            pltpu.VMEM((nchunks, CHUNK), jnp.int32),
            pltpu.VMEM((CHUNK, d), jnp.float32),
            pltpu.VMEM((wch, d), jnp.float32),
            pltpu.SemaphoreType.DMA,
            pltpu.VMEM_SHARED((n_pad, d), jnp.float32),
        ],
    )
    def counts(idx_hbm, zeros_hbm, ones_hbm, cnt_hbm,
               idx_v, ones_v, stage_v, ssem, cnt_acc):
        c = lax.axis_index("c")
        s = lax.axis_index("s")
        pltpu.sync_copy(idx_hbm.at[c, s], idx_v)
        pltpu.sync_copy(ones_hbm, ones_v)

        def zinit(k, carry):
            off = s * seg + k * wch
            pltpu.sync_copy(zeros_hbm.at[pl.ds(k * wch, wch)], stage_v)
            pltpu.sync_copy(stage_v, cnt_acc.at[pl.ds(off, wch)])
            return carry

        lax.fori_loop(0, nw_seg, zinit, 0)
        plsc.subcore_barrier()

        def group(g, carry):
            i0 = g * K
            sd = [pltpu.async_copy(ones_v, cnt_acc.at[idx_v.at[i0 + j]],
                                   ssem, add=True) for j in range(K)]
            for j in range(K):
                sd[j].wait()
            return carry

        lax.fori_loop(0, ng, group, 0)
        for i in range(ng * K, nchunks):
            pltpu.sync_copy(ones_v, cnt_acc.at[idx_v.at[i]], add=True)
        plsc.subcore_barrier()

        def wback(k, carry):
            off = s * seg + k * wch
            pltpu.sync_copy(cnt_acc.at[pl.ds(off, wch)], stage_v)
            pltpu.sync_copy(stage_v, cnt_hbm.at[c, pl.ds(off, wch)])
            return carry

        lax.fori_loop(0, nw_seg, wback, 0)

    return counts


def _flip_pairs(g):
    up = jnp.roll(g, -1, axis=0)
    dn = jnp.roll(g, 1, axis=0)
    rows = lax.broadcasted_iota(jnp.int32, g.shape, 0)
    return jnp.where(rows % 2 == 0, up, dn)


def _stats_body(g_ref, enc_ref, w1t_ref, b1_ref, out_ref):
    b = pl.program_id(0)
    t = pl.program_id(1)
    g = g_ref[0]
    msg = jnp.concatenate([g, _flip_pairs(g), enc_ref[0].T], axis=1)
    h = jnp.dot(msg, w1t_ref[...], preferred_element_type=jnp.float32) + b1_ref[...]

    @pl.when((b == 0) & (t == 0))
    def _():
        out_ref[...] = jnp.zeros_like(out_ref)

    out_ref[0:1, :] += jnp.sum(h, axis=0, keepdims=True)
    out_ref[1:2, :] += jnp.sum(h * h, axis=0, keepdims=True)


def _mlp_body(g_ref, enc_ref, w1s_ref, b1s_ref, w2t_ref, b2_ref, lup_ref):
    g = g_ref[0]
    msg = jnp.concatenate([g, _flip_pairs(g), enc_ref[0].T], axis=1)
    h = jnp.dot(msg, w1s_ref[...], preferred_element_type=jnp.float32) + b1s_ref[...]
    h = jnp.maximum(h, 0.0)
    lup_ref[0] = jnp.dot(h, w2t_ref[...], preferred_element_type=jnp.float32) + b2_ref[...]


def _combine_body(ld_ref, sums_ref, cnt_ref, out_ref):
    s_t = sums_ref[0].T
    cnt = jnp.maximum(cnt_ref[0].T[0:1, :], 1.0)
    out_ref[0] = ld_ref[0] + s_t / cnt


def _stream(ldesc, line_enc, idx, W1, b1, bn_g, bn_b, W2, b2):
    bsz, d, n = ldesc.shape
    l = idx.shape[1]
    rows_total = bsz * l
    nchunks_g = rows_total // (NW * CHUNK)
    nchunks_s = l // (NS * CHUNK)
    n_pad = ((n + NS * 128 - 1) // (NS * 128)) * (NS * 128)
    nt = l // TL

    table = jnp.swapaxes(ldesc, 1, 2).reshape(bsz * n, d)
    gidx = (idx + (jnp.arange(bsz, dtype=jnp.int32) * n)[:, None])
    gidx3 = gidx.reshape(NW, nchunks_g, CHUNK)

    gathered = _make_gather(rows_total, d, nchunks_g)(table, gidx3)
    gathered = gathered.reshape(bsz, l, d)

    w1t = W1.T
    b1r = b1.reshape(1, -1)
    grid = (bsz, nt)
    stats = pl.pallas_call(
        _stats_body,
        grid=grid,
        in_specs=[
            pl.BlockSpec((1, TL, d), lambda b, t: (b, t, 0)),
            pl.BlockSpec((1, d, TL), lambda b, t: (b, 0, t)),
            pl.BlockSpec((3 * d, 2 * d), lambda b, t: (0, 0)),
            pl.BlockSpec((1, 2 * d), lambda b, t: (0, 0)),
        ],
        out_specs=pl.BlockSpec((8, 2 * d), lambda b, t: (0, 0)),
        out_shape=jax.ShapeDtypeStruct((8, 2 * d), jnp.float32),
        compiler_params=pltpu.CompilerParams(
            dimension_semantics=("arbitrary", "arbitrary")),
    )(gathered, line_enc, w1t, b1r)

    cnt_total = rows_total
    mu = stats[0] / cnt_total
    var = stats[1] / cnt_total - mu * mu
    scale = bn_g / jnp.sqrt(var + BN_EPS)
    w1s = w1t * scale[None, :]
    b1s = ((b1 - mu) * scale + bn_b).reshape(1, -1)

    lup = pl.pallas_call(
        _mlp_body,
        grid=grid,
        in_specs=[
            pl.BlockSpec((1, TL, d), lambda b, t: (b, t, 0)),
            pl.BlockSpec((1, d, TL), lambda b, t: (b, 0, t)),
            pl.BlockSpec((3 * d, 2 * d), lambda b, t: (0, 0)),
            pl.BlockSpec((1, 2 * d), lambda b, t: (0, 0)),
            pl.BlockSpec((2 * d, d), lambda b, t: (0, 0)),
            pl.BlockSpec((1, d), lambda b, t: (0, 0)),
        ],
        out_specs=pl.BlockSpec((1, TL, d), lambda b, t: (b, t, 0)),
        out_shape=jax.ShapeDtypeStruct((bsz, l, d), jnp.float32),
        compiler_params=pltpu.CompilerParams(
            dimension_semantics=("arbitrary", "arbitrary")),
    )(gathered, line_enc, w1s, b1s, W2.T, b2.reshape(1, -1))

    idx4 = idx.reshape(bsz, NS, nchunks_s, CHUNK)
    z128 = jnp.zeros((n_pad, d), jnp.float32)
    ones = jnp.ones((CHUNK, d), jnp.float32)
    sums = _make_scatter(bsz, l, d, n_pad, nchunks_s)(lup, idx4, z128)
    cnts = _make_counts(bsz, l, d, n_pad, nchunks_s)(idx4, z128, ones)

    out = pl.pallas_call(
        _combine_body,
        grid=(bsz, (n + 127) // 128),
        in_specs=[
            pl.BlockSpec((1, d, 128), lambda b, t: (b, 0, t)),
            pl.BlockSpec((1, 128, d), lambda b, t: (b, t, 0)),
            pl.BlockSpec((1, 128, d), lambda b, t: (b, t, 0)),
        ],
        out_specs=pl.BlockSpec((1, d, 128), lambda b, t: (b, 0, t)),
        out_shape=jax.ShapeDtypeStruct((bsz, d, n), jnp.float32),
        compiler_params=pltpu.CompilerParams(
            dimension_semantics=("arbitrary", "arbitrary")),
    )(ldesc, sums, cnts)
    return out


def kernel(ldesc0, ldesc1, line_enc0, line_enc1, lines_junc_idx0,
           lines_junc_idx1, W1, b1, bn_g, bn_b, W2, b2):
    out0 = _stream(ldesc0, line_enc0, lines_junc_idx0,
                   W1, b1, bn_g, bn_b, W2, b2)
    out1 = _stream(ldesc1, line_enc1, lines_junc_idx1,
                   W1, b1, bn_g, bn_b, W2, b2)
    return (out0, out1)

# --- scband reference (transcript-rebuilt; emitter-appended) ---
"""Pipeline reference for scband-line-layer-15582141350721 (READ-ONLY COPY).

The authoritative reference and input builder live on the scoring server;
editing this copy changes nothing except your own understanding.
"""

import jax, jax.numpy as jnp
import numpy as np

B, DIM, N, L = 2, 128, 10000, 160000
BN_EPS = 1e-5


def setup_inputs(seed: int = 0) -> dict:
    key = jax.random.key(seed)
    ks = jax.random.split(key, 12)
    ldesc0 = jax.random.normal(ks[0], (B, DIM, N), dtype=jnp.float32)
    ldesc1 = jax.random.normal(ks[1], (B, DIM, N), dtype=jnp.float32)
    line_enc0 = jax.random.normal(ks[2], (B, DIM, L), dtype=jnp.float32)
    line_enc1 = jax.random.normal(ks[3], (B, DIM, L), dtype=jnp.float32)
    lines_junc_idx0 = jax.random.randint(ks[4], (B, L), 0, N, dtype=jnp.int32)
    lines_junc_idx1 = jax.random.randint(ks[5], (B, L), 0, N, dtype=jnp.int32)
    # MLP([3*dim, 2*dim, dim]) params: Conv1d(k=1) == matmul over channel dim
    W1 = jax.random.normal(ks[6], (2 * DIM, 3 * DIM), dtype=jnp.float32) * (1.0 / np.sqrt(3 * DIM))
    b1 = jnp.zeros((2 * DIM,), dtype=jnp.float32)
    bn_g = jnp.ones((2 * DIM,), dtype=jnp.float32)
    bn_b = jnp.zeros((2 * DIM,), dtype=jnp.float32)
    W2 = jax.random.normal(ks[7], (DIM, 2 * DIM), dtype=jnp.float32) * (1.0 / np.sqrt(2 * DIM))
    b2 = jnp.zeros((DIM,), dtype=jnp.float32)
    return {
        "ldesc0": ldesc0, "ldesc1": ldesc1,
        "line_enc0": line_enc0, "line_enc1": line_enc1,
        "lines_junc_idx0": lines_junc_idx0, "lines_junc_idx1": lines_junc_idx1,
        "W1": W1, "b1": b1, "bn_g": bn_g, "bn_b": bn_b, "W2": W2, "b2": b2,
    }


def _mlp(x, W1, b1, bn_g, bn_b, W2, b2):
    # Conv1d(k=1) -> BatchNorm1d (training-mode batch stats) -> ReLU -> Conv1d(k=1)
    h = jnp.einsum('oc,bcl->bol', W1, x) + b1[None, :, None]
    mu = jnp.mean(h, axis=(0, 2), keepdims=True)
    var = jnp.var(h, axis=(0, 2), keepdims=True)
    h = (h - mu) / jnp.sqrt(var + BN_EPS) * bn_g[None, :, None] + bn_b[None, :, None]
    h = jax.nn.relu(h)
    return jnp.einsum('oc,bcl->bol', W2, h) + b2[None, :, None]


def _endpoint_update(ldesc, line_enc, idx, params):
    b, d, n = ldesc.shape
    l = idx.shape[1]
    idx_b = jnp.broadcast_to(idx[:, None, :], (b, d, l))
    line_desc = jnp.take_along_axis(ldesc, idx_b, axis=2)
    flipped = line_desc.reshape(b, d, -1, 2)[..., ::-1].reshape(b, d, l)
    msg = jnp.concatenate([line_desc, flipped, line_enc], axis=1)
    return _mlp(msg, *params)


def _scatter_mean(lupdate, idx, n):
    b, d, l = lupdate.shape
    bidx = jnp.arange(b)[:, None, None]
    didx = jnp.arange(d)[None, :, None]
    sums = jnp.zeros((b, d, n), lupdate.dtype).at[bidx, didx, idx[:, None, :]].add(lupdate)
    counts = jnp.zeros((b, n), lupdate.dtype).at[jnp.arange(b)[:, None], idx].add(1.0)
    # scatter_reduce mean with include_self=False: untouched slots keep 0
    return sums / jnp.maximum(counts, 1.0)[:, None, :]


def reference(ldesc0, ldesc1, line_enc0, line_enc1, lines_junc_idx0, lines_junc_idx1, W1, b1, bn_g, bn_b, W2, b2):
    params = (W1, b1, bn_g, bn_b, W2, b2)
    lup0 = _endpoint_update(ldesc0, line_enc0, lines_junc_idx0, params)
    lup1 = _endpoint_update(ldesc1, line_enc1, lines_junc_idx1, params)
    out0 = ldesc0 + _scatter_mean(lup0, lines_junc_idx0, ldesc0.shape[2])
    out1 = ldesc1 + _scatter_mean(lup1, lines_junc_idx1, ldesc1.shape[2])
    return (out0, out1)

if __name__ == "__main__":
    import jax
    _d = setup_inputs()
    print(jax.jit(kernel)(*tuple(_d.values())))

</pallas_src>

<mosaic_0001>
#map = affine_map<(d0, d1) -> (0, 0)>
#map1 = affine_map<(d0, d1) -> (0, 0, 0)>
module attributes {stable_mosaic.version = 14 : i64} {
  func.func @gather(%arg0: i32, %arg1: i32, %arg2: memref<20000x128xf32, #tpu.memory_space<hbm>>, %arg3: memref<32x125x80xi32, #tpu.memory_space<hbm>>, %arg4: memref<320000x128xf32, #tpu.memory_space<hbm>>, %arg5: memref<125x80xi32, #tpu.memory_space<vmem>>, %arg6: memref<80x128xf32, #tpu.memory_space<vmem>>, %arg7: memref<80x128xf32, #tpu.memory_space<vmem>>, %arg8: memref<80x128xf32, #tpu.memory_space<vmem>>, %arg9: memref<80x128xf32, #tpu.memory_space<vmem>>, %arg10: memref<!tpu.dma_semaphore, #tpu.memory_space<semaphore_mem>>, %arg11: memref<!tpu.dma_semaphore, #tpu.memory_space<semaphore_mem>>, %arg12: memref<!tpu.dma_semaphore, #tpu.memory_space<semaphore_mem>>, %arg13: memref<!tpu.dma_semaphore, #tpu.memory_space<semaphore_mem>>, %arg14: memref<!tpu.dma_semaphore, #tpu.memory_space<semaphore_mem>>) attributes {dimension_semantics = [#tpu.dimension_semantics<core_parallel>, #tpu.dimension_semantics<subcore_parallel>], iteration_bounds = array<i64: 2, 16>, scalar_prefetch = 0 : i64, scratch_operands = 10 : i64, tpu.core_type = #tpu.core_type<sc_vector_subcore>, window_params = [{transform_indices = #map}, {transform_indices = #map1}, {transform_indices = #map}]} {
    %mul3A = arith.constant 2 : i32
    %mul3A_0 = arith.muli %arg1, %mul3A : i32
    %add3A = arith.addi %mul3A_0, %arg0 : i32
    "tpu.region"() ({
      %run_scoped3A = tpu.sem_alloc : memref<!tpu.dma_semaphore, #tpu.memory_space<semaphore_mem>>
      %dma_start3A_22 = arith.constant 0 : i32
      %dma_start3A_23 = arith.constant 0 : i32
      %dma_start3A_24 = tpu.memref_slice %arg3[%add3A, %dma_start3A_22, %dma_start3A_23] : memref<32x125x80xi32, #tpu.memory_space<hbm>> -> memref<1x125x80xi32, #tpu.memory_space<hbm>>
      %dma_start3A_25 = tpu.memref_squeeze %dma_start3A_24 : memref<1x125x80xi32, #tpu.memory_space<hbm>> -> memref<125x80xi32, #tpu.memory_space<hbm>>
      %dma_start3A_26 = arith.constant 0 : i32
      %dma_start3A_27 = arith.constant 0 : i32
      %dma_start3A_28 = tpu.memref_slice %arg3[%add3A, %dma_start3A_26, %dma_start3A_27] : memref<32x125x80xi32, #tpu.memory_space<hbm>> -> memref<1x125x80xi32, #tpu.memory_space<hbm>>
      %dma_start3A_29 = tpu.memref_squeeze %dma_start3A_28 : memref<1x125x80xi32, #tpu.memory_space<hbm>> -> memref<125x80xi32, #tpu.memory_space<hbm>>
      tpu.enqueue_dma source(%dma_start3A_29 : memref<125x80xi32, #tpu.memory_space<hbm>>) target(%arg5 : memref<125x80xi32, #tpu.memory_space<vmem>>) target_semaphore(%run_scoped3A : memref<!tpu.dma_semaphore, #tpu.memory_space<semaphore_mem>>)
      %dma_wait3A_30 = arith.constant 0 : i32
      %dma_wait3A_31 = arith.constant 0 : i32
      %dma_wait3A_32 = tpu.memref_slice %arg3[%add3A, %dma_wait3A_30, %dma_wait3A_31] : memref<32x125x80xi32, #tpu.memory_space<hbm>> -> memref<1x125x80xi32, #tpu.memory_space<hbm>>
      %dma_wait3A_33 = tpu.memref_squeeze %dma_wait3A_32 : memref<1x125x80xi32, #tpu.memory_space<hbm>> -> memref<125x80xi32, #tpu.memory_space<hbm>>
      %dma_wait3A_34 = arith.constant 0 : i32
      %dma_wait3A_35 = arith.constant 0 : i32
      %dma_wait3A_36 = tpu.memref_slice %arg3[%add3A, %dma_wait3A_34, %dma_wait3A_35] : memref<32x125x80xi32, #tpu.memory_space<hbm>> -> memref<1x125x80xi32, #tpu.memory_space<hbm>>
      %dma_wait3A_37 = tpu.memref_squeeze %dma_wait3A_36 : memref<1x125x80xi32, #tpu.memory_space<hbm>> -> memref<125x80xi32, #tpu.memory_space<hbm>>
      tpu.wait_dma2 semaphore(%run_scoped3A : memref<!tpu.dma_semaphore, #tpu.memory_space<semaphore_mem>>) src(%dma_wait3A_37 : memref<125x80xi32, #tpu.memory_space<hbm>>) dst(%arg5 : memref<125x80xi32, #tpu.memory_space<vmem>>)
      tpu.yield
    }) : () -> ()
    %mul3A_1 = arith.constant 10000 : i32
    %mul3A_2 = arith.muli %add3A, %mul3A_1 : i32
    %scan3A = arith.constant 0 : i32
    %scan3A_3 = arith.constant 0 : i32
    %scan3A_4 = arith.constant 31 : i32
    %scan3A_5 = arith.addi %scan3A_3, %scan3A_4 : i32
    %scan3A_6 = arith.constant 1 : i32
    scf.for %scan3A_22 = %scan3A_3 to %scan3A_5 step %scan3A_6  : i32 {
      %mul3A_23 = arith.constant 4 : i32
      %mul3A_24 = arith.muli %scan3A_22, %mul3A_23 : i32
      %add3A_25 = arith.constant 0 : i32
      %add3A_26 = arith.addi %mul3A_24, %add3A_25 : i32
      %dma_start3A_27 = arith.constant 0 : i32
      %dma_start3A_28 = tpu.memref_slice %arg5[%add3A_26, %dma_start3A_27] : memref<125x80xi32, #tpu.memory_space<vmem>> -> memref<1x80xi32, #tpu.memory_space<vmem>>
      %dma_start3A_29 = tpu.memref_squeeze %dma_start3A_28 : memref<1x80xi32, #tpu.memory_space<vmem>> -> memref<80xi32, #tpu.memory_space<vmem>>
      %dma_start3A_30 = arith.constant 0 : i32
      %dma_start3A_31 = arith.constant 0 : i32
      %dma_start3A_32 = tpu.memref_slice %arg2[%dma_start3A_30, %dma_start3A_31] : memref<20000x128xf32, #tpu.memory_space<hbm>> -> memref<20000x128xf32, #tpu.memory_space<hbm>>
      tpu.enqueue_indirect_dma source(%dma_start3A_32 : memref<20000x128xf32, #tpu.memory_space<hbm>>) target(%arg6 : memref<80x128xf32, #tpu.memory_space<vmem>>) offsets(%dma_start3A_29 : memref<80xi32, #tpu.memory_space<vmem>>) semaphore(%arg10 : memref<!tpu.dma_semaphore, #tpu.memory_space<semaphore_mem>>)
      %add3A_33 = arith.constant 1 : i32
      %add3A_34 = arith.addi %mul3A_24, %add3A_33 : i32
      %dma_start3A_35 = arith.constant 0 : i32
      %dma_start3A_36 = tpu.memref_slice %arg5[%add3A_34, %dma_start3A_35] : memref<125x80xi32, #tpu.memory_space<vmem>> -> memref<1x80xi32, #tpu.memory_space<vmem>>
      %dma_start3A_37 = tpu.memref_squeeze %dma_start3A_36 : memref<1x80xi32, #tpu.memory_space<vmem>> -> memref<80xi32, #tpu.memory_space<vmem>>
      %dma_start3A_38 = arith.constant 0 : i32
      %dma_start3A_39 = arith.constant 0 : i32
      %dma_start3A_40 = tpu.memref_slice %arg2[%dma_start3A_38, %dma_start3A_39] : memref<20000x128xf32, #tpu.memory_space<hbm>> -> memref<20000x128xf32, #tpu.memory_space<hbm>>
      tpu.enqueue_indirect_dma source(%dma_start3A_40 : memref<20000x128xf32, #tpu.memory_space<hbm>>) target(%arg7 : memref<80x128xf32, #tpu.memory_space<vmem>>) offsets(%dma_start3A_37 : memref<80xi32, #tpu.memory_space<vmem>>) semaphore(%arg11 : memref<!tpu.dma_semaphore, #tpu.memory_space<semaphore_mem>>)
      %add3A_41 = arith.constant 2 : i32
      %add3A_42 = arith.addi %mul3A_24, %add3A_41 : i32
      %dma_start3A_43 = arith.constant 0 : i32
      %dma_start3A_44 = tpu.memref_slice %arg5[%add3A_42, %dma_start3A_43] : memref<125x80xi32, #tpu.memory_space<vmem>> -> memref<1x80xi32, #tpu.memory_space<vmem>>
      %dma_start3A_45 = tpu.memref_squeeze %dma_start3A_44 : memref<1x80xi32, #tpu.memory_space<vmem>> -> memref<80xi32, #tpu.memory_space<vmem>>
      %dma_start3A_46 = arith.constant 0 : i32
      %dma_start3A_47 = arith.constant 0 : i32
      %dma_start3A_48 = tpu.memref_slice %arg2[%dma_start3A_46, %dma_start3A_47] : memref<20000x128xf32, #tpu.memory_space<hbm>> -> memref<20000x128xf32, #tpu.memory_space<hbm>>
      tpu.enqueue_indirect_dma source(%dma_start3A_48 : memref<20000x128xf32, #tpu.memory_space<hbm>>) target(%arg8 : memref<80x128xf32, #tpu.memory_space<vmem>>) offsets(%dma_start3A_45 : memref<80xi32, #tpu.memory_space<vmem>>) semaphore(%arg12 : memref<!tpu.dma_semaphore, #tpu.memory_space<semaphore_mem>>)
      %add3A_49 = arith.constant 3 : i32
      %add3A_50 = arith.addi %mul3A_24, %add3A_49 : i32
      %dma_start3A_51 = arith.constant 0 : i32
      %dma_start3A_52 = tpu.memref_slice %arg5[%add3A_50, %dma_start3A_51] : memref<125x80xi32, #tpu.memory_space<vmem>> -> memref<1x80xi32, #tpu.memory_space<vmem>>
      %dma_start3A_53 = tpu.memref_squeeze %dma_start3A_52 : memref<1x80xi32, #tpu.memory_space<vmem>> -> memref<80xi32, #tpu.memory_space<vmem>>
      %dma_start3A_54 = arith.constant 0 : i32
      %dma_start3A_55 = arith.constant 0 : i32
      %dma_start3A_56 = tpu.memref_slice %arg2[%dma_start3A_54, %dma_start3A_55] : memref<20000x128xf32, #tpu.memory_space<hbm>> -> memref<20000x128xf32, #tpu.memory_space<hbm>>
      tpu.enqueue_indirect_dma source(%dma_start3A_56 : memref<20000x128xf32, #tpu.memory_space<hbm>>) target(%arg9 : memref<80x128xf32, #tpu.memory_space<vmem>>) offsets(%dma_start3A_53 : memref<80xi32, #tpu.memory_space<vmem>>) semaphore(%arg13 : memref<!tpu.dma_semaphore, #tpu.memory_space<semaphore_mem>>)
      %dma_wait3A_57 = arith.constant 0 : i32
      %dma_wait3A_58 = tpu.memref_slice %arg5[%add3A_26, %dma_wait3A_57] : memref<125x80xi32, #tpu.memory_space<vmem>> -> memref<1x80xi32, #tpu.memory_space<vmem>>
      %dma_wait3A_59 = tpu.memref_squeeze %dma_wait3A_58 : memref<1x80xi32, #tpu.memory_space<vmem>> -> memref<80xi32, #tpu.memory_space<vmem>>
      %dma_wait3A_60 = arith.constant 0 : i32
      %dma_wait3A_61 = arith.constant 0 : i32
      %dma_wait3A_62 = tpu.memref_slice %arg2[%dma_wait3A_60, %dma_wait3A_61] : memref<20000x128xf32, #tpu.memory_space<hbm>> -> memref<20000x128xf32, #tpu.memory_space<hbm>>
      tpu.wait_indirect_dma semaphore(%arg10 : memref<!tpu.dma_semaphore, #tpu.memory_space<semaphore_mem>>) src(%dma_wait3A_62 : memref<20000x128xf32, #tpu.memory_space<hbm>>) dst(%arg6 : memref<80x128xf32, #tpu.memory_space<vmem>>)
      %add3A_63 = arith.constant 0 : i32
      %add3A_64 = arith.addi %mul3A_24, %add3A_63 : i32
      %mul3A_65 = arith.constant 80 : i32
      %mul3A_66 = arith.muli %add3A_64, %mul3A_65 : i32
      %add3A_67 = arith.addi %mul3A_2, %mul3A_66 : i32
      %dma_start3A_68 = arith.constant 0 : i32
      %dma_start3A_69 = tpu.memref_slice %arg4[%add3A_67, %dma_start3A_68] : memref<320000x128xf32, #tpu.memory_space<hbm>> -> memref<80x128xf32, #tpu.memory_space<hbm>>
      %dma_start3A_70 = arith.constant 0 : i32
      %dma_start3A_71 = tpu.memref_slice %arg4[%add3A_67, %dma_start3A_70] : memref<320000x128xf32, #tpu.memory_space<hbm>> -> memref<80x128xf32, #tpu.memory_space<hbm>>
      tpu.enqueue_dma source(%arg6 : memref<80x128xf32, #tpu.memory_space<vmem>>) target(%dma_start3A_71 : memref<80x128xf32, #tpu.memory_space<hbm>>) target_semaphore(%arg14 : memref<!tpu.dma_semaphore, #tpu.memory_space<semaphore_mem>>)
      %dma_wait3A_72 = arith.constant 0 : i32
      %dma_wait3A_73 = tpu.memref_slice %arg5[%add3A_34, %dma_wait3A_72] : memref<125x80xi32, #tpu.memory_space<vmem>> -> memref<1x80xi32, #tpu.memory_space<vmem>>
      %dma_wait3A_74 = tpu.memref_squeeze %dma_wait3A_73 : memref<1x80xi32, #tpu.memory_space<vmem>> -> memref<80xi32, #tpu.memory_space<vmem>>
      %dma_wait3A_75 = arith.constant 0 : i32
      %dma_wait3A_76 = arith.constant 0 : i32
      %dma_wait3A_77 = tpu.memref_slice %arg2[%dma_wait3A_75, %dma_wait3A_76] : memref<20000x128xf32, #tpu.memory_space<hbm>> -> memref<20000x128xf32, #tpu.memory_space<hbm>>
      tpu.wait_indirect_dma semaphore(%arg11 : memref<!tpu.dma_semaphore, #tpu.memory_space<semaphore_mem>>) src(%dma_wait3A_77 : memref<20000x128xf32, #tpu.memory_space<hbm>>) dst(%arg7 : memref<80x128xf32, #tpu.memory_space<vmem>>)
      %add3A_78 = arith.constant 1 : i32
      %add3A_79 = arith.addi %mul3A_24, %add3A_78 : i32
      %mul3A_80 = arith.constant 80 : i32
      %mul3A_81 = arith.muli %add3A_79, %mul3A_80 : i32
      %add3A_82 = arith.addi %mul3A_2, %mul3A_81 : i32
      %dma_start3A_83 = arith.constant 0 : i32
      %dma_start3A_84 = tpu.memref_slice %arg4[%add3A_82, %dma_start3A_83] : memref<320000x128xf32, #tpu.memory_space<hbm>> -> memref<80x128xf32, #tpu.memory_space<hbm>>
      %dma_start3A_85 = arith.constant 0 : i32
      %dma_start3A_86 = tpu.memref_slice %arg4[%add3A_82, %dma_start3A_85] : memref<320000x128xf32, #tpu.memory_space<hbm>> -> memref<80x128xf32, #tpu.memory_space<hbm>>
      tpu.enqueue_dma source(%arg7 : memref<80x128xf32, #tpu.memory_space<vmem>>) target(%dma_start3A_86 : memref<80x128xf32, #tpu.memory_space<hbm>>) target_semaphore(%arg14 : memref<!tpu.dma_semaphore, #tpu.memory_space<semaphore_mem>>)
      %dma_wait3A_87 = arith.constant 0 : i32
      %dma_wait3A_88 = tpu.memref_slice %arg5[%add3A_42, %dma_wait3A_87] : memref<125x80xi32, #tpu.memory_space<vmem>> -> memref<1x80xi32, #tpu.memory_space<vmem>>
      %dma_wait3A_89 = tpu.memref_squeeze %dma_wait3A_88 : memref<1x80xi32, #tpu.memory_space<vmem>> -> memref<80xi32, #tpu.memory_space<vmem>>
      %dma_wait3A_90 = arith.constant 0 : i32
      %dma_wait3A_91 = arith.constant 0 : i32
      %dma_wait3A_92 = tpu.memref_slice %arg2[%dma_wait3A_90, %dma_wait3A_91] : memref<20000x128xf32, #tpu.memory_space<hbm>> -> memref<20000x128xf32, #tpu.memory_space<hbm>>
      tpu.wait_indirect_dma semaphore(%arg12 : memref<!tpu.dma_semaphore, #tpu.memory_space<semaphore_mem>>) src(%dma_wait3A_92 : memref<20000x128xf32, #tpu.memory_space<hbm>>) dst(%arg8 : memref<80x128xf32, #tpu.memory_space<vmem>>)
      %add3A_93 = arith.constant 2 : i32
      %add3A_94 = arith.addi %mul3A_24, %add3A_93 : i32
      %mul3A_95 = arith.constant 80 : i32
      %mul3A_96 = arith.muli %add3A_94, %mul3A_95 : i32
      %add3A_97 = arith.addi %mul3A_2, %mul3A_96 : i32
      %dma_start3A_98 = arith.constant 0 : i32
      %dma_start3A_99 = tpu.memref_slice %arg4[%add3A_97, %dma_start3A_98] : memref<320000x128xf32, #tpu.memory_space<hbm>> -> memref<80x128xf32, #tpu.memory_space<hbm>>
      %dma_start3A_100 = arith.constant 0 : i32
      %dma_start3A_101 = tpu.memref_slice %arg4[%add3A_97, %dma_start3A_100] : memref<320000x128xf32, #tpu.memory_space<hbm>> -> memref<80x128xf32, #tpu.memory_space<hbm>>
      tpu.enqueue_dma source(%arg8 : memref<80x128xf32, #tpu.memory_space<vmem>>) target(%dma_start3A_101 : memref<80x128xf32, #tpu.memory_space<hbm>>) target_semaphore(%arg14 : memref<!tpu.dma_semaphore, #tpu.memory_space<semaphore_mem>>)
      %dma_wait3A_102 = arith.constant 0 : i32
      %dma_wait3A_103 = tpu.memref_slice %arg5[%add3A_50, %dma_wait3A_102] : memref<125x80xi32, #tpu.memory_space<vmem>> -> memref<1x80xi32, #tpu.memory_space<vmem>>
      %dma_wait3A_104 = tpu.memref_squeeze %dma_wait3A_103 : memref<1x80xi32, #tpu.memory_space<vmem>> -> memref<80xi32, #tpu.memory_space<vmem>>
      %dma_wait3A_105 = arith.constant 0 : i32
      %dma_wait3A_106 = arith.constant 0 : i32
      %dma_wait3A_107 = tpu.memref_slice %arg2[%dma_wait3A_105, %dma_wait3A_106] : memref<20000x128xf32, #tpu.memory_space<hbm>> -> memref<20000x128xf32, #tpu.memory_space<hbm>>
      tpu.wait_indirect_dma semaphore(%arg13 : memref<!tpu.dma_semaphore, #tpu.memory_space<semaphore_mem>>) src(%dma_wait3A_107 : memref<20000x128xf32, #tpu.memory_space<hbm>>) dst(%arg9 : memref<80x128xf32, #tpu.memory_space<vmem>>)
      %add3A_108 = arith.constant 3 : i32
      %add3A_109 = arith.addi %mul3A_24, %add3A_108 : i32
      %mul3A_110 = arith.constant 80 : i32
      %mul3A_111 = arith.muli %add3A_109, %mul3A_110 : i32
      %add3A_112 = arith.addi %mul3A_2, %mul3A_111 : i32
      %dma_start3A_113 = arith.constant 0 : i32
      %dma_start3A_114 = tpu.memref_slice %arg4[%add3A_112, %dma_start3A_113] : memref<320000x128xf32, #tpu.memory_space<hbm>> -> memref<80x128xf32, #tpu.memory_space<hbm>>
      %dma_start3A_115 = arith.constant 0 : i32
      %dma_start3A_116 = tpu.memref_slice %arg4[%add3A_112, %dma_start3A_115] : memref<320000x128xf32, #tpu.memory_space<hbm>> -> memref<80x128xf32, #tpu.memory_space<hbm>>
      tpu.enqueue_dma source(%arg9 : memref<80x128xf32, #tpu.memory_space<vmem>>) target(%dma_start3A_116 : memref<80x128xf32, #tpu.memory_space<hbm>>) target_semaphore(%arg14 : memref<!tpu.dma_semaphore, #tpu.memory_space<semaphore_mem>>)
      %dma_wait3A_117 = arith.constant 0 : i32
      %dma_wait3A_118 = tpu.memref_slice %arg4[%add3A_67, %dma_wait3A_117] : memref<320000x128xf32, #tpu.memory_space<hbm>> -> memref<80x128xf32, #tpu.memory_space<hbm>>
      %dma_wait3A_119 = arith.constant 0 : i32
      %dma_wait3A_120 = tpu.memref_slice %arg4[%add3A_67, %dma_wait3A_119] : memref<320000x128xf32, #tpu.memory_space<hbm>> -> memref<80x128xf32, #tpu.memory_space<hbm>>
      tpu.wait_dma2 semaphore(%arg14 : memref<!tpu.dma_semaphore, #tpu.memory_space<semaphore_mem>>) src(%arg6 : memref<80x128xf32, #tpu.memory_space<vmem>>) dst(%dma_wait3A_120 : memref<80x128xf32, #tpu.memory_space<hbm>>)
      %dma_wait3A_121 = arith.constant 0 : i32
      %dma_wait3A_122 = tpu.memref_slice %arg4[%add3A_82, %dma_wait3A_121] : memref<320000x128xf32, #tpu.memory_space<hbm>> -> memref<80x128xf32, #tpu.memory_space<hbm>>
      %dma_wait3A_123 = arith.constant 0 : i32
      %dma_wait3A_124 = tpu.memref_slice %arg4[%add3A_82, %dma_wait3A_123] : memref<320000x128xf32, #tpu.memory_space<hbm>> -> memref<80x128xf32, #tpu.memory_space<hbm>>
      tpu.wait_dma2 semaphore(%arg14 : memref<!tpu.dma_semaphore, #tpu.memory_space<semaphore_mem>>) src(%arg7 : memref<80x128xf32, #tpu.memory_space<vmem>>) dst(%dma_wait3A_124 : memref<80x128xf32, #tpu.memory_space<hbm>>)
      %dma_wait3A_125 = arith.constant 0 : i32
      %dma_wait3A_126 = tpu.memref_slice %arg4[%add3A_97, %dma_wait3A_125] : memref<320000x128xf32, #tpu.memory_space<hbm>> -> memref<80x128xf32, #tpu.memory_space<hbm>>
      %dma_wait3A_127 = arith.constant 0 : i32
      %dma_wait3A_128 = tpu.memref_slice %arg4[%add3A_97, %dma_wait3A_127] : memref<320000x128xf32, #tpu.memory_space<hbm>> -> memref<80x128xf32, #tpu.memory_space<hbm>>
      tpu.wait_dma2 semaphore(%arg14 : memref<!tpu.dma_semaphore, #tpu.memory_space<semaphore_mem>>) src(%arg8 : memref<80x128xf32, #tpu.memory_space<vmem>>) dst(%dma_wait3A_128 : memref<80x128xf32, #tpu.memory_space<hbm>>)
      %dma_wait3A_129 = arith.constant 0 : i32
      %dma_wait3A_130 = tpu.memref_slice %arg4[%add3A_112, %dma_wait3A_129] : memref<320000x128xf32, #tpu.memory_space<hbm>> -> memref<80x128xf32, #tpu.memory_space<hbm>>
      %dma_wait3A_131 = arith.constant 0 : i32
      %dma_wait3A_132 = tpu.memref_slice %arg4[%add3A_112, %dma_wait3A_131] : memref<320000x128xf32, #tpu.memory_space<hbm>> -> memref<80x128xf32, #tpu.memory_space<hbm>>
      tpu.wait_dma2 semaphore(%arg14 : memref<!tpu.dma_semaphore, #tpu.memory_space<semaphore_mem>>) src(%arg9 : memref<80x128xf32, #tpu.memory_space<vmem>>) dst(%dma_wait3A_132 : memref<80x128xf32, #tpu.memory_space<hbm>>)
    }
    %scan3A_7 = arith.constant 31 : i32
    %dma_start3A = arith.constant 124 : i32
    %dma_start3A_8 = arith.constant 0 : i32
    %dma_start3A_9 = tpu.memref_slice %arg5[%dma_start3A, %dma_start3A_8] : memref<125x80xi32, #tpu.memory_space<vmem>> -> memref<1x80xi32, #tpu.memory_space<vmem>>
    %dma_start3A_10 = tpu.memref_squeeze %dma_start3A_9 : memref<1x80xi32, #tpu.memory_space<vmem>> -> memref<80xi32, #tpu.memory_space<vmem>>
    %dma_start3A_11 = arith.constant 0 : i32
    %dma_start3A_12 = arith.constant 0 : i32
    %dma_start3A_13 = tpu.memref_slice %arg2[%dma_start3A_11, %dma_start3A_12] : memref<20000x128xf32, #tpu.memory_space<hbm>> -> memref<20000x128xf32, #tpu.memory_space<hbm>>
    tpu.enqueue_indirect_dma source(%dma_start3A_13 : memref<20000x128xf32, #tpu.memory_space<hbm>>) target(%arg6 : memref<80x128xf32, #tpu.memory_space<vmem>>) offsets(%dma_start3A_10 : memref<80xi32, #tpu.memory_space<vmem>>) semaphore(%arg10 : memref<!tpu.dma_semaphore, #tpu.memory_space<semaphore_mem>>)
    %dma_wait3A = arith.constant 124 : i32
    %dma_wait3A_14 = arith.constant 0 : i32
    %dma_wait3A_15 = tpu.memref_slice %arg5[%dma_wait3A, %dma_wait3A_14] : memref<125x80xi32, #tpu.memory_space<vmem>> -> memref<1x80xi32, #tpu.memory_space<vmem>>
    %dma_wait3A_16 = tpu.memref_squeeze %dma_wait3A_15 : memref<1x80xi32, #tpu.memory_space<vmem>> -> memref<80xi32, #tpu.memory_space<vmem>>
    %dma_wait3A_17 = arith.constant 0 : i32
    %dma_wait3A_18 = arith.constant 0 : i32
    %dma_wait3A_19 = tpu.memref_slice %arg2[%dma_wait3A_17, %dma_wait3A_18] : memref<20000x128xf32, #tpu.memory_space<hbm>> -> memref<20000x128xf32, #tpu.memory_space<hbm>>
    tpu.wait_indirect_dma semaphore(%arg10 : memref<!tpu.dma_semaphore, #tpu.memory_space<semaphore_mem>>) src(%dma_wait3A_19 : memref<20000x128xf32, #tpu.memory_space<hbm>>) dst(%arg6 : memref<80x128xf32, #tpu.memory_space<vmem>>)
    %add3A_20 = arith.constant 9920 : i32
    %add3A_21 = arith.addi %mul3A_2, %add3A_20 : i32
    "tpu.region"() ({
      %run_scoped3A = tpu.sem_alloc : memref<!tpu.dma_semaphore, #tpu.memory_space<semaphore_mem>>
      %dma_start3A_22 = arith.constant 0 : i32
      %dma_start3A_23 = tpu.memref_slice %arg4[%add3A_21, %dma_start3A_22] : memref<320000x128xf32, #tpu.memory_space<hbm>> -> memref<80x128xf32, #tpu.memory_space<hbm>>
      %dma_start3A_24 = arith.constant 0 : i32
      %dma_start3A_25 = tpu.memref_slice %arg4[%add3A_21, %dma_start3A_24] : memref<320000x128xf32, #tpu.memory_space<hbm>> -> memref<80x128xf32, #tpu.memory_space<hbm>>
      tpu.enqueue_dma source(%arg6 : memref<80x128xf32, #tpu.memory_space<vmem>>) target(%dma_start3A_25 : memref<80x128xf32, #tpu.memory_space<hbm>>) target_semaphore(%run_scoped3A : memref<!tpu.dma_semaphore, #tpu.memory_space<semaphore_mem>>)
      %dma_wait3A_26 = arith.constant 0 : i32
      %dma_wait3A_27 = tpu.memref_slice %arg4[%add3A_21, %dma_wait3A_26] : memref<320000x128xf32, #tpu.memory_space<hbm>> -> memref<80x128xf32, #tpu.memory_space<hbm>>
      %dma_wait3A_28 = arith.constant 0 : i32
      %dma_wait3A_29 = tpu.memref_slice %arg4[%add3A_21, %dma_wait3A_28] : memref<320000x128xf32, #tpu.memory_space<hbm>> -> memref<80x128xf32, #tpu.memory_space<hbm>>
      tpu.wait_dma2 semaphore(%run_scoped3A : memref<!tpu.dma_semaphore, #tpu.memory_space<semaphore_mem>>) src(%arg6 : memref<80x128xf32, #tpu.memory_space<vmem>>) dst(%dma_wait3A_29 : memref<80x128xf32, #tpu.memory_space<hbm>>)
      tpu.yield
    }) : () -> ()
    return
  }
}

#map = affine_map<(d0, d1) -> (0, 0, 0)>
#map1 = affine_map<(d0, d1) -> (0, 0, 0, 0)>
#map2 = affine_map<(d0, d1) -> (0, 0)>
module attributes {stable_mosaic.version = 14 : i64} {
  func.func @scatter(%arg0: i32, %arg1: i32, %arg2: memref<2x160000x128xf32, #tpu.memory_space<hbm>>, %arg3: memref<2x16x125x80xi32, #tpu.memory_space<hbm>>, %arg4: memref<10240x128xf32, #tpu.memory_space<hbm>>, %arg5: memref<2x10240x128xf32, #tpu.memory_space<hbm>>, %arg6: memref<125x80xi32, #tpu.memory_space<vmem>>, %arg7: memref<80x128xf32, #tpu.memory_space<vmem>>, %arg8: memref<80x128xf32, #tpu.memory_space<vmem>>, %arg9: memref<80x128xf32, #tpu.memory_space<vmem>>, %arg10: memref<!tpu.dma_semaphore, #tpu.memory_space<semaphore_mem>>, %arg11: memref<!tpu.dma_semaphore, #tpu.memory_space<semaphore_mem>>, %arg12: memref<!tpu.dma_semaphore, #tpu.memory_space<semaphore_mem>>, %arg13: memref<!tpu.dma_semaphore, #tpu.memory_space<semaphore_mem>>, %arg14: memref<10240x128xf32, #tpu.memory_space<vmem_shared>>) attributes {dimension_semantics = [#tpu.dimension_semantics<core_parallel>, #tpu.dimension_semantics<subcore_parallel>], iteration_bounds = array<i64: 2, 16>, scalar_prefetch = 0 : i64, scratch_operands = 9 : i64, tpu.core_type = #tpu.core_type<sc_vector_subcore>, window_params = [{transform_indices = #map}, {transform_indices = #map1}, {transform_indices = #map2}, {transform_indices = #map}]} {
    "tpu.region"() ({
      %run_scoped3A_23 = tpu.sem_alloc : memref<!tpu.dma_semaphore, #tpu.memory_space<semaphore_mem>>
      %dma_start3A = arith.constant 0 : i32
      %dma_start3A_24 = arith.constant 0 : i32
      %dma_start3A_25 = tpu.memref_slice %arg3[%arg0, %arg1, %dma_start3A, %dma_start3A_24] : memref<2x16x125x80xi32, #tpu.memory_space<hbm>> -> memref<1x1x125x80xi32, #tpu.memory_space<hbm>>
      %dma_start3A_26 = tpu.memref_squeeze %dma_start3A_25 : memref<1x1x125x80xi32, #tpu.memory_space<hbm>> -> memref<125x80xi32, #tpu.memory_space<hbm>>
      %dma_start3A_27 = arith.constant 0 : i32
      %dma_start3A_28 = arith.constant 0 : i32
      %dma_start3A_29 = tpu.memref_slice %arg3[%arg0, %arg1, %dma_start3A_27, %dma_start3A_28] : memref<2x16x125x80xi32, #tpu.memory_space<hbm>> -> memref<1x1x125x80xi32, #tpu.memory_space<hbm>>
      %dma_start3A_30 = tpu.memref_squeeze %dma_start3A_29 : memref<1x1x125x80xi32, #tpu.memory_space<hbm>> -> memref<125x80xi32, #tpu.memory_space<hbm>>
      tpu.enqueue_dma source(%dma_start3A_30 : memref<125x80xi32, #tpu.memory_space<hbm>>) target(%arg6 : memref<125x80xi32, #tpu.memory_space<vmem>>) target_semaphore(%run_scoped3A_23 : memref<!tpu.dma_semaphore, #tpu.memory_space<semaphore_mem>>)
      %dma_wait3A = arith.constant 0 : i32
      %dma_wait3A_31 = arith.constant 0 : i32
      %dma_wait3A_32 = tpu.memref_slice %arg3[%arg0, %arg1, %dma_wait3A, %dma_wait3A_31] : memref<2x16x125x80xi32, #tpu.memory_space<hbm>> -> memref<1x1x125x80xi32, #tpu.memory_space<hbm>>
      %dma_wait3A_33 = tpu.memref_squeeze %dma_wait3A_32 : memref<1x1x125x80xi32, #tpu.memory_space<hbm>> -> memref<125x80xi32, #tpu.memory_space<hbm>>
      %dma_wait3A_34 = arith.constant 0 : i32
      %dma_wait3A_35 = arith.constant 0 : i32
      %dma_wait3A_36 = tpu.memref_slice %arg3[%arg0, %arg1, %dma_wait3A_34, %dma_wait3A_35] : memref<2x16x125x80xi32, #tpu.memory_space<hbm>> -> memref<1x1x125x80xi32, #tpu.memory_space<hbm>>
      %dma_wait3A_37 = tpu.memref_squeeze %dma_wait3A_36 : memref<1x1x125x80xi32, #tpu.memory_space<hbm>> -> memref<125x80xi32, #tpu.memory_space<hbm>>
      tpu.wait_dma2 semaphore(%run_scoped3A_23 : memref<!tpu.dma_semaphore, #tpu.memory_space<semaphore_mem>>) src(%dma_wait3A_37 : memref<125x80xi32, #tpu.memory_space<hbm>>) dst(%arg6 : memref<125x80xi32, #tpu.memory_space<vmem>>)
      tpu.yield
    }) : () -> ()
    %scan3A = arith.constant 0 : i32
    %scan3A_0 = arith.constant 0 : i32
    %scan3A_1 = arith.constant 8 : i32
    %scan3A_2 = arith.addi %scan3A_0, %scan3A_1 : i32
    %scan3A_3 = arith.constant 1 : i32
    scf.for %scan3A_23 = %scan3A_0 to %scan3A_2 step %scan3A_3  : i32 {
      %mul3A_24 = arith.constant 640 : i32
      %mul3A_25 = arith.muli %arg1, %mul3A_24 : i32
      %mul3A_26 = arith.constant 80 : i32
      %mul3A_27 = arith.muli %scan3A_23, %mul3A_26 : i32
      %add3A_28 = arith.addi %mul3A_25, %mul3A_27 : i32
      %mul3A_29 = arith.constant 80 : i32
      %mul3A_30 = arith.muli %scan3A_23, %mul3A_29 : i32
      "tpu.region"() ({
        %run_scoped3A_31 = tpu.sem_alloc : memref<!tpu.dma_semaphore, #tpu.memory_space<semaphore_mem>>
        %dma_start3A = arith.constant 0 : i32
        %dma_start3A_32 = tpu.memref_slice %arg4[%mul3A_30, %dma_start3A] : memref<10240x128xf32, #tpu.memory_space<hbm>> -> memref<80x128xf32, #tpu.memory_space<hbm>>
        %dma_start3A_33 = arith.constant 0 : i32
        %dma_start3A_34 = tpu.memref_slice %arg4[%mul3A_30, %dma_start3A_33] : memref<10240x128xf32, #tpu.memory_space<hbm>> -> memref<80x128xf32, #tpu.memory_space<hbm>>
        tpu.enqueue_dma source(%dma_start3A_34 : memref<80x128xf32, #tpu.memory_space<hbm>>) target(%arg7 : memref<80x128xf32, #tpu.memory_space<vmem>>) target_semaphore(%run_scoped3A_31 : memref<!tpu.dma_semaphore, #tpu.memory_space<semaphore_mem>>)
        %dma_wait3A = arith.constant 0 : i32
        %dma_wait3A_35 = tpu.memref_slice %arg4[%mul3A_30, %dma_wait3A] : memref<10240x128xf32, #tpu.memory_space<hbm>> -> memref<80x128xf32, #tpu.memory_space<hbm>>
        %dma_wait3A_36 = arith.constant 0 : i32
        %dma_wait3A_37 = tpu.memref_slice %arg4[%mul3A_30, %dma_wait3A_36] : memref<10240x128xf32, #tpu.memory_space<hbm>> -> memref<80x128xf32, #tpu.memory_space<hbm>>
        tpu.wait_dma2 semaphore(%run_scoped3A_31 : memref<!tpu.dma_semaphore, #tpu.memory_space<semaphore_mem>>) src(%dma_wait3A_37 : memref<80x128xf32, #tpu.memory_space<hbm>>) dst(%arg7 : memref<80x128xf32, #tpu.memory_space<vmem>>)
        tpu.yield
      }) : () -> ()
      "tpu.region"() ({
        %run_scoped3A_31 = tpu.sem_alloc : memref<!tpu.dma_semaphore, #tpu.memory_space<semaphore_mem>>
        %dma_start3A = arith.constant 0 : i32
        %dma_start3A_32 = tpu.memref_slice %arg14[%add3A_28, %dma_start3A] : memref<10240x128xf32, #tpu.memory_space<vmem_shared>> -> memref<80x128xf32, #tpu.memory_space<vmem_shared>>
        %dma_start3A_33 = arith.constant 0 : i32
        %dma_start3A_34 = tpu.memref_slice %arg14[%add3A_28, %dma_start3A_33] : memref<10240x128xf32, #tpu.memory_space<vmem_shared>> -> memref<80x128xf32, #tpu.memory_space<vmem_shared>>
        tpu.enqueue_dma source(%arg7 : memref<80x128xf32, #tpu.memory_space<vmem>>) target(%dma_start3A_34 : memref<80x128xf32, #tpu.memory_space<vmem_shared>>) target_semaphore(%run_scoped3A_31 : memref<!tpu.dma_semaphore, #tpu.memory_space<semaphore_mem>>)
        %dma_wait3A = arith.constant 0 : i32
        %dma_wait3A_35 = tpu.memref_slice %arg14[%add3A_28, %dma_wait3A] : memref<10240x128xf32, #tpu.memory_space<vmem_shared>> -> memref<80x128xf32, #tpu.memory_space<vmem_shared>>
        %dma_wait3A_36 = arith.constant 0 : i32
        %dma_wait3A_37 = tpu.memref_slice %arg14[%add3A_28, %dma_wait3A_36] : memref<10240x128xf32, #tpu.memory_space<vmem_shared>> -> memref<80x128xf32, #tpu.memory_space<vmem_shared>>
        tpu.wait_dma2 semaphore(%run_scoped3A_31 : memref<!tpu.dma_semaphore, #tpu.memory_space<semaphore_mem>>) src(%arg7 : memref<80x128xf32, #tpu.memory_space<vmem>>) dst(%dma_wait3A_37 : memref<80x128xf32, #tpu.memory_space<vmem_shared>>)
        tpu.yield
      }) : () -> ()
    }
    %scan3A_4 = arith.constant 8 : i32
    %barrier3A = arith.constant 0 : index
    tpu.barrier barrier_id(%barrier3A)
    %mul3A = arith.constant 10000 : i32
    %mul3A_5 = arith.muli %arg1, %mul3A : i32
    %scan3A_6 = arith.constant 0 : i32
    %scan3A_7 = arith.constant 0 : i32
    %scan3A_8 = arith.constant 41 : i32
    %scan3A_9 = arith.addi %scan3A_7, %scan3A_8 : i32
    %scan3A_10 = arith.constant 1 : i32
    scf.for %scan3A_23 = %scan3A_7 to %scan3A_9 step %scan3A_10  : i32 {
      %mul3A_24 = arith.constant 3 : i32
      %mul3A_25 = arith.muli %scan3A_23, %mul3A_24 : i32
      %add3A_26 = arith.constant 0 : i32
      %add3A_27 = arith.addi %mul3A_25, %add3A_26 : i32
      %mul3A_28 = arith.constant 80 : i32
      %mul3A_29 = arith.muli %add3A_27, %mul3A_28 : i32
      %add3A_30 = arith.addi %mul3A_5, %mul3A_29 : i32
      %dma_start3A = arith.constant 0 : i32
      %dma_start3A_31 = tpu.memref_slice %arg2[%arg0, %add3A_30, %dma_start3A] : memref<2x160000x128xf32, #tpu.memory_space<hbm>> -> memref<1x80x128xf32, #tpu.memory_space<hbm>>
      %dma_start3A_32 = tpu.memref_squeeze %dma_start3A_31 : memref<1x80x128xf32, #tpu.memory_space<hbm>> -> memref<80x128xf32, #tpu.memory_space<hbm>>
      %dma_start3A_33 = arith.constant 0 : i32
      %dma_start3A_34 = tpu.memref_slice %arg2[%arg0, %add3A_30, %dma_start3A_33] : memref<2x160000x128xf32, #tpu.memory_space<hbm>> -> memref<1x80x128xf32, #tpu.memory_space<hbm>>
      %dma_start3A_35 = tpu.memref_squeeze %dma_start3A_34 : memref<1x80x128xf32, #tpu.memory_space<hbm>> -> memref<80x128xf32, #tpu.memory_space<hbm>>
      tpu.enqueue_dma source(%dma_start3A_35 : memref<80x128xf32, #tpu.memory_space<hbm>>) target(%arg7 : memref<80x128xf32, #tpu.memory_space<vmem>>) target_semaphore(%arg10 : memref<!tpu.dma_semaphore, #tpu.memory_space<semaphore_mem>>)
      %add3A_36 = arith.constant 1 : i32
      %add3A_37 = arith.addi %mul3A_25, %add3A_36 : i32
      %mul3A_38 = arith.constant 80 : i32
      %mul3A_39 = arith.muli %add3A_37, %mul3A_38 : i32
      %add3A_40 = arith.addi %mul3A_5, %mul3A_39 : i32
      %dma_start3A_41 = arith.constant 0 : i32
      %dma_start3A_42 = tpu.memref_slice %arg2[%arg0, %add3A_40, %dma_start3A_41] : memref<2x160000x128xf32, #tpu.memory_space<hbm>> -> memref<1x80x128xf32, #tpu.memory_space<hbm>>
      %dma_start3A_43 = tpu.memref_squeeze %dma_start3A_42 : memref<1x80x128xf32, #tpu.memory_space<hbm>> -> memref<80x128xf32, #tpu.memory_space<hbm>>
      %dma_start3A_44 = arith.constant 0 : i32
      %dma_start3A_45 = tpu.memref_slice %arg2[%arg0, %add3A_40, %dma_start3A_44] : memref<2x160000x128xf32, #tpu.memory_space<hbm>> -> memref<1x80x128xf32, #tpu.memory_space<hbm>>
      %dma_start3A_46 = tpu.memref_squeeze %dma_start3A_45 : memref<1x80x128xf32, #tpu.memory_space<hbm>> -> memref<80x128xf32, #tpu.memory_space<hbm>>
      tpu.enqueue_dma source(%dma_start3A_46 : memref<80x128xf32, #tpu.memory_space<hbm>>) target(%arg8 : memref<80x128xf32, #tpu.memory_space<vmem>>) target_semaphore(%arg11 : memref<!tpu.dma_semaphore, #tpu.memory_space<semaphore_mem>>)
      %add3A_47 = arith.constant 2 : i32
      %add3A_48 = arith.addi %mul3A_25, %add3A_47 : i32
      %mul3A_49 = arith.constant 80 : i32
      %mul3A_50 = arith.muli %add3A_48, %mul3A_49 : i32
      %add3A_51 = arith.addi %mul3A_5, %mul3A_50 : i32
      %dma_start3A_52 = arith.constant 0 : i32
      %dma_start3A_53 = tpu.memref_slice %arg2[%arg0, %add3A_51, %dma_start3A_52] : memref<2x160000x128xf32, #tpu.memory_space<hbm>> -> memref<1x80x128xf32, #tpu.memory_space<hbm>>
      %dma_start3A_54 = tpu.memref_squeeze %dma_start3A_53 : memref<1x80x128xf32, #tpu.memory_space<hbm>> -> memref<80x128xf32, #tpu.memory_space<hbm>>
      %dma_start3A_55 = arith.constant 0 : i32
      %dma_start3A_56 = tpu.memref_slice %arg2[%arg0, %add3A_51, %dma_start3A_55] : memref<2x160000x128xf32, #tpu.memory_space<hbm>> -> memref<1x80x128xf32, #tpu.memory_space<hbm>>
      %dma_start3A_57 = tpu.memref_squeeze %dma_start3A_56 : memref<1x80x128xf32, #tpu.memory_space<hbm>> -> memref<80x128xf32, #tpu.memory_space<hbm>>
      tpu.enqueue_dma source(%dma_start3A_57 : memref<80x128xf32, #tpu.memory_space<hbm>>) target(%arg9 : memref<80x128xf32, #tpu.memory_space<vmem>>) target_semaphore(%arg12 : memref<!tpu.dma_semaphore, #tpu.memory_space<semaphore_mem>>)
      %dma_wait3A = arith.constant 0 : i32
      %dma_wait3A_58 = tpu.memref_slice %arg2[%arg0, %add3A_30, %dma_wait3A] : memref<2x160000x128xf32, #tpu.memory_space<hbm>> -> memref<1x80x128xf32, #tpu.memory_space<hbm>>
      %dma_wait3A_59 = tpu.memref_squeeze %dma_wait3A_58 : memref<1x80x128xf32, #tpu.memory_space<hbm>> -> memref<80x128xf32, #tpu.memory_space<hbm>>
      %dma_wait3A_60 = arith.constant 0 : i32
      %dma_wait3A_61 = tpu.memref_slice %arg2[%arg0, %add3A_30, %dma_wait3A_60] : memref<2x160000x128xf32, #tpu.memory_space<hbm>> -> memref<1x80x128xf32, #tpu.memory_space<hbm>>
      %dma_wait3A_62 = tpu.memref_squeeze %dma_wait3A_61 : memref<1x80x128xf32, #tpu.memory_space<hbm>> -> memref<80x128xf32, #tpu.memory_space<hbm>>
      tpu.wait_dma2 semaphore(%arg10 : memref<!tpu.dma_semaphore, #tpu.memory_space<semaphore_mem>>) src(%dma_wait3A_62 : memref<80x128xf32, #tpu.memory_space<hbm>>) dst(%arg7 : memref<80x128xf32, #tpu.memory_space<vmem>>)
      %add3A_63 = arith.constant 0 : i32
      %add3A_64 = arith.addi %mul3A_25, %add3A_63 : i32
      %dma_start3A_65 = arith.constant 0 : i32
      %dma_start3A_66 = tpu.memref_slice %arg6[%add3A_64, %dma_start3A_65] : memref<125x80xi32, #tpu.memory_space<vmem>> -> memref<1x80xi32, #tpu.memory_space<vmem>>
      %dma_start3A_67 = tpu.memref_squeeze %dma_start3A_66 : memref<1x80xi32, #tpu.memory_space<vmem>> -> memref<80xi32, #tpu.memory_space<vmem>>
      %dma_start3A_68 = arith.constant 0 : i32
      %dma_start3A_69 = arith.constant 0 : i32
      %dma_start3A_70 = tpu.memref_slice %arg14[%dma_start3A_68, %dma_start3A_69] : memref<10240x128xf32, #tpu.memory_space<vmem_shared>> -> memref<10240x128xf32, #tpu.memory_space<vmem_shared>>
      tpu.enqueue_indirect_dma source(%arg7 : memref<80x128xf32, #tpu.memory_space<vmem>>) target(%dma_start3A_70 : memref<10240x128xf32, #tpu.memory_space<vmem_shared>>) offsets(%dma_start3A_67 : memref<80xi32, #tpu.memory_space<vmem>>) semaphore(%arg13 : memref<!tpu.dma_semaphore, #tpu.memory_space<semaphore_mem>>) {add = true}
      %dma_wait3A_71 = arith.constant 0 : i32
      %dma_wait3A_72 = tpu.memref_slice %arg2[%arg0, %add3A_40, %dma_wait3A_71] : memref<2x160000x128xf32, #tpu.memory_space<hbm>> -> memref<1x80x128xf32, #tpu.memory_space<hbm>>
      %dma_wait3A_73 = tpu.memref_squeeze %dma_wait3A_72 : memref<1x80x128xf32, #tpu.memory_space<hbm>> -> memref<80x128xf32, #tpu.memory_space<hbm>>
      %dma_wait3A_74 = arith.constant 0 : i32
      %dma_wait3A_75 = tpu.memref_slice %arg2[%arg0, %add3A_40, %dma_wait3A_74] : memref<2x160000x128xf32, #tpu.memory_space<hbm>> -> memref<1x80x128xf32, #tpu.memory_space<hbm>>
      %dma_wait3A_76 = tpu.memref_squeeze %dma_wait3A_75 : memref<1x80x128xf32, #tpu.memory_space<hbm>> -> memref<80x128xf32, #tpu.memory_space<hbm>>
      tpu.wait_dma2 semaphore(%arg11 : memref<!tpu.dma_semaphore, #tpu.memory_space<semaphore_mem>>) src(%dma_wait3A_76 : memref<80x128xf32, #tpu.memory_space<hbm>>) dst(%arg8 : memref<80x128xf32, #tpu.memory_space<vmem>>)
      %add3A_77 = arith.constant 1 : i32
      %add3A_78 = arith.addi %mul3A_25, %add3A_77 : i32
      %dma_start3A_79 = arith.constant 0 : i32
      %dma_start3A_80 = tpu.memref_slice %arg6[%add3A_78, %dma_start3A_79] : memref<125x80xi32, #tpu.memory_space<vmem>> -> memref<1x80xi32, #tpu.memory_space<vmem>>
      %dma_start3A_81 = tpu.memref_squeeze %dma_start3A_80 : memref<1x80xi32, #tpu.memory_space<vmem>> -> memref<80xi32, #tpu.memory_space<vmem>>
      %dma_start3A_82 = arith.constant 0 : i32
      %dma_start3A_83 = arith.constant 0 : i32
      %dma_start3A_84 = tpu.memref_slice %arg14[%dma_start3A_82, %dma_start3A_83] : memref<10240x128xf32, #tpu.memory_space<vmem_shared>> -> memref<10240x128xf32, #tpu.memory_space<vmem_shared>>
      tpu.enqueue_indirect_dma source(%arg8 : memref<80x128xf32, #tpu.memory_space<vmem>>) target(%dma_start3A_84 : memref<10240x128xf32, #tpu.memory_space<vmem_shared>>) offsets(%dma_start3A_81 : memref<80xi32, #tpu.memory_space<vmem>>) semaphore(%arg13 : memref<!tpu.dma_semaphore, #tpu.memory_space<semaphore_mem>>) {add = true}
      %dma_wait3A_85 = arith.constant 0 : i32
      %dma_wait3A_86 = tpu.memref_slice %arg2[%arg0, %add3A_51, %dma_wait3A_85] : memref<2x160000x128xf32, #tpu.memory_space<hbm>> -> memref<1x80x128xf32, #tpu.memory_space<hbm>>
      %dma_wait3A_87 = tpu.memref_squeeze %dma_wait3A_86 : memref<1x80x128xf32, #tpu.memory_space<hbm>> -> memref<80x128xf32, #tpu.memory_space<hbm>>
      %dma_wait3A_88 = arith.constant 0 : i32
      %dma_wait3A_89 = tpu.memref_slice %arg2[%arg0, %add3A_51, %dma_wait3A_88] : memref<2x160000x128xf32, #tpu.memory_space<hbm>> -> memref<1x80x128xf32, #tpu.memory_space<hbm>>
      %dma_wait3A_90 = tpu.memref_squeeze %dma_wait3A_89 : memref<1x80x128xf32, #tpu.memory_space<hbm>> -> memref<80x128xf32, #tpu.memory_space<hbm>>
      tpu.wait_dma2 semaphore(%arg12 : memref<!tpu.dma_semaphore, #tpu.memory_space<semaphore_mem>>) src(%dma_wait3A_90 : memref<80x128xf32, #tpu.memory_space<hbm>>) dst(%arg9 : memref<80x128xf32, #tpu.memory_space<vmem>>)
      %add3A_91 = arith.constant 2 : i32
      %add3A_92 = arith.addi %mul3A_25, %add3A_91 : i32
      %dma_start3A_93 = arith.constant 0 : i32
      %dma_start3A_94 = tpu.memref_slice %arg6[%add3A_92, %dma_start3A_93] : memref<125x80xi32, #tpu.memory_space<vmem>> -> memref<1x80xi32, #tpu.memory_space<vmem>>
      %dma_start3A_95 = tpu.memref_squeeze %dma_start3A_94 : memref<1x80xi32, #tpu.memory_space<vmem>> -> memref<80xi32, #tpu.memory_space<vmem>>
      %dma_start3A_96 = arith.constant 0 : i32
      %dma_start3A_97 = arith.constant 0 : i32
      %dma_start3A_98 = tpu.memref_slice %arg14[%dma_start3A_96, %dma_start3A_97] : memref<10240x128xf32, #tpu.memory_space<vmem_shared>> -> memref<10240x128xf32, #tpu.memory_space<vmem_shared>>
      tpu.enqueue_indirect_dma source(%arg9 : memref<80x128xf32, #tpu.memory_space<vmem>>) target(%dma_start3A_98 : memref<10240x128xf32, #tpu.memory_space<vmem_shared>>) offsets(%dma_start3A_95 : memref<80xi32, #tpu.memory_space<vmem>>) semaphore(%arg13 : memref<!tpu.dma_semaphore, #tpu.memory_space<semaphore_mem>>) {add = true}
      %dma_wait3A_99 = arith.constant 0 : i32
      %dma_wait3A_100 = tpu.memref_slice %arg6[%add3A_64, %dma_wait3A_99] : memref<125x80xi32, #tpu.memory_space<vmem>> -> memref<1x80xi32, #tpu.memory_space<vmem>>
      %dma_wait3A_101 = tpu.memref_squeeze %dma_wait3A_100 : memref<1x80xi32, #tpu.memory_space<vmem>> -> memref<80xi32, #tpu.memory_space<vmem>>
      %dma_wait3A_102 = arith.constant 0 : i32
      %dma_wait3A_103 = arith.constant 0 : i32
      %dma_wait3A_104 = tpu.memref_slice %arg14[%dma_wait3A_102, %dma_wait3A_103] : memref<10240x128xf32, #tpu.memory_space<vmem_shared>> -> memref<10240x128xf32, #tpu.memory_space<vmem_shared>>
      tpu.wait_indirect_dma semaphore(%arg13 : memref<!tpu.dma_semaphore, #tpu.memory_space<semaphore_mem>>) src(%arg7 : memref<80x128xf32, #tpu.memory_space<vmem>>) dst(%dma_wait3A_104 : memref<10240x128xf32, #tpu.memory_space<vmem_shared>>)
      %dma_wait3A_105 = arith.constant 0 : i32
      %dma_wait3A_106 = tpu.memref_slice %arg6[%add3A_78, %dma_wait3A_105] : memref<125x80xi32, #tpu.memory_space<vmem>> -> memref<1x80xi32, #tpu.memory_space<vmem>>
      %dma_wait3A_107 = tpu.memref_squeeze %dma_wait3A_106 : memref<1x80xi32, #tpu.memory_space<vmem>> -> memref<80xi32, #tpu.memory_space<vmem>>
      %dma_wait3A_108 = arith.constant 0 : i32
      %dma_wait3A_109 = arith.constant 0 : i32
      %dma_wait3A_110 = tpu.memref_slice %arg14[%dma_wait3A_108, %dma_wait3A_109] : memref<10240x128xf32, #tpu.memory_space<vmem_shared>> -> memref<10240x128xf32, #tpu.memory_space<vmem_shared>>
      tpu.wait_indirect_dma semaphore(%arg13 : memref<!tpu.dma_semaphore, #tpu.memory_space<semaphore_mem>>) src(%arg8 : memref<80x128xf32, #tpu.memory_space<vmem>>) dst(%dma_wait3A_110 : memref<10240x128xf32, #tpu.memory_space<vmem_shared>>)
      %dma_wait3A_111 = arith.constant 0 : i32
      %dma_wait3A_112 = tpu.memref_slice %arg6[%add3A_92, %dma_wait3A_111] : memref<125x80xi32, #tpu.memory_space<vmem>> -> memref<1x80xi32, #tpu.memory_space<vmem>>
      %dma_wait3A_113 = tpu.memref_squeeze %dma_wait3A_112 : memref<1x80xi32, #tpu.memory_space<vmem>> -> memref<80xi32, #tpu.memory_space<vmem>>
      %dma_wait3A_114 = arith.constant 0 : i32
      %dma_wait3A_115 = arith.constant 0 : i32
      %dma_wait3A_116 = tpu.memref_slice %arg14[%dma_wait3A_114, %dma_wait3A_115] : memref<10240x128xf32, #tpu.memory_space<vmem_shared>> -> memref<10240x128xf32, #tpu.memory_space<vmem_shared>>
      tpu.wait_indirect_dma semaphore(%arg13 : memref<!tpu.dma_semaphore, #tpu.memory_space<semaphore_mem>>) src(%arg9 : memref<80x128xf32, #tpu.memory_space<vmem>>) dst(%dma_wait3A_116 : memref<10240x128xf32, #tpu.memory_space<vmem_shared>>)
    }
    %scan3A_11 = arith.constant 41 : i32
    %add3A = arith.constant 9840 : i32
    %add3A_12 = arith.addi %mul3A_5, %add3A : i32
    "tpu.region"() ({
      %run_scoped3A_23 = tpu.sem_alloc : memref<!tpu.dma_semaphore, #tpu.memory_space<semaphore_mem>>
      %dma_start3A = arith.constant 0 : i32
      %dma_start3A_24 = tpu.memref_slice %arg2[%arg0, %add3A_12, %dma_start3A] : memref<2x160000x128xf32, #tpu.memory_space<hbm>> -> memref<1x80x128xf32, #tpu.memory_space<hbm>>
      %dma_start3A_25 = tpu.memref_squeeze %dma_start3A_24 : memref<1x80x128xf32, #tpu.memory_space<hbm>> -> memref<80x128xf32, #tpu.memory_space<hbm>>
      %dma_start3A_26 = arith.constant 0 : i32
      %dma_start3A_27 = tpu.memref_slice %arg2[%arg0, %add3A_12, %dma_start3A_26] : memref<2x160000x128xf32, #tpu.memory_space<hbm>> -> memref<1x80x128xf32, #tpu.memory_space<hbm>>
      %dma_start3A_28 = tpu.memref_squeeze %dma_start3A_27 : memref<1x80x128xf32, #tpu.memory_space<hbm>> -> memref<80x128xf32, #tpu.memory_space<hbm>>
      tpu.enqueue_dma source(%dma_start3A_28 : memref<80x128xf32, #tpu.memory_space<hbm>>) target(%arg7 : memref<80x128xf32, #tpu.memory_space<vmem>>) target_semaphore(%run_scoped3A_23 : memref<!tpu.dma_semaphore, #tpu.memory_space<semaphore_mem>>)
      %dma_wait3A = arith.constant 0 : i32
      %dma_wait3A_29 = tpu.memref_slice %arg2[%arg0, %add3A_12, %dma_wait3A] : memref<2x160000x128xf32, #tpu.memory_space<hbm>> -> memref<1x80x128xf32, #tpu.memory_space<hbm>>
      %dma_wait3A_30 = tpu.memref_squeeze %dma_wait3A_29 : memref<1x80x128xf32, #tpu.memory_space<hbm>> -> memref<80x128xf32, #tpu.memory_space<hbm>>
      %dma_wait3A_31 = arith.constant 0 : i32
      %dma_wait3A_32 = tpu.memref_slice %arg2[%arg0, %add3A_12, %dma_wait3A_31] : memref<2x160000x128xf32, #tpu.memory_space<hbm>> -> memref<1x80x128xf32, #tpu.memory_space<hbm>>
      %dma_wait3A_33 = tpu.memref_squeeze %dma_wait3A_32 : memref<1x80x128xf32, #tpu.memory_space<hbm>> -> memref<80x128xf32, #tpu.memory_space<hbm>>
      tpu.wait_dma2 semaphore(%run_scoped3A_23 : memref<!tpu.dma_semaphore, #tpu.memory_space<semaphore_mem>>) src(%dma_wait3A_33 : memref<80x128xf32, #tpu.memory_space<hbm>>) dst(%arg7 : memref<80x128xf32, #tpu.memory_space<vmem>>)
      tpu.yield
    }) : () -> ()
    %run_scoped3A = arith.constant 123 : i32
    "tpu.region"() ({
      %run_scoped3A_23 = tpu.sem_alloc : memref<!tpu.dma_semaphore, #tpu.memory_space<semaphore_mem>>
      %dma_start3A = arith.constant 0 : i32
      %dma_start3A_24 = tpu.memref_slice %arg6[%run_scoped3A, %dma_start3A] : memref<125x80xi32, #tpu.memory_space<vmem>> -> memref<1x80xi32, #tpu.memory_space<vmem>>
      %dma_start3A_25 = tpu.memref_squeeze %dma_start3A_24 : memref<1x80xi32, #tpu.memory_space<vmem>> -> memref<80xi32, #tpu.memory_space<vmem>>
      %dma_start3A_26 = arith.constant 0 : i32
      %dma_start3A_27 = arith.constant 0 : i32
      %dma_start3A_28 = tpu.memref_slice %arg14[%dma_start3A_26, %dma_start3A_27] : memref<10240x128xf32, #tpu.memory_space<vmem_shared>> -> memref<10240x128xf32, #tpu.memory_space<vmem_shared>>
      tpu.enqueue_indirect_dma source(%arg7 : memref<80x128xf32, #tpu.memory_space<vmem>>) target(%dma_start3A_28 : memref<10240x128xf32, #tpu.memory_space<vmem_shared>>) offsets(%dma_start3A_25 : memref<80xi32, #tpu.memory_space<vmem>>) semaphore(%run_scoped3A_23 : memref<!tpu.dma_semaphore, #tpu.memory_space<semaphore_mem>>) {add = true}
      %dma_wait3A = arith.constant 0 : i32
      %dma_wait3A_29 = tpu.memref_slice %arg6[%run_scoped3A, %dma_wait3A] : memref<125x80xi32, #tpu.memory_space<vmem>> -> memref<1x80xi32, #tpu.memory_space<vmem>>
      %dma_wait3A_30 = tpu.memref_squeeze %dma_wait3A_29 : memref<1x80xi32, #tpu.memory_space<vmem>> -> memref<80xi32, #tpu.memory_space<vmem>>
      %dma_wait3A_31 = arith.constant 0 : i32
      %dma_wait3A_32 = arith.constant 0 : i32
      %dma_wait3A_33 = tpu.memref_slice %arg14[%dma_wait3A_31, %dma_wait3A_32] : memref<10240x128xf32, #tpu.memory_space<vmem_shared>> -> memref<10240x128xf32, #tpu.memory_space<vmem_shared>>
      tpu.wait_indirect_dma semaphore(%run_scoped3A_23 : memref<!tpu.dma_semaphore, #tpu.memory_space<semaphore_mem>>) src(%arg7 : memref<80x128xf32, #tpu.memory_space<vmem>>) dst(%dma_wait3A_33 : memref<10240x128xf32, #tpu.memory_space<vmem_shared>>)
      tpu.yield
    }) : () -> ()
    %add3A_13 = arith.constant 9920 : i32
    %add3A_14 = arith.addi %mul3A_5, %add3A_13 : i32
    "tpu.region"() ({
      %run_scoped3A_23 = tpu.sem_alloc : memref<!tpu.dma_semaphore, #tpu.memory_space<semaphore_mem>>
      %dma_start3A = arith.constant 0 : i32
      %dma_start3A_24 = tpu.memref_slice %arg2[%arg0, %add3A_14, %dma_start3A] : memref<2x160000x128xf32, #tpu.memory_space<hbm>> -> memref<1x80x128xf32, #tpu.memory_space<hbm>>
      %dma_start3A_25 = tpu.memref_squeeze %dma_start3A_24 : memref<1x80x128xf32, #tpu.memory_space<hbm>> -> memref<80x128xf32, #tpu.memory_space<hbm>>
      %dma_start3A_26 = arith.constant 0 : i32
      %dma_start3A_27 = tpu.memref_slice %arg2[%arg0, %add3A_14, %dma_start3A_26] : memref<2x160000x128xf32, #tpu.memory_space<hbm>> -> memref<1x80x128xf32, #tpu.memory_space<hbm>>
      %dma_start3A_28 = tpu.memref_squeeze %dma_start3A_27 : memref<1x80x128xf32, #tpu.memory_space<hbm>> -> memref<80x128xf32, #tpu.memory_space<hbm>>
      tpu.enqueue_dma source(%dma_start3A_28 : memref<80x128xf32, #tpu.memory_space<hbm>>) target(%arg7 : memref<80x128xf32, #tpu.memory_space<vmem>>) target_semaphore(%run_scoped3A_23 : memref<!tpu.dma_semaphore, #tpu.memory_space<semaphore_mem>>)
      %dma_wait3A = arith.constant 0 : i32
      %dma_wait3A_29 = tpu.memref_slice %arg2[%arg0, %add3A_14, %dma_wait3A] : memref<2x160000x128xf32, #tpu.memory_space<hbm>> -> memref<1x80x128xf32, #tpu.memory_space<hbm>>
      %dma_wait3A_30 = tpu.memref_squeeze %dma_wait3A_29 : memref<1x80x128xf32, #tpu.memory_space<hbm>> -> memref<80x128xf32, #tpu.memory_space<hbm>>
      %dma_wait3A_31 = arith.constant 0 : i32
      %dma_wait3A_32 = tpu.memref_slice %arg2[%arg0, %add3A_14, %dma_wait3A_31] : memref<2x160000x128xf32, #tpu.memory_space<hbm>> -> memref<1x80x128xf32, #tpu.memory_space<hbm>>
      %dma_wait3A_33 = tpu.memref_squeeze %dma_wait3A_32 : memref<1x80x128xf32, #tpu.memory_space<hbm>> -> memref<80x128xf32, #tpu.memory_space<hbm>>
      tpu.wait_dma2 semaphore(%run_scoped3A_23 : memref<!tpu.dma_semaphore, #tpu.memory_space<semaphore_mem>>) src(%dma_wait3A_33 : memref<80x128xf32, #tpu.memory_space<hbm>>) dst(%arg7 : memref<80x128xf32, #tpu.memory_space<vmem>>)
      tpu.yield
    }) : () -> ()
    %run_scoped3A_15 = arith.constant 124 : i32
    "tpu.region"() ({
      %run_scoped3A_23 = tpu.sem_alloc : memref<!tpu.dma_semaphore, #tpu.memory_space<semaphore_mem>>
      %dma_start3A = arith.constant 0 : i32
      %dma_start3A_24 = tpu.memref_slice %arg6[%run_scoped3A_15, %dma_start3A] : memref<125x80xi32, #tpu.memory_space<vmem>> -> memref<1x80xi32, #tpu.memory_space<vmem>>
      %dma_start3A_25 = tpu.memref_squeeze %dma_start3A_24 : memref<1x80xi32, #tpu.memory_space<vmem>> -> memref<80xi32, #tpu.memory_space<vmem>>
      %dma_start3A_26 = arith.constant 0 : i32
      %dma_start3A_27 = arith.constant 0 : i32
      %dma_start3A_28 = tpu.memref_slice %arg14[%dma_start3A_26, %dma_start3A_27] : memref<10240x128xf32, #tpu.memory_space<vmem_shared>> -> memref<10240x128xf32, #tpu.memory_space<vmem_shared>>
      tpu.enqueue_indirect_dma source(%arg7 : memref<80x128xf32, #tpu.memory_space<vmem>>) target(%dma_start3A_28 : memref<10240x128xf32, #tpu.memory_space<vmem_shared>>) offsets(%dma_start3A_25 : memref<80xi32, #tpu.memory_space<vmem>>) semaphore(%run_scoped3A_23 : memref<!tpu.dma_semaphore, #tpu.memory_space<semaphore_mem>>) {add = true}
      %dma_wait3A = arith.constant 0 : i32
      %dma_wait3A_29 = tpu.memref_slice %arg6[%run_scoped3A_15, %dma_wait3A] : memref<125x80xi32, #tpu.memory_space<vmem>> -> memref<1x80xi32, #tpu.memory_space<vmem>>
      %dma_wait3A_30 = tpu.memref_squeeze %dma_wait3A_29 : memref<1x80xi32, #tpu.memory_space<vmem>> -> memref<80xi32, #tpu.memory_space<vmem>>
      %dma_wait3A_31 = arith.constant 0 : i32
      %dma_wait3A_32 = arith.constant 0 : i32
      %dma_wait3A_33 = tpu.memref_slice %arg14[%dma_wait3A_31, %dma_wait3A_32] : memref<10240x128xf32, #tpu.memory_space<vmem_shared>> -> memref<10240x128xf32, #tpu.memory_space<vmem_shared>>
      tpu.wait_indirect_dma semaphore(%run_scoped3A_23 : memref<!tpu.dma_semaphore, #tpu.memory_space<semaphore_mem>>) src(%arg7 : memref<80x128xf32, #tpu.memory_space<vmem>>) dst(%dma_wait3A_33 : memref<10240x128xf32, #tpu.memory_space<vmem_shared>>)
      tpu.yield
    }) : () -> ()
    %barrier3A_16 = arith.constant 0 : index
    tpu.barrier barrier_id(%barrier3A_16)
    %scan3A_17 = arith.constant 0 : i32
    %scan3A_18 = arith.constant 0 : i32
    %scan3A_19 = arith.constant 8 : i32
    %scan3A_20 = arith.addi %scan3A_18, %scan3A_19 : i32
    %scan3A_21 = arith.constant 1 : i32
    scf.for %scan3A_23 = %scan3A_18 to %scan3A_20 step %scan3A_21  : i32 {
      %mul3A_24 = arith.constant 640 : i32
      %mul3A_25 = arith.muli %arg1, %mul3A_24 : i32
      %mul3A_26 = arith.constant 80 : i32
      %mul3A_27 = arith.muli %scan3A_23, %mul3A_26 : i32
      %add3A_28 = arith.addi %mul3A_25, %mul3A_27 : i32
      "tpu.region"() ({
        %run_scoped3A_29 = tpu.sem_alloc : memref<!tpu.dma_semaphore, #tpu.memory_space<semaphore_mem>>
        %dma_start3A = arith.constant 0 : i32
        %dma_start3A_30 = tpu.memref_slice %arg14[%add3A_28, %dma_start3A] : memref<10240x128xf32, #tpu.memory_space<vmem_shared>> -> memref<80x128xf32, #tpu.memory_space<vmem_shared>>
        %dma_start3A_31 = arith.constant 0 : i32
        %dma_start3A_32 = tpu.memref_slice %arg14[%add3A_28, %dma_start3A_31] : memref<10240x128xf32, #tpu.memory_space<vmem_shared>> -> memref<80x128xf32, #tpu.memory_space<vmem_shared>>
        tpu.enqueue_dma source(%dma_start3A_32 : memref<80x128xf32, #tpu.memory_space<vmem_shared>>) target(%arg7 : memref<80x128xf32, #tpu.memory_space<vmem>>) target_semaphore(%run_scoped3A_29 : memref<!tpu.dma_semaphore, #tpu.memory_space<semaphore_mem>>)
        %dma_wait3A = arith.constant 0 : i32
        %dma_wait3A_33 = tpu.memref_slice %arg14[%add3A_28, %dma_wait3A] : memref<10240x128xf32, #tpu.memory_space<vmem_shared>> -> memref<80x128xf32, #tpu.memory_space<vmem_shared>>
        %dma_wait3A_34 = arith.constant 0 : i32
        %dma_wait3A_35 = tpu.memref_slice %arg14[%add3A_28, %dma_wait3A_34] : memref<10240x128xf32, #tpu.memory_space<vmem_shared>> -> memref<80x128xf32, #tpu.memory_space<vmem_shared>>
        tpu.wait_dma2 semaphore(%run_scoped3A_29 : memref<!tpu.dma_semaphore, #tpu.memory_space<semaphore_mem>>) src(%dma_wait3A_35 : memref<80x128xf32, #tpu.memory_space<vmem_shared>>) dst(%arg7 : memref<80x128xf32, #tpu.memory_space<vmem>>)
        tpu.yield
      }) : () -> ()
      "tpu.region"() ({
        %run_scoped3A_29 = tpu.sem_alloc : memref<!tpu.dma_semaphore, #tpu.memory_space<semaphore_mem>>
        %dma_start3A = arith.constant 0 : i32
        %dma_start3A_30 = tpu.memref_slice %arg5[%arg0, %add3A_28, %dma_start3A] : memref<2x10240x128xf32, #tpu.memory_space<hbm>> -> memref<1x80x128xf32, #tpu.memory_space<hbm>>
        %dma_start3A_31 = tpu.memref_squeeze %dma_start3A_30 : memref<1x80x128xf32, #tpu.memory_space<hbm>> -> memref<80x128xf32, #tpu.memory_space<hbm>>
        %dma_start3A_32 = arith.constant 0 : i32
        %dma_start3A_33 = tpu.memref_slice %arg5[%arg0, %add3A_28, %dma_start3A_32] : memref<2x10240x128xf32, #tpu.memory_space<hbm>> -> memref<1x80x128xf32, #tpu.memory_space<hbm>>
        %dma_start3A_34 = tpu.memref_squeeze %dma_start3A_33 : memref<1x80x128xf32, #tpu.memory_space<hbm>> -> memref<80x128xf32, #tpu.memory_space<hbm>>
        tpu.enqueue_dma source(%arg7 : memref<80x128xf32, #tpu.memory_space<vmem>>) target(%dma_start3A_34 : memref<80x128xf32, #tpu.memory_space<hbm>>) target_semaphore(%run_scoped3A_29 : memref<!tpu.dma_semaphore, #tpu.memory_space<semaphore_mem>>)
        %dma_wait3A = arith.constant 0 : i32
        %dma_wait3A_35 = tpu.memref_slice %arg5[%arg0, %add3A_28, %dma_wait3A] : memref<2x10240x128xf32, #tpu.memory_space<hbm>> -> memref<1x80x128xf32, #tpu.memory_space<hbm>>
        %dma_wait3A_36 = tpu.memref_squeeze %dma_wait3A_35 : memref<1x80x128xf32, #tpu.memory_space<hbm>> -> memref<80x128xf32, #tpu.memory_space<hbm>>
        %dma_wait3A_37 = arith.constant 0 : i32
        %dma_wait3A_38 = tpu.memref_slice %arg5[%arg0, %add3A_28, %dma_wait3A_37] : memref<2x10240x128xf32, #tpu.memory_space<hbm>> -> memref<1x80x128xf32, #tpu.memory_space<hbm>>
        %dma_wait3A_39 = tpu.memref_squeeze %dma_wait3A_38 : memref<1x80x128xf32, #tpu.memory_space<hbm>> -> memref<80x128xf32, #tpu.memory_space<hbm>>
        tpu.wait_dma2 semaphore(%run_scoped3A_29 : memref<!tpu.dma_semaphore, #tpu.memory_space<semaphore_mem>>) src(%arg7 : memref<80x128xf32, #tpu.memory_space<vmem>>) dst(%dma_wait3A_39 : memref<80x128xf32, #tpu.memory_space<hbm>>)
        tpu.yield
      }) : () -> ()
    }
    %scan3A_22 = arith.constant 8 : i32
    return
  }
}

#map = affine_map<(d0, d1) -> (0, 0, 0, 0)>
#map1 = affine_map<(d0, d1) -> (0, 0)>
#map2 = affine_map<(d0, d1) -> (0, 0, 0)>
module attributes {stable_mosaic.version = 14 : i64} {
  func.func @counts(%arg0: i32, %arg1: i32, %arg2: memref<2x16x125x80xi32, #tpu.memory_space<hbm>>, %arg3: memref<10240x128xf32, #tpu.memory_space<hbm>>, %arg4: memref<80x128xf32, #tpu.memory_space<hbm>>, %arg5: memref<2x10240x128xf32, #tpu.memory_space<hbm>>, %arg6: memref<125x80xi32, #tpu.memory_space<vmem>>, %arg7: memref<80x128xf32, #tpu.memory_space<vmem>>, %arg8: memref<64x128xf32, #tpu.memory_space<vmem>>, %arg9: memref<!tpu.dma_semaphore, #tpu.memory_space<semaphore_mem>>, %arg10: memref<10240x128xf32, #tpu.memory_space<vmem_shared>>) attributes {dimension_semantics = [#tpu.dimension_semantics<core_parallel>, #tpu.dimension_semantics<subcore_parallel>], iteration_bounds = array<i64: 2, 16>, scalar_prefetch = 0 : i64, scratch_operands = 5 : i64, tpu.core_type = #tpu.core_type<sc_vector_subcore>, window_params = [{transform_indices = #map}, {transform_indices = #map1}, {transform_indices = #map1}, {transform_indices = #map2}]} {
    "tpu.region"() ({
      %run_scoped3A_22 = tpu.sem_alloc : memref<!tpu.dma_semaphore, #tpu.memory_space<semaphore_mem>>
      %dma_start3A = arith.constant 0 : i32
      %dma_start3A_23 = arith.constant 0 : i32
      %dma_start3A_24 = tpu.memref_slice %arg2[%arg0, %arg1, %dma_start3A, %dma_start3A_23] : memref<2x16x125x80xi32, #tpu.memory_space<hbm>> -> memref<1x1x125x80xi32, #tpu.memory_space<hbm>>
      %dma_start3A_25 = tpu.memref_squeeze %dma_start3A_24 : memref<1x1x125x80xi32, #tpu.memory_space<hbm>> -> memref<125x80xi32, #tpu.memory_space<hbm>>
      %dma_start3A_26 = arith.constant 0 : i32
      %dma_start3A_27 = arith.constant 0 : i32
      %dma_start3A_28 = tpu.memref_slice %arg2[%arg0, %arg1, %dma_start3A_26, %dma_start3A_27] : memref<2x16x125x80xi32, #tpu.memory_space<hbm>> -> memref<1x1x125x80xi32, #tpu.memory_space<hbm>>
      %dma_start3A_29 = tpu.memref_squeeze %dma_start3A_28 : memref<1x1x125x80xi32, #tpu.memory_space<hbm>> -> memref<125x80xi32, #tpu.memory_space<hbm>>
      tpu.enqueue_dma source(%dma_start3A_29 : memref<125x80xi32, #tpu.memory_space<hbm>>) target(%arg6 : memref<125x80xi32, #tpu.memory_space<vmem>>) target_semaphore(%run_scoped3A_22 : memref<!tpu.dma_semaphore, #tpu.memory_space<semaphore_mem>>)
      %dma_wait3A = arith.constant 0 : i32
      %dma_wait3A_30 = arith.constant 0 : i32
      %dma_wait3A_31 = tpu.memref_slice %arg2[%arg0, %arg1, %dma_wait3A, %dma_wait3A_30] : memref<2x16x125x80xi32, #tpu.memory_space<hbm>> -> memref<1x1x125x80xi32, #tpu.memory_space<hbm>>
      %dma_wait3A_32 = tpu.memref_squeeze %dma_wait3A_31 : memref<1x1x125x80xi32, #tpu.memory_space<hbm>> -> memref<125x80xi32, #tpu.memory_space<hbm>>
      %dma_wait3A_33 = arith.constant 0 : i32
      %dma_wait3A_34 = arith.constant 0 : i32
      %dma_wait3A_35 = tpu.memref_slice %arg2[%arg0, %arg1, %dma_wait3A_33, %dma_wait3A_34] : memref<2x16x125x80xi32, #tpu.memory_space<hbm>> -> memref<1x1x125x80xi32, #tpu.memory_space<hbm>>
      %dma_wait3A_36 = tpu.memref_squeeze %dma_wait3A_35 : memref<1x1x125x80xi32, #tpu.memory_space<hbm>> -> memref<125x80xi32, #tpu.memory_space<hbm>>
      tpu.wait_dma2 semaphore(%run_scoped3A_22 : memref<!tpu.dma_semaphore, #tpu.memory_space<semaphore_mem>>) src(%dma_wait3A_36 : memref<125x80xi32, #tpu.memory_space<hbm>>) dst(%arg6 : memref<125x80xi32, #tpu.memory_space<vmem>>)
      tpu.yield
    }) : () -> ()
    "tpu.region"() ({
      %run_scoped3A_22 = tpu.sem_alloc : memref<!tpu.dma_semaphore, #tpu.memory_space<semaphore_mem>>
      tpu.enqueue_dma source(%arg4 : memref<80x128xf32, #tpu.memory_space<hbm>>) target(%arg7 : memref<80x128xf32, #tpu.memory_space<vmem>>) target_semaphore(%run_scoped3A_22 : memref<!tpu.dma_semaphore, #tpu.memory_space<semaphore_mem>>)
      tpu.wait_dma2 semaphore(%run_scoped3A_22 : memref<!tpu.dma_semaphore, #tpu.memory_space<semaphore_mem>>) src(%arg4 : memref<80x128xf32, #tpu.memory_space<hbm>>) dst(%arg7 : memref<80x128xf32, #tpu.memory_space<vmem>>)
      tpu.yield
    }) : () -> ()
    %scan3A = arith.constant 0 : i32
    %scan3A_0 = arith.constant 0 : i32
    %scan3A_1 = arith.constant 10 : i32
    %scan3A_2 = arith.addi %scan3A_0, %scan3A_1 : i32
    %scan3A_3 = arith.constant 1 : i32
    scf.for %scan3A_22 = %scan3A_0 to %scan3A_2 step %scan3A_3  : i32 {
      %mul3A = arith.constant 640 : i32
      %mul3A_23 = arith.muli %arg1, %mul3A : i32
      %mul3A_24 = arith.constant 64 : i32
      %mul3A_25 = arith.muli %scan3A_22, %mul3A_24 : i32
      %add3A = arith.addi %mul3A_23, %mul3A_25 : i32
      %mul3A_26 = arith.constant 64 : i32
      %mul3A_27 = arith.muli %scan3A_22, %mul3A_26 : i32
      "tpu.region"() ({
        %run_scoped3A_28 = tpu.sem_alloc : memref<!tpu.dma_semaphore, #tpu.memory_space<semaphore_mem>>
        %dma_start3A = arith.constant 0 : i32
        %dma_start3A_29 = tpu.memref_slice %arg3[%mul3A_27, %dma_start3A] : memref<10240x128xf32, #tpu.memory_space<hbm>> -> memref<64x128xf32, #tpu.memory_space<hbm>>
        %dma_start3A_30 = arith.constant 0 : i32
        %dma_start3A_31 = tpu.memref_slice %arg3[%mul3A_27, %dma_start3A_30] : memref<10240x128xf32, #tpu.memory_space<hbm>> -> memref<64x128xf32, #tpu.memory_space<hbm>>
        tpu.enqueue_dma source(%dma_start3A_31 : memref<64x128xf32, #tpu.memory_space<hbm>>) target(%arg8 : memref<64x128xf32, #tpu.memory_space<vmem>>) target_semaphore(%run_scoped3A_28 : memref<!tpu.dma_semaphore, #tpu.memory_space<semaphore_mem>>)
        %dma_wait3A = arith.constant 0 : i32
        %dma_wait3A_32 = tpu.memref_slice %arg3[%mul3A_27, %dma_wait3A] : memref<10240x128xf32, #tpu.memory_space<hbm>> -> memref<64x128xf32, #tpu.memory_space<hbm>>
        %dma_wait3A_33 = arith.constant 0 : i32
        %dma_wait3A_34 = tpu.memref_slice %arg3[%mul3A_27, %dma_wait3A_33] : memref<10240x128xf32, #tpu.memory_space<hbm>> -> memref<64x128xf32, #tpu.memory_space<hbm>>
        tpu.wait_dma2 semaphore(%run_scoped3A_28 : memref<!tpu.dma_semaphore, #tpu.memory_space<semaphore_mem>>) src(%dma_wait3A_34 : memref<64x128xf32, #tpu.memory_space<hbm>>) dst(%arg8 : memref<64x128xf32, #tpu.memory_space<vmem>>)
        tpu.yield
      }) : () -> ()
      "tpu.region"() ({
        %run_scoped3A_28 = tpu.sem_alloc : memref<!tpu.dma_semaphore, #tpu.memory_space<semaphore_mem>>
        %dma_start3A = arith.constant 0 : i32
        %dma_start3A_29 = tpu.memref_slice %arg10[%add3A, %dma_start3A] : memref<10240x128xf32, #tpu.memory_space<vmem_shared>> -> memref<64x128xf32, #tpu.memory_space<vmem_shared>>
        %dma_start3A_30 = arith.constant 0 : i32
        %dma_start3A_31 = tpu.memref_slice %arg10[%add3A, %dma_start3A_30] : memref<10240x128xf32, #tpu.memory_space<vmem_shared>> -> memref<64x128xf32, #tpu.memory_space<vmem_shared>>
        tpu.enqueue_dma source(%arg8 : memref<64x128xf32, #tpu.memory_space<vmem>>) target(%dma_start3A_31 : memref<64x128xf32, #tpu.memory_space<vmem_shared>>) target_semaphore(%run_scoped3A_28 : memref<!tpu.dma_semaphore, #tpu.memory_space<semaphore_mem>>)
        %dma_wait3A = arith.constant 0 : i32
        %dma_wait3A_32 = tpu.memref_slice %arg10[%add3A, %dma_wait3A] : memref<10240x128xf32, #tpu.memory_space<vmem_shared>> -> memref<64x128xf32, #tpu.memory_space<vmem_shared>>
        %dma_wait3A_33 = arith.constant 0 : i32
        %dma_wait3A_34 = tpu.memref_slice %arg10[%add3A, %dma_wait3A_33] : memref<10240x128xf32, #tpu.memory_space<vmem_shared>> -> memref<64x128xf32, #tpu.memory_space<vmem_shared>>
        tpu.wait_dma2 semaphore(%run_scoped3A_28 : memref<!tpu.dma_semaphore, #tpu.memory_space<semaphore_mem>>) src(%arg8 : memref<64x128xf32, #tpu.memory_space<vmem>>) dst(%dma_wait3A_34 : memref<64x128xf32, #tpu.memory_space<vmem_shared>>)
        tpu.yield
      }) : () -> ()
    }
    %scan3A_4 = arith.constant 10 : i32
    %barrier3A = arith.constant 0 : index
    tpu.barrier barrier_id(%barrier3A)
    %scan3A_5 = arith.constant 0 : i32
    %scan3A_6 = arith.constant 0 : i32
    %scan3A_7 = arith.constant 15 : i32
    %scan3A_8 = arith.addi %scan3A_6, %scan3A_7 : i32
    %scan3A_9 = arith.constant 1 : i32
    scf.for %scan3A_22 = %scan3A_6 to %scan3A_8 step %scan3A_9  : i32 {
      %mul3A = arith.constant 8 : i32
      %mul3A_23 = arith.muli %scan3A_22, %mul3A : i32
      %add3A = arith.constant 0 : i32
      %add3A_24 = arith.addi %mul3A_23, %add3A : i32
      %dma_start3A = arith.constant 0 : i32
      %dma_start3A_25 = tpu.memref_slice %arg6[%add3A_24, %dma_start3A] : memref<125x80xi32, #tpu.memory_space<vmem>> -> memref<1x80xi32, #tpu.memory_space<vmem>>
      %dma_start3A_26 = tpu.memref_squeeze %dma_start3A_25 : memref<1x80xi32, #tpu.memory_space<vmem>> -> memref<80xi32, #tpu.memory_space<vmem>>
      %dma_start3A_27 = arith.constant 0 : i32
      %dma_start3A_28 = arith.constant 0 : i32
      %dma_start3A_29 = tpu.memref_slice %arg10[%dma_start3A_27, %dma_start3A_28] : memref<10240x128xf32, #tpu.memory_space<vmem_shared>> -> memref<10240x128xf32, #tpu.memory_space<vmem_shared>>
      tpu.enqueue_indirect_dma source(%arg7 : memref<80x128xf32, #tpu.memory_space<vmem>>) target(%dma_start3A_29 : memref<10240x128xf32, #tpu.memory_space<vmem_shared>>) offsets(%dma_start3A_26 : memref<80xi32, #tpu.memory_space<vmem>>) semaphore(%arg9 : memref<!tpu.dma_semaphore, #tpu.memory_space<semaphore_mem>>) {add = true}
      %add3A_30 = arith.constant 1 : i32
      %add3A_31 = arith.addi %mul3A_23, %add3A_30 : i32
      %dma_start3A_32 = arith.constant 0 : i32
      %dma_start3A_33 = tpu.memref_slice %arg6[%add3A_31, %dma_start3A_32] : memref<125x80xi32, #tpu.memory_space<vmem>> -> memref<1x80xi32, #tpu.memory_space<vmem>>
      %dma_start3A_34 = tpu.memref_squeeze %dma_start3A_33 : memref<1x80xi32, #tpu.memory_space<vmem>> -> memref<80xi32, #tpu.memory_space<vmem>>
      %dma_start3A_35 = arith.constant 0 : i32
      %dma_start3A_36 = arith.constant 0 : i32
      %dma_start3A_37 = tpu.memref_slice %arg10[%dma_start3A_35, %dma_start3A_36] : memref<10240x128xf32, #tpu.memory_space<vmem_shared>> -> memref<10240x128xf32, #tpu.memory_space<vmem_shared>>
      tpu.enqueue_indirect_dma source(%arg7 : memref<80x128xf32, #tpu.memory_space<vmem>>) target(%dma_start3A_37 : memref<10240x128xf32, #tpu.memory_space<vmem_shared>>) offsets(%dma_start3A_34 : memref<80xi32, #tpu.memory_space<vmem>>) semaphore(%arg9 : memref<!tpu.dma_semaphore, #tpu.memory_space<semaphore_mem>>) {add = true}
      %add3A_38 = arith.constant 2 : i32
      %add3A_39 = arith.addi %mul3A_23, %add3A_38 : i32
      %dma_start3A_40 = arith.constant 0 : i32
      %dma_start3A_41 = tpu.memref_slice %arg6[%add3A_39, %dma_start3A_40] : memref<125x80xi32, #tpu.memory_space<vmem>> -> memref<1x80xi32, #tpu.memory_space<vmem>>
      %dma_start3A_42 = tpu.memref_squeeze %dma_start3A_41 : memref<1x80xi32, #tpu.memory_space<vmem>> -> memref<80xi32, #tpu.memory_space<vmem>>
      %dma_start3A_43 = arith.constant 0 : i32
      %dma_start3A_44 = arith.constant 0 : i32
      %dma_start3A_45 = tpu.memref_slice %arg10[%dma_start3A_43, %dma_start3A_44] : memref<10240x128xf32, #tpu.memory_space<vmem_shared>> -> memref<10240x128xf32, #tpu.memory_space<vmem_shared>>
      tpu.enqueue_indirect_dma source(%arg7 : memref<80x128xf32, #tpu.memory_space<vmem>>) target(%dma_start3A_45 : memref<10240x128xf32, #tpu.memory_space<vmem_shared>>) offsets(%dma_start3A_42 : memref<80xi32, #tpu.memory_space<vmem>>) semaphore(%arg9 : memref<!tpu.dma_semaphore, #tpu.memory_space<semaphore_mem>>) {add = true}
      %add3A_46 = arith.constant 3 : i32
      %add3A_47 = arith.addi %mul3A_23, %add3A_46 : i32
      %dma_start3A_48 = arith.constant 0 : i32
      %dma_start3A_49 = tpu.memref_slice %arg6[%add3A_47, %dma_start3A_48] : memref<125x80xi32, #tpu.memory_space<vmem>> -> memref<1x80xi32, #tpu.memory_space<vmem>>
      %dma_start3A_50 = tpu.memref_squeeze %dma_start3A_49 : memref<1x80xi32, #tpu.memory_space<vmem>> -> memref<80xi32, #tpu.memory_space<vmem>>
      %dma_start3A_51 = arith.constant 0 : i32
      %dma_start3A_52 = arith.constant 0 : i32
      %dma_start3A_53 = tpu.memref_slice %arg10[%dma_start3A_51, %dma_start3A_52] : memref<10240x128xf32, #tpu.memory_space<vmem_shared>> -> memref<10240x128xf32, #tpu.memory_space<vmem_shared>>
      tpu.enqueue_indirect_dma source(%arg7 : memref<80x128xf32, #tpu.memory_space<vmem>>) target(%dma_start3A_53 : memref<10240x128xf32, #tpu.memory_space<vmem_shared>>) offsets(%dma_start3A_50 : memref<80xi32, #tpu.memory_space<vmem>>) semaphore(%arg9 : memref<!tpu.dma_semaphore, #tpu.memory_space<semaphore_mem>>) {add = true}
      %add3A_54 = arith.constant 4 : i32
      %add3A_55 = arith.addi %mul3A_23, %add3A_54 : i32
      %dma_start3A_56 = arith.constant 0 : i32
      %dma_start3A_57 = tpu.memref_slice %arg6[%add3A_55, %dma_start3A_56] : memref<125x80xi32, #tpu.memory_space<vmem>> -> memref<1x80xi32, #tpu.memory_space<vmem>>
      %dma_start3A_58 = tpu.memref_squeeze %dma_start3A_57 : memref<1x80xi32, #tpu.memory_space<vmem>> -> memref<80xi32, #tpu.memory_space<vmem>>
      %dma_start3A_59 = arith.constant 0 : i32
      %dma_start3A_60 = arith.constant 0 : i32
      %dma_start3A_61 = tpu.memref_slice %arg10[%dma_start3A_59, %dma_start3A_60] : memref<10240x128xf32, #tpu.memory_space<vmem_shared>> -> memref<10240x128xf32, #tpu.memory_space<vmem_shared>>
      tpu.enqueue_indirect_dma source(%arg7 : memref<80x128xf32, #tpu.memory_space<vmem>>) target(%dma_start3A_61 : memref<10240x128xf32, #tpu.memory_space<vmem_shared>>) offsets(%dma_start3A_58 : memref<80xi32, #tpu.memory_space<vmem>>) semaphore(%arg9 : memref<!tpu.dma_semaphore, #tpu.memory_space<semaphore_mem>>) {add = true}
      %add3A_62 = arith.constant 5 : i32
      %add3A_63 = arith.addi %mul3A_23, %add3A_62 : i32
      %dma_start3A_64 = arith.constant 0 : i32
      %dma_start3A_65 = tpu.memref_slice %arg6[%add3A_63, %dma_start3A_64] : memref<125x80xi32, #tpu.memory_space<vmem>> -> memref<1x80xi32, #tpu.memory_space<vmem>>
      %dma_start3A_66 = tpu.memref_squeeze %dma_start3A_65 : memref<1x80xi32, #tpu.memory_space<vmem>> -> memref<80xi32, #tpu.memory_space<vmem>>
      %dma_start3A_67 = arith.constant 0 : i32
      %dma_start3A_68 = arith.constant 0 : i32
      %dma_start3A_69 = tpu.memref_slice %arg10[%dma_start3A_67, %dma_start3A_68] : memref<10240x128xf32, #tpu.memory_space<vmem_shared>> -> memref<10240x128xf32, #tpu.memory_space<vmem_shared>>
      tpu.enqueue_indirect_dma source(%arg7 : memref<80x128xf32, #tpu.memory_space<vmem>>) target(%dma_start3A_69 : memref<10240x128xf32, #tpu.memory_space<vmem_shared>>) offsets(%dma_start3A_66 : memref<80xi32, #tpu.memory_space<vmem>>) semaphore(%arg9 : memref<!tpu.dma_semaphore, #tpu.memory_space<semaphore_mem>>) {add = true}
      %add3A_70 = arith.constant 6 : i32
      %add3A_71 = arith.addi %mul3A_23, %add3A_70 : i32
      %dma_start3A_72 = arith.constant 0 : i32
      %dma_start3A_73 = tpu.memref_slice %arg6[%add3A_71, %dma_start3A_72] : memref<125x80xi32, #tpu.memory_space<vmem>> -> memref<1x80xi32, #tpu.memory_space<vmem>>
      %dma_start3A_74 = tpu.memref_squeeze %dma_start3A_73 : memref<1x80xi32, #tpu.memory_space<vmem>> -> memref<80xi32, #tpu.memory_space<vmem>>
      %dma_start3A_75 = arith.constant 0 : i32
      %dma_start3A_76 = arith.constant 0 : i32
      %dma_start3A_77 = tpu.memref_slice %arg10[%dma_start3A_75, %dma_start3A_76] : memref<10240x128xf32, #tpu.memory_space<vmem_shared>> -> memref<10240x128xf32, #tpu.memory_space<vmem_shared>>
      tpu.enqueue_indirect_dma source(%arg7 : memref<80x128xf32, #tpu.memory_space<vmem>>) target(%dma_start3A_77 : memref<10240x128xf32, #tpu.memory_space<vmem_shared>>) offsets(%dma_start3A_74 : memref<80xi32, #tpu.memory_space<vmem>>) semaphore(%arg9 : memref<!tpu.dma_semaphore, #tpu.memory_space<semaphore_mem>>) {add = true}
      %add3A_78 = arith.constant 7 : i32
      %add3A_79 = arith.addi %mul3A_23, %add3A_78 : i32
      %dma_start3A_80 = arith.constant 0 : i32
      %dma_start3A_81 = tpu.memref_slice %arg6[%add3A_79, %dma_start3A_80] : memref<125x80xi32, #tpu.memory_space<vmem>> -> memref<1x80xi32, #tpu.memory_space<vmem>>
      %dma_start3A_82 = tpu.memref_squeeze %dma_start3A_81 : memref<1x80xi32, #tpu.memory_space<vmem>> -> memref<80xi32, #tpu.memory_space<vmem>>
      %dma_start3A_83 = arith.constant 0 : i32
      %dma_start3A_84 = arith.constant 0 : i32
      %dma_start3A_85 = tpu.memref_slice %arg10[%dma_start3A_83, %dma_start3A_84] : memref<10240x128xf32, #tpu.memory_space<vmem_shared>> -> memref<10240x128xf32, #tpu.memory_space<vmem_shared>>
      tpu.enqueue_indirect_dma source(%arg7 : memref<80x128xf32, #tpu.memory_space<vmem>>) target(%dma_start3A_85 : memref<10240x128xf32, #tpu.memory_space<vmem_shared>>) offsets(%dma_start3A_82 : memref<80xi32, #tpu.memory_space<vmem>>) semaphore(%arg9 : memref<!tpu.dma_semaphore, #tpu.memory_space<semaphore_mem>>) {add = true}
      %dma_wait3A = arith.constant 0 : i32
      %dma_wait3A_86 = tpu.memref_slice %arg6[%add3A_24, %dma_wait3A] : memref<125x80xi32, #tpu.memory_space<vmem>> -> memref<1x80xi32, #tpu.memory_space<vmem>>
      %dma_wait3A_87 = tpu.memref_squeeze %dma_wait3A_86 : memref<1x80xi32, #tpu.memory_space<vmem>> -> memref<80xi32, #tpu.memory_space<vmem>>
      %dma_wait3A_88 = arith.constant 0 : i32
      %dma_wait3A_89 = arith.constant 0 : i32
      %dma_wait3A_90 = tpu.memref_slice %arg10[%dma_wait3A_88, %dma_wait3A_89] : memref<10240x128xf32, #tpu.memory_space<vmem_shared>> -> memref<10240x128xf32, #tpu.memory_space<vmem_shared>>
      tpu.wait_indirect_dma semaphore(%arg9 : memref<!tpu.dma_semaphore, #tpu.memory_space<semaphore_mem>>) src(%arg7 : memref<80x128xf32, #tpu.memory_space<vmem>>) dst(%dma_wait3A_90 : memref<10240x128xf32, #tpu.memory_space<vmem_shared>>)
      %dma_wait3A_91 = arith.constant 0 : i32
      %dma_wait3A_92 = tpu.memref_slice %arg6[%add3A_31, %dma_wait3A_91] : memref<125x80xi32, #tpu.memory_space<vmem>> -> memref<1x80xi32, #tpu.memory_space<vmem>>
      %dma_wait3A_93 = tpu.memref_squeeze %dma_wait3A_92 : memref<1x80xi32, #tpu.memory_space<vmem>> -> memref<80xi32, #tpu.memory_space<vmem>>
      %dma_wait3A_94 = arith.constant 0 : i32
      %dma_wait3A_95 = arith.constant 0 : i32
      %dma_wait3A_96 = tpu.memref_slice %arg10[%dma_wait3A_94, %dma_wait3A_95] : memref<10240x128xf32, #tpu.memory_space<vmem_shared>> -> memref<10240x128xf32, #tpu.memory_space<vmem_shared>>
      tpu.wait_indirect_dma semaphore(%arg9 : memref<!tpu.dma_semaphore, #tpu.memory_space<semaphore_mem>>) src(%arg7 : memref<80x128xf32, #tpu.memory_space<vmem>>) dst(%dma_wait3A_96 : memref<10240x128xf32, #tpu.memory_space<vmem_shared>>)
      %dma_wait3A_97 = arith.constant 0 : i32
      %dma_wait3A_98 = tpu.memref_slice %arg6[%add3A_39, %dma_wait3A_97] : memref<125x80xi32, #tpu.memory_space<vmem>> -> memref<1x80xi32, #tpu.memory_space<vmem>>
      %dma_wait3A_99 = tpu.memref_squeeze %dma_wait3A_98 : memref<1x80xi32, #tpu.memory_space<vmem>> -> memref<80xi32, #tpu.memory_space<vmem>>
      %dma_wait3A_100 = arith.constant 0 : i32
      %dma_wait3A_101 = arith.constant 0 : i32
      %dma_wait3A_102 = tpu.memref_slice %arg10[%dma_wait3A_100, %dma_wait3A_101] : memref<10240x128xf32, #tpu.memory_space<vmem_shared>> -> memref<10240x128xf32, #tpu.memory_space<vmem_shared>>
      tpu.wait_indirect_dma semaphore(%arg9 : memref<!tpu.dma_semaphore, #tpu.memory_space<semaphore_mem>>) src(%arg7 : memref<80x128xf32, #tpu.memory_space<vmem>>) dst(%dma_wait3A_102 : memref<10240x128xf32, #tpu.memory_space<vmem_shared>>)
      %dma_wait3A_103 = arith.constant 0 : i32
      %dma_wait3A_104 = tpu.memref_slice %arg6[%add3A_47, %dma_wait3A_103] : memref<125x80xi32, #tpu.memory_space<vmem>> -> memref<1x80xi32, #tpu.memory_space<vmem>>
      %dma_wait3A_105 = tpu.memref_squeeze %dma_wait3A_104 : memref<1x80xi32, #tpu.memory_space<vmem>> -> memref<80xi32, #tpu.memory_space<vmem>>
      %dma_wait3A_106 = arith.constant 0 : i32
      %dma_wait3A_107 = arith.constant 0 : i32
      %dma_wait3A_108 = tpu.memref_slice %arg10[%dma_wait3A_106, %dma_wait3A_107] : memref<10240x128xf32, #tpu.memory_space<vmem_shared>> -> memref<10240x128xf32, #tpu.memory_space<vmem_shared>>
      tpu.wait_indirect_dma semaphore(%arg9 : memref<!tpu.dma_semaphore, #tpu.memory_space<semaphore_mem>>) src(%arg7 : memref<80x128xf32, #tpu.memory_space<vmem>>) dst(%dma_wait3A_108 : memref<10240x128xf32, #tpu.memory_space<vmem_shared>>)
      %dma_wait3A_109 = arith.constant 0 : i32
      %dma_wait3A_110 = tpu.memref_slice %arg6[%add3A_55, %dma_wait3A_109] : memref<125x80xi32, #tpu.memory_space<vmem>> -> memref<1x80xi32, #tpu.memory_space<vmem>>
      %dma_wait3A_111 = tpu.memref_squeeze %dma_wait3A_110 : memref<1x80xi32, #tpu.memory_space<vmem>> -> memref<80xi32, #tpu.memory_space<vmem>>
      %dma_wait3A_112 = arith.constant 0 : i32
      %dma_wait3A_113 = arith.constant 0 : i32
      %dma_wait3A_114 = tpu.memref_slice %arg10[%dma_wait3A_112, %dma_wait3A_113] : memref<10240x128xf32, #tpu.memory_space<vmem_shared>> -> memref<10240x128xf32, #tpu.memory_space<vmem_shared>>
      tpu.wait_indirect_dma semaphore(%arg9 : memref<!tpu.dma_semaphore, #tpu.memory_space<semaphore_mem>>) src(%arg7 : memref<80x128xf32, #tpu.memory_space<vmem>>) dst(%dma_wait3A_114 : memref<10240x128xf32, #tpu.memory_space<vmem_shared>>)
      %dma_wait3A_115 = arith.constant 0 : i32
      %dma_wait3A_116 = tpu.memref_slice %arg6[%add3A_63, %dma_wait3A_115] : memref<125x80xi32, #tpu.memory_space<vmem>> -> memref<1x80xi32, #tpu.memory_space<vmem>>
      %dma_wait3A_117 = tpu.memref_squeeze %dma_wait3A_116 : memref<1x80xi32, #tpu.memory_space<vmem>> -> memref<80xi32, #tpu.memory_space<vmem>>
      %dma_wait3A_118 = arith.constant 0 : i32
      %dma_wait3A_119 = arith.constant 0 : i32
      %dma_wait3A_120 = tpu.memref_slice %arg10[%dma_wait3A_118, %dma_wait3A_119] : memref<10240x128xf32, #tpu.memory_space<vmem_shared>> -> memref<10240x128xf32, #tpu.memory_space<vmem_shared>>
      tpu.wait_indirect_dma semaphore(%arg9 : memref<!tpu.dma_semaphore, #tpu.memory_space<semaphore_mem>>) src(%arg7 : memref<80x128xf32, #tpu.memory_space<vmem>>) dst(%dma_wait3A_120 : memref<10240x128xf32, #tpu.memory_space<vmem_shared>>)
      %dma_wait3A_121 = arith.constant 0 : i32
      %dma_wait3A_122 = tpu.memref_slice %arg6[%add3A_71, %dma_wait3A_121] : memref<125x80xi32, #tpu.memory_space<vmem>> -> memref<1x80xi32, #tpu.memory_space<vmem>>
      %dma_wait3A_123 = tpu.memref_squeeze %dma_wait3A_122 : memref<1x80xi32, #tpu.memory_space<vmem>> -> memref<80xi32, #tpu.memory_space<vmem>>
      %dma_wait3A_124 = arith.constant 0 : i32
      %dma_wait3A_125 = arith.constant 0 : i32
      %dma_wait3A_126 = tpu.memref_slice %arg10[%dma_wait3A_124, %dma_wait3A_125] : memref<10240x128xf32, #tpu.memory_space<vmem_shared>> -> memref<10240x128xf32, #tpu.memory_space<vmem_shared>>
      tpu.wait_indirect_dma semaphore(%arg9 : memref<!tpu.dma_semaphore, #tpu.memory_space<semaphore_mem>>) src(%arg7 : memref<80x128xf32, #tpu.memory_space<vmem>>) dst(%dma_wait3A_126 : memref<10240x128xf32, #tpu.memory_space<vmem_shared>>)
      %dma_wait3A_127 = arith.constant 0 : i32
      %dma_wait3A_128 = tpu.memref_slice %arg6[%add3A_79, %dma_wait3A_127] : memref<125x80xi32, #tpu.memory_space<vmem>> -> memref<1x80xi32, #tpu.memory_space<vmem>>
      %dma_wait3A_129 = tpu.memref_squeeze %dma_wait3A_128 : memref<1x80xi32, #tpu.memory_space<vmem>> -> memref<80xi32, #tpu.memory_space<vmem>>
      %dma_wait3A_130 = arith.constant 0 : i32
      %dma_wait3A_131 = arith.constant 0 : i32
      %dma_wait3A_132 = tpu.memref_slice %arg10[%dma_wait3A_130, %dma_wait3A_131] : memref<10240x128xf32, #tpu.memory_space<vmem_shared>> -> memref<10240x128xf32, #tpu.memory_space<vmem_shared>>
      tpu.wait_indirect_dma semaphore(%arg9 : memref<!tpu.dma_semaphore, #tpu.memory_space<semaphore_mem>>) src(%arg7 : memref<80x128xf32, #tpu.memory_space<vmem>>) dst(%dma_wait3A_132 : memref<10240x128xf32, #tpu.memory_space<vmem_shared>>)
    }
    %scan3A_10 = arith.constant 15 : i32
    %run_scoped3A = arith.constant 120 : i32
    "tpu.region"() ({
      %run_scoped3A_22 = tpu.sem_alloc : memref<!tpu.dma_semaphore, #tpu.memory_space<semaphore_mem>>
      %dma_start3A = arith.constant 0 : i32
      %dma_start3A_23 = tpu.memref_slice %arg6[%run_scoped3A, %dma_start3A] : memref<125x80xi32, #tpu.memory_space<vmem>> -> memref<1x80xi32, #tpu.memory_space<vmem>>
      %dma_start3A_24 = tpu.memref_squeeze %dma_start3A_23 : memref<1x80xi32, #tpu.memory_space<vmem>> -> memref<80xi32, #tpu.memory_space<vmem>>
      %dma_start3A_25 = arith.constant 0 : i32
      %dma_start3A_26 = arith.constant 0 : i32
      %dma_start3A_27 = tpu.memref_slice %arg10[%dma_start3A_25, %dma_start3A_26] : memref<10240x128xf32, #tpu.memory_space<vmem_shared>> -> memref<10240x128xf32, #tpu.memory_space<vmem_shared>>
      tpu.enqueue_indirect_dma source(%arg7 : memref<80x128xf32, #tpu.memory_space<vmem>>) target(%dma_start3A_27 : memref<10240x128xf32, #tpu.memory_space<vmem_shared>>) offsets(%dma_start3A_24 : memref<80xi32, #tpu.memory_space<vmem>>) semaphore(%run_scoped3A_22 : memref<!tpu.dma_semaphore, #tpu.memory_space<semaphore_mem>>) {add = true}
      %dma_wait3A = arith.constant 0 : i32
      %dma_wait3A_28 = tpu.memref_slice %arg6[%run_scoped3A, %dma_wait3A] : memref<125x80xi32, #tpu.memory_space<vmem>> -> memref<1x80xi32, #tpu.memory_space<vmem>>
      %dma_wait3A_29 = tpu.memref_squeeze %dma_wait3A_28 : memref<1x80xi32, #tpu.memory_space<vmem>> -> memref<80xi32, #tpu.memory_space<vmem>>
      %dma_wait3A_30 = arith.constant 0 : i32
      %dma_wait3A_31 = arith.constant 0 : i32
      %dma_wait3A_32 = tpu.memref_slice %arg10[%dma_wait3A_30, %dma_wait3A_31] : memref<10240x128xf32, #tpu.memory_space<vmem_shared>> -> memref<10240x128xf32, #tpu.memory_space<vmem_shared>>
      tpu.wait_indirect_dma semaphore(%run_scoped3A_22 : memref<!tpu.dma_semaphore, #tpu.memory_space<semaphore_mem>>) src(%arg7 : memref<80x128xf32, #tpu.memory_space<vmem>>) dst(%dma_wait3A_32 : memref<10240x128xf32, #tpu.memory_space<vmem_shared>>)
      tpu.yield
    }) : () -> ()
    %run_scoped3A_11 = arith.constant 121 : i32
    "tpu.region"() ({
      %run_scoped3A_22 = tpu.sem_alloc : memref<!tpu.dma_semaphore, #tpu.memory_space<semaphore_mem>>
      %dma_start3A = arith.constant 0 : i32
      %dma_start3A_23 = tpu.memref_slice %arg6[%run_scoped3A_11, %dma_start3A] : memref<125x80xi32, #tpu.memory_space<vmem>> -> memref<1x80xi32, #tpu.memory_space<vmem>>
      %dma_start3A_24 = tpu.memref_squeeze %dma_start3A_23 : memref<1x80xi32, #tpu.memory_space<vmem>> -> memref<80xi32, #tpu.memory_space<vmem>>
      %dma_start3A_25 = arith.constant 0 : i32
      %dma_start3A_26 = arith.constant 0 : i32
      %dma_start3A_27 = tpu.memref_slice %arg10[%dma_start3A_25, %dma_start3A_26] : memref<10240x128xf32, #tpu.memory_space<vmem_shared>> -> memref<10240x128xf32, #tpu.memory_space<vmem_shared>>
      tpu.enqueue_indirect_dma source(%arg7 : memref<80x128xf32, #tpu.memory_space<vmem>>) target(%dma_start3A_27 : memref<10240x128xf32, #tpu.memory_space<vmem_shared>>) offsets(%dma_start3A_24 : memref<80xi32, #tpu.memory_space<vmem>>) semaphore(%run_scoped3A_22 : memref<!tpu.dma_semaphore, #tpu.memory_space<semaphore_mem>>) {add = true}
      %dma_wait3A = arith.constant 0 : i32
      %dma_wait3A_28 = tpu.memref_slice %arg6[%run_scoped3A_11, %dma_wait3A] : memref<125x80xi32, #tpu.memory_space<vmem>> -> memref<1x80xi32, #tpu.memory_space<vmem>>
      %dma_wait3A_29 = tpu.memref_squeeze %dma_wait3A_28 : memref<1x80xi32, #tpu.memory_space<vmem>> -> memref<80xi32, #tpu.memory_space<vmem>>
      %dma_wait3A_30 = arith.constant 0 : i32
      %dma_wait3A_31 = arith.constant 0 : i32
      %dma_wait3A_32 = tpu.memref_slice %arg10[%dma_wait3A_30, %dma_wait3A_31] : memref<10240x128xf32, #tpu.memory_space<vmem_shared>> -> memref<10240x128xf32, #tpu.memory_space<vmem_shared>>
      tpu.wait_indirect_dma semaphore(%run_scoped3A_22 : memref<!tpu.dma_semaphore, #tpu.memory_space<semaphore_mem>>) src(%arg7 : memref<80x128xf32, #tpu.memory_space<vmem>>) dst(%dma_wait3A_32 : memref<10240x128xf32, #tpu.memory_space<vmem_shared>>)
      tpu.yield
    }) : () -> ()
    %run_scoped3A_12 = arith.constant 122 : i32
    "tpu.region"() ({
      %run_scoped3A_22 = tpu.sem_alloc : memref<!tpu.dma_semaphore, #tpu.memory_space<semaphore_mem>>
      %dma_start3A = arith.constant 0 : i32
      %dma_start3A_23 = tpu.memref_slice %arg6[%run_scoped3A_12, %dma_start3A] : memref<125x80xi32, #tpu.memory_space<vmem>> -> memref<1x80xi32, #tpu.memory_space<vmem>>
      %dma_start3A_24 = tpu.memref_squeeze %dma_start3A_23 : memref<1x80xi32, #tpu.memory_space<vmem>> -> memref<80xi32, #tpu.memory_space<vmem>>
      %dma_start3A_25 = arith.constant 0 : i32
      %dma_start3A_26 = arith.constant 0 : i32
      %dma_start3A_27 = tpu.memref_slice %arg10[%dma_start3A_25, %dma_start3A_26] : memref<10240x128xf32, #tpu.memory_space<vmem_shared>> -> memref<10240x128xf32, #tpu.memory_space<vmem_shared>>
      tpu.enqueue_indirect_dma source(%arg7 : memref<80x128xf32, #tpu.memory_space<vmem>>) target(%dma_start3A_27 : memref<10240x128xf32, #tpu.memory_space<vmem_shared>>) offsets(%dma_start3A_24 : memref<80xi32, #tpu.memory_space<vmem>>) semaphore(%run_scoped3A_22 : memref<!tpu.dma_semaphore, #tpu.memory_space<semaphore_mem>>) {add = true}
      %dma_wait3A = arith.constant 0 : i32
      %dma_wait3A_28 = tpu.memref_slice %arg6[%run_scoped3A_12, %dma_wait3A] : memref<125x80xi32, #tpu.memory_space<vmem>> -> memref<1x80xi32, #tpu.memory_space<vmem>>
      %dma_wait3A_29 = tpu.memref_squeeze %dma_wait3A_28 : memref<1x80xi32, #tpu.memory_space<vmem>> -> memref<80xi32, #tpu.memory_space<vmem>>
      %dma_wait3A_30 = arith.constant 0 : i32
      %dma_wait3A_31 = arith.constant 0 : i32
      %dma_wait3A_32 = tpu.memref_slice %arg10[%dma_wait3A_30, %dma_wait3A_31] : memref<10240x128xf32, #tpu.memory_space<vmem_shared>> -> memref<10240x128xf32, #tpu.memory_space<vmem_shared>>
      tpu.wait_indirect_dma semaphore(%run_scoped3A_22 : memref<!tpu.dma_semaphore, #tpu.memory_space<semaphore_mem>>) src(%arg7 : memref<80x128xf32, #tpu.memory_space<vmem>>) dst(%dma_wait3A_32 : memref<10240x128xf32, #tpu.memory_space<vmem_shared>>)
      tpu.yield
    }) : () -> ()
    %run_scoped3A_13 = arith.constant 123 : i32
    "tpu.region"() ({
      %run_scoped3A_22 = tpu.sem_alloc : memref<!tpu.dma_semaphore, #tpu.memory_space<semaphore_mem>>
      %dma_start3A = arith.constant 0 : i32
      %dma_start3A_23 = tpu.memref_slice %arg6[%run_scoped3A_13, %dma_start3A] : memref<125x80xi32, #tpu.memory_space<vmem>> -> memref<1x80xi32, #tpu.memory_space<vmem>>
      %dma_start3A_24 = tpu.memref_squeeze %dma_start3A_23 : memref<1x80xi32, #tpu.memory_space<vmem>> -> memref<80xi32, #tpu.memory_space<vmem>>
      %dma_start3A_25 = arith.constant 0 : i32
      %dma_start3A_26 = arith.constant 0 : i32
      %dma_start3A_27 = tpu.memref_slice %arg10[%dma_start3A_25, %dma_start3A_26] : memref<10240x128xf32, #tpu.memory_space<vmem_shared>> -> memref<10240x128xf32, #tpu.memory_space<vmem_shared>>
      tpu.enqueue_indirect_dma source(%arg7 : memref<80x128xf32, #tpu.memory_space<vmem>>) target(%dma_start3A_27 : memref<10240x128xf32, #tpu.memory_space<vmem_shared>>) offsets(%dma_start3A_24 : memref<80xi32, #tpu.memory_space<vmem>>) semaphore(%run_scoped3A_22 : memref<!tpu.dma_semaphore, #tpu.memory_space<semaphore_mem>>) {add = true}
      %dma_wait3A = arith.constant 0 : i32
      %dma_wait3A_28 = tpu.memref_slice %arg6[%run_scoped3A_13, %dma_wait3A] : memref<125x80xi32, #tpu.memory_space<vmem>> -> memref<1x80xi32, #tpu.memory_space<vmem>>
      %dma_wait3A_29 = tpu.memref_squeeze %dma_wait3A_28 : memref<1x80xi32, #tpu.memory_space<vmem>> -> memref<80xi32, #tpu.memory_space<vmem>>
      %dma_wait3A_30 = arith.constant 0 : i32
      %dma_wait3A_31 = arith.constant 0 : i32
      %dma_wait3A_32 = tpu.memref_slice %arg10[%dma_wait3A_30, %dma_wait3A_31] : memref<10240x128xf32, #tpu.memory_space<vmem_shared>> -> memref<10240x128xf32, #tpu.memory_space<vmem_shared>>
      tpu.wait_indirect_dma semaphore(%run_scoped3A_22 : memref<!tpu.dma_semaphore, #tpu.memory_space<semaphore_mem>>) src(%arg7 : memref<80x128xf32, #tpu.memory_space<vmem>>) dst(%dma_wait3A_32 : memref<10240x128xf32, #tpu.memory_space<vmem_shared>>)
      tpu.yield
    }) : () -> ()
    %run_scoped3A_14 = arith.constant 124 : i32
    "tpu.region"() ({
      %run_scoped3A_22 = tpu.sem_alloc : memref<!tpu.dma_semaphore, #tpu.memory_space<semaphore_mem>>
      %dma_start3A = arith.constant 0 : i32
      %dma_start3A_23 = tpu.memref_slice %arg6[%run_scoped3A_14, %dma_start3A] : memref<125x80xi32, #tpu.memory_space<vmem>> -> memref<1x80xi32, #tpu.memory_space<vmem>>
      %dma_start3A_24 = tpu.memref_squeeze %dma_start3A_23 : memref<1x80xi32, #tpu.memory_space<vmem>> -> memref<80xi32, #tpu.memory_space<vmem>>
      %dma_start3A_25 = arith.constant 0 : i32
      %dma_start3A_26 = arith.constant 0 : i32
      %dma_start3A_27 = tpu.memref_slice %arg10[%dma_start3A_25, %dma_start3A_26] : memref<10240x128xf32, #tpu.memory_space<vmem_shared>> -> memref<10240x128xf32, #tpu.memory_space<vmem_shared>>
      tpu.enqueue_indirect_dma source(%arg7 : memref<80x128xf32, #tpu.memory_space<vmem>>) target(%dma_start3A_27 : memref<10240x128xf32, #tpu.memory_space<vmem_shared>>) offsets(%dma_start3A_24 : memref<80xi32, #tpu.memory_space<vmem>>) semaphore(%run_scoped3A_22 : memref<!tpu.dma_semaphore, #tpu.memory_space<semaphore_mem>>) {add = true}
      %dma_wait3A = arith.constant 0 : i32
      %dma_wait3A_28 = tpu.memref_slice %arg6[%run_scoped3A_14, %dma_wait3A] : memref<125x80xi32, #tpu.memory_space<vmem>> -> memref<1x80xi32, #tpu.memory_space<vmem>>
      %dma_wait3A_29 = tpu.memref_squeeze %dma_wait3A_28 : memref<1x80xi32, #tpu.memory_space<vmem>> -> memref<80xi32, #tpu.memory_space<vmem>>
      %dma_wait3A_30 = arith.constant 0 : i32
      %dma_wait3A_31 = arith.constant 0 : i32
      %dma_wait3A_32 = tpu.memref_slice %arg10[%dma_wait3A_30, %dma_wait3A_31] : memref<10240x128xf32, #tpu.memory_space<vmem_shared>> -> memref<10240x128xf32, #tpu.memory_space<vmem_shared>>
      tpu.wait_indirect_dma semaphore(%run_scoped3A_22 : memref<!tpu.dma_semaphore, #tpu.memory_space<semaphore_mem>>) src(%arg7 : memref<80x128xf32, #tpu.memory_space<vmem>>) dst(%dma_wait3A_32 : memref<10240x128xf32, #tpu.memory_space<vmem_shared>>)
      tpu.yield
    }) : () -> ()
    %barrier3A_15 = arith.constant 0 : index
    tpu.barrier barrier_id(%barrier3A_15)
    %scan3A_16 = arith.constant 0 : i32
    %scan3A_17 = arith.constant 0 : i32
    %scan3A_18 = arith.constant 10 : i32
    %scan3A_19 = arith.addi %scan3A_17, %scan3A_18 : i32
    %scan3A_20 = arith.constant 1 : i32
    scf.for %scan3A_22 = %scan3A_17 to %scan3A_19 step %scan3A_20  : i32 {
      %mul3A = arith.constant 640 : i32
      %mul3A_23 = arith.muli %arg1, %mul3A : i32
      %mul3A_24 = arith.constant 64 : i32
      %mul3A_25 = arith.muli %scan3A_22, %mul3A_24 : i32
      %add3A = arith.addi %mul3A_23, %mul3A_25 : i32
      "tpu.region"() ({
        %run_scoped3A_26 = tpu.sem_alloc : memref<!tpu.dma_semaphore, #tpu.memory_space<semaphore_mem>>
        %dma_start3A = arith.constant 0 : i32
        %dma_start3A_27 = tpu.memref_slice %arg10[%add3A, %dma_start3A] : memref<10240x128xf32, #tpu.memory_space<vmem_shared>> -> memref<64x128xf32, #tpu.memory_space<vmem_shared>>
        %dma_start3A_28 = arith.constant 0 : i32
        %dma_start3A_29 = tpu.memref_slice %arg10[%add3A, %dma_start3A_28] : memref<10240x128xf32, #tpu.memory_space<vmem_shared>> -> memref<64x128xf32, #tpu.memory_space<vmem_shared>>
        tpu.enqueue_dma source(%dma_start3A_29 : memref<64x128xf32, #tpu.memory_space<vmem_shared>>) target(%arg8 : memref<64x128xf32, #tpu.memory_space<vmem>>) target_semaphore(%run_scoped3A_26 : memref<!tpu.dma_semaphore, #tpu.memory_space<semaphore_mem>>)
        %dma_wait3A = arith.constant 0 : i32
        %dma_wait3A_30 = tpu.memref_slice %arg10[%add3A, %dma_wait3A] : memref<10240x128xf32, #tpu.memory_space<vmem_shared>> -> memref<64x128xf32, #tpu.memory_space<vmem_shared>>
        %dma_wait3A_31 = arith.constant 0 : i32
        %dma_wait3A_32 = tpu.memref_slice %arg10[%add3A, %dma_wait3A_31] : memref<10240x128xf32, #tpu.memory_space<vmem_shared>> -> memref<64x128xf32, #tpu.memory_space<vmem_shared>>
        tpu.wait_dma2 semaphore(%run_scoped3A_26 : memref<!tpu.dma_semaphore, #tpu.memory_space<semaphore_mem>>) src(%dma_wait3A_32 : memref<64x128xf32, #tpu.memory_space<vmem_shared>>) dst(%arg8 : memref<64x128xf32, #tpu.memory_space<vmem>>)
        tpu.yield
      }) : () -> ()
      "tpu.region"() ({
        %run_scoped3A_26 = tpu.sem_alloc : memref<!tpu.dma_semaphore, #tpu.memory_space<semaphore_mem>>
        %dma_start3A = arith.constant 0 : i32
        %dma_start3A_27 = tpu.memref_slice %arg5[%arg0, %add3A, %dma_start3A] : memref<2x10240x128xf32, #tpu.memory_space<hbm>> -> memref<1x64x128xf32, #tpu.memory_space<hbm>>
        %dma_start3A_28 = tpu.memref_squeeze %dma_start3A_27 : memref<1x64x128xf32, #tpu.memory_space<hbm>> -> memref<64x128xf32, #tpu.memory_space<hbm>>
        %dma_start3A_29 = arith.constant 0 : i32
        %dma_start3A_30 = tpu.memref_slice %arg5[%arg0, %add3A, %dma_start3A_29] : memref<2x10240x128xf32, #tpu.memory_space<hbm>> -> memref<1x64x128xf32, #tpu.memory_space<hbm>>
        %dma_start3A_31 = tpu.memref_squeeze %dma_start3A_30 : memref<1x64x128xf32, #tpu.memory_space<hbm>> -> memref<64x128xf32, #tpu.memory_space<hbm>>
        tpu.enqueue_dma source(%arg8 : memref<64x128xf32, #tpu.memory_space<vmem>>) target(%dma_start3A_31 : memref<64x128xf32, #tpu.memory_space<hbm>>) target_semaphore(%run_scoped3A_26 : memref<!tpu.dma_semaphore, #tpu.memory_space<semaphore_mem>>)
        %dma_wait3A = arith.constant 0 : i32
        %dma_wait3A_32 = tpu.memref_slice %arg5[%arg0, %add3A, %dma_wait3A] : memref<2x10240x128xf32, #tpu.memory_space<hbm>> -> memref<1x64x128xf32, #tpu.memory_space<hbm>>
        %dma_wait3A_33 = tpu.memref_squeeze %dma_wait3A_32 : memref<1x64x128xf32, #tpu.memory_space<hbm>> -> memref<64x128xf32, #tpu.memory_space<hbm>>
        %dma_wait3A_34 = arith.constant 0 : i32
        %dma_wait3A_35 = tpu.memref_slice %arg5[%arg0, %add3A, %dma_wait3A_34] : memref<2x10240x128xf32, #tpu.memory_space<hbm>> -> memref<1x64x128xf32, #tpu.memory_space<hbm>>
        %dma_wait3A_36 = tpu.memref_squeeze %dma_wait3A_35 : memref<1x64x128xf32, #tpu.memory_space<hbm>> -> memref<64x128xf32, #tpu.memory_space<hbm>>
        tpu.wait_dma2 semaphore(%run_scoped3A_26 : memref<!tpu.dma_semaphore, #tpu.memory_space<semaphore_mem>>) src(%arg8 : memref<64x128xf32, #tpu.memory_space<vmem>>) dst(%dma_wait3A_36 : memref<64x128xf32, #tpu.memory_space<hbm>>)
        tpu.yield
      }) : () -> ()
    }
    %scan3A_21 = arith.constant 10 : i32
    return
  }
}

#map = affine_map<(d0, d1) -> (0, 0)>
#map1 = affine_map<(d0, d1) -> (0, 0, 0)>
module attributes {stable_mosaic.version = 14 : i64} {
  func.func @gather(%arg0: i32, %arg1: i32, %arg2: memref<20000x128xf32, #tpu.memory_space<hbm>>, %arg3: memref<32x125x80xi32, #tpu.memory_space<hbm>>, %arg4: memref<320000x128xf32, #tpu.memory_space<hbm>>, %arg5: memref<125x80xi32, #tpu.memory_space<vmem>>, %arg6: memref<80x128xf32, #tpu.memory_space<vmem>>, %arg7: memref<80x128xf32, #tpu.memory_space<vmem>>, %arg8: memref<80x128xf32, #tpu.memory_space<vmem>>, %arg9: memref<80x128xf32, #tpu.memory_space<vmem>>, %arg10: memref<!tpu.dma_semaphore, #tpu.memory_space<semaphore_mem>>, %arg11: memref<!tpu.dma_semaphore, #tpu.memory_space<semaphore_mem>>, %arg12: memref<!tpu.dma_semaphore, #tpu.memory_space<semaphore_mem>>, %arg13: memref<!tpu.dma_semaphore, #tpu.memory_space<semaphore_mem>>, %arg14: memref<!tpu.dma_semaphore, #tpu.memory_space<semaphore_mem>>) attributes {dimension_semantics = [#tpu.dimension_semantics<core_parallel>, #tpu.dimension_semantics<subcore_parallel>], iteration_bounds = array<i64: 2, 16>, scalar_prefetch = 0 : i64, scratch_operands = 10 : i64, tpu.core_type = #tpu.core_type<sc_vector_subcore>, window_params = [{transform_indices = #map}, {transform_indices = #map1}, {transform_indices = #map}]} {
    %mul3A = arith.constant 2 : i32
    %mul3A_0 = arith.muli %arg1, %mul3A : i32
    %add3A = arith.addi %mul3A_0, %arg0 : i32
    "tpu.region"() ({
      %run_scoped3A = tpu.sem_alloc : memref<!tpu.dma_semaphore, #tpu.memory_space<semaphore_mem>>
      %dma_start3A_22 = arith.constant 0 : i32
      %dma_start3A_23 = arith.constant 0 : i32
      %dma_start3A_24 = tpu.memref_slice %arg3[%add3A, %dma_start3A_22, %dma_start3A_23] : memref<32x125x80xi32, #tpu.memory_space<hbm>> -> memref<1x125x80xi32, #tpu.memory_space<hbm>>
      %dma_start3A_25 = tpu.memref_squeeze %dma_start3A_24 : memref<1x125x80xi32, #tpu.memory_space<hbm>> -> memref<125x80xi32, #tpu.memory_space<hbm>>
      %dma_start3A_26 = arith.constant 0 : i32
      %dma_start3A_27 = arith.constant 0 : i32
      %dma_start3A_28 = tpu.memref_slice %arg3[%add3A, %dma_start3A_26, %dma_start3A_27] : memref<32x125x80xi32, #tpu.memory_space<hbm>> -> memref<1x125x80xi32, #tpu.memory_space<hbm>>
      %dma_start3A_29 = tpu.memref_squeeze %dma_start3A_28 : memref<1x125x80xi32, #tpu.memory_space<hbm>> -> memref<125x80xi32, #tpu.memory_space<hbm>>
      tpu.enqueue_dma source(%dma_start3A_29 : memref<125x80xi32, #tpu.memory_space<hbm>>) target(%arg5 : memref<125x80xi32, #tpu.memory_space<vmem>>) target_semaphore(%run_scoped3A : memref<!tpu.dma_semaphore, #tpu.memory_space<semaphore_mem>>)
      %dma_wait3A_30 = arith.constant 0 : i32
      %dma_wait3A_31 = arith.constant 0 : i32
      %dma_wait3A_32 = tpu.memref_slice %arg3[%add3A, %dma_wait3A_30, %dma_wait3A_31] : memref<32x125x80xi32, #tpu.memory_space<hbm>> -> memref<1x125x80xi32, #tpu.memory_space<hbm>>
      %dma_wait3A_33 = tpu.memref_squeeze %dma_wait3A_32 : memref<1x125x80xi32, #tpu.memory_space<hbm>> -> memref<125x80xi32, #tpu.memory_space<hbm>>
      %dma_wait3A_34 = arith.constant 0 : i32
      %dma_wait3A_35 = arith.constant 0 : i32
      %dma_wait3A_36 = tpu.memref_slice %arg3[%add3A, %dma_wait3A_34, %dma_wait3A_35] : memref<32x125x80xi32, #tpu.memory_space<hbm>> -> memref<1x125x80xi32, #tpu.memory_space<hbm>>
      %dma_wait3A_37 = tpu.memref_squeeze %dma_wait3A_36 : memref<1x125x80xi32, #tpu.memory_space<hbm>> -> memref<125x80xi32, #tpu.memory_space<hbm>>
      tpu.wait_dma2 semaphore(%run_scoped3A : memref<!tpu.dma_semaphore, #tpu.memory_space<semaphore_mem>>) src(%dma_wait3A_37 : memref<125x80xi32, #tpu.memory_space<hbm>>) dst(%arg5 : memref<125x80xi32, #tpu.memory_space<vmem>>)
      tpu.yield
    }) : () -> ()
    %mul3A_1 = arith.constant 10000 : i32
    %mul3A_2 = arith.muli %add3A, %mul3A_1 : i32
    %scan3A = arith.constant 0 : i32
    %scan3A_3 = arith.constant 0 : i32
    %scan3A_4 = arith.constant 31 : i32
    %scan3A_5 = arith.addi %scan3A_3, %scan3A_4 : i32
    %scan3A_6 = arith.constant 1 : i32
    scf.for %scan3A_22 = %scan3A_3 to %scan3A_5 step %scan3A_6  : i32 {
      %mul3A_23 = arith.constant 4 : i32
      %mul3A_24 = arith.muli %scan3A_22, %mul3A_23 : i32
      %add3A_25 = arith.constant 0 : i32
      %add3A_26 = arith.addi %mul3A_24, %add3A_25 : i32
      %dma_start3A_27 = arith.constant 0 : i32
      %dma_start3A_28 = tpu.memref_slice %arg5[%add3A_26, %dma_start3A_27] : memref<125x80xi32, #tpu.memory_space<vmem>> -> memref<1x80xi32, #tpu.memory_space<vmem>>
      %dma_start3A_29 = tpu.memref_squeeze %dma_start3A_28 : memref<1x80xi32, #tpu.memory_space<vmem>> -> memref<80xi32, #tpu.memory_space<vmem>>
      %dma_start3A_30 = arith.constant 0 : i32
      %dma_start3A_31 = arith.constant 0 : i32
      %dma_start3A_32 = tpu.memref_slice %arg2[%dma_start3A_30, %dma_start3A_31] : memref<20000x128xf32, #tpu.memory_space<hbm>> -> memref<20000x128xf32, #tpu.memory_space<hbm>>
      tpu.enqueue_indirect_dma source(%dma_start3A_32 : memref<20000x128xf32, #tpu.memory_space<hbm>>) target(%arg6 : memref<80x128xf32, #tpu.memory_space<vmem>>) offsets(%dma_start3A_29 : memref<80xi32, #tpu.memory_space<vmem>>) semaphore(%arg10 : memref<!tpu.dma_semaphore, #tpu.memory_space<semaphore_mem>>)
      %add3A_33 = arith.constant 1 : i32
      %add3A_34 = arith.addi %mul3A_24, %add3A_33 : i32
      %dma_start3A_35 = arith.constant 0 : i32
      %dma_start3A_36 = tpu.memref_slice %arg5[%add3A_34, %dma_start3A_35] : memref<125x80xi32, #tpu.memory_space<vmem>> -> memref<1x80xi32, #tpu.memory_space<vmem>>
      %dma_start3A_37 = tpu.memref_squeeze %dma_start3A_36 : memref<1x80xi32, #tpu.memory_space<vmem>> -> memref<80xi32, #tpu.memory_space<vmem>>
      %dma_start3A_38 = arith.constant 0 : i32
      %dma_start3A_39 = arith.constant 0 : i32
      %dma_start3A_40 = tpu.memref_slice %arg2[%dma_start3A_38, %dma_start3A_39] : memref<20000x128xf32, #tpu.memory_space<hbm>> -> memref<20000x128xf32, #tpu.memory_space<hbm>>
      tpu.enqueue_indirect_dma source(%dma_start3A_40 : memref<20000x128xf32, #tpu.memory_space<hbm>>) target(%arg7 : memref<80x128xf32, #tpu.memory_space<vmem>>) offsets(%dma_start3A_37 : memref<80xi32, #tpu.memory_space<vmem>>) semaphore(%arg11 : memref<!tpu.dma_semaphore, #tpu.memory_space<semaphore_mem>>)
      %add3A_41 = arith.constant 2 : i32
      %add3A_42 = arith.addi %mul3A_24, %add3A_41 : i32
      %dma_start3A_43 = arith.constant 0 : i32
      %dma_start3A_44 = tpu.memref_slice %arg5[%add3A_42, %dma_start3A_43] : memref<125x80xi32, #tpu.memory_space<vmem>> -> memref<1x80xi32, #tpu.memory_space<vmem>>
      %dma_start3A_45 = tpu.memref_squeeze %dma_start3A_44 : memref<1x80xi32, #tpu.memory_space<vmem>> -> memref<80xi32, #tpu.memory_space<vmem>>
      %dma_start3A_46 = arith.constant 0 : i32
      %dma_start3A_47 = arith.constant 0 : i32
      %dma_start3A_48 = tpu.memref_slice %arg2[%dma_start3A_46, %dma_start3A_47] : memref<20000x128xf32, #tpu.memory_space<hbm>> -> memref<20000x128xf32, #tpu.memory_space<hbm>>
      tpu.enqueue_indirect_dma source(%dma_start3A_48 : memref<20000x128xf32, #tpu.memory_space<hbm>>) target(%arg8 : memref<80x128xf32, #tpu.memory_space<vmem>>) offsets(%dma_start3A_45 : memref<80xi32, #tpu.memory_space<vmem>>) semaphore(%arg12 : memref<!tpu.dma_semaphore, #tpu.memory_space<semaphore_mem>>)
      %add3A_49 = arith.constant 3 : i32
      %add3A_50 = arith.addi %mul3A_24, %add3A_49 : i32
      %dma_start3A_51 = arith.constant 0 : i32
      %dma_start3A_52 = tpu.memref_slice %arg5[%add3A_50, %dma_start3A_51] : memref<125x80xi32, #tpu.memory_space<vmem>> -> memref<1x80xi32, #tpu.memory_space<vmem>>
      %dma_start3A_53 = tpu.memref_squeeze %dma_start3A_52 : memref<1x80xi32, #tpu.memory_space<vmem>> -> memref<80xi32, #tpu.memory_space<vmem>>
      %dma_start3A_54 = arith.constant 0 : i32
      %dma_start3A_55 = arith.constant 0 : i32
      %dma_start3A_56 = tpu.memref_slice %arg2[%dma_start3A_54, %dma_start3A_55] : memref<20000x128xf32, #tpu.memory_space<hbm>> -> memref<20000x128xf32, #tpu.memory_space<hbm>>
      tpu.enqueue_indirect_dma source(%dma_start3A_56 : memref<20000x128xf32, #tpu.memory_space<hbm>>) target(%arg9 : memref<80x128xf32, #tpu.memory_space<vmem>>) offsets(%dma_start3A_53 : memref<80xi32, #tpu.memory_space<vmem>>) semaphore(%arg13 : memref<!tpu.dma_semaphore, #tpu.memory_space<semaphore_mem>>)
      %dma_wait3A_57 = arith.constant 0 : i32
      %dma_wait3A_58 = tpu.memref_slice %arg5[%add3A_26, %dma_wait3A_57] : memref<125x80xi32, #tpu.memory_space<vmem>> -> memref<1x80xi32, #tpu.memory_space<vmem>>
      %dma_wait3A_59 = tpu.memref_squeeze %dma_wait3A_58 : memref<1x80xi32, #tpu.memory_space<vmem>> -> memref<80xi32, #tpu.memory_space<vmem>>
      %dma_wait3A_60 = arith.constant 0 : i32
      %dma_wait3A_61 = arith.constant 0 : i32
      %dma_wait3A_62 = tpu.memref_slice %arg2[%dma_wait3A_60, %dma_wait3A_61] : memref<20000x128xf32, #tpu.memory_space<hbm>> -> memref<20000x128xf32, #tpu.memory_space<hbm>>
      tpu.wait_indirect_dma semaphore(%arg10 : memref<!tpu.dma_semaphore, #tpu.memory_space<semaphore_mem>>) src(%dma_wait3A_62 : memref<20000x128xf32, #tpu.memory_space<hbm>>) dst(%arg6 : memref<80x128xf32, #tpu.memory_space<vmem>>)
      %add3A_63 = arith.constant 0 : i32
      %add3A_64 = arith.addi %mul3A_24, %add3A_63 : i32
      %mul3A_65 = arith.constant 80 : i32
      %mul3A_66 = arith.muli %add3A_64, %mul3A_65 : i32
      %add3A_67 = arith.addi %mul3A_2, %mul3A_66 : i32
      %dma_start3A_68 = arith.constant 0 : i32
      %dma_start3A_69 = tpu.memref_slice %arg4[%add3A_67, %dma_start3A_68] : memref<320000x128xf32, #tpu.memory_space<hbm>> -> memref<80x128xf32, #tpu.memory_space<hbm>>
      %dma_start3A_70 = arith.constant 0 : i32
      %dma_start3A_71 = tpu.memref_slice %arg4[%add3A_67, %dma_start3A_70] : memref<320000x128xf32, #tpu.memory_space<hbm>> -> memref<80x128xf32, #tpu.memory_space<hbm>>
      tpu.enqueue_dma source(%arg6 : memref<80x128xf32, #tpu.memory_space<vmem>>) target(%dma_start3A_71 : memref<80x128xf32, #tpu.memory_space<hbm>>) target_semaphore(%arg14 : memref<!tpu.dma_semaphore, #tpu.memory_space<semaphore_mem>>)
      %dma_wait3A_72 = arith.constant 0 : i32
      %dma_wait3A_73 = tpu.memref_slice %arg5[%add3A_34, %dma_wait3A_72] : memref<125x80xi32, #tpu.memory_space<vmem>> -> memref<1x80xi32, #tpu.memory_space<vmem>>
      %dma_wait3A_74 = tpu.memref_squeeze %dma_wait3A_73 : memref<1x80xi32, #tpu.memory_space<vmem>> -> memref<80xi32, #tpu.memory_space<vmem>>
      %dma_wait3A_75 = arith.constant 0 : i32
      %dma_wait3A_76 = arith.constant 0 : i32
      %dma_wait3A_77 = tpu.memref_slice %arg2[%dma_wait3A_75, %dma_wait3A_76] : memref<20000x128xf32, #tpu.memory_space<hbm>> -> memref<20000x128xf32, #tpu.memory_space<hbm>>
      tpu.wait_indirect_dma semaphore(%arg11 : memref<!tpu.dma_semaphore, #tpu.memory_space<semaphore_mem>>) src(%dma_wait3A_77 : memref<20000x128xf32, #tpu.memory_space<hbm>>) dst(%arg7 : memref<80x128xf32, #tpu.memory_space<vmem>>)
      %add3A_78 = arith.constant 1 : i32
      %add3A_79 = arith.addi %mul3A_24, %add3A_78 : i32
      %mul3A_80 = arith.constant 80 : i32
      %mul3A_81 = arith.muli %add3A_79, %mul3A_80 : i32
      %add3A_82 = arith.addi %mul3A_2, %mul3A_81 : i32
      %dma_start3A_83 = arith.constant 0 : i32
      %dma_start3A_84 = tpu.memref_slice %arg4[%add3A_82, %dma_start3A_83] : memref<320000x128xf32, #tpu.memory_space<hbm>> -> memref<80x128xf32, #tpu.memory_space<hbm>>
      %dma_start3A_85 = arith.constant 0 : i32
      %dma_start3A_86 = tpu.memref_slice %arg4[%add3A_82, %dma_start3A_85] : memref<320000x128xf32, #tpu.memory_space<hbm>> -> memref<80x128xf32, #tpu.memory_space<hbm>>
      tpu.enqueue_dma source(%arg7 : memref<80x128xf32, #tpu.memory_space<vmem>>) target(%dma_start3A_86 : memref<80x128xf32, #tpu.memory_space<hbm>>) target_semaphore(%arg14 : memref<!tpu.dma_semaphore, #tpu.memory_space<semaphore_mem>>)
      %dma_wait3A_87 = arith.constant 0 : i32
      %dma_wait3A_88 = tpu.memref_slice %arg5[%add3A_42, %dma_wait3A_87] : memref<125x80xi32, #tpu.memory_space<vmem>> -> memref<1x80xi32, #tpu.memory_space<vmem>>
      %dma_wait3A_89 = tpu.memref_squeeze %dma_wait3A_88 : memref<1x80xi32, #tpu.memory_space<vmem>> -> memref<80xi32, #tpu.memory_space<vmem>>
      %dma_wait3A_90 = arith.constant 0 : i32
      %dma_wait3A_91 = arith.constant 0 : i32
      %dma_wait3A_92 = tpu.memref_slice %arg2[%dma_wait3A_90, %dma_wait3A_91] : memref<20000x128xf32, #tpu.memory_space<hbm>> -> memref<20000x128xf32, #tpu.memory_space<hbm>>
      tpu.wait_indirect_dma semaphore(%arg12 : memref<!tpu.dma_semaphore, #tpu.memory_space<semaphore_mem>>) src(%dma_wait3A_92 : memref<20000x128xf32, #tpu.memory_space<hbm>>) dst(%arg8 : memref<80x128xf32, #tpu.memory_space<vmem>>)
      %add3A_93 = arith.constant 2 : i32
      %add3A_94 = arith.addi %mul3A_24, %add3A_93 : i32
      %mul3A_95 = arith.constant 80 : i32
      %mul3A_96 = arith.muli %add3A_94, %mul3A_95 : i32
      %add3A_97 = arith.addi %mul3A_2, %mul3A_96 : i32
      %dma_start3A_98 = arith.constant 0 : i32
      %dma_start3A_99 = tpu.memref_slice %arg4[%add3A_97, %dma_start3A_98] : memref<320000x128xf32, #tpu.memory_space<hbm>> -> memref<80x128xf32, #tpu.memory_space<hbm>>
      %dma_start3A_100 = arith.constant 0 : i32
      %dma_start3A_101 = tpu.memref_slice %arg4[%add3A_97, %dma_start3A_100] : memref<320000x128xf32, #tpu.memory_space<hbm>> -> memref<80x128xf32, #tpu.memory_space<hbm>>
      tpu.enqueue_dma source(%arg8 : memref<80x128xf32, #tpu.memory_space<vmem>>) target(%dma_start3A_101 : memref<80x128xf32, #tpu.memory_space<hbm>>) target_semaphore(%arg14 : memref<!tpu.dma_semaphore, #tpu.memory_space<semaphore_mem>>)
      %dma_wait3A_102 = arith.constant 0 : i32
      %dma_wait3A_103 = tpu.memref_slice %arg5[%add3A_50, %dma_wait3A_102] : memref<125x80xi32, #tpu.memory_space<vmem>> -> memref<1x80xi32, #tpu.memory_space<vmem>>
      %dma_wait3A_104 = tpu.memref_squeeze %dma_wait3A_103 : memref<1x80xi32, #tpu.memory_space<vmem>> -> memref<80xi32, #tpu.memory_space<vmem>>
      %dma_wait3A_105 = arith.constant 0 : i32
      %dma_wait3A_106 = arith.constant 0 : i32
      %dma_wait3A_107 = tpu.memref_slice %arg2[%dma_wait3A_105, %dma_wait3A_106] : memref<20000x128xf32, #tpu.memory_space<hbm>> -> memref<20000x128xf32, #tpu.memory_space<hbm>>
      tpu.wait_indirect_dma semaphore(%arg13 : memref<!tpu.dma_semaphore, #tpu.memory_space<semaphore_mem>>) src(%dma_wait3A_107 : memref<20000x128xf32, #tpu.memory_space<hbm>>) dst(%arg9 : memref<80x128xf32, #tpu.memory_space<vmem>>)
      %add3A_108 = arith.constant 3 : i32
      %add3A_109 = arith.addi %mul3A_24, %add3A_108 : i32
      %mul3A_110 = arith.constant 80 : i32
      %mul3A_111 = arith.muli %add3A_109, %mul3A_110 : i32
      %add3A_112 = arith.addi %mul3A_2, %mul3A_111 : i32
      %dma_start3A_113 = arith.constant 0 : i32
      %dma_start3A_114 = tpu.memref_slice %arg4[%add3A_112, %dma_start3A_113] : memref<320000x128xf32, #tpu.memory_space<hbm>> -> memref<80x128xf32, #tpu.memory_space<hbm>>
      %dma_start3A_115 = arith.constant 0 : i32
      %dma_start3A_116 = tpu.memref_slice %arg4[%add3A_112, %dma_start3A_115] : memref<320000x128xf32, #tpu.memory_space<hbm>> -> memref<80x128xf32, #tpu.memory_space<hbm>>
      tpu.enqueue_dma source(%arg9 : memref<80x128xf32, #tpu.memory_space<vmem>>) target(%dma_start3A_116 : memref<80x128xf32, #tpu.memory_space<hbm>>) target_semaphore(%arg14 : memref<!tpu.dma_semaphore, #tpu.memory_space<semaphore_mem>>)
      %dma_wait3A_117 = arith.constant 0 : i32
      %dma_wait3A_118 = tpu.memref_slice %arg4[%add3A_67, %dma_wait3A_117] : memref<320000x128xf32, #tpu.memory_space<hbm>> -> memref<80x128xf32, #tpu.memory_space<hbm>>
      %dma_wait3A_119 = arith.constant 0 : i32
      %dma_wait3A_120 = tpu.memref_slice %arg4[%add3A_67, %dma_wait3A_119] : memref<320000x128xf32, #tpu.memory_space<hbm>> -> memref<80x128xf32, #tpu.memory_space<hbm>>
      tpu.wait_dma2 semaphore(%arg14 : memref<!tpu.dma_semaphore, #tpu.memory_space<semaphore_mem>>) src(%arg6 : memref<80x128xf32, #tpu.memory_space<vmem>>) dst(%dma_wait3A_120 : memref<80x128xf32, #tpu.memory_space<hbm>>)
      %dma_wait3A_121 = arith.constant 0 : i32
      %dma_wait3A_122 = tpu.memref_slice %arg4[%add3A_82, %dma_wait3A_121] : memref<320000x128xf32, #tpu.memory_space<hbm>> -> memref<80x128xf32, #tpu.memory_space<hbm>>
      %dma_wait3A_123 = arith.constant 0 : i32
      %dma_wait3A_124 = tpu.memref_slice %arg4[%add3A_82, %dma_wait3A_123] : memref<320000x128xf32, #tpu.memory_space<hbm>> -> memref<80x128xf32, #tpu.memory_space<hbm>>
      tpu.wait_dma2 semaphore(%arg14 : memref<!tpu.dma_semaphore, #tpu.memory_space<semaphore_mem>>) src(%arg7 : memref<80x128xf32, #tpu.memory_space<vmem>>) dst(%dma_wait3A_124 : memref<80x128xf32, #tpu.memory_space<hbm>>)
      %dma_wait3A_125 = arith.constant 0 : i32
      %dma_wait3A_126 = tpu.memref_slice %arg4[%add3A_97, %dma_wait3A_125] : memref<320000x128xf32, #tpu.memory_space<hbm>> -> memref<80x128xf32, #tpu.memory_space<hbm>>
      %dma_wait3A_127 = arith.constant 0 : i32
      %dma_wait3A_128 = tpu.memref_slice %arg4[%add3A_97, %dma_wait3A_127] : memref<320000x128xf32, #tpu.memory_space<hbm>> -> memref<80x128xf32, #tpu.memory_space<hbm>>
      tpu.wait_dma2 semaphore(%arg14 : memref<!tpu.dma_semaphore, #tpu.memory_space<semaphore_mem>>) src(%arg8 : memref<80x128xf32, #tpu.memory_space<vmem>>) dst(%dma_wait3A_128 : memref<80x128xf32, #tpu.memory_space<hbm>>)
      %dma_wait3A_129 = arith.constant 0 : i32
      %dma_wait3A_130 = tpu.memref_slice %arg4[%add3A_112, %dma_wait3A_129] : memref<320000x128xf32, #tpu.memory_space<hbm>> -> memref<80x128xf32, #tpu.memory_space<hbm>>
      %dma_wait3A_131 = arith.constant 0 : i32
      %dma_wait3A_132 = tpu.memref_slice %arg4[%add3A_112, %dma_wait3A_131] : memref<320000x128xf32, #tpu.memory_space<hbm>> -> memref<80x128xf32, #tpu.memory_space<hbm>>
      tpu.wait_dma2 semaphore(%arg14 : memref<!tpu.dma_semaphore, #tpu.memory_space<semaphore_mem>>) src(%arg9 : memref<80x128xf32, #tpu.memory_space<vmem>>) dst(%dma_wait3A_132 : memref<80x128xf32, #tpu.memory_space<hbm>>)
    }
    %scan3A_7 = arith.constant 31 : i32
    %dma_start3A = arith.constant 124 : i32
    %dma_start3A_8 = arith.constant 0 : i32
    %dma_start3A_9 = tpu.memref_slice %arg5[%dma_start3A, %dma_start3A_8] : memref<125x80xi32, #tpu.memory_space<vmem>> -> memref<1x80xi32, #tpu.memory_space<vmem>>
    %dma_start3A_10 = tpu.memref_squeeze %dma_start3A_9 : memref<1x80xi32, #tpu.memory_space<vmem>> -> memref<80xi32, #tpu.memory_space<vmem>>
    %dma_start3A_11 = arith.constant 0 : i32
    %dma_start3A_12 = arith.constant 0 : i32
    %dma_start3A_13 = tpu.memref_slice %arg2[%dma_start3A_11, %dma_start3A_12] : memref<20000x128xf32, #tpu.memory_space<hbm>> -> memref<20000x128xf32, #tpu.memory_space<hbm>>
    tpu.enqueue_indirect_dma source(%dma_start3A_13 : memref<20000x128xf32, #tpu.memory_space<hbm>>) target(%arg6 : memref<80x128xf32, #tpu.memory_space<vmem>>) offsets(%dma_start3A_10 : memref<80xi32, #tpu.memory_space<vmem>>) semaphore(%arg10 : memref<!tpu.dma_semaphore, #tpu.memory_space<semaphore_mem>>)
    %dma_wait3A = arith.constant 124 : i32
    %dma_wait3A_14 = arith.constant 0 : i32
    %dma_wait3A_15 = tpu.memref_slice %arg5[%dma_wait3A, %dma_wait3A_14] : memref<125x80xi32, #tpu.memory_space<vmem>> -> memref<1x80xi32, #tpu.memory_space<vmem>>
    %dma_wait3A_16 = tpu.memref_squeeze %dma_wait3A_15 : memref<1x80xi32, #tpu.memory_space<vmem>> -> memref<80xi32, #tpu.memory_space<vmem>>
    %dma_wait3A_17 = arith.constant 0 : i32
    %dma_wait3A_18 = arith.constant 0 : i32
    %dma_wait3A_19 = tpu.memref_slice %arg2[%dma_wait3A_17, %dma_wait3A_18] : memref<20000x128xf32, #tpu.memory_space<hbm>> -> memref<20000x128xf32, #tpu.memory_space<hbm>>
    tpu.wait_indirect_dma semaphore(%arg10 : memref<!tpu.dma_semaphore, #tpu.memory_space<semaphore_mem>>) src(%dma_wait3A_19 : memref<20000x128xf32, #tpu.memory_space<hbm>>) dst(%arg6 : memref<80x128xf32, #tpu.memory_space<vmem>>)
    %add3A_20 = arith.constant 9920 : i32
    %add3A_21 = arith.addi %mul3A_2, %add3A_20 : i32
    "tpu.region"() ({
      %run_scoped3A = tpu.sem_alloc : memref<!tpu.dma_semaphore, #tpu.memory_space<semaphore_mem>>
      %dma_start3A_22 = arith.constant 0 : i32
      %dma_start3A_23 = tpu.memref_slice %arg4[%add3A_21, %dma_start3A_22] : memref<320000x128xf32, #tpu.memory_space<hbm>> -> memref<80x128xf32, #tpu.memory_space<hbm>>
      %dma_start3A_24 = arith.constant 0 : i32
      %dma_start3A_25 = tpu.memref_slice %arg4[%add3A_21, %dma_start3A_24] : memref<320000x128xf32, #tpu.memory_space<hbm>> -> memref<80x128xf32, #tpu.memory_space<hbm>>
      tpu.enqueue_dma source(%arg6 : memref<80x128xf32, #tpu.memory_space<vmem>>) target(%dma_start3A_25 : memref<80x128xf32, #tpu.memory_space<hbm>>) target_semaphore(%run_scoped3A : memref<!tpu.dma_semaphore, #tpu.memory_space<semaphore_mem>>)
      %dma_wait3A_26 = arith.constant 0 : i32
      %dma_wait3A_27 = tpu.memref_slice %arg4[%add3A_21, %dma_wait3A_26] : memref<320000x128xf32, #tpu.memory_space<hbm>> -> memref<80x128xf32, #tpu.memory_space<hbm>>
      %dma_wait3A_28 = arith.constant 0 : i32
      %dma_wait3A_29 = tpu.memref_slice %arg4[%add3A_21, %dma_wait3A_28] : memref<320000x128xf32, #tpu.memory_space<hbm>> -> memref<80x128xf32, #tpu.memory_space<hbm>>
      tpu.wait_dma2 semaphore(%run_scoped3A : memref<!tpu.dma_semaphore, #tpu.memory_space<semaphore_mem>>) src(%arg6 : memref<80x128xf32, #tpu.memory_space<vmem>>) dst(%dma_wait3A_29 : memref<80x128xf32, #tpu.memory_space<hbm>>)
      tpu.yield
    }) : () -> ()
    return
  }
}

#map = affine_map<(d0, d1) -> (0, 0, 0, 0)>
#map1 = affine_map<(d0, d1) -> (0, 0)>
#map2 = affine_map<(d0, d1) -> (0, 0, 0)>
module attributes {stable_mosaic.version = 14 : i64} {
  func.func @counts(%arg0: i32, %arg1: i32, %arg2: memref<2x16x125x80xi32, #tpu.memory_space<hbm>>, %arg3: memref<10240x128xf32, #tpu.memory_space<hbm>>, %arg4: memref<80x128xf32, #tpu.memory_space<hbm>>, %arg5: memref<2x10240x128xf32, #tpu.memory_space<hbm>>, %arg6: memref<125x80xi32, #tpu.memory_space<vmem>>, %arg7: memref<80x128xf32, #tpu.memory_space<vmem>>, %arg8: memref<64x128xf32, #tpu.memory_space<vmem>>, %arg9: memref<!tpu.dma_semaphore, #tpu.memory_space<semaphore_mem>>, %arg10: memref<10240x128xf32, #tpu.memory_space<vmem_shared>>) attributes {dimension_semantics = [#tpu.dimension_semantics<core_parallel>, #tpu.dimension_semantics<subcore_parallel>], iteration_bounds = array<i64: 2, 16>, scalar_prefetch = 0 : i64, scratch_operands = 5 : i64, tpu.core_type = #tpu.core_type<sc_vector_subcore>, window_params = [{transform_indices = #map}, {transform_indices = #map1}, {transform_indices = #map1}, {transform_indices = #map2}]} {
    "tpu.region"() ({
      %run_scoped3A_22 = tpu.sem_alloc : memref<!tpu.dma_semaphore, #tpu.memory_space<semaphore_mem>>
      %dma_start3A = arith.constant 0 : i32
      %dma_start3A_23 = arith.constant 0 : i32
      %dma_start3A_24 = tpu.memref_slice %arg2[%arg0, %arg1, %dma_start3A, %dma_start3A_23] : memref<2x16x125x80xi32, #tpu.memory_space<hbm>> -> memref<1x1x125x80xi32, #tpu.memory_space<hbm>>
      %dma_start3A_25 = tpu.memref_squeeze %dma_start3A_24 : memref<1x1x125x80xi32, #tpu.memory_space<hbm>> -> memref<125x80xi32, #tpu.memory_space<hbm>>
      %dma_start3A_26 = arith.constant 0 : i32
      %dma_start3A_27 = arith.constant 0 : i32
      %dma_start3A_28 = tpu.memref_slice %arg2[%arg0, %arg1, %dma_start3A_26, %dma_start3A_27] : memref<2x16x125x80xi32, #tpu.memory_space<hbm>> -> memref<1x1x125x80xi32, #tpu.memory_space<hbm>>
      %dma_start3A_29 = tpu.memref_squeeze %dma_start3A_28 : memref<1x1x125x80xi32, #tpu.memory_space<hbm>> -> memref<125x80xi32, #tpu.memory_space<hbm>>
      tpu.enqueue_dma source(%dma_start3A_29 : memref<125x80xi32, #tpu.memory_space<hbm>>) target(%arg6 : memref<125x80xi32, #tpu.memory_space<vmem>>) target_semaphore(%run_scoped3A_22 : memref<!tpu.dma_semaphore, #tpu.memory_space<semaphore_mem>>)
      %dma_wait3A = arith.constant 0 : i32
      %dma_wait3A_30 = arith.constant 0 : i32
      %dma_wait3A_31 = tpu.memref_slice %arg2[%arg0, %arg1, %dma_wait3A, %dma_wait3A_30] : memref<2x16x125x80xi32, #tpu.memory_space<hbm>> -> memref<1x1x125x80xi32, #tpu.memory_space<hbm>>
      %dma_wait3A_32 = tpu.memref_squeeze %dma_wait3A_31 : memref<1x1x125x80xi32, #tpu.memory_space<hbm>> -> memref<125x80xi32, #tpu.memory_space<hbm>>
      %dma_wait3A_33 = arith.constant 0 : i32
      %dma_wait3A_34 = arith.constant 0 : i32
      %dma_wait3A_35 = tpu.memref_slice %arg2[%arg0, %arg1, %dma_wait3A_33, %dma_wait3A_34] : memref<2x16x125x80xi32, #tpu.memory_space<hbm>> -> memref<1x1x125x80xi32, #tpu.memory_space<hbm>>
      %dma_wait3A_36 = tpu.memref_squeeze %dma_wait3A_35 : memref<1x1x125x80xi32, #tpu.memory_space<hbm>> -> memref<125x80xi32, #tpu.memory_space<hbm>>
      tpu.wait_dma2 semaphore(%run_scoped3A_22 : memref<!tpu.dma_semaphore, #tpu.memory_space<semaphore_mem>>) src(%dma_wait3A_36 : memref<125x80xi32, #tpu.memory_space<hbm>>) dst(%arg6 : memref<125x80xi32, #tpu.memory_space<vmem>>)
      tpu.yield
    }) : () -> ()
    "tpu.region"() ({
      %run_scoped3A_22 = tpu.sem_alloc : memref<!tpu.dma_semaphore, #tpu.memory_space<semaphore_mem>>
      tpu.enqueue_dma source(%arg4 : memref<80x128xf32, #tpu.memory_space<hbm>>) target(%arg7 : memref<80x128xf32, #tpu.memory_space<vmem>>) target_semaphore(%run_scoped3A_22 : memref<!tpu.dma_semaphore, #tpu.memory_space<semaphore_mem>>)
      tpu.wait_dma2 semaphore(%run_scoped3A_22 : memref<!tpu.dma_semaphore, #tpu.memory_space<semaphore_mem>>) src(%arg4 : memref<80x128xf32, #tpu.memory_space<hbm>>) dst(%arg7 : memref<80x128xf32, #tpu.memory_space<vmem>>)
      tpu.yield
    }) : () -> ()
    %scan3A = arith.constant 0 : i32
    %scan3A_0 = arith.constant 0 : i32
    %scan3A_1 = arith.constant 10 : i32
    %scan3A_2 = arith.addi %scan3A_0, %scan3A_1 : i32
    %scan3A_3 = arith.constant 1 : i32
    scf.for %scan3A_22 = %scan3A_0 to %scan3A_2 step %scan3A_3  : i32 {
      %mul3A = arith.constant 640 : i32
      %mul3A_23 = arith.muli %arg1, %mul3A : i32
      %mul3A_24 = arith.constant 64 : i32
      %mul3A_25 = arith.muli %scan3A_22, %mul3A_24 : i32
      %add3A = arith.addi %mul3A_23, %mul3A_25 : i32
      %mul3A_26 = arith.constant 64 : i32
      %mul3A_27 = arith.muli %scan3A_22, %mul3A_26 : i32
      "tpu.region"() ({
        %run_scoped3A_28 = tpu.sem_alloc : memref<!tpu.dma_semaphore, #tpu.memory_space<semaphore_mem>>
        %dma_start3A = arith.constant 0 : i32
        %dma_start3A_29 = tpu.memref_slice %arg3[%mul3A_27, %dma_start3A] : memref<10240x128xf32, #tpu.memory_space<hbm>> -> memref<64x128xf32, #tpu.memory_space<hbm>>
        %dma_start3A_30 = arith.constant 0 : i32
        %dma_start3A_31 = tpu.memref_slice %arg3[%mul3A_27, %dma_start3A_30] : memref<10240x128xf32, #tpu.memory_space<hbm>> -> memref<64x128xf32, #tpu.memory_space<hbm>>
        tpu.enqueue_dma source(%dma_start3A_31 : memref<64x128xf32, #tpu.memory_space<hbm>>) target(%arg8 : memref<64x128xf32, #tpu.memory_space<vmem>>) target_semaphore(%run_scoped3A_28 : memref<!tpu.dma_semaphore, #tpu.memory_space<semaphore_mem>>)
        %dma_wait3A = arith.constant 0 : i32
        %dma_wait3A_32 = tpu.memref_slice %arg3[%mul3A_27, %dma_wait3A] : memref<10240x128xf32, #tpu.memory_space<hbm>> -> memref<64x128xf32, #tpu.memory_space<hbm>>
        %dma_wait3A_33 = arith.constant 0 : i32
        %dma_wait3A_34 = tpu.memref_slice %arg3[%mul3A_27, %dma_wait3A_33] : memref<10240x128xf32, #tpu.memory_space<hbm>> -> memref<64x128xf32, #tpu.memory_space<hbm>>
        tpu.wait_dma2 semaphore(%run_scoped3A_28 : memref<!tpu.dma_semaphore, #tpu.memory_space<semaphore_mem>>) src(%dma_wait3A_34 : memref<64x128xf32, #tpu.memory_space<hbm>>) dst(%arg8 : memref<64x128xf32, #tpu.memory_space<vmem>>)
        tpu.yield
      }) : () -> ()
      "tpu.region"() ({
        %run_scoped3A_28 = tpu.sem_alloc : memref<!tpu.dma_semaphore, #tpu.memory_space<semaphore_mem>>
        %dma_start3A = arith.constant 0 : i32
        %dma_start3A_29 = tpu.memref_slice %arg10[%add3A, %dma_start3A] : memref<10240x128xf32, #tpu.memory_space<vmem_shared>> -> memref<64x128xf32, #tpu.memory_space<vmem_shared>>
        %dma_start3A_30 = arith.constant 0 : i32
        %dma_start3A_31 = tpu.memref_slice %arg10[%add3A, %dma_start3A_30] : memref<10240x128xf32, #tpu.memory_space<vmem_shared>> -> memref<64x128xf32, #tpu.memory_space<vmem_shared>>
        tpu.enqueue_dma source(%arg8 : memref<64x128xf32, #tpu.memory_space<vmem>>) target(%dma_start3A_31 : memref<64x128xf32, #tpu.memory_space<vmem_shared>>) target_semaphore(%run_scoped3A_28 : memref<!tpu.dma_semaphore, #tpu.memory_space<semaphore_mem>>)
        %dma_wait3A = arith.constant 0 : i32
        %dma_wait3A_32 = tpu.memref_slice %arg10[%add3A, %dma_wait3A] : memref<10240x128xf32, #tpu.memory_space<vmem_shared>> -> memref<64x128xf32, #tpu.memory_space<vmem_shared>>
        %dma_wait3A_33 = arith.constant 0 : i32
        %dma_wait3A_34 = tpu.memref_slice %arg10[%add3A, %dma_wait3A_33] : memref<10240x128xf32, #tpu.memory_space<vmem_shared>> -> memref<64x128xf32, #tpu.memory_space<vmem_shared>>
        tpu.wait_dma2 semaphore(%run_scoped3A_28 : memref<!tpu.dma_semaphore, #tpu.memory_space<semaphore_mem>>) src(%arg8 : memref<64x128xf32, #tpu.memory_space<vmem>>) dst(%dma_wait3A_34 : memref<64x128xf32, #tpu.memory_space<vmem_shared>>)
        tpu.yield
      }) : () -> ()
    }
    %scan3A_4 = arith.constant 10 : i32
    %barrier3A = arith.constant 0 : index
    tpu.barrier barrier_id(%barrier3A)
    %scan3A_5 = arith.constant 0 : i32
    %scan3A_6 = arith.constant 0 : i32
    %scan3A_7 = arith.constant 15 : i32
    %scan3A_8 = arith.addi %scan3A_6, %scan3A_7 : i32
    %scan3A_9 = arith.constant 1 : i32
    scf.for %scan3A_22 = %scan3A_6 to %scan3A_8 step %scan3A_9  : i32 {
      %mul3A = arith.constant 8 : i32
      %mul3A_23 = arith.muli %scan3A_22, %mul3A : i32
      %add3A = arith.constant 0 : i32
      %add3A_24 = arith.addi %mul3A_23, %add3A : i32
      %dma_start3A = arith.constant 0 : i32
      %dma_start3A_25 = tpu.memref_slice %arg6[%add3A_24, %dma_start3A] : memref<125x80xi32, #tpu.memory_space<vmem>> -> memref<1x80xi32, #tpu.memory_space<vmem>>
      %dma_start3A_26 = tpu.memref_squeeze %dma_start3A_25 : memref<1x80xi32, #tpu.memory_space<vmem>> -> memref<80xi32, #tpu.memory_space<vmem>>
      %dma_start3A_27 = arith.constant 0 : i32
      %dma_start3A_28 = arith.constant 0 : i32
      %dma_start3A_29 = tpu.memref_slice %arg10[%dma_start3A_27, %dma_start3A_28] : memref<10240x128xf32, #tpu.memory_space<vmem_shared>> -> memref<10240x128xf32, #tpu.memory_space<vmem_shared>>
      tpu.enqueue_indirect_dma source(%arg7 : memref<80x128xf32, #tpu.memory_space<vmem>>) target(%dma_start3A_29 : memref<10240x128xf32, #tpu.memory_space<vmem_shared>>) offsets(%dma_start3A_26 : memref<80xi32, #tpu.memory_space<vmem>>) semaphore(%arg9 : memref<!tpu.dma_semaphore, #tpu.memory_space<semaphore_mem>>) {add = true}
      %add3A_30 = arith.constant 1 : i32
      %add3A_31 = arith.addi %mul3A_23, %add3A_30 : i32
      %dma_start3A_32 = arith.constant 0 : i32
      %dma_start3A_33 = tpu.memref_slice %arg6[%add3A_31, %dma_start3A_32] : memref<125x80xi32, #tpu.memory_space<vmem>> -> memref<1x80xi32, #tpu.memory_space<vmem>>
      %dma_start3A_34 = tpu.memref_squeeze %dma_start3A_33 : memref<1x80xi32, #tpu.memory_space<vmem>> -> memref<80xi32, #tpu.memory_space<vmem>>
      %dma_start3A_35 = arith.constant 0 : i32
      %dma_start3A_36 = arith.constant 0 : i32
      %dma_start3A_37 = tpu.memref_slice %arg10[%dma_start3A_35, %dma_start3A_36] : memref<10240x128xf32, #tpu.memory_space<vmem_shared>> -> memref<10240x128xf32, #tpu.memory_space<vmem_shared>>
      tpu.enqueue_indirect_dma source(%arg7 : memref<80x128xf32, #tpu.memory_space<vmem>>) target(%dma_start3A_37 : memref<10240x128xf32, #tpu.memory_space<vmem_shared>>) offsets(%dma_start3A_34 : memref<80xi32, #tpu.memory_space<vmem>>) semaphore(%arg9 : memref<!tpu.dma_semaphore, #tpu.memory_space<semaphore_mem>>) {add = true}
      %add3A_38 = arith.constant 2 : i32
      %add3A_39 = arith.addi %mul3A_23, %add3A_38 : i32
      %dma_start3A_40 = arith.constant 0 : i32
      %dma_start3A_41 = tpu.memref_slice %arg6[%add3A_39, %dma_start3A_40] : memref<125x80xi32, #tpu.memory_space<vmem>> -> memref<1x80xi32, #tpu.memory_space<vmem>>
      %dma_start3A_42 = tpu.memref_squeeze %dma_start3A_41 : memref<1x80xi32, #tpu.memory_space<vmem>> -> memref<80xi32, #tpu.memory_space<vmem>>
      %dma_start3A_43 = arith.constant 0 : i32
      %dma_start3A_44 = arith.constant 0 : i32
      %dma_start3A_45 = tpu.memref_slice %arg10[%dma_start3A_43, %dma_start3A_44] : memref<10240x128xf32, #tpu.memory_space<vmem_shared>> -> memref<10240x128xf32, #tpu.memory_space<vmem_shared>>
      tpu.enqueue_indirect_dma source(%arg7 : memref<80x128xf32, #tpu.memory_space<vmem>>) target(%dma_start3A_45 : memref<10240x128xf32, #tpu.memory_space<vmem_shared>>) offsets(%dma_start3A_42 : memref<80xi32, #tpu.memory_space<vmem>>) semaphore(%arg9 : memref<!tpu.dma_semaphore, #tpu.memory_space<semaphore_mem>>) {add = true}
      %add3A_46 = arith.constant 3 : i32
      %add3A_47 = arith.addi %mul3A_23, %add3A_46 : i32
      %dma_start3A_48 = arith.constant 0 : i32
      %dma_start3A_49 = tpu.memref_slice %arg6[%add3A_47, %dma_start3A_48] : memref<125x80xi32, #tpu.memory_space<vmem>> -> memref<1x80xi32, #tpu.memory_space<vmem>>
      %dma_start3A_50 = tpu.memref_squeeze %dma_start3A_49 : memref<1x80xi32, #tpu.memory_space<vmem>> -> memref<80xi32, #tpu.memory_space<vmem>>
      %dma_start3A_51 = arith.constant 0 : i32
      %dma_start3A_52 = arith.constant 0 : i32
      %dma_start3A_53 = tpu.memref_slice %arg10[%dma_start3A_51, %dma_start3A_52] : memref<10240x128xf32, #tpu.memory_space<vmem_shared>> -> memref<10240x128xf32, #tpu.memory_space<vmem_shared>>
      tpu.enqueue_indirect_dma source(%arg7 : memref<80x128xf32, #tpu.memory_space<vmem>>) target(%dma_start3A_53 : memref<10240x128xf32, #tpu.memory_space<vmem_shared>>) offsets(%dma_start3A_50 : memref<80xi32, #tpu.memory_space<vmem>>) semaphore(%arg9 : memref<!tpu.dma_semaphore, #tpu.memory_space<semaphore_mem>>) {add = true}
      %add3A_54 = arith.constant 4 : i32
      %add3A_55 = arith.addi %mul3A_23, %add3A_54 : i32
      %dma_start3A_56 = arith.constant 0 : i32
      %dma_start3A_57 = tpu.memref_slice %arg6[%add3A_55, %dma_start3A_56] : memref<125x80xi32, #tpu.memory_space<vmem>> -> memref<1x80xi32, #tpu.memory_space<vmem>>
      %dma_start3A_58 = tpu.memref_squeeze %dma_start3A_57 : memref<1x80xi32, #tpu.memory_space<vmem>> -> memref<80xi32, #tpu.memory_space<vmem>>
      %dma_start3A_59 = arith.constant 0 : i32
      %dma_start3A_60 = arith.constant 0 : i32
      %dma_start3A_61 = tpu.memref_slice %arg10[%dma_start3A_59, %dma_start3A_60] : memref<10240x128xf32, #tpu.memory_space<vmem_shared>> -> memref<10240x128xf32, #tpu.memory_space<vmem_shared>>
      tpu.enqueue_indirect_dma source(%arg7 : memref<80x128xf32, #tpu.memory_space<vmem>>) target(%dma_start3A_61 : memref<10240x128xf32, #tpu.memory_space<vmem_shared>>) offsets(%dma_start3A_58 : memref<80xi32, #tpu.memory_space<vmem>>) semaphore(%arg9 : memref<!tpu.dma_semaphore, #tpu.memory_space<semaphore_mem>>) {add = true}
      %add3A_62 = arith.constant 5 : i32
      %add3A_63 = arith.addi %mul3A_23, %add3A_62 : i32
      %dma_start3A_64 = arith.constant 0 : i32
      %dma_start3A_65 = tpu.memref_slice %arg6[%add3A_63, %dma_start3A_64] : memref<125x80xi32, #tpu.memory_space<vmem>> -> memref<1x80xi32, #tpu.memory_space<vmem>>
      %dma_start3A_66 = tpu.memref_squeeze %dma_start3A_65 : memref<1x80xi32, #tpu.memory_space<vmem>> -> memref<80xi32, #tpu.memory_space<vmem>>
      %dma_start3A_67 = arith.constant 0 : i32
      %dma_start3A_68 = arith.constant 0 : i32
      %dma_start3A_69 = tpu.memref_slice %arg10[%dma_start3A_67, %dma_start3A_68] : memref<10240x128xf32, #tpu.memory_space<vmem_shared>> -> memref<10240x128xf32, #tpu.memory_space<vmem_shared>>
      tpu.enqueue_indirect_dma source(%arg7 : memref<80x128xf32, #tpu.memory_space<vmem>>) target(%dma_start3A_69 : memref<10240x128xf32, #tpu.memory_space<vmem_shared>>) offsets(%dma_start3A_66 : memref<80xi32, #tpu.memory_space<vmem>>) semaphore(%arg9 : memref<!tpu.dma_semaphore, #tpu.memory_space<semaphore_mem>>) {add = true}
      %add3A_70 = arith.constant 6 : i32
      %add3A_71 = arith.addi %mul3A_23, %add3A_70 : i32
      %dma_start3A_72 = arith.constant 0 : i32
      %dma_start3A_73 = tpu.memref_slice %arg6[%add3A_71, %dma_start3A_72] : memref<125x80xi32, #tpu.memory_space<vmem>> -> memref<1x80xi32, #tpu.memory_space<vmem>>
      %dma_start3A_74 = tpu.memref_squeeze %dma_start3A_73 : memref<1x80xi32, #tpu.memory_space<vmem>> -> memref<80xi32, #tpu.memory_space<vmem>>
      %dma_start3A_75 = arith.constant 0 : i32
      %dma_start3A_76 = arith.constant 0 : i32
      %dma_start3A_77 = tpu.memref_slice %arg10[%dma_start3A_75, %dma_start3A_76] : memref<10240x128xf32, #tpu.memory_space<vmem_shared>> -> memref<10240x128xf32, #tpu.memory_space<vmem_shared>>
      tpu.enqueue_indirect_dma source(%arg7 : memref<80x128xf32, #tpu.memory_space<vmem>>) target(%dma_start3A_77 : memref<10240x128xf32, #tpu.memory_space<vmem_shared>>) offsets(%dma_start3A_74 : memref<80xi32, #tpu.memory_space<vmem>>) semaphore(%arg9 : memref<!tpu.dma_semaphore, #tpu.memory_space<semaphore_mem>>) {add = true}
      %add3A_78 = arith.constant 7 : i32
      %add3A_79 = arith.addi %mul3A_23, %add3A_78 : i32
      %dma_start3A_80 = arith.constant 0 : i32
      %dma_start3A_81 = tpu.memref_slice %arg6[%add3A_79, %dma_start3A_80] : memref<125x80xi32, #tpu.memory_space<vmem>> -> memref<1x80xi32, #tpu.memory_space<vmem>>
      %dma_start3A_82 = tpu.memref_squeeze %dma_start3A_81 : memref<1x80xi32, #tpu.memory_space<vmem>> -> memref<80xi32, #tpu.memory_space<vmem>>
      %dma_start3A_83 = arith.constant 0 : i32
      %dma_start3A_84 = arith.constant 0 : i32
      %dma_start3A_85 = tpu.memref_slice %arg10[%dma_start3A_83, %dma_start3A_84] : memref<10240x128xf32, #tpu.memory_space<vmem_shared>> -> memref<10240x128xf32, #tpu.memory_space<vmem_shared>>
      tpu.enqueue_indirect_dma source(%arg7 : memref<80x128xf32, #tpu.memory_space<vmem>>) target(%dma_start3A_85 : memref<10240x128xf32, #tpu.memory_space<vmem_shared>>) offsets(%dma_start3A_82 : memref<80xi32, #tpu.memory_space<vmem>>) semaphore(%arg9 : memref<!tpu.dma_semaphore, #tpu.memory_space<semaphore_mem>>) {add = true}
      %dma_wait3A = arith.constant 0 : i32
      %dma_wait3A_86 = tpu.memref_slice %arg6[%add3A_24, %dma_wait3A] : memref<125x80xi32, #tpu.memory_space<vmem>> -> memref<1x80xi32, #tpu.memory_space<vmem>>
      %dma_wait3A_87 = tpu.memref_squeeze %dma_wait3A_86 : memref<1x80xi32, #tpu.memory_space<vmem>> -> memref<80xi32, #tpu.memory_space<vmem>>
      %dma_wait3A_88 = arith.constant 0 : i32
      %dma_wait3A_89 = arith.constant 0 : i32
      %dma_wait3A_90 = tpu.memref_slice %arg10[%dma_wait3A_88, %dma_wait3A_89] : memref<10240x128xf32, #tpu.memory_space<vmem_shared>> -> memref<10240x128xf32, #tpu.memory_space<vmem_shared>>
      tpu.wait_indirect_dma semaphore(%arg9 : memref<!tpu.dma_semaphore, #tpu.memory_space<semaphore_mem>>) src(%arg7 : memref<80x128xf32, #tpu.memory_space<vmem>>) dst(%dma_wait3A_90 : memref<10240x128xf32, #tpu.memory_space<vmem_shared>>)
      %dma_wait3A_91 = arith.constant 0 : i32
      %dma_wait3A_92 = tpu.memref_slice %arg6[%add3A_31, %dma_wait3A_91] : memref<125x80xi32, #tpu.memory_space<vmem>> -> memref<1x80xi32, #tpu.memory_space<vmem>>
      %dma_wait3A_93 = tpu.memref_squeeze %dma_wait3A_92 : memref<1x80xi32, #tpu.memory_space<vmem>> -> memref<80xi32, #tpu.memory_space<vmem>>
      %dma_wait3A_94 = arith.constant 0 : i32
      %dma_wait3A_95 = arith.constant 0 : i32
      %dma_wait3A_96 = tpu.memref_slice %arg10[%dma_wait3A_94, %dma_wait3A_95] : memref<10240x128xf32, #tpu.memory_space<vmem_shared>> -> memref<10240x128xf32, #tpu.memory_space<vmem_shared>>
      tpu.wait_indirect_dma semaphore(%arg9 : memref<!tpu.dma_semaphore, #tpu.memory_space<semaphore_mem>>) src(%arg7 : memref<80x128xf32, #tpu.memory_space<vmem>>) dst(%dma_wait3A_96 : memref<10240x128xf32, #tpu.memory_space<vmem_shared>>)
      %dma_wait3A_97 = arith.constant 0 : i32
      %dma_wait3A_98 = tpu.memref_slice %arg6[%add3A_39, %dma_wait3A_97] : memref<125x80xi32, #tpu.memory_space<vmem>> -> memref<1x80xi32, #tpu.memory_space<vmem>>
      %dma_wait3A_99 = tpu.memref_squeeze %dma_wait3A_98 : memref<1x80xi32, #tpu.memory_space<vmem>> -> memref<80xi32, #tpu.memory_space<vmem>>
      %dma_wait3A_100 = arith.constant 0 : i32
      %dma_wait3A_101 = arith.constant 0 : i32
      %dma_wait3A_102 = tpu.memref_slice %arg10[%dma_wait3A_100, %dma_wait3A_101] : memref<10240x128xf32, #tpu.memory_space<vmem_shared>> -> memref<10240x128xf32, #tpu.memory_space<vmem_shared>>
      tpu.wait_indirect_dma semaphore(%arg9 : memref<!tpu.dma_semaphore, #tpu.memory_space<semaphore_mem>>) src(%arg7 : memref<80x128xf32, #tpu.memory_space<vmem>>) dst(%dma_wait3A_102 : memref<10240x128xf32, #tpu.memory_space<vmem_shared>>)
      %dma_wait3A_103 = arith.constant 0 : i32
      %dma_wait3A_104 = tpu.memref_slice %arg6[%add3A_47, %dma_wait3A_103] : memref<125x80xi32, #tpu.memory_space<vmem>> -> memref<1x80xi32, #tpu.memory_space<vmem>>
      %dma_wait3A_105 = tpu.memref_squeeze %dma_wait3A_104 : memref<1x80xi32, #tpu.memory_space<vmem>> -> memref<80xi32, #tpu.memory_space<vmem>>
      %dma_wait3A_106 = arith.constant 0 : i32
      %dma_wait3A_107 = arith.constant 0 : i32
      %dma_wait3A_108 = tpu.memref_slice %arg10[%dma_wait3A_106, %dma_wait3A_107] : memref<10240x128xf32, #tpu.memory_space<vmem_shared>> -> memref<10240x128xf32, #tpu.memory_space<vmem_shared>>
      tpu.wait_indirect_dma semaphore(%arg9 : memref<!tpu.dma_semaphore, #tpu.memory_space<semaphore_mem>>) src(%arg7 : memref<80x128xf32, #tpu.memory_space<vmem>>) dst(%dma_wait3A_108 : memref<10240x128xf32, #tpu.memory_space<vmem_shared>>)
      %dma_wait3A_109 = arith.constant 0 : i32
      %dma_wait3A_110 = tpu.memref_slice %arg6[%add3A_55, %dma_wait3A_109] : memref<125x80xi32, #tpu.memory_space<vmem>> -> memref<1x80xi32, #tpu.memory_space<vmem>>
      %dma_wait3A_111 = tpu.memref_squeeze %dma_wait3A_110 : memref<1x80xi32, #tpu.memory_space<vmem>> -> memref<80xi32, #tpu.memory_space<vmem>>
      %dma_wait3A_112 = arith.constant 0 : i32
      %dma_wait3A_113 = arith.constant 0 : i32
      %dma_wait3A_114 = tpu.memref_slice %arg10[%dma_wait3A_112, %dma_wait3A_113] : memref<10240x128xf32, #tpu.memory_space<vmem_shared>> -> memref<10240x128xf32, #tpu.memory_space<vmem_shared>>
      tpu.wait_indirect_dma semaphore(%arg9 : memref<!tpu.dma_semaphore, #tpu.memory_space<semaphore_mem>>) src(%arg7 : memref<80x128xf32, #tpu.memory_space<vmem>>) dst(%dma_wait3A_114 : memref<10240x128xf32, #tpu.memory_space<vmem_shared>>)
      %dma_wait3A_115 = arith.constant 0 : i32
      %dma_wait3A_116 = tpu.memref_slice %arg6[%add3A_63, %dma_wait3A_115] : memref<125x80xi32, #tpu.memory_space<vmem>> -> memref<1x80xi32, #tpu.memory_space<vmem>>
      %dma_wait3A_117 = tpu.memref_squeeze %dma_wait3A_116 : memref<1x80xi32, #tpu.memory_space<vmem>> -> memref<80xi32, #tpu.memory_space<vmem>>
      %dma_wait3A_118 = arith.constant 0 : i32
      %dma_wait3A_119 = arith.constant 0 : i32
      %dma_wait3A_120 = tpu.memref_slice %arg10[%dma_wait3A_118, %dma_wait3A_119] : memref<10240x128xf32, #tpu.memory_space<vmem_shared>> -> memref<10240x128xf32, #tpu.memory_space<vmem_shared>>
      tpu.wait_indirect_dma semaphore(%arg9 : memref<!tpu.dma_semaphore, #tpu.memory_space<semaphore_mem>>) src(%arg7 : memref<80x128xf32, #tpu.memory_space<vmem>>) dst(%dma_wait3A_120 : memref<10240x128xf32, #tpu.memory_space<vmem_shared>>)
      %dma_wait3A_121 = arith.constant 0 : i32
      %dma_wait3A_122 = tpu.memref_slice %arg6[%add3A_71, %dma_wait3A_121] : memref<125x80xi32, #tpu.memory_space<vmem>> -> memref<1x80xi32, #tpu.memory_space<vmem>>
      %dma_wait3A_123 = tpu.memref_squeeze %dma_wait3A_122 : memref<1x80xi32, #tpu.memory_space<vmem>> -> memref<80xi32, #tpu.memory_space<vmem>>
      %dma_wait3A_124 = arith.constant 0 : i32
      %dma_wait3A_125 = arith.constant 0 : i32
      %dma_wait3A_126 = tpu.memref_slice %arg10[%dma_wait3A_124, %dma_wait3A_125] : memref<10240x128xf32, #tpu.memory_space<vmem_shared>> -> memref<10240x128xf32, #tpu.memory_space<vmem_shared>>
      tpu.wait_indirect_dma semaphore(%arg9 : memref<!tpu.dma_semaphore, #tpu.memory_space<semaphore_mem>>) src(%arg7 : memref<80x128xf32, #tpu.memory_space<vmem>>) dst(%dma_wait3A_126 : memref<10240x128xf32, #tpu.memory_space<vmem_shared>>)
      %dma_wait3A_127 = arith.constant 0 : i32
      %dma_wait3A_128 = tpu.memref_slice %arg6[%add3A_79, %dma_wait3A_127] : memref<125x80xi32, #tpu.memory_space<vmem>> -> memref<1x80xi32, #tpu.memory_space<vmem>>
      %dma_wait3A_129 = tpu.memref_squeeze %dma_wait3A_128 : memref<1x80xi32, #tpu.memory_space<vmem>> -> memref<80xi32, #tpu.memory_space<vmem>>
      %dma_wait3A_130 = arith.constant 0 : i32
      %dma_wait3A_131 = arith.constant 0 : i32
      %dma_wait3A_132 = tpu.memref_slice %arg10[%dma_wait3A_130, %dma_wait3A_131] : memref<10240x128xf32, #tpu.memory_space<vmem_shared>> -> memref<10240x128xf32, #tpu.memory_space<vmem_shared>>
      tpu.wait_indirect_dma semaphore(%arg9 : memref<!tpu.dma_semaphore, #tpu.memory_space<semaphore_mem>>) src(%arg7 : memref<80x128xf32, #tpu.memory_space<vmem>>) dst(%dma_wait3A_132 : memref<10240x128xf32, #tpu.memory_space<vmem_shared>>)
    }
    %scan3A_10 = arith.constant 15 : i32
    %run_scoped3A = arith.constant 120 : i32
    "tpu.region"() ({
      %run_scoped3A_22 = tpu.sem_alloc : memref<!tpu.dma_semaphore, #tpu.memory_space<semaphore_mem>>
      %dma_start3A = arith.constant 0 : i32
      %dma_start3A_23 = tpu.memref_slice %arg6[%run_scoped3A, %dma_start3A] : memref<125x80xi32, #tpu.memory_space<vmem>> -> memref<1x80xi32, #tpu.memory_space<vmem>>
      %dma_start3A_24 = tpu.memref_squeeze %dma_start3A_23 : memref<1x80xi32, #tpu.memory_space<vmem>> -> memref<80xi32, #tpu.memory_space<vmem>>
      %dma_start3A_25 = arith.constant 0 : i32
      %dma_start3A_26 = arith.constant 0 : i32
      %dma_start3A_27 = tpu.memref_slice %arg10[%dma_start3A_25, %dma_start3A_26] : memref<10240x128xf32, #tpu.memory_space<vmem_shared>> -> memref<10240x128xf32, #tpu.memory_space<vmem_shared>>
      tpu.enqueue_indirect_dma source(%arg7 : memref<80x128xf32, #tpu.memory_space<vmem>>) target(%dma_start3A_27 : memref<10240x128xf32, #tpu.memory_space<vmem_shared>>) offsets(%dma_start3A_24 : memref<80xi32, #tpu.memory_space<vmem>>) semaphore(%run_scoped3A_22 : memref<!tpu.dma_semaphore, #tpu.memory_space<semaphore_mem>>) {add = true}
      %dma_wait3A = arith.constant 0 : i32
      %dma_wait3A_28 = tpu.memref_slice %arg6[%run_scoped3A, %dma_wait3A] : memref<125x80xi32, #tpu.memory_space<vmem>> -> memref<1x80xi32, #tpu.memory_space<vmem>>
      %dma_wait3A_29 = tpu.memref_squeeze %dma_wait3A_28 : memref<1x80xi32, #tpu.memory_space<vmem>> -> memref<80xi32, #tpu.memory_space<vmem>>
      %dma_wait3A_30 = arith.constant 0 : i32
      %dma_wait3A_31 = arith.constant 0 : i32
      %dma_wait3A_32 = tpu.memref_slice %arg10[%dma_wait3A_30, %dma_wait3A_31] : memref<10240x128xf32, #tpu.memory_space<vmem_shared>> -> memref<10240x128xf32, #tpu.memory_space<vmem_shared>>
      tpu.wait_indirect_dma semaphore(%run_scoped3A_22 : memref<!tpu.dma_semaphore, #tpu.memory_space<semaphore_mem>>) src(%arg7 : memref<80x128xf32, #tpu.memory_space<vmem>>) dst(%dma_wait3A_32 : memref<10240x128xf32, #tpu.memory_space<vmem_shared>>)
      tpu.yield
    }) : () -> ()
    %run_scoped3A_11 = arith.constant 121 : i32
    "tpu.region"() ({
      %run_scoped3A_22 = tpu.sem_alloc : memref<!tpu.dma_semaphore, #tpu.memory_space<semaphore_mem>>
      %dma_start3A = arith.constant 0 : i32
      %dma_start3A_23 = tpu.memref_slice %arg6[%run_scoped3A_11, %dma_start3A] : memref<125x80xi32, #tpu.memory_space<vmem>> -> memref<1x80xi32, #tpu.memory_space<vmem>>
      %dma_start3A_24 = tpu.memref_squeeze %dma_start3A_23 : memref<1x80xi32, #tpu.memory_space<vmem>> -> memref<80xi32, #tpu.memory_space<vmem>>
      %dma_start3A_25 = arith.constant 0 : i32
      %dma_start3A_26 = arith.constant 0 : i32
      %dma_start3A_27 = tpu.memref_slice %arg10[%dma_start3A_25, %dma_start3A_26] : memref<10240x128xf32, #tpu.memory_space<vmem_shared>> -> memref<10240x128xf32, #tpu.memory_space<vmem_shared>>
      tpu.enqueue_indirect_dma source(%arg7 : memref<80x128xf32, #tpu.memory_space<vmem>>) target(%dma_start3A_27 : memref<10240x128xf32, #tpu.memory_space<vmem_shared>>) offsets(%dma_start3A_24 : memref<80xi32, #tpu.memory_space<vmem>>) semaphore(%run_scoped3A_22 : memref<!tpu.dma_semaphore, #tpu.memory_space<semaphore_mem>>) {add = true}
      %dma_wait3A = arith.constant 0 : i32
      %dma_wait3A_28 = tpu.memref_slice %arg6[%run_scoped3A_11, %dma_wait3A] : memref<125x80xi32, #tpu.memory_space<vmem>> -> memref<1x80xi32, #tpu.memory_space<vmem>>
      %dma_wait3A_29 = tpu.memref_squeeze %dma_wait3A_28 : memref<1x80xi32, #tpu.memory_space<vmem>> -> memref<80xi32, #tpu.memory_space<vmem>>
      %dma_wait3A_30 = arith.constant 0 : i32
      %dma_wait3A_31 = arith.constant 0 : i32
      %dma_wait3A_32 = tpu.memref_slice %arg10[%dma_wait3A_30, %dma_wait3A_31] : memref<10240x128xf32, #tpu.memory_space<vmem_shared>> -> memref<10240x128xf32, #tpu.memory_space<vmem_shared>>
      tpu.wait_indirect_dma semaphore(%run_scoped3A_22 : memref<!tpu.dma_semaphore, #tpu.memory_space<semaphore_mem>>) src(%arg7 : memref<80x128xf32, #tpu.memory_space<vmem>>) dst(%dma_wait3A_32 : memref<10240x128xf32, #tpu.memory_space<vmem_shared>>)
      tpu.yield
    }) : () -> ()
    %run_scoped3A_12 = arith.constant 122 : i32
    "tpu.region"() ({
      %run_scoped3A_22 = tpu.sem_alloc : memref<!tpu.dma_semaphore, #tpu.memory_space<semaphore_mem>>
      %dma_start3A = arith.constant 0 : i32
      %dma_start3A_23 = tpu.memref_slice %arg6[%run_scoped3A_12, %dma_start3A] : memref<125x80xi32, #tpu.memory_space<vmem>> -> memref<1x80xi32, #tpu.memory_space<vmem>>
      %dma_start3A_24 = tpu.memref_squeeze %dma_start3A_23 : memref<1x80xi32, #tpu.memory_space<vmem>> -> memref<80xi32, #tpu.memory_space<vmem>>
      %dma_start3A_25 = arith.constant 0 : i32
      %dma_start3A_26 = arith.constant 0 : i32
      %dma_start3A_27 = tpu.memref_slice %arg10[%dma_start3A_25, %dma_start3A_26] : memref<10240x128xf32, #tpu.memory_space<vmem_shared>> -> memref<10240x128xf32, #tpu.memory_space<vmem_shared>>
      tpu.enqueue_indirect_dma source(%arg7 : memref<80x128xf32, #tpu.memory_space<vmem>>) target(%dma_start3A_27 : memref<10240x128xf32, #tpu.memory_space<vmem_shared>>) offsets(%dma_start3A_24 : memref<80xi32, #tpu.memory_space<vmem>>) semaphore(%run_scoped3A_22 : memref<!tpu.dma_semaphore, #tpu.memory_space<semaphore_mem>>) {add = true}
      %dma_wait3A = arith.constant 0 : i32
      %dma_wait3A_28 = tpu.memref_slice %arg6[%run_scoped3A_12, %dma_wait3A] : memref<125x80xi32, #tpu.memory_space<vmem>> -> memref<1x80xi32, #tpu.memory_space<vmem>>
      %dma_wait3A_29 = tpu.memref_squeeze %dma_wait3A_28 : memref<1x80xi32, #tpu.memory_space<vmem>> -> memref<80xi32, #tpu.memory_space<vmem>>
      %dma_wait3A_30 = arith.constant 0 : i32
      %dma_wait3A_31 = arith.constant 0 : i32
      %dma_wait3A_32 = tpu.memref_slice %arg10[%dma_wait3A_30, %dma_wait3A_31] : memref<10240x128xf32, #tpu.memory_space<vmem_shared>> -> memref<10240x128xf32, #tpu.memory_space<vmem_shared>>
      tpu.wait_indirect_dma semaphore(%run_scoped3A_22 : memref<!tpu.dma_semaphore, #tpu.memory_space<semaphore_mem>>) src(%arg7 : memref<80x128xf32, #tpu.memory_space<vmem>>) dst(%dma_wait3A_32 : memref<10240x128xf32, #tpu.memory_space<vmem_shared>>)
      tpu.yield
    }) : () -> ()
    %run_scoped3A_13 = arith.constant 123 : i32
    "tpu.region"() ({
      %run_scoped3A_22 = tpu.sem_alloc : memref<!tpu.dma_semaphore, #tpu.memory_space<semaphore_mem>>
      %dma_start3A = arith.constant 0 : i32
      %dma_start3A_23 = tpu.memref_slice %arg6[%run_scoped3A_13, %dma_start3A] : memref<125x80xi32, #tpu.memory_space<vmem>> -> memref<1x80xi32, #tpu.memory_space<vmem>>
      %dma_start3A_24 = tpu.memref_squeeze %dma_start3A_23 : memref<1x80xi32, #tpu.memory_space<vmem>> -> memref<80xi32, #tpu.memory_space<vmem>>
      %dma_start3A_25 = arith.constant 0 : i32
      %dma_start3A_26 = arith.constant 0 : i32
      %dma_start3A_27 = tpu.memref_slice %arg10[%dma_start3A_25, %dma_start3A_26] : memref<10240x128xf32, #tpu.memory_space<vmem_shared>> -> memref<10240x128xf32, #tpu.memory_space<vmem_shared>>
      tpu.enqueue_indirect_dma source(%arg7 : memref<80x128xf32, #tpu.memory_space<vmem>>) target(%dma_start3A_27 : memref<10240x128xf32, #tpu.memory_space<vmem_shared>>) offsets(%dma_start3A_24 : memref<80xi32, #tpu.memory_space<vmem>>) semaphore(%run_scoped3A_22 : memref<!tpu.dma_semaphore, #tpu.memory_space<semaphore_mem>>) {add = true}
      %dma_wait3A = arith.constant 0 : i32
      %dma_wait3A_28 = tpu.memref_slice %arg6[%run_scoped3A_13, %dma_wait3A] : memref<125x80xi32, #tpu.memory_space<vmem>> -> memref<1x80xi32, #tpu.memory_space<vmem>>
      %dma_wait3A_29 = tpu.memref_squeeze %dma_wait3A_28 : memref<1x80xi32, #tpu.memory_space<vmem>> -> memref<80xi32, #tpu.memory_space<vmem>>
      %dma_wait3A_30 = arith.constant 0 : i32
      %dma_wait3A_31 = arith.constant 0 : i32
      %dma_wait3A_32 = tpu.memref_slice %arg10[%dma_wait3A_30, %dma_wait3A_31] : memref<10240x128xf32, #tpu.memory_space<vmem_shared>> -> memref<10240x128xf32, #tpu.memory_space<vmem_shared>>
      tpu.wait_indirect_dma semaphore(%run_scoped3A_22 : memref<!tpu.dma_semaphore, #tpu.memory_space<semaphore_mem>>) src(%arg7 : memref<80x128xf32, #tpu.memory_space<vmem>>) dst(%dma_wait3A_32 : memref<10240x128xf32, #tpu.memory_space<vmem_shared>>)
      tpu.yield
    }) : () -> ()
    %run_scoped3A_14 = arith.constant 124 : i32
    "tpu.region"() ({
      %run_scoped3A_22 = tpu.sem_alloc : memref<!tpu.dma_semaphore, #tpu.memory_space<semaphore_mem>>
      %dma_start3A = arith.constant 0 : i32
      %dma_start3A_23 = tpu.memref_slice %arg6[%run_scoped3A_14, %dma_start3A] : memref<125x80xi32, #tpu.memory_space<vmem>> -> memref<1x80xi32, #tpu.memory_space<vmem>>
      %dma_start3A_24 = tpu.memref_squeeze %dma_start3A_23 : memref<1x80xi32, #tpu.memory_space<vmem>> -> memref<80xi32, #tpu.memory_space<vmem>>
      %dma_start3A_25 = arith.constant 0 : i32
      %dma_start3A_26 = arith.constant 0 : i32
      %dma_start3A_27 = tpu.memref_slice %arg10[%dma_start3A_25, %dma_start3A_26] : memref<10240x128xf32, #tpu.memory_space<vmem_shared>> -> memref<10240x128xf32, #tpu.memory_space<vmem_shared>>
      tpu.enqueue_indirect_dma source(%arg7 : memref<80x128xf32, #tpu.memory_space<vmem>>) target(%dma_start3A_27 : memref<10240x128xf32, #tpu.memory_space<vmem_shared>>) offsets(%dma_start3A_24 : memref<80xi32, #tpu.memory_space<vmem>>) semaphore(%run_scoped3A_22 : memref<!tpu.dma_semaphore, #tpu.memory_space<semaphore_mem>>) {add = true}
      %dma_wait3A = arith.constant 0 : i32
      %dma_wait3A_28 = tpu.memref_slice %arg6[%run_scoped3A_14, %dma_wait3A] : memref<125x80xi32, #tpu.memory_space<vmem>> -> memref<1x80xi32, #tpu.memory_space<vmem>>
      %dma_wait3A_29 = tpu.memref_squeeze %dma_wait3A_28 : memref<1x80xi32, #tpu.memory_space<vmem>> -> memref<80xi32, #tpu.memory_space<vmem>>
      %dma_wait3A_30 = arith.constant 0 : i32
      %dma_wait3A_31 = arith.constant 0 : i32
      %dma_wait3A_32 = tpu.memref_slice %arg10[%dma_wait3A_30, %dma_wait3A_31] : memref<10240x128xf32, #tpu.memory_space<vmem_shared>> -> memref<10240x128xf32, #tpu.memory_space<vmem_shared>>
      tpu.wait_indirect_dma semaphore(%run_scoped3A_22 : memref<!tpu.dma_semaphore, #tpu.memory_space<semaphore_mem>>) src(%arg7 : memref<80x128xf32, #tpu.memory_space<vmem>>) dst(%dma_wait3A_32 : memref<10240x128xf32, #tpu.memory_space<vmem_shared>>)
      tpu.yield
    }) : () -> ()
    %barrier3A_15 = arith.constant 0 : index
    tpu.barrier barrier_id(%barrier3A_15)
    %scan3A_16 = arith.constant 0 : i32
    %scan3A_17 = arith.constant 0 : i32
    %scan3A_18 = arith.constant 10 : i32
    %scan3A_19 = arith.addi %scan3A_17, %scan3A_18 : i32
    %scan3A_20 = arith.constant 1 : i32
    scf.for %scan3A_22 = %scan3A_17 to %scan3A_19 step %scan3A_20  : i32 {
      %mul3A = arith.constant 640 : i32
      %mul3A_23 = arith.muli %arg1, %mul3A : i32
      %mul3A_24 = arith.constant 64 : i32
      %mul3A_25 = arith.muli %scan3A_22, %mul3A_24 : i32
      %add3A = arith.addi %mul3A_23, %mul3A_25 : i32
      "tpu.region"() ({
        %run_scoped3A_26 = tpu.sem_alloc : memref<!tpu.dma_semaphore, #tpu.memory_space<semaphore_mem>>
        %dma_start3A = arith.constant 0 : i32
        %dma_start3A_27 = tpu.memref_slice %arg10[%add3A, %dma_start3A] : memref<10240x128xf32, #tpu.memory_space<vmem_shared>> -> memref<64x128xf32, #tpu.memory_space<vmem_shared>>
        %dma_start3A_28 = arith.constant 0 : i32
        %dma_start3A_29 = tpu.memref_slice %arg10[%add3A, %dma_start3A_28] : memref<10240x128xf32, #tpu.memory_space<vmem_shared>> -> memref<64x128xf32, #tpu.memory_space<vmem_shared>>
        tpu.enqueue_dma source(%dma_start3A_29 : memref<64x128xf32, #tpu.memory_space<vmem_shared>>) target(%arg8 : memref<64x128xf32, #tpu.memory_space<vmem>>) target_semaphore(%run_scoped3A_26 : memref<!tpu.dma_semaphore, #tpu.memory_space<semaphore_mem>>)
        %dma_wait3A = arith.constant 0 : i32
        %dma_wait3A_30 = tpu.memref_slice %arg10[%add3A, %dma_wait3A] : memref<10240x128xf32, #tpu.memory_space<vmem_shared>> -> memref<64x128xf32, #tpu.memory_space<vmem_shared>>
        %dma_wait3A_31 = arith.constant 0 : i32
        %dma_wait3A_32 = tpu.memref_slice %arg10[%add3A, %dma_wait3A_31] : memref<10240x128xf32, #tpu.memory_space<vmem_shared>> -> memref<64x128xf32, #tpu.memory_space<vmem_shared>>
        tpu.wait_dma2 semaphore(%run_scoped3A_26 : memref<!tpu.dma_semaphore, #tpu.memory_space<semaphore_mem>>) src(%dma_wait3A_32 : memref<64x128xf32, #tpu.memory_space<vmem_shared>>) dst(%arg8 : memref<64x128xf32, #tpu.memory_space<vmem>>)
        tpu.yield
      }) : () -> ()
      "tpu.region"() ({
        %run_scoped3A_26 = tpu.sem_alloc : memref<!tpu.dma_semaphore, #tpu.memory_space<semaphore_mem>>
        %dma_start3A = arith.constant 0 : i32
        %dma_start3A_27 = tpu.memref_slice %arg5[%arg0, %add3A, %dma_start3A] : memref<2x10240x128xf32, #tpu.memory_space<hbm>> -> memref<1x64x128xf32, #tpu.memory_space<hbm>>
        %dma_start3A_28 = tpu.memref_squeeze %dma_start3A_27 : memref<1x64x128xf32, #tpu.memory_space<hbm>> -> memref<64x128xf32, #tpu.memory_space<hbm>>
        %dma_start3A_29 = arith.constant 0 : i32
        %dma_start3A_30 = tpu.memref_slice %arg5[%arg0, %add3A, %dma_start3A_29] : memref<2x10240x128xf32, #tpu.memory_space<hbm>> -> memref<1x64x128xf32, #tpu.memory_space<hbm>>
        %dma_start3A_31 = tpu.memref_squeeze %dma_start3A_30 : memref<1x64x128xf32, #tpu.memory_space<hbm>> -> memref<64x128xf32, #tpu.memory_space<hbm>>
        tpu.enqueue_dma source(%arg8 : memref<64x128xf32, #tpu.memory_space<vmem>>) target(%dma_start3A_31 : memref<64x128xf32, #tpu.memory_space<hbm>>) target_semaphore(%run_scoped3A_26 : memref<!tpu.dma_semaphore, #tpu.memory_space<semaphore_mem>>)
        %dma_wait3A = arith.constant 0 : i32
        %dma_wait3A_32 = tpu.memref_slice %arg5[%arg0, %add3A, %dma_wait3A] : memref<2x10240x128xf32, #tpu.memory_space<hbm>> -> memref<1x64x128xf32, #tpu.memory_space<hbm>>
        %dma_wait3A_33 = tpu.memref_squeeze %dma_wait3A_32 : memref<1x64x128xf32, #tpu.memory_space<hbm>> -> memref<64x128xf32, #tpu.memory_space<hbm>>
        %dma_wait3A_34 = arith.constant 0 : i32
        %dma_wait3A_35 = tpu.memref_slice %arg5[%arg0, %add3A, %dma_wait3A_34] : memref<2x10240x128xf32, #tpu.memory_space<hbm>> -> memref<1x64x128xf32, #tpu.memory_space<hbm>>
        %dma_wait3A_36 = tpu.memref_squeeze %dma_wait3A_35 : memref<1x64x128xf32, #tpu.memory_space<hbm>> -> memref<64x128xf32, #tpu.memory_space<hbm>>
        tpu.wait_dma2 semaphore(%run_scoped3A_26 : memref<!tpu.dma_semaphore, #tpu.memory_space<semaphore_mem>>) src(%arg8 : memref<64x128xf32, #tpu.memory_space<vmem>>) dst(%dma_wait3A_36 : memref<64x128xf32, #tpu.memory_space<hbm>>)
        tpu.yield
      }) : () -> ()
    }
    %scan3A_21 = arith.constant 10 : i32
    return
  }
}

#map = affine_map<(d0, d1) -> (0, 0, 0)>
#map1 = affine_map<(d0, d1) -> (0, 0, 0, 0)>
#map2 = affine_map<(d0, d1) -> (0, 0)>
module attributes {stable_mosaic.version = 14 : i64} {
  func.func @scatter(%arg0: i32, %arg1: i32, %arg2: memref<2x160000x128xf32, #tpu.memory_space<hbm>>, %arg3: memref<2x16x125x80xi32, #tpu.memory_space<hbm>>, %arg4: memref<10240x128xf32, #tpu.memory_space<hbm>>, %arg5: memref<2x10240x128xf32, #tpu.memory_space<hbm>>, %arg6: memref<125x80xi32, #tpu.memory_space<vmem>>, %arg7: memref<80x128xf32, #tpu.memory_space<vmem>>, %arg8: memref<80x128xf32, #tpu.memory_space<vmem>>, %arg9: memref<80x128xf32, #tpu.memory_space<vmem>>, %arg10: memref<!tpu.dma_semaphore, #tpu.memory_space<semaphore_mem>>, %arg11: memref<!tpu.dma_semaphore, #tpu.memory_space<semaphore_mem>>, %arg12: memref<!tpu.dma_semaphore, #tpu.memory_space<semaphore_mem>>, %arg13: memref<!tpu.dma_semaphore, #tpu.memory_space<semaphore_mem>>, %arg14: memref<10240x128xf32, #tpu.memory_space<vmem_shared>>) attributes {dimension_semantics = [#tpu.dimension_semantics<core_parallel>, #tpu.dimension_semantics<subcore_parallel>], iteration_bounds = array<i64: 2, 16>, scalar_prefetch = 0 : i64, scratch_operands = 9 : i64, tpu.core_type = #tpu.core_type<sc_vector_subcore>, window_params = [{transform_indices = #map}, {transform_indices = #map1}, {transform_indices = #map2}, {transform_indices = #map}]} {
    "tpu.region"() ({
      %run_scoped3A_23 = tpu.sem_alloc : memref<!tpu.dma_semaphore, #tpu.memory_space<semaphore_mem>>
      %dma_start3A = arith.constant 0 : i32
      %dma_start3A_24 = arith.constant 0 : i32
      %dma_start3A_25 = tpu.memref_slice %arg3[%arg0, %arg1, %dma_start3A, %dma_start3A_24] : memref<2x16x125x80xi32, #tpu.memory_space<hbm>> -> memref<1x1x125x80xi32, #tpu.memory_space<hbm>>
      %dma_start3A_26 = tpu.memref_squeeze %dma_start3A_25 : memref<1x1x125x80xi32, #tpu.memory_space<hbm>> -> memref<125x80xi32, #tpu.memory_space<hbm>>
      %dma_start3A_27 = arith.constant 0 : i32
      %dma_start3A_28 = arith.constant 0 : i32
      %dma_start3A_29 = tpu.memref_slice %arg3[%arg0, %arg1, %dma_start3A_27, %dma_start3A_28] : memref<2x16x125x80xi32, #tpu.memory_space<hbm>> -> memref<1x1x125x80xi32, #tpu.memory_space<hbm>>
      %dma_start3A_30 = tpu.memref_squeeze %dma_start3A_29 : memref<1x1x125x80xi32, #tpu.memory_space<hbm>> -> memref<125x80xi32, #tpu.memory_space<hbm>>
      tpu.enqueue_dma source(%dma_start3A_30 : memref<125x80xi32, #tpu.memory_space<hbm>>) target(%arg6 : memref<125x80xi32, #tpu.memory_space<vmem>>) target_semaphore(%run_scoped3A_23 : memref<!tpu.dma_semaphore, #tpu.memory_space<semaphore_mem>>)
      %dma_wait3A = arith.constant 0 : i32
      %dma_wait3A_31 = arith.constant 0 : i32
      %dma_wait3A_32 = tpu.memref_slice %arg3[%arg0, %arg1, %dma_wait3A, %dma_wait3A_31] : memref<2x16x125x80xi32, #tpu.memory_space<hbm>> -> memref<1x1x125x80xi32, #tpu.memory_space<hbm>>
      %dma_wait3A_33 = tpu.memref_squeeze %dma_wait3A_32 : memref<1x1x125x80xi32, #tpu.memory_space<hbm>> -> memref<125x80xi32, #tpu.memory_space<hbm>>
      %dma_wait3A_34 = arith.constant 0 : i32
      %dma_wait3A_35 = arith.constant 0 : i32
      %dma_wait3A_36 = tpu.memref_slice %arg3[%arg0, %arg1, %dma_wait3A_34, %dma_wait3A_35] : memref<2x16x125x80xi32, #tpu.memory_space<hbm>> -> memref<1x1x125x80xi32, #tpu.memory_space<hbm>>
      %dma_wait3A_37 = tpu.memref_squeeze %dma_wait3A_36 : memref<1x1x125x80xi32, #tpu.memory_space<hbm>> -> memref<125x80xi32, #tpu.memory_space<hbm>>
      tpu.wait_dma2 semaphore(%run_scoped3A_23 : memref<!tpu.dma_semaphore, #tpu.memory_space<semaphore_mem>>) src(%dma_wait3A_37 : memref<125x80xi32, #tpu.memory_space<hbm>>) dst(%arg6 : memref<125x80xi32, #tpu.memory_space<vmem>>)
      tpu.yield
    }) : () -> ()
    %scan3A = arith.constant 0 : i32
    %scan3A_0 = arith.constant 0 : i32
    %scan3A_1 = arith.constant 8 : i32
    %scan3A_2 = arith.addi %scan3A_0, %scan3A_1 : i32
    %scan3A_3 = arith.constant 1 : i32
    scf.for %scan3A_23 = %scan3A_0 to %scan3A_2 step %scan3A_3  : i32 {
      %mul3A_24 = arith.constant 640 : i32
      %mul3A_25 = arith.muli %arg1, %mul3A_24 : i32
      %mul3A_26 = arith.constant 80 : i32
      %mul3A_27 = arith.muli %scan3A_23, %mul3A_26 : i32
      %add3A_28 = arith.addi %mul3A_25, %mul3A_27 : i32
      %mul3A_29 = arith.constant 80 : i32
      %mul3A_30 = arith.muli %scan3A_23, %mul3A_29 : i32
      "tpu.region"() ({
        %run_scoped3A_31 = tpu.sem_alloc : memref<!tpu.dma_semaphore, #tpu.memory_space<semaphore_mem>>
        %dma_start3A = arith.constant 0 : i32
        %dma_start3A_32 = tpu.memref_slice %arg4[%mul3A_30, %dma_start3A] : memref<10240x128xf32, #tpu.memory_space<hbm>> -> memref<80x128xf32, #tpu.memory_space<hbm>>
        %dma_start3A_33 = arith.constant 0 : i32
        %dma_start3A_34 = tpu.memref_slice %arg4[%mul3A_30, %dma_start3A_33] : memref<10240x128xf32, #tpu.memory_space<hbm>> -> memref<80x128xf32, #tpu.memory_space<hbm>>
        tpu.enqueue_dma source(%dma_start3A_34 : memref<80x128xf32, #tpu.memory_space<hbm>>) target(%arg7 : memref<80x128xf32, #tpu.memory_space<vmem>>) target_semaphore(%run_scoped3A_31 : memref<!tpu.dma_semaphore, #tpu.memory_space<semaphore_mem>>)
        %dma_wait3A = arith.constant 0 : i32
        %dma_wait3A_35 = tpu.memref_slice %arg4[%mul3A_30, %dma_wait3A] : memref<10240x128xf32, #tpu.memory_space<hbm>> -> memref<80x128xf32, #tpu.memory_space<hbm>>
        %dma_wait3A_36 = arith.constant 0 : i32
        %dma_wait3A_37 = tpu.memref_slice %arg4[%mul3A_30, %dma_wait3A_36] : memref<10240x128xf32, #tpu.memory_space<hbm>> -> memref<80x128xf32, #tpu.memory_space<hbm>>
        tpu.wait_dma2 semaphore(%run_scoped3A_31 : memref<!tpu.dma_semaphore, #tpu.memory_space<semaphore_mem>>) src(%dma_wait3A_37 : memref<80x128xf32, #tpu.memory_space<hbm>>) dst(%arg7 : memref<80x128xf32, #tpu.memory_space<vmem>>)
        tpu.yield
      }) : () -> ()
      "tpu.region"() ({
        %run_scoped3A_31 = tpu.sem_alloc : memref<!tpu.dma_semaphore, #tpu.memory_space<semaphore_mem>>
        %dma_start3A = arith.constant 0 : i32
        %dma_start3A_32 = tpu.memref_slice %arg14[%add3A_28, %dma_start3A] : memref<10240x128xf32, #tpu.memory_space<vmem_shared>> -> memref<80x128xf32, #tpu.memory_space<vmem_shared>>
        %dma_start3A_33 = arith.constant 0 : i32
        %dma_start3A_34 = tpu.memref_slice %arg14[%add3A_28, %dma_start3A_33] : memref<10240x128xf32, #tpu.memory_space<vmem_shared>> -> memref<80x128xf32, #tpu.memory_space<vmem_shared>>
        tpu.enqueue_dma source(%arg7 : memref<80x128xf32, #tpu.memory_space<vmem>>) target(%dma_start3A_34 : memref<80x128xf32, #tpu.memory_space<vmem_shared>>) target_semaphore(%run_scoped3A_31 : memref<!tpu.dma_semaphore, #tpu.memory_space<semaphore_mem>>)
        %dma_wait3A = arith.constant 0 : i32
        %dma_wait3A_35 = tpu.memref_slice %arg14[%add3A_28, %dma_wait3A] : memref<10240x128xf32, #tpu.memory_space<vmem_shared>> -> memref<80x128xf32, #tpu.memory_space<vmem_shared>>
        %dma_wait3A_36 = arith.constant 0 : i32
        %dma_wait3A_37 = tpu.memref_slice %arg14[%add3A_28, %dma_wait3A_36] : memref<10240x128xf32, #tpu.memory_space<vmem_shared>> -> memref<80x128xf32, #tpu.memory_space<vmem_shared>>
        tpu.wait_dma2 semaphore(%run_scoped3A_31 : memref<!tpu.dma_semaphore, #tpu.memory_space<semaphore_mem>>) src(%arg7 : memref<80x128xf32, #tpu.memory_space<vmem>>) dst(%dma_wait3A_37 : memref<80x128xf32, #tpu.memory_space<vmem_shared>>)
        tpu.yield
      }) : () -> ()
    }
    %scan3A_4 = arith.constant 8 : i32
    %barrier3A = arith.constant 0 : index
    tpu.barrier barrier_id(%barrier3A)
    %mul3A = arith.constant 10000 : i32
    %mul3A_5 = arith.muli %arg1, %mul3A : i32
    %scan3A_6 = arith.constant 0 : i32
    %scan3A_7 = arith.constant 0 : i32
    %scan3A_8 = arith.constant 41 : i32
    %scan3A_9 = arith.addi %scan3A_7, %scan3A_8 : i32
    %scan3A_10 = arith.constant 1 : i32
    scf.for %scan3A_23 = %scan3A_7 to %scan3A_9 step %scan3A_10  : i32 {
      %mul3A_24 = arith.constant 3 : i32
      %mul3A_25 = arith.muli %scan3A_23, %mul3A_24 : i32
      %add3A_26 = arith.constant 0 : i32
      %add3A_27 = arith.addi %mul3A_25, %add3A_26 : i32
      %mul3A_28 = arith.constant 80 : i32
      %mul3A_29 = arith.muli %add3A_27, %mul3A_28 : i32
      %add3A_30 = arith.addi %mul3A_5, %mul3A_29 : i32
      %dma_start3A = arith.constant 0 : i32
      %dma_start3A_31 = tpu.memref_slice %arg2[%arg0, %add3A_30, %dma_start3A] : memref<2x160000x128xf32, #tpu.memory_space<hbm>> -> memref<1x80x128xf32, #tpu.memory_space<hbm>>
      %dma_start3A_32 = tpu.memref_squeeze %dma_start3A_31 : memref<1x80x128xf32, #tpu.memory_space<hbm>> -> memref<80x128xf32, #tpu.memory_space<hbm>>
      %dma_start3A_33 = arith.constant 0 : i32
      %dma_start3A_34 = tpu.memref_slice %arg2[%arg0, %add3A_30, %dma_start3A_33] : memref<2x160000x128xf32, #tpu.memory_space<hbm>> -> memref<1x80x128xf32, #tpu.memory_space<hbm>>
      %dma_start3A_35 = tpu.memref_squeeze %dma_start3A_34 : memref<1x80x128xf32, #tpu.memory_space<hbm>> -> memref<80x128xf32, #tpu.memory_space<hbm>>
      tpu.enqueue_dma source(%dma_start3A_35 : memref<80x128xf32, #tpu.memory_space<hbm>>) target(%arg7 : memref<80x128xf32, #tpu.memory_space<vmem>>) target_semaphore(%arg10 : memref<!tpu.dma_semaphore, #tpu.memory_space<semaphore_mem>>)
      %add3A_36 = arith.constant 1 : i32
      %add3A_37 = arith.addi %mul3A_25, %add3A_36 : i32
      %mul3A_38 = arith.constant 80 : i32
      %mul3A_39 = arith.muli %add3A_37, %mul3A_38 : i32
      %add3A_40 = arith.addi %mul3A_5, %mul3A_39 : i32
      %dma_start3A_41 = arith.constant 0 : i32
      %dma_start3A_42 = tpu.memref_slice %arg2[%arg0, %add3A_40, %dma_start3A_41] : memref<2x160000x128xf32, #tpu.memory_space<hbm>> -> memref<1x80x128xf32, #tpu.memory_space<hbm>>
      %dma_start3A_43 = tpu.memref_squeeze %dma_start3A_42 : memref<1x80x128xf32, #tpu.memory_space<hbm>> -> memref<80x128xf32, #tpu.memory_space<hbm>>
      %dma_start3A_44 = arith.constant 0 : i32
      %dma_start3A_45 = tpu.memref_slice %arg2[%arg0, %add3A_40, %dma_start3A_44] : memref<2x160000x128xf32, #tpu.memory_space<hbm>> -> memref<1x80x128xf32, #tpu.memory_space<hbm>>
      %dma_start3A_46 = tpu.memref_squeeze %dma_start3A_45 : memref<1x80x128xf32, #tpu.memory_space<hbm>> -> memref<80x128xf32, #tpu.memory_space<hbm>>
      tpu.enqueue_dma source(%dma_start3A_46 : memref<80x128xf32, #tpu.memory_space<hbm>>) target(%arg8 : memref<80x128xf32, #tpu.memory_space<vmem>>) target_semaphore(%arg11 : memref<!tpu.dma_semaphore, #tpu.memory_space<semaphore_mem>>)
      %add3A_47 = arith.constant 2 : i32
      %add3A_48 = arith.addi %mul3A_25, %add3A_47 : i32
      %mul3A_49 = arith.constant 80 : i32
      %mul3A_50 = arith.muli %add3A_48, %mul3A_49 : i32
      %add3A_51 = arith.addi %mul3A_5, %mul3A_50 : i32
      %dma_start3A_52 = arith.constant 0 : i32
      %dma_start3A_53 = tpu.memref_slice %arg2[%arg0, %add3A_51, %dma_start3A_52] : memref<2x160000x128xf32, #tpu.memory_space<hbm>> -> memref<1x80x128xf32, #tpu.memory_space<hbm>>
      %dma_start3A_54 = tpu.memref_squeeze %dma_start3A_53 : memref<1x80x128xf32, #tpu.memory_space<hbm>> -> memref<80x128xf32, #tpu.memory_space<hbm>>
      %dma_start3A_55 = arith.constant 0 : i32
      %dma_start3A_56 = tpu.memref_slice %arg2[%arg0, %add3A_51, %dma_start3A_55] : memref<2x160000x128xf32, #tpu.memory_space<hbm>> -> memref<1x80x128xf32, #tpu.memory_space<hbm>>
      %dma_start3A_57 = tpu.memref_squeeze %dma_start3A_56 : memref<1x80x128xf32, #tpu.memory_space<hbm>> -> memref<80x128xf32, #tpu.memory_space<hbm>>
      tpu.enqueue_dma source(%dma_start3A_57 : memref<80x128xf32, #tpu.memory_space<hbm>>) target(%arg9 : memref<80x128xf32, #tpu.memory_space<vmem>>) target_semaphore(%arg12 : memref<!tpu.dma_semaphore, #tpu.memory_space<semaphore_mem>>)
      %dma_wait3A = arith.constant 0 : i32
      %dma_wait3A_58 = tpu.memref_slice %arg2[%arg0, %add3A_30, %dma_wait3A] : memref<2x160000x128xf32, #tpu.memory_space<hbm>> -> memref<1x80x128xf32, #tpu.memory_space<hbm>>
      %dma_wait3A_59 = tpu.memref_squeeze %dma_wait3A_58 : memref<1x80x128xf32, #tpu.memory_space<hbm>> -> memref<80x128xf32, #tpu.memory_space<hbm>>
      %dma_wait3A_60 = arith.constant 0 : i32
      %dma_wait3A_61 = tpu.memref_slice %arg2[%arg0, %add3A_30, %dma_wait3A_60] : memref<2x160000x128xf32, #tpu.memory_space<hbm>> -> memref<1x80x128xf32, #tpu.memory_space<hbm>>
      %dma_wait3A_62 = tpu.memref_squeeze %dma_wait3A_61 : memref<1x80x128xf32, #tpu.memory_space<hbm>> -> memref<80x128xf32, #tpu.memory_space<hbm>>
      tpu.wait_dma2 semaphore(%arg10 : memref<!tpu.dma_semaphore, #tpu.memory_space<semaphore_mem>>) src(%dma_wait3A_62 : memref<80x128xf32, #tpu.memory_space<hbm>>) dst(%arg7 : memref<80x128xf32, #tpu.memory_space<vmem>>)
      %add3A_63 = arith.constant 0 : i32
      %add3A_64 = arith.addi %mul3A_25, %add3A_63 : i32
      %dma_start3A_65 = arith.constant 0 : i32
      %dma_start3A_66 = tpu.memref_slice %arg6[%add3A_64, %dma_start3A_65] : memref<125x80xi32, #tpu.memory_space<vmem>> -> memref<1x80xi32, #tpu.memory_space<vmem>>
      %dma_start3A_67 = tpu.memref_squeeze %dma_start3A_66 : memref<1x80xi32, #tpu.memory_space<vmem>> -> memref<80xi32, #tpu.memory_space<vmem>>
      %dma_start3A_68 = arith.constant 0 : i32
      %dma_start3A_69 = arith.constant 0 : i32
      %dma_start3A_70 = tpu.memref_slice %arg14[%dma_start3A_68, %dma_start3A_69] : memref<10240x128xf32, #tpu.memory_space<vmem_shared>> -> memref<10240x128xf32, #tpu.memory_space<vmem_shared>>
      tpu.enqueue_indirect_dma source(%arg7 : memref<80x128xf32, #tpu.memory_space<vmem>>) target(%dma_start3A_70 : memref<10240x128xf32, #tpu.memory_space<vmem_shared>>) offsets(%dma_start3A_67 : memref<80xi32, #tpu.memory_space<vmem>>) semaphore(%arg13 : memref<!tpu.dma_semaphore, #tpu.memory_space<semaphore_mem>>) {add = true}
      %dma_wait3A_71 = arith.constant 0 : i32
      %dma_wait3A_72 = tpu.memref_slice %arg2[%arg0, %add3A_40, %dma_wait3A_71] : memref<2x160000x128xf32, #tpu.memory_space<hbm>> -> memref<1x80x128xf32, #tpu.memory_space<hbm>>
      %dma_wait3A_73 = tpu.memref_squeeze %dma_wait3A_72 : memref<1x80x128xf32, #tpu.memory_space<hbm>> -> memref<80x128xf32, #tpu.memory_space<hbm>>
      %dma_wait3A_74 = arith.constant 0 : i32
      %dma_wait3A_75 = tpu.memref_slice %arg2[%arg0, %add3A_40, %dma_wait3A_74] : memref<2x160000x128xf32, #tpu.memory_space<hbm>> -> memref<1x80x128xf32, #tpu.memory_space<hbm>>
      %dma_wait3A_76 = tpu.memref_squeeze %dma_wait3A_75 : memref<1x80x128xf32, #tpu.memory_space<hbm>> -> memref<80x128xf32, #tpu.memory_space<hbm>>
      tpu.wait_dma2 semaphore(%arg11 : memref<!tpu.dma_semaphore, #tpu.memory_space<semaphore_mem>>) src(%dma_wait3A_76 : memref<80x128xf32, #tpu.memory_space<hbm>>) dst(%arg8 : memref<80x128xf32, #tpu.memory_space<vmem>>)
      %add3A_77 = arith.constant 1 : i32
      %add3A_78 = arith.addi %mul3A_25, %add3A_77 : i32
      %dma_start3A_79 = arith.constant 0 : i32
      %dma_start3A_80 = tpu.memref_slice %arg6[%add3A_78, %dma_start3A_79] : memref<125x80xi32, #tpu.memory_space<vmem>> -> memref<1x80xi32, #tpu.memory_space<vmem>>
      %dma_start3A_81 = tpu.memref_squeeze %dma_start3A_80 : memref<1x80xi32, #tpu.memory_space<vmem>> -> memref<80xi32, #tpu.memory_space<vmem>>
      %dma_start3A_82 = arith.constant 0 : i32
      %dma_start3A_83 = arith.constant 0 : i32
      %dma_start3A_84 = tpu.memref_slice %arg14[%dma_start3A_82, %dma_start3A_83] : memref<10240x128xf32, #tpu.memory_space<vmem_shared>> -> memref<10240x128xf32, #tpu.memory_space<vmem_shared>>
      tpu.enqueue_indirect_dma source(%arg8 : memref<80x128xf32, #tpu.memory_space<vmem>>) target(%dma_start3A_84 : memref<10240x128xf32, #tpu.memory_space<vmem_shared>>) offsets(%dma_start3A_81 : memref<80xi32, #tpu.memory_space<vmem>>) semaphore(%arg13 : memref<!tpu.dma_semaphore, #tpu.memory_space<semaphore_mem>>) {add = true}
      %dma_wait3A_85 = arith.constant 0 : i32
      %dma_wait3A_86 = tpu.memref_slice %arg2[%arg0, %add3A_51, %dma_wait3A_85] : memref<2x160000x128xf32, #tpu.memory_space<hbm>> -> memref<1x80x128xf32, #tpu.memory_space<hbm>>
      %dma_wait3A_87 = tpu.memref_squeeze %dma_wait3A_86 : memref<1x80x128xf32, #tpu.memory_space<hbm>> -> memref<80x128xf32, #tpu.memory_space<hbm>>
      %dma_wait3A_88 = arith.constant 0 : i32
      %dma_wait3A_89 = tpu.memref_slice %arg2[%arg0, %add3A_51, %dma_wait3A_88] : memref<2x160000x128xf32, #tpu.memory_space<hbm>> -> memref<1x80x128xf32, #tpu.memory_space<hbm>>
      %dma_wait3A_90 = tpu.memref_squeeze %dma_wait3A_89 : memref<1x80x128xf32, #tpu.memory_space<hbm>> -> memref<80x128xf32, #tpu.memory_space<hbm>>
      tpu.wait_dma2 semaphore(%arg12 : memref<!tpu.dma_semaphore, #tpu.memory_space<semaphore_mem>>) src(%dma_wait3A_90 : memref<80x128xf32, #tpu.memory_space<hbm>>) dst(%arg9 : memref<80x128xf32, #tpu.memory_space<vmem>>)
      %add3A_91 = arith.constant 2 : i32
      %add3A_92 = arith.addi %mul3A_25, %add3A_91 : i32
      %dma_start3A_93 = arith.constant 0 : i32
      %dma_start3A_94 = tpu.memref_slice %arg6[%add3A_92, %dma_start3A_93] : memref<125x80xi32, #tpu.memory_space<vmem>> -> memref<1x80xi32, #tpu.memory_space<vmem>>
      %dma_start3A_95 = tpu.memref_squeeze %dma_start3A_94 : memref<1x80xi32, #tpu.memory_space<vmem>> -> memref<80xi32, #tpu.memory_space<vmem>>
      %dma_start3A_96 = arith.constant 0 : i32
      %dma_start3A_97 = arith.constant 0 : i32
      %dma_start3A_98 = tpu.memref_slice %arg14[%dma_start3A_96, %dma_start3A_97] : memref<10240x128xf32, #tpu.memory_space<vmem_shared>> -> memref<10240x128xf32, #tpu.memory_space<vmem_shared>>
      tpu.enqueue_indirect_dma source(%arg9 : memref<80x128xf32, #tpu.memory_space<vmem>>) target(%dma_start3A_98 : memref<10240x128xf32, #tpu.memory_space<vmem_shared>>) offsets(%dma_start3A_95 : memref<80xi32, #tpu.memory_space<vmem>>) semaphore(%arg13 : memref<!tpu.dma_semaphore, #tpu.memory_space<semaphore_mem>>) {add = true}
      %dma_wait3A_99 = arith.constant 0 : i32
      %dma_wait3A_100 = tpu.memref_slice %arg6[%add3A_64, %dma_wait3A_99] : memref<125x80xi32, #tpu.memory_space<vmem>> -> memref<1x80xi32, #tpu.memory_space<vmem>>
      %dma_wait3A_101 = tpu.memref_squeeze %dma_wait3A_100 : memref<1x80xi32, #tpu.memory_space<vmem>> -> memref<80xi32, #tpu.memory_space<vmem>>
      %dma_wait3A_102 = arith.constant 0 : i32
      %dma_wait3A_103 = arith.constant 0 : i32
      %dma_wait3A_104 = tpu.memref_slice %arg14[%dma_wait3A_102, %dma_wait3A_103] : memref<10240x128xf32, #tpu.memory_space<vmem_shared>> -> memref<10240x128xf32, #tpu.memory_space<vmem_shared>>
      tpu.wait_indirect_dma semaphore(%arg13 : memref<!tpu.dma_semaphore, #tpu.memory_space<semaphore_mem>>) src(%arg7 : memref<80x128xf32, #tpu.memory_space<vmem>>) dst(%dma_wait3A_104 : memref<10240x128xf32, #tpu.memory_space<vmem_shared>>)
      %dma_wait3A_105 = arith.constant 0 : i32
      %dma_wait3A_106 = tpu.memref_slice %arg6[%add3A_78, %dma_wait3A_105] : memref<125x80xi32, #tpu.memory_space<vmem>> -> memref<1x80xi32, #tpu.memory_space<vmem>>
      %dma_wait3A_107 = tpu.memref_squeeze %dma_wait3A_106 : memref<1x80xi32, #tpu.memory_space<vmem>> -> memref<80xi32, #tpu.memory_space<vmem>>
      %dma_wait3A_108 = arith.constant 0 : i32
      %dma_wait3A_109 = arith.constant 0 : i32
      %dma_wait3A_110 = tpu.memref_slice %arg14[%dma_wait3A_108, %dma_wait3A_109] : memref<10240x128xf32, #tpu.memory_space<vmem_shared>> -> memref<10240x128xf32, #tpu.memory_space<vmem_shared>>
      tpu.wait_indirect_dma semaphore(%arg13 : memref<!tpu.dma_semaphore, #tpu.memory_space<semaphore_mem>>) src(%arg8 : memref<80x128xf32, #tpu.memory_space<vmem>>) dst(%dma_wait3A_110 : memref<10240x128xf32, #tpu.memory_space<vmem_shared>>)
      %dma_wait3A_111 = arith.constant 0 : i32
      %dma_wait3A_112 = tpu.memref_slice %arg6[%add3A_92, %dma_wait3A_111] : memref<125x80xi32, #tpu.memory_space<vmem>> -> memref<1x80xi32, #tpu.memory_space<vmem>>
      %dma_wait3A_113 = tpu.memref_squeeze %dma_wait3A_112 : memref<1x80xi32, #tpu.memory_space<vmem>> -> memref<80xi32, #tpu.memory_space<vmem>>
      %dma_wait3A_114 = arith.constant 0 : i32
      %dma_wait3A_115 = arith.constant 0 : i32
      %dma_wait3A_116 = tpu.memref_slice %arg14[%dma_wait3A_114, %dma_wait3A_115] : memref<10240x128xf32, #tpu.memory_space<vmem_shared>> -> memref<10240x128xf32, #tpu.memory_space<vmem_shared>>
      tpu.wait_indirect_dma semaphore(%arg13 : memref<!tpu.dma_semaphore, #tpu.memory_space<semaphore_mem>>) src(%arg9 : memref<80x128xf32, #tpu.memory_space<vmem>>) dst(%dma_wait3A_116 : memref<10240x128xf32, #tpu.memory_space<vmem_shared>>)
    }
    %scan3A_11 = arith.constant 41 : i32
    %add3A = arith.constant 9840 : i32
    %add3A_12 = arith.addi %mul3A_5, %add3A : i32
    "tpu.region"() ({
      %run_scoped3A_23 = tpu.sem_alloc : memref<!tpu.dma_semaphore, #tpu.memory_space<semaphore_mem>>
      %dma_start3A = arith.constant 0 : i32
      %dma_start3A_24 = tpu.memref_slice %arg2[%arg0, %add3A_12, %dma_start3A] : memref<2x160000x128xf32, #tpu.memory_space<hbm>> -> memref<1x80x128xf32, #tpu.memory_space<hbm>>
      %dma_start3A_25 = tpu.memref_squeeze %dma_start3A_24 : memref<1x80x128xf32, #tpu.memory_space<hbm>> -> memref<80x128xf32, #tpu.memory_space<hbm>>
      %dma_start3A_26 = arith.constant 0 : i32
      %dma_start3A_27 = tpu.memref_slice %arg2[%arg0, %add3A_12, %dma_start3A_26] : memref<2x160000x128xf32, #tpu.memory_space<hbm>> -> memref<1x80x128xf32, #tpu.memory_space<hbm>>
      %dma_start3A_28 = tpu.memref_squeeze %dma_start3A_27 : memref<1x80x128xf32, #tpu.memory_space<hbm>> -> memref<80x128xf32, #tpu.memory_space<hbm>>
      tpu.enqueue_dma source(%dma_start3A_28 : memref<80x128xf32, #tpu.memory_space<hbm>>) target(%arg7 : memref<80x128xf32, #tpu.memory_space<vmem>>) target_semaphore(%run_scoped3A_23 : memref<!tpu.dma_semaphore, #tpu.memory_space<semaphore_mem>>)
      %dma_wait3A = arith.constant 0 : i32
      %dma_wait3A_29 = tpu.memref_slice %arg2[%arg0, %add3A_12, %dma_wait3A] : memref<2x160000x128xf32, #tpu.memory_space<hbm>> -> memref<1x80x128xf32, #tpu.memory_space<hbm>>
      %dma_wait3A_30 = tpu.memref_squeeze %dma_wait3A_29 : memref<1x80x128xf32, #tpu.memory_space<hbm>> -> memref<80x128xf32, #tpu.memory_space<hbm>>
      %dma_wait3A_31 = arith.constant 0 : i32
      %dma_wait3A_32 = tpu.memref_slice %arg2[%arg0, %add3A_12, %dma_wait3A_31] : memref<2x160000x128xf32, #tpu.memory_space<hbm>> -> memref<1x80x128xf32, #tpu.memory_space<hbm>>
      %dma_wait3A_33 = tpu.memref_squeeze %dma_wait3A_32 : memref<1x80x128xf32, #tpu.memory_space<hbm>> -> memref<80x128xf32, #tpu.memory_space<hbm>>
      tpu.wait_dma2 semaphore(%run_scoped3A_23 : memref<!tpu.dma_semaphore, #tpu.memory_space<semaphore_mem>>) src(%dma_wait3A_33 : memref<80x128xf32, #tpu.memory_space<hbm>>) dst(%arg7 : memref<80x128xf32, #tpu.memory_space<vmem>>)
      tpu.yield
    }) : () -> ()
    %run_scoped3A = arith.constant 123 : i32
    "tpu.region"() ({
      %run_scoped3A_23 = tpu.sem_alloc : memref<!tpu.dma_semaphore, #tpu.memory_space<semaphore_mem>>
      %dma_start3A = arith.constant 0 : i32
      %dma_start3A_24 = tpu.memref_slice %arg6[%run_scoped3A, %dma_start3A] : memref<125x80xi32, #tpu.memory_space<vmem>> -> memref<1x80xi32, #tpu.memory_space<vmem>>
      %dma_start3A_25 = tpu.memref_squeeze %dma_start3A_24 : memref<1x80xi32, #tpu.memory_space<vmem>> -> memref<80xi32, #tpu.memory_space<vmem>>
      %dma_start3A_26 = arith.constant 0 : i32
      %dma_start3A_27 = arith.constant 0 : i32
      %dma_start3A_28 = tpu.memref_slice %arg14[%dma_start3A_26, %dma_start3A_27] : memref<10240x128xf32, #tpu.memory_space<vmem_shared>> -> memref<10240x128xf32, #tpu.memory_space<vmem_shared>>
      tpu.enqueue_indirect_dma source(%arg7 : memref<80x128xf32, #tpu.memory_space<vmem>>) target(%dma_start3A_28 : memref<10240x128xf32, #tpu.memory_space<vmem_shared>>) offsets(%dma_start3A_25 : memref<80xi32, #tpu.memory_space<vmem>>) semaphore(%run_scoped3A_23 : memref<!tpu.dma_semaphore, #tpu.memory_space<semaphore_mem>>) {add = true}
      %dma_wait3A = arith.constant 0 : i32
      %dma_wait3A_29 = tpu.memref_slice %arg6[%run_scoped3A, %dma_wait3A] : memref<125x80xi32, #tpu.memory_space<vmem>> -> memref<1x80xi32, #tpu.memory_space<vmem>>
      %dma_wait3A_30 = tpu.memref_squeeze %dma_wait3A_29 : memref<1x80xi32, #tpu.memory_space<vmem>> -> memref<80xi32, #tpu.memory_space<vmem>>
      %dma_wait3A_31 = arith.constant 0 : i32
      %dma_wait3A_32 = arith.constant 0 : i32
      %dma_wait3A_33 = tpu.memref_slice %arg14[%dma_wait3A_31, %dma_wait3A_32] : memref<10240x128xf32, #tpu.memory_space<vmem_shared>> -> memref<10240x128xf32, #tpu.memory_space<vmem_shared>>
      tpu.wait_indirect_dma semaphore(%run_scoped3A_23 : memref<!tpu.dma_semaphore, #tpu.memory_space<semaphore_mem>>) src(%arg7 : memref<80x128xf32, #tpu.memory_space<vmem>>) dst(%dma_wait3A_33 : memref<10240x128xf32, #tpu.memory_space<vmem_shared>>)
      tpu.yield
    }) : () -> ()
    %add3A_13 = arith.constant 9920 : i32
    %add3A_14 = arith.addi %mul3A_5, %add3A_13 : i32
    "tpu.region"() ({
      %run_scoped3A_23 = tpu.sem_alloc : memref<!tpu.dma_semaphore, #tpu.memory_space<semaphore_mem>>
      %dma_start3A = arith.constant 0 : i32
      %dma_start3A_24 = tpu.memref_slice %arg2[%arg0, %add3A_14, %dma_start3A] : memref<2x160000x128xf32, #tpu.memory_space<hbm>> -> memref<1x80x128xf32, #tpu.memory_space<hbm>>
      %dma_start3A_25 = tpu.memref_squeeze %dma_start3A_24 : memref<1x80x128xf32, #tpu.memory_space<hbm>> -> memref<80x128xf32, #tpu.memory_space<hbm>>
      %dma_start3A_26 = arith.constant 0 : i32
      %dma_start3A_27 = tpu.memref_slice %arg2[%arg0, %add3A_14, %dma_start3A_26] : memref<2x160000x128xf32, #tpu.memory_space<hbm>> -> memref<1x80x128xf32, #tpu.memory_space<hbm>>
      %dma_start3A_28 = tpu.memref_squeeze %dma_start3A_27 : memref<1x80x128xf32, #tpu.memory_space<hbm>> -> memref<80x128xf32, #tpu.memory_space<hbm>>
      tpu.enqueue_dma source(%dma_start3A_28 : memref<80x128xf32, #tpu.memory_space<hbm>>) target(%arg7 : memref<80x128xf32, #tpu.memory_space<vmem>>) target_semaphore(%run_scoped3A_23 : memref<!tpu.dma_semaphore, #tpu.memory_space<semaphore_mem>>)
      %dma_wait3A = arith.constant 0 : i32
      %dma_wait3A_29 = tpu.memref_slice %arg2[%arg0, %add3A_14, %dma_wait3A] : memref<2x160000x128xf32, #tpu.memory_space<hbm>> -> memref<1x80x128xf32, #tpu.memory_space<hbm>>
      %dma_wait3A_30 = tpu.memref_squeeze %dma_wait3A_29 : memref<1x80x128xf32, #tpu.memory_space<hbm>> -> memref<80x128xf32, #tpu.memory_space<hbm>>
      %dma_wait3A_31 = arith.constant 0 : i32
      %dma_wait3A_32 = tpu.memref_slice %arg2[%arg0, %add3A_14, %dma_wait3A_31] : memref<2x160000x128xf32, #tpu.memory_space<hbm>> -> memref<1x80x128xf32, #tpu.memory_space<hbm>>
      %dma_wait3A_33 = tpu.memref_squeeze %dma_wait3A_32 : memref<1x80x128xf32, #tpu.memory_space<hbm>> -> memref<80x128xf32, #tpu.memory_space<hbm>>
      tpu.wait_dma2 semaphore(%run_scoped3A_23 : memref<!tpu.dma_semaphore, #tpu.memory_space<semaphore_mem>>) src(%dma_wait3A_33 : memref<80x128xf32, #tpu.memory_space<hbm>>) dst(%arg7 : memref<80x128xf32, #tpu.memory_space<vmem>>)
      tpu.yield
    }) : () -> ()
    %run_scoped3A_15 = arith.constant 124 : i32
    "tpu.region"() ({
      %run_scoped3A_23 = tpu.sem_alloc : memref<!tpu.dma_semaphore, #tpu.memory_space<semaphore_mem>>
      %dma_start3A = arith.constant 0 : i32
      %dma_start3A_24 = tpu.memref_slice %arg6[%run_scoped3A_15, %dma_start3A] : memref<125x80xi32, #tpu.memory_space<vmem>> -> memref<1x80xi32, #tpu.memory_space<vmem>>
      %dma_start3A_25 = tpu.memref_squeeze %dma_start3A_24 : memref<1x80xi32, #tpu.memory_space<vmem>> -> memref<80xi32, #tpu.memory_space<vmem>>
      %dma_start3A_26 = arith.constant 0 : i32
      %dma_start3A_27 = arith.constant 0 : i32
      %dma_start3A_28 = tpu.memref_slice %arg14[%dma_start3A_26, %dma_start3A_27] : memref<10240x128xf32, #tpu.memory_space<vmem_shared>> -> memref<10240x128xf32, #tpu.memory_space<vmem_shared>>
      tpu.enqueue_indirect_dma source(%arg7 : memref<80x128xf32, #tpu.memory_space<vmem>>) target(%dma_start3A_28 : memref<10240x128xf32, #tpu.memory_space<vmem_shared>>) offsets(%dma_start3A_25 : memref<80xi32, #tpu.memory_space<vmem>>) semaphore(%run_scoped3A_23 : memref<!tpu.dma_semaphore, #tpu.memory_space<semaphore_mem>>) {add = true}
      %dma_wait3A = arith.constant 0 : i32
      %dma_wait3A_29 = tpu.memref_slice %arg6[%run_scoped3A_15, %dma_wait3A] : memref<125x80xi32, #tpu.memory_space<vmem>> -> memref<1x80xi32, #tpu.memory_space<vmem>>
      %dma_wait3A_30 = tpu.memref_squeeze %dma_wait3A_29 : memref<1x80xi32, #tpu.memory_space<vmem>> -> memref<80xi32, #tpu.memory_space<vmem>>
      %dma_wait3A_31 = arith.constant 0 : i32
      %dma_wait3A_32 = arith.constant 0 : i32
      %dma_wait3A_33 = tpu.memref_slice %arg14[%dma_wait3A_31, %dma_wait3A_32] : memref<10240x128xf32, #tpu.memory_space<vmem_shared>> -> memref<10240x128xf32, #tpu.memory_space<vmem_shared>>
      tpu.wait_indirect_dma semaphore(%run_scoped3A_23 : memref<!tpu.dma_semaphore, #tpu.memory_space<semaphore_mem>>) src(%arg7 : memref<80x128xf32, #tpu.memory_space<vmem>>) dst(%dma_wait3A_33 : memref<10240x128xf32, #tpu.memory_space<vmem_shared>>)
      tpu.yield
    }) : () -> ()
    %barrier3A_16 = arith.constant 0 : index
    tpu.barrier barrier_id(%barrier3A_16)
    %scan3A_17 = arith.constant 0 : i32
    %scan3A_18 = arith.constant 0 : i32
    %scan3A_19 = arith.constant 8 : i32
    %scan3A_20 = arith.addi %scan3A_18, %scan3A_19 : i32
    %scan3A_21 = arith.constant 1 : i32
    scf.for %scan3A_23 = %scan3A_18 to %scan3A_20 step %scan3A_21  : i32 {
      %mul3A_24 = arith.constant 640 : i32
      %mul3A_25 = arith.muli %arg1, %mul3A_24 : i32
      %mul3A_26 = arith.constant 80 : i32
      %mul3A_27 = arith.muli %scan3A_23, %mul3A_26 : i32
      %add3A_28 = arith.addi %mul3A_25, %mul3A_27 : i32
      "tpu.region"() ({
        %run_scoped3A_29 = tpu.sem_alloc : memref<!tpu.dma_semaphore, #tpu.memory_space<semaphore_mem>>
        %dma_start3A = arith.constant 0 : i32
        %dma_start3A_30 = tpu.memref_slice %arg14[%add3A_28, %dma_start3A] : memref<10240x128xf32, #tpu.memory_space<vmem_shared>> -> memref<80x128xf32, #tpu.memory_space<vmem_shared>>
        %dma_start3A_31 = arith.constant 0 : i32
        %dma_start3A_32 = tpu.memref_slice %arg14[%add3A_28, %dma_start3A_31] : memref<10240x128xf32, #tpu.memory_space<vmem_shared>> -> memref<80x128xf32, #tpu.memory_space<vmem_shared>>
        tpu.enqueue_dma source(%dma_start3A_32 : memref<80x128xf32, #tpu.memory_space<vmem_shared>>) target(%arg7 : memref<80x128xf32, #tpu.memory_space<vmem>>) target_semaphore(%run_scoped3A_29 : memref<!tpu.dma_semaphore, #tpu.memory_space<semaphore_mem>>)
        %dma_wait3A = arith.constant 0 : i32
        %dma_wait3A_33 = tpu.memref_slice %arg14[%add3A_28, %dma_wait3A] : memref<10240x128xf32, #tpu.memory_space<vmem_shared>> -> memref<80x128xf32, #tpu.memory_space<vmem_shared>>
        %dma_wait3A_34 = arith.constant 0 : i32
        %dma_wait3A_35 = tpu.memref_slice %arg14[%add3A_28, %dma_wait3A_34] : memref<10240x128xf32, #tpu.memory_space<vmem_shared>> -> memref<80x128xf32, #tpu.memory_space<vmem_shared>>
        tpu.wait_dma2 semaphore(%run_scoped3A_29 : memref<!tpu.dma_semaphore, #tpu.memory_space<semaphore_mem>>) src(%dma_wait3A_35 : memref<80x128xf32, #tpu.memory_space<vmem_shared>>) dst(%arg7 : memref<80x128xf32, #tpu.memory_space<vmem>>)
        tpu.yield
      }) : () -> ()
      "tpu.region"() ({
        %run_scoped3A_29 = tpu.sem_alloc : memref<!tpu.dma_semaphore, #tpu.memory_space<semaphore_mem>>
        %dma_start3A = arith.constant 0 : i32
        %dma_start3A_30 = tpu.memref_slice %arg5[%arg0, %add3A_28, %dma_start3A] : memref<2x10240x128xf32, #tpu.memory_space<hbm>> -> memref<1x80x128xf32, #tpu.memory_space<hbm>>
        %dma_start3A_31 = tpu.memref_squeeze %dma_start3A_30 : memref<1x80x128xf32, #tpu.memory_space<hbm>> -> memref<80x128xf32, #tpu.memory_space<hbm>>
        %dma_start3A_32 = arith.constant 0 : i32
        %dma_start3A_33 = tpu.memref_slice %arg5[%arg0, %add3A_28, %dma_start3A_32] : memref<2x10240x128xf32, #tpu.memory_space<hbm>> -> memref<1x80x128xf32, #tpu.memory_space<hbm>>
        %dma_start3A_34 = tpu.memref_squeeze %dma_start3A_33 : memref<1x80x128xf32, #tpu.memory_space<hbm>> -> memref<80x128xf32, #tpu.memory_space<hbm>>
        tpu.enqueue_dma source(%arg7 : memref<80x128xf32, #tpu.memory_space<vmem>>) target(%dma_start3A_34 : memref<80x128xf32, #tpu.memory_space<hbm>>) target_semaphore(%run_scoped3A_29 : memref<!tpu.dma_semaphore, #tpu.memory_space<semaphore_mem>>)
        %dma_wait3A = arith.constant 0 : i32
        %dma_wait3A_35 = tpu.memref_slice %arg5[%arg0, %add3A_28, %dma_wait3A] : memref<2x10240x128xf32, #tpu.memory_space<hbm>> -> memref<1x80x128xf32, #tpu.memory_space<hbm>>
        %dma_wait3A_36 = tpu.memref_squeeze %dma_wait3A_35 : memref<1x80x128xf32, #tpu.memory_space<hbm>> -> memref<80x128xf32, #tpu.memory_space<hbm>>
        %dma_wait3A_37 = arith.constant 0 : i32
        %dma_wait3A_38 = tpu.memref_slice %arg5[%arg0, %add3A_28, %dma_wait3A_37] : memref<2x10240x128xf32, #tpu.memory_space<hbm>> -> memref<1x80x128xf32, #tpu.memory_space<hbm>>
        %dma_wait3A_39 = tpu.memref_squeeze %dma_wait3A_38 : memref<1x80x128xf32, #tpu.memory_space<hbm>> -> memref<80x128xf32, #tpu.memory_space<hbm>>
        tpu.wait_dma2 semaphore(%run_scoped3A_29 : memref<!tpu.dma_semaphore, #tpu.memory_space<semaphore_mem>>) src(%arg7 : memref<80x128xf32, #tpu.memory_space<vmem>>) dst(%dma_wait3A_39 : memref<80x128xf32, #tpu.memory_space<hbm>>)
        tpu.yield
      }) : () -> ()
    }
    %scan3A_22 = arith.constant 8 : i32
    return
  }
}

module attributes {stable_mosaic.version = 14 : i64} {
  func.func @_stats_body(%arg0: i32, %arg1: i32, %arg2: memref<1x640x128xf32, #tpu.memory_space<vmem>>, %arg3: memref<1x128x640xf32, #tpu.memory_space<vmem>>, %arg4: memref<384x256xf32, #tpu.memory_space<vmem>>, %arg5: memref<1x256xf32, #tpu.memory_space<vmem>>, %arg6: memref<8x256xf32, #tpu.memory_space<vmem>>) attributes {dimension_semantics = [#tpu.dimension_semantics<arbitrary>, #tpu.dimension_semantics<arbitrary>], iteration_bounds = array<i64: 2, 250>, scalar_prefetch = 0 : i64, scratch_operands = 0 : i64, tpu.core_type = #tpu.core_type<tc>, window_params = [{transform_indices = @transform_0, window_bounds = array<i64: 1, 640, 128>}, {transform_indices = @transform_1, window_bounds = array<i64: 1, 128, 640>}, {pipeline_mode = #tpu.pipeline_mode<synchronous>, transform_indices = @transform_2, window_bounds = array<i64: 384, 256>}, {pipeline_mode = #tpu.pipeline_mode<synchronous>, transform_indices = @transform_3, window_bounds = array<i64: 1, 256>}, {pipeline_mode = #tpu.pipeline_mode<synchronous>, transform_indices = @transform_4, window_bounds = array<i64: 8, 256>}]} {
    %get3A = arith.constant 0 : index
    %get3A_0 = arith.constant 0 : index
    %get3A_1 = arith.constant 0 : index
    %get3A_2 = vector.load %arg2[%get3A, %get3A_0, %get3A_1] : memref<1x640x128xf32, #tpu.memory_space<vmem>>, vector<1x640x128xf32>
    %get3A_3 = vector.shape_cast %get3A_2 : vector<1x640x128xf32> to vector<640x128xf32>
    %slice3A = vector.extract_strided_slice %get3A_3 {offsets = [1, 0], sizes = [639, 128], strides = [1, 1]} : vector<640x128xf32> to vector<639x128xf32>
    %slice3A_4 = vector.extract_strided_slice %get3A_3 {offsets = [0, 0], sizes = [1, 128], strides = [1, 1]} : vector<640x128xf32> to vector<1x128xf32>
    %concatenate3A = tpu.concatenate %slice3A, %slice3A_4 in 0 : vector<639x128xf32>, vector<1x128xf32> -> vector<640x128xf32>
    %slice3A_5 = vector.extract_strided_slice %get3A_3 {offsets = [639, 0], sizes = [1, 128], strides = [1, 1]} : vector<640x128xf32> to vector<1x128xf32>
    %slice3A_6 = vector.extract_strided_slice %get3A_3 {offsets = [0, 0], sizes = [639, 128], strides = [1, 1]} : vector<640x128xf32> to vector<639x128xf32>
    %concatenate3A_7 = tpu.concatenate %slice3A_5, %slice3A_6 in 0 : vector<1x128xf32>, vector<639x128xf32> -> vector<640x128xf32>
    %iota3A = tpu.iota {dimensions = array<i32: 0>} : vector<640x128xi32>
    %jit3A = arith.constant 2 : i32
    %eq3A = arith.constant 0 : i32
    %eq3A_8 = arith.cmpi eq, %jit3A, %eq3A : i32
    %jit3A_9 = arith.constant 1 : i32
    %select_n3A = arith.select %eq3A_8, %jit3A_9, %jit3A : i32
    %rem3A = vector.broadcast %select_n3A : i32 to vector<640x128xi32>
    %rem3A_10 = arith.remsi %iota3A, %rem3A : vector<640x128xi32>
    %ne3A = arith.constant 0 : i32
    %ne3A_11 = vector.broadcast %ne3A : i32 to vector<640x128xi32>
    %ne3A_12 = arith.cmpi ne, %rem3A_10, %ne3A_11 : vector<640x128xi32>
    %lt3A = arith.constant 0 : i32
    %lt3A_13 = vector.broadcast %lt3A : i32 to vector<640x128xi32>
    %lt3A_14 = arith.cmpi slt, %rem3A_10, %lt3A_13 : vector<640x128xi32>
    %lt3A_15 = arith.constant 0 : i32
    %lt3A_16 = arith.cmpi slt, %select_n3A, %lt3A_15 : i32
    %ne3A_17 = vector.broadcast %lt3A_16 : i1 to vector<640x128xi1>
    %ne3A_18 = vector.broadcast %ne3A_17 : vector<640x128xi1> to vector<640x128xi1>
    %ne3A_19 = arith.xori %lt3A_14, %ne3A_18 : vector<640x128xi1>
    %and3A = arith.andi %ne3A_19, %ne3A_12 : vector<640x128xi1>
    %add3A = vector.broadcast %select_n3A : i32 to vector<640x128xi32>
    %add3A_20 = arith.addi %rem3A_10, %add3A : vector<640x128xi32>
    %select_n3A_21 = arith.select %and3A, %add3A_20, %rem3A_10 : vector<640x128xi1>, vector<640x128xi32>
    %eq3A_22 = arith.constant 0 : i32
    %eq3A_23 = vector.broadcast %eq3A_22 : i32 to vector<640x128xi32>
    %eq3A_24 = arith.cmpi eq, %select_n3A_21, %eq3A_23 : vector<640x128xi32>
    %select_n3A_25 = arith.select %eq3A_24, %concatenate3A, %concatenate3A_7 : vector<640x128xi1>, vector<640x128xf32>
    %get3A_26 = arith.constant 0 : index
    %get3A_27 = arith.constant 0 : index
    %get3A_28 = arith.constant 0 : index
    %get3A_29 = vector.load %arg3[%get3A_26, %get3A_27, %get3A_28] : memref<1x128x640xf32, #tpu.memory_space<vmem>>, vector<1x128x640xf32>
    %get3A_30 = vector.shape_cast %get3A_29 : vector<1x128x640xf32> to vector<128x640xf32>
    %transpose3A = tpu.transpose %get3A_30, [1, 0] : vector<128x640xf32> -> vector<640x128xf32>
    %concatenate3A_31 = tpu.concatenate %get3A_3, %select_n3A_25, %transpose3A in 1 : vector<640x128xf32>, vector<640x128xf32>, vector<640x128xf32> -> vector<640x384xf32>
    %get3A_32 = arith.constant 0 : index
    %get3A_33 = arith.constant 0 : index
    %get3A_34 = vector.load %arg4[%get3A_32, %get3A_33] : memref<384x256xf32, #tpu.memory_space<vmem>>, vector<384x256xf32>
    %dot_general3A = arith.constant dense<0.000000e+00> : vector<640x256xf32>
    %dot_general3A_35 = tpu.matmul %concatenate3A_31, %get3A_34, %dot_general3A {dimension_numbers = #tpu.dot_dimension_numbers<[1], [0], [0], [1], [0, 0, 1, 1], [], []>, transpose_lhs_hint = false} : vector<640x384xf32>, vector<384x256xf32>, vector<640x256xf32> -> vector<640x256xf32>
    %get3A_36 = arith.constant 0 : index
    %get3A_37 = arith.constant 0 : index
    %get3A_38 = vector.load %arg5[%get3A_36, %get3A_37] : memref<1x256xf32, #tpu.memory_space<vmem>>, vector<1x256xf32>
    %add3A_39 = vector.broadcast %get3A_38 : vector<1x256xf32> to vector<640x256xf32>
    %add3A_40 = arith.addf %dot_general3A_35, %add3A_39 : vector<640x256xf32>
    %eq3A_41 = arith.constant 0 : i32
    %eq3A_42 = arith.cmpi eq, %arg0, %eq3A_41 : i32
    %eq3A_43 = arith.constant 0 : i32
    %eq3A_44 = arith.cmpi eq, %arg1, %eq3A_43 : i32
    %and3A_45 = arith.andi %eq3A_42, %eq3A_44 : i1
    %convert_element_type3A = arith.extui %and3A_45 : i1 to i32
    %cond3A = arith.constant 0 : i32
    %cond3A_46 = arith.cmpi ne, %convert_element_type3A, %cond3A : i32
    scf.if %cond3A_46 {
      %broadcast_in_dim3A_64 = arith.constant 0.000000e+00 : f32
      %broadcast_in_dim3A_65 = vector.broadcast %broadcast_in_dim3A_64 : f32 to vector<8x256xf32>
      %swap3A_66 = arith.constant 0 : index
      %swap3A_67 = arith.constant 0 : index
      %swap3A_68 = vector.load %arg6[%swap3A_66, %swap3A_67] : memref<8x256xf32, #tpu.memory_space<vmem>>, vector<8x256xf32>
      tpu.vector_store %arg6[%swap3A_66, %swap3A_67], %broadcast_in_dim3A_65 {strides = array<i32>} : memref<8x256xf32, #tpu.memory_space<vmem>>, vector<8x256xf32>,
    } else {
    }
    %get3A_47 = arith.constant 0 : index
    %get3A_48 = arith.constant 0 : index
    %get3A_49 = vector.load %arg6[%get3A_47, %get3A_48] : memref<8x256xf32, #tpu.memory_space<vmem>>, vector<1x256xf32>
    %reduce_sum3A = arith.constant dense<0.000000e+00> : vector<256xf32>
    %reduce_sum3A_50 = vector.multi_reduction <add>, %add3A_40, %reduce_sum3A [0] : vector<640x256xf32> to vector<256xf32>
    %broadcast_in_dim3A = vector.shape_cast %reduce_sum3A_50 : vector<256xf32> to vector<1x256xf32>
    %add3A_51 = arith.addf %get3A_49, %broadcast_in_dim3A : vector<1x256xf32>
    %swap3A = arith.constant 0 : index
    %swap3A_52 = arith.constant 0 : index
    %swap3A_53 = vector.load %arg6[%swap3A, %swap3A_52] : memref<8x256xf32, #tpu.memory_space<vmem>>, vector<1x256xf32>
    tpu.vector_store %arg6[%swap3A, %swap3A_52], %add3A_51 {strides = array<i32>} : memref<8x256xf32, #tpu.memory_space<vmem>>, vector<1x256xf32>,
    %get3A_54 = arith.constant 1 : index
    %get3A_55 = arith.constant 0 : index
    %get3A_56 = vector.load %arg6[%get3A_54, %get3A_55] : memref<8x256xf32, #tpu.memory_space<vmem>>, vector<1x256xf32>
    %mul3A = arith.mulf %add3A_40, %add3A_40 : vector<640x256xf32>
    %reduce_sum3A_57 = arith.constant dense<0.000000e+00> : vector<256xf32>
    %reduce_sum3A_58 = vector.multi_reduction <add>, %mul3A, %reduce_sum3A_57 [0] : vector<640x256xf32> to vector<256xf32>
    %broadcast_in_dim3A_59 = vector.shape_cast %reduce_sum3A_58 : vector<256xf32> to vector<1x256xf32>
    %add3A_60 = arith.addf %get3A_56, %broadcast_in_dim3A_59 : vector<1x256xf32>
    %swap3A_61 = arith.constant 1 : index
    %swap3A_62 = arith.constant 0 : index
    %swap3A_63 = vector.load %arg6[%swap3A_61, %swap3A_62] : memref<8x256xf32, #tpu.memory_space<vmem>>, vector<1x256xf32>
    tpu.vector_store %arg6[%swap3A_61, %swap3A_62], %add3A_60 {strides = array<i32>} : memref<8x256xf32, #tpu.memory_space<vmem>>, vector<1x256xf32>,
    return
  }
  func.func @transform_0(%arg0: i32, %arg1: i32) -> (i32, i32, i32) {
    %c0_i32 = arith.constant 0 : i32
    %c0_i32_0 = arith.constant 0 : i32
    return %arg0, %arg1, %c0_i32 : i32, i32, i32
  }
  func.func @transform_1(%arg0: i32, %arg1: i32) -> (i32, i32, i32) {
    %c0_i32 = arith.constant 0 : i32
    %c0_i32_0 = arith.constant 0 : i32
    return %arg0, %c0_i32, %arg1 : i32, i32, i32
  }
  func.func @transform_2(%arg0: i32, %arg1: i32) -> (i32, i32) {
    %c0_i32 = arith.constant 0 : i32
    %c0_i32_0 = arith.constant 0 : i32
    %c0_i32_1 = arith.constant 0 : i32
    return %c0_i32, %c0_i32_0 : i32, i32
  }
  func.func @transform_3(%arg0: i32, %arg1: i32) -> (i32, i32) {
    %c0_i32 = arith.constant 0 : i32
    %c0_i32_0 = arith.constant 0 : i32
    %c0_i32_1 = arith.constant 0 : i32
    return %c0_i32, %c0_i32_0 : i32, i32
  }
  func.func @transform_4(%arg0: i32, %arg1: i32) -> (i32, i32) {
    %c0_i32 = arith.constant 0 : i32
    %c0_i32_0 = arith.constant 0 : i32
    %c0_i32_1 = arith.constant 0 : i32
    return %c0_i32, %c0_i32_0 : i32, i32
  }
}

module attributes {stable_mosaic.version = 14 : i64} {
  func.func @_mlp_body(%arg0: i32, %arg1: i32, %arg2: memref<1x640x128xf32, #tpu.memory_space<vmem>>, %arg3: memref<1x128x640xf32, #tpu.memory_space<vmem>>, %arg4: memref<384x256xf32, #tpu.memory_space<vmem>>, %arg5: memref<1x256xf32, #tpu.memory_space<vmem>>, %arg6: memref<256x128xf32, #tpu.memory_space<vmem>>, %arg7: memref<1x128xf32, #tpu.memory_space<vmem>>, %arg8: memref<1x640x128xf32, #tpu.memory_space<vmem>>) attributes {dimension_semantics = [#tpu.dimension_semantics<arbitrary>, #tpu.dimension_semantics<arbitrary>], iteration_bounds = array<i64: 2, 250>, scalar_prefetch = 0 : i64, scratch_operands = 0 : i64, tpu.core_type = #tpu.core_type<tc>, window_params = [{transform_indices = @transform_0, window_bounds = array<i64: 1, 640, 128>}, {transform_indices = @transform_1, window_bounds = array<i64: 1, 128, 640>}, {pipeline_mode = #tpu.pipeline_mode<synchronous>, transform_indices = @transform_2, window_bounds = array<i64: 384, 256>}, {pipeline_mode = #tpu.pipeline_mode<synchronous>, transform_indices = @transform_3, window_bounds = array<i64: 1, 256>}, {pipeline_mode = #tpu.pipeline_mode<synchronous>, transform_indices = @transform_4, window_bounds = array<i64: 256, 128>}, {pipeline_mode = #tpu.pipeline_mode<synchronous>, transform_indices = @transform_5, window_bounds = array<i64: 1, 128>}, {transform_indices = @transform_6, window_bounds = array<i64: 1, 640, 128>}]} {
    %get3A = arith.constant 0 : index
    %get3A_0 = arith.constant 0 : index
    %get3A_1 = arith.constant 0 : index
    %get3A_2 = vector.load %arg2[%get3A, %get3A_0, %get3A_1] : memref<1x640x128xf32, #tpu.memory_space<vmem>>, vector<1x640x128xf32>
    %get3A_3 = vector.shape_cast %get3A_2 : vector<1x640x128xf32> to vector<640x128xf32>
    %slice3A = vector.extract_strided_slice %get3A_3 {offsets = [1, 0], sizes = [639, 128], strides = [1, 1]} : vector<640x128xf32> to vector<639x128xf32>
    %slice3A_4 = vector.extract_strided_slice %get3A_3 {offsets = [0, 0], sizes = [1, 128], strides = [1, 1]} : vector<640x128xf32> to vector<1x128xf32>
    %concatenate3A = tpu.concatenate %slice3A, %slice3A_4 in 0 : vector<639x128xf32>, vector<1x128xf32> -> vector<640x128xf32>
    %slice3A_5 = vector.extract_strided_slice %get3A_3 {offsets = [639, 0], sizes = [1, 128], strides = [1, 1]} : vector<640x128xf32> to vector<1x128xf32>
    %slice3A_6 = vector.extract_strided_slice %get3A_3 {offsets = [0, 0], sizes = [639, 128], strides = [1, 1]} : vector<640x128xf32> to vector<639x128xf32>
    %concatenate3A_7 = tpu.concatenate %slice3A_5, %slice3A_6 in 0 : vector<1x128xf32>, vector<639x128xf32> -> vector<640x128xf32>
    %iota3A = tpu.iota {dimensions = array<i32: 0>} : vector<640x128xi32>
    %jit3A = arith.constant 2 : i32
    %eq3A = arith.constant 0 : i32
    %eq3A_8 = arith.cmpi eq, %jit3A, %eq3A : i32
    %jit3A_9 = arith.constant 1 : i32
    %select_n3A = arith.select %eq3A_8, %jit3A_9, %jit3A : i32
    %rem3A = vector.broadcast %select_n3A : i32 to vector<640x128xi32>
    %rem3A_10 = arith.remsi %iota3A, %rem3A : vector<640x128xi32>
    %ne3A = arith.constant 0 : i32
    %ne3A_11 = vector.broadcast %ne3A : i32 to vector<640x128xi32>
    %ne3A_12 = arith.cmpi ne, %rem3A_10, %ne3A_11 : vector<640x128xi32>
    %lt3A = arith.constant 0 : i32
    %lt3A_13 = vector.broadcast %lt3A : i32 to vector<640x128xi32>
    %lt3A_14 = arith.cmpi slt, %rem3A_10, %lt3A_13 : vector<640x128xi32>
    %lt3A_15 = arith.constant 0 : i32
    %lt3A_16 = arith.cmpi slt, %select_n3A, %lt3A_15 : i32
    %ne3A_17 = vector.broadcast %lt3A_16 : i1 to vector<640x128xi1>
    %ne3A_18 = vector.broadcast %ne3A_17 : vector<640x128xi1> to vector<640x128xi1>
    %ne3A_19 = arith.xori %lt3A_14, %ne3A_18 : vector<640x128xi1>
    %and3A = arith.andi %ne3A_19, %ne3A_12 : vector<640x128xi1>
    %add3A = vector.broadcast %select_n3A : i32 to vector<640x128xi32>
    %add3A_20 = arith.addi %rem3A_10, %add3A : vector<640x128xi32>
    %select_n3A_21 = arith.select %and3A, %add3A_20, %rem3A_10 : vector<640x128xi1>, vector<640x128xi32>
    %eq3A_22 = arith.constant 0 : i32
    %eq3A_23 = vector.broadcast %eq3A_22 : i32 to vector<640x128xi32>
    %eq3A_24 = arith.cmpi eq, %select_n3A_21, %eq3A_23 : vector<640x128xi32>
    %select_n3A_25 = arith.select %eq3A_24, %concatenate3A, %concatenate3A_7 : vector<640x128xi1>, vector<640x128xf32>
    %get3A_26 = arith.constant 0 : index
    %get3A_27 = arith.constant 0 : index
    %get3A_28 = arith.constant 0 : index
    %get3A_29 = vector.load %arg3[%get3A_26, %get3A_27, %get3A_28] : memref<1x128x640xf32, #tpu.memory_space<vmem>>, vector<1x128x640xf32>
    %get3A_30 = vector.shape_cast %get3A_29 : vector<1x128x640xf32> to vector<128x640xf32>
    %transpose3A = tpu.transpose %get3A_30, [1, 0] : vector<128x640xf32> -> vector<640x128xf32>
    %concatenate3A_31 = tpu.concatenate %get3A_3, %select_n3A_25, %transpose3A in 1 : vector<640x128xf32>, vector<640x128xf32>, vector<640x128xf32> -> vector<640x384xf32>
    %get3A_32 = arith.constant 0 : index
    %get3A_33 = arith.constant 0 : index
    %get3A_34 = vector.load %arg4[%get3A_32, %get3A_33] : memref<384x256xf32, #tpu.memory_space<vmem>>, vector<384x256xf32>
    %dot_general3A = arith.constant dense<0.000000e+00> : vector<640x256xf32>
    %dot_general3A_35 = tpu.matmul %concatenate3A_31, %get3A_34, %dot_general3A {dimension_numbers = #tpu.dot_dimension_numbers<[1], [0], [0], [1], [0, 0, 1, 1], [], []>, transpose_lhs_hint = false} : vector<640x384xf32>, vector<384x256xf32>, vector<640x256xf32> -> vector<640x256xf32>
    %get3A_36 = arith.constant 0 : index
    %get3A_37 = arith.constant 0 : index
    %get3A_38 = vector.load %arg5[%get3A_36, %get3A_37] : memref<1x256xf32, #tpu.memory_space<vmem>>, vector<1x256xf32>
    %add3A_39 = vector.broadcast %get3A_38 : vector<1x256xf32> to vector<640x256xf32>
    %add3A_40 = arith.addf %dot_general3A_35, %add3A_39 : vector<640x256xf32>
    %max3A = arith.constant 0.000000e+00 : f32
    %max3A_41 = vector.broadcast %max3A : f32 to vector<640x256xf32>
    %max3A_42 = arith.maximumf %add3A_40, %max3A_41 : vector<640x256xf32>
    %get3A_43 = arith.constant 0 : index
    %get3A_44 = arith.constant 0 : index
    %get3A_45 = vector.load %arg6[%get3A_43, %get3A_44] : memref<256x128xf32, #tpu.memory_space<vmem>>, vector<256x128xf32>
    %dot_general3A_46 = arith.constant dense<0.000000e+00> : vector<640x128xf32>
    %dot_general3A_47 = tpu.matmul %max3A_42, %get3A_45, %dot_general3A_46 {dimension_numbers = #tpu.dot_dimension_numbers<[1], [0], [0], [1], [0, 0, 1, 1], [], []>, transpose_lhs_hint = false} : vector<640x256xf32>, vector<256x128xf32>, vector<640x128xf32> -> vector<640x128xf32>
    %get3A_48 = arith.constant 0 : index
    %get3A_49 = arith.constant 0 : index
    %get3A_50 = vector.load %arg7[%get3A_48, %get3A_49] : memref<1x128xf32, #tpu.memory_space<vmem>>, vector<1x128xf32>
    %add3A_51 = vector.broadcast %get3A_50 : vector<1x128xf32> to vector<640x128xf32>
    %add3A_52 = arith.addf %dot_general3A_47, %add3A_51 : vector<640x128xf32>
    %swap3A = arith.constant 0 : index
    %swap3A_53 = arith.constant 0 : index
    %swap3A_54 = arith.constant 0 : index
    %swap3A_55 = vector.load %arg8[%swap3A, %swap3A_53, %swap3A_54] : memref<1x640x128xf32, #tpu.memory_space<vmem>>, vector<1x640x128xf32>
    %swap3A_56 = vector.shape_cast %swap3A_55 : vector<1x640x128xf32> to vector<640x128xf32>
    %swap3A_57 = vector.shape_cast %add3A_52 : vector<640x128xf32> to vector<1x640x128xf32>
    tpu.vector_store %arg8[%swap3A, %swap3A_53, %swap3A_54], %swap3A_57 {strides = array<i32>} : memref<1x640x128xf32, #tpu.memory_space<vmem>>, vector<1x640x128xf32>,
    return
  }
  func.func @transform_0(%arg0: i32, %arg1: i32) -> (i32, i32, i32) {
    %c0_i32 = arith.constant 0 : i32
    %c0_i32_0 = arith.constant 0 : i32
    return %arg0, %arg1, %c0_i32 : i32, i32, i32
  }
  func.func @transform_1(%arg0: i32, %arg1: i32) -> (i32, i32, i32) {
    %c0_i32 = arith.constant 0 : i32
    %c0_i32_0 = arith.constant 0 : i32
    return %arg0, %c0_i32, %arg1 : i32, i32, i32
  }
  func.func @transform_2(%arg0: i32, %arg1: i32) -> (i32, i32) {
    %c0_i32 = arith.constant 0 : i32
    %c0_i32_0 = arith.constant 0 : i32
    %c0_i32_1 = arith.constant 0 : i32
    return %c0_i32, %c0_i32_0 : i32, i32
  }
  func.func @transform_3(%arg0: i32, %arg1: i32) -> (i32, i32) {
    %c0_i32 = arith.constant 0 : i32
    %c0_i32_0 = arith.constant 0 : i32
    %c0_i32_1 = arith.constant 0 : i32
    return %c0_i32, %c0_i32_0 : i32, i32
  }
  func.func @transform_4(%arg0: i32, %arg1: i32) -> (i32, i32) {
    %c0_i32 = arith.constant 0 : i32
    %c0_i32_0 = arith.constant 0 : i32
    %c0_i32_1 = arith.constant 0 : i32
    return %c0_i32, %c0_i32_0 : i32, i32
  }
  func.func @transform_5(%arg0: i32, %arg1: i32) -> (i32, i32) {
    %c0_i32 = arith.constant 0 : i32
    %c0_i32_0 = arith.constant 0 : i32
    %c0_i32_1 = arith.constant 0 : i32
    return %c0_i32, %c0_i32_0 : i32, i32
  }
  func.func @transform_6(%arg0: i32, %arg1: i32) -> (i32, i32, i32) {
    %c0_i32 = arith.constant 0 : i32
    %c0_i32_0 = arith.constant 0 : i32
    return %arg0, %arg1, %c0_i32 : i32, i32, i32
  }
}

module attributes {stable_mosaic.version = 14 : i64} {
  func.func @_combine_body(%arg0: i32, %arg1: i32, %arg2: memref<1x128x128xf32, #tpu.memory_space<vmem>>, %arg3: memref<1x128x128xf32, #tpu.memory_space<vmem>>, %arg4: memref<1x128x128xf32, #tpu.memory_space<vmem>>, %arg5: memref<1x128x128xf32, #tpu.memory_space<vmem>>) attributes {dimension_semantics = [#tpu.dimension_semantics<arbitrary>, #tpu.dimension_semantics<arbitrary>], iteration_bounds = array<i64: 2, 79>, scalar_prefetch = 0 : i64, scratch_operands = 0 : i64, tpu.core_type = #tpu.core_type<tc>, window_params = [{transform_indices = @transform_0, window_bounds = array<i64: 1, 128, 128>}, {transform_indices = @transform_1, window_bounds = array<i64: 1, 128, 128>}, {transform_indices = @transform_2, window_bounds = array<i64: 1, 128, 128>}, {transform_indices = @transform_3, window_bounds = array<i64: 1, 128, 128>}]} {
    %get3A = arith.constant 0 : index
    %get3A_0 = arith.constant 0 : index
    %get3A_1 = arith.constant 0 : index
    %get3A_2 = vector.load %arg3[%get3A, %get3A_0, %get3A_1] : memref<1x128x128xf32, #tpu.memory_space<vmem>>, vector<1x128x128xf32>
    %get3A_3 = vector.shape_cast %get3A_2 : vector<1x128x128xf32> to vector<128x128xf32>
    %transpose3A = tpu.transpose %get3A_3, [1, 0] : vector<128x128xf32> -> vector<128x128xf32>
    %get3A_4 = arith.constant 0 : index
    %get3A_5 = arith.constant 0 : index
    %get3A_6 = arith.constant 0 : index
    %get3A_7 = vector.load %arg4[%get3A_4, %get3A_5, %get3A_6] : memref<1x128x128xf32, #tpu.memory_space<vmem>>, vector<1x128x128xf32>
    %get3A_8 = vector.shape_cast %get3A_7 : vector<1x128x128xf32> to vector<128x128xf32>
    %transpose3A_9 = tpu.transpose %get3A_8, [1, 0] : vector<128x128xf32> -> vector<128x128xf32>
    %slice3A = vector.extract_strided_slice %transpose3A_9 {offsets = [0, 0], sizes = [1, 128], strides = [1, 1]} : vector<128x128xf32> to vector<1x128xf32>
    %max3A = arith.constant 1.000000e+00 : f32
    %max3A_10 = vector.broadcast %max3A : f32 to vector<1x128xf32>
    %max3A_11 = arith.maximumf %slice3A, %max3A_10 : vector<1x128xf32>
    %get3A_12 = arith.constant 0 : index
    %get3A_13 = arith.constant 0 : index
    %get3A_14 = arith.constant 0 : index
    %get3A_15 = vector.load %arg2[%get3A_12, %get3A_13, %get3A_14] : memref<1x128x128xf32, #tpu.memory_space<vmem>>, vector<1x128x128xf32>
    %get3A_16 = vector.shape_cast %get3A_15 : vector<1x128x128xf32> to vector<128x128xf32>
    %div3A = vector.broadcast %max3A_11 : vector<1x128xf32> to vector<128x128xf32>
    %div3A_17 = arith.divf %transpose3A, %div3A : vector<128x128xf32>
    %add3A = arith.addf %get3A_16, %div3A_17 : vector<128x128xf32>
    %swap3A = arith.constant 0 : index
    %swap3A_18 = arith.constant 0 : index
    %swap3A_19 = arith.constant 0 : index
    %swap3A_20 = vector.load %arg5[%swap3A, %swap3A_18, %swap3A_19] : memref<1x128x128xf32, #tpu.memory_space<vmem>>, vector<1x128x128xf32>
    %swap3A_21 = vector.shape_cast %swap3A_20 : vector<1x128x128xf32> to vector<128x128xf32>
    %swap3A_22 = vector.shape_cast %add3A : vector<128x128xf32> to vector<1x128x128xf32>
    tpu.vector_store %arg5[%swap3A, %swap3A_18, %swap3A_19], %swap3A_22 {strides = array<i32>} : memref<1x128x128xf32, #tpu.memory_space<vmem>>, vector<1x128x128xf32>,
    return
  }
  func.func @transform_0(%arg0: i32, %arg1: i32) -> (i32, i32, i32) {
    %c0_i32 = arith.constant 0 : i32
    %c0_i32_0 = arith.constant 0 : i32
    return %arg0, %c0_i32, %arg1 : i32, i32, i32
  }
  func.func @transform_1(%arg0: i32, %arg1: i32) -> (i32, i32, i32) {
    %c0_i32 = arith.constant 0 : i32
    %c0_i32_0 = arith.constant 0 : i32
    return %arg0, %arg1, %c0_i32 : i32, i32, i32
  }
  func.func @transform_2(%arg0: i32, %arg1: i32) -> (i32, i32, i32) {
    %c0_i32 = arith.constant 0 : i32
    %c0_i32_0 = arith.constant 0 : i32
    return %arg0, %arg1, %c0_i32 : i32, i32, i32
  }
  func.func @transform_3(%arg0: i32, %arg1: i32) -> (i32, i32, i32) {
    %c0_i32 = arith.constant 0 : i32
    %c0_i32_0 = arith.constant 0 : i32
    return %arg0, %c0_i32, %arg1 : i32, i32, i32
  }
}

</mosaic_0001>

<sc_bundles>
// kernel: kernel.14.cloned.1.call-start
scs
__scs_entry_jumppad:
0x0: {  	(pc) =	sbr.rel $0x88, $3  }
0x1: {  	(tag) =	ssettag $0x0;
	lr =	simm.s32 $0x1  }
0x2: {  	[smem:$0x3F95] =	sst lr;
	_ =	strace $0xD0000000  }
0x3: {  	_ = 	snop  }
0x4: {  	_ = 	snop  }
0x5: {  	_ = 	snop  }
0x6: {  	_ = 	snop  }
0x7: {  	_ = 	snop  }
__scs_overlays_trampoline_lowered:
0x8: {  	[smem:$0x3FA4] =	sst s0  }
0x9: {  	[smem:$0x3FA5] =	sst s1  }
0xa: {  	[smem:$0x3FA6] =	sst s2  }
0xb: {  	[smem:$0x3FA7] =	sst s3  }
0xc: {  	[smem:$0x3FA8] =	sst s4  }
0xd: {  	[smem:$0x3FA9] =	sst s5  }
0xe: {  	[smem:$0x3FAA] =	sst s6  }
0xf: {  	[smem:$0x3FAB] =	sst s7  }
0x10: {  	[smem:$0x3FAC] =	sst s8  }
0x11: {  	[smem:$0x3FAD] =	sst s9;
	s0 =	simm.s32 @!p0 $0x0  }
0x12: {  	s1 =	sld [smem:$0x3F93];
	s0 =	simm.s32 @p0 $0x1  }
0x13: {  	[smem:$0x3FAE] =	sst s0;
	s0 =	simm.s32 @!p1 $0x0  }
0x14: {  	s2 =	sld [smem:$0x3F92];
	s0 =	simm.s32 @p1 $0x1  }
0x15: {  	[smem:$0x3FAF] =	sst s0;
	s0 =	simm.s32 @!p2 $0x0  }
0x16: {  	s3 =	sld [smem:$0x3FDB];
	s0 =	simm.s32 @p2 $0x1  }
0x17: {  	s4 =	simm.s32 $0x1BF5;
	[smem:$0x3FB1] =	sst s0  }
0x18: {  	s0 =	sld [smem:$0x3F94];
	_ =	swait.ge [sflag:s4], $0x0  }
0x19: {  	s7 =	sld [smem:$0x3F95]  }
0x1a: {  	s8 =	sadd.s32 $0xFFFFE003, lr  }
0x1b: {  	s9 =	sadd.s32 $0xFFFFFEF7, lr;
	s5 =	simm.s32 $0xFFFFFFFF;
	p2 =	slt.u32 s8, $0xFFFFF086  }
0x1c: {  	p1 =	slt.u32 s9, $0xF7A;
	s5 =	simm.s32 @!p2 $0x0  }
0x1d: {  	s5 =	simm.s32 @p1 $0x1;
	p0 =	seq.s32 s7, s2  }
0x1e: {  	s7 =	smul.u32 @!p0 $0xF7A, s2;
	p2 =	seq.s32 @!p0 s5, $0x0  }
0x1f: {  	s9 =	smul.u32 $0xF7A, s1;
	s8 =	simm.s32 @!p0 $0x1BF5;
	p2 =	por !p2, p0  }
0x20: {  	[sflag:s8] =	ssyncset.s32 @!p0 $0xFFFFF086;
	s6 =	sadd.s32 @!p0 s3, s7;
	s7 =	simm.s32 @!p0 $0x108  }
0x21: {  	s3 =	sadd.s32 s3, s9;
	s6 =	sadd.s32 @!p0 $0x88, s6;
	s7 =	simm.s32 @p2 $0x1082  }
0x22: {  	[simem:s7], [sflag:s8] =	dma.local @!p0 [hbm:s6], $0xF7A  }
0x23: {  	s9 =	sor.u32 $0xD0000000, s2;
	s6 =	simm.s32 $0x108;
	_ =	swait.ge @!p0 [sflag:s8], $0x0  }
0x24: {  	s3 =	sadd.s32 $0x88, s3;
	s6 =	simm.s32 @!p1 $0x1082;
	[sflag:s4] =	ssyncset.s32 $0xFFFFF086  }
0x25: {  	[simem:s6], [sflag:s4] =	dma.local [hbm:s3], $0xF7A  }
0x26: {  	[smem:$0x3F95] =	sst s1;
	(tag) =	ssettag s2;
	_ =	strace s9  }
0x27: {  	s1 =	sld [smem:$0x3FA5]  }
0x28: {  	s2 =	sld [smem:$0x3FA6]  }
0x29: {  	s4 =	sld [smem:$0x3FA8]  }
0x2a: {  	p0 =	seq.s32 s5, $0x0;
	s5 =	sld [smem:$0x3FA9]  }
0x2b: {  	s6 =	sld [smem:$0x3FAA]  }
0x2c: {  	s7 =	sld [smem:$0x3FAB]  }
0x2d: {  	s3 =	simm.s32 $0x108;
	s8 =	sld [smem:$0x3FAC]  }
0x2e: {  	s3 =	simm.s32 @!p0 $0x1082;
	s9 =	sld [smem:$0x3FAD]  }
0x2f: {  	lr =	sadd.s32 s0, s3;
	s0 =	sld [smem:$0x3FA4]  }
0x30: {  	s3 =	sld [smem:$0x3FA7]  }
0x31: {  	[smem:$0x3FB0] =	sst s10  }
0x32: {  	s10 =	sld [smem:$0x3FAE];
	_ =	sdelay $0x3  }
0x33: {  	p0 =	seq.s32 s10, $0x1;
	s10 =	sld [smem:$0x3FB0];
	_ =	sdelay $0x3  }
0x34: {  	[smem:$0x3FB0] =	sst s10  }
0x35: {  	s10 =	sld [smem:$0x3FAF];
	_ =	sdelay $0x3  }
0x36: {  	p1 =	seq.s32 s10, $0x1;
	s10 =	sld [smem:$0x3FB0];
	_ =	sdelay $0x3  }
0x37: {  	[smem:$0x3FB0] =	sst s10  }
0x38: {  	s10 =	sld [smem:$0x3FB1]  }
0x39: {  	_ = 	snop;
	(pc) =	sbr.ind lr, $3  }
0x3a: {  	_ = 	snop  }
0x3b: {  	_ = 	snop  }
0x3c: {  	p2 =	seq.s32 s10, $0x1;
	s10 =	sld [smem:$0x3FB0]  }
0x3d: {  	_ =	shalt  }
0x3e: {  	_ =	shalt  }
0x3f: {  	_ =	shalt  }
0x40: {  	_ =	shalt  }
0x41: {  	_ =	shalt  }
0x42: {  	_ =	shalt  }
0x43: {  	_ =	shalt  }
0x44: {  	_ =	shalt  }
0x45: {  	_ =	shalt  }
0x46: {  	_ =	shalt  }
0x47: {  	_ =	shalt  }
0x48: {  	_ =	shalt  }
0x49: {  	_ =	shalt  }
0x4a: {  	_ =	shalt  }
0x4b: {  	_ =	shalt  }
0x4c: {  	_ =	shalt  }
0x4d: {  	_ =	shalt  }
0x4e: {  	_ =	shalt  }
0x4f: {  	_ =	shalt  }
0x50: {  	_ =	shalt  }
0x51: {  	_ =	shalt  }
0x52: {  	_ =	shalt  }
0x53: {  	_ =	shalt  }
0x54: {  	_ =	shalt  }
0x55: {  	_ =	shalt  }
0x56: {  	_ =	shalt  }
0x57: {  	_ =	shalt  }
0x58: {  	_ =	shalt  }
0x59: {  	_ =	shalt  }
0x5a: {  	_ =	shalt  }
0x5b: {  	_ =	shalt  }
0x5c: {  	_ =	shalt  }
0x5d: {  	_ =	shalt  }
0x5e: {  	_ =	shalt  }
0x5f: {  	_ =	shalt  }
0x60: {  	_ =	shalt  }
0x61: {  	_ =	shalt  }
0x62: {  	_ =	shalt  }
0x63: {  	_ =	shalt  }
0x64: {  	_ =	shalt  }
0x65: {  	_ =	shalt  }
0x66: {  	_ =	shalt  }
0x67: {  	_ =	shalt  }
0x68: {  	_ =	shalt  }
0x69: {  	_ =	shalt  }
0x6a: {  	_ =	shalt  }
0x6b: {  	_ =	shalt  }
0x6c: {  	_ =	shalt  }
0x6d: {  	_ =	shalt  }
0x6e: {  	_ =	shalt  }
0x6f: {  	_ =	shalt  }
0x70: {  	_ =	shalt  }
0x71: {  	_ =	shalt  }
0x72: {  	_ =	shalt  }
0x73: {  	_ =	shalt  }
0x74: {  	_ =	shalt  }
0x75: {  	_ =	shalt  }
0x76: {  	_ =	shalt  }
0x77: {  	_ =	shalt  }
0x78: {  	_ =	shalt  }
0x79: {  	_ =	shalt  }
0x7a: {  	_ =	shalt  }
0x7b: {  	_ =	shalt  }
0x7c: {  	_ =	shalt  }
0x7d: {  	_ =	shalt  }
0x7e: {  	_ =	shalt  }
0x7f: {  	_ =	shalt  }
0x80: {  	_ =	shalt  }
0x81: {  	_ =	shalt  }
0x82: {  	_ =	shalt  }
0x83: {  	_ =	shalt  }
0x84: {  	_ =	shalt  }
0x85: {  	_ =	shalt  }
0x86: {  	_ =	shalt  }
0x87: {  	_ =	shalt  }
.Lfunc_end0:
.L_simem_size_0:
called_computation_lowered:
.L_overlay_start_0:
0x88: {  	s2 =	sld [smem:$0x3FD9]  }
0x89: {  	s3 =	sld [smem:$0x3FFE];
	_ =	sdelay $0x1  }
0x8a: {  	s1 =	srdreg.scid  }
0x8b: {  	s0 =	sand.u32 $0x1, s1  }
0x8c: {  	s15 =	sshll.u32 s0, $0xA;
	s2 =	sadd.s32 s3, s2  }
0x8d: {  	s2 =	sadd.s32 s2, s15  }
0x8e: {  	[smem:$0x3FBC] =	sst s2  }
0x8f: {  	_ = 	snop  }
0x90: {  	s16 =	sld [smem:$0x3FD0];
	_ =	sdelay $0x2  }
0x91: {  	s4 =	simm.s32 $0xD;
	s5 =	simm.s32 $0x10;
	s2 =	sld [smem:$0x3FC9]  }
0x92: {  	[smem:s5], [sflag:s4] =	dma.local [hbm:s16], $0x1  }
0x93: {  	_ =	swait.eq [sflag:s4], $0x1  }
0x94: {  	[sflag:s4] =	ssyncset.done $0x0  }
0x95: {  	[sflag:s4] =	ssyncadd.s32 $0xFFFFFFFF  }
0x96: {  	s17 =	sld [smem:$0x11];
	(tm) =	ssettm $0x1  }
0x97: {  	s18 =	sld [smem:$0x3FFB];
	_ =	sdelay $0x3  }
0x98: {  	_ =	strace s18  }
0x99: {  	s3 =	sld [smem:$0x3FFC];
	_ =	sdelay $0x3  }
0x9a: {  	_ =	strace s3  }
0x9b: {  	s3 =	sld [smem:$0x3FFD];
	_ =	sdelay $0x3  }
0x9c: {  	_ =	strace s3  }
0x9d: {  	_ =	strace $0x8FFFFFFF  }
0x9e: {  	s19 =	sld [smem:$0x3FDB];
	_ =	sdelay $0x1  }
0x9f: {  	s20 =	simm.s32 $_scs_section_size  }
0xa0: {  	s6 =	simm.s32 $_size__tile_overlayer_lowered;
	s7 =	simm.s32 $_tile_overlayer_lowered  }
0xa1: {  	s8 =	simm.s32 $0x1BFF;
	s21 =	sshll.u32 s7, $0x1;
	s5 =	sadd.s32 s20, s19  }
0xa2: {  	s22 =	simm.s32 $0x0;
	s6 =	sshll.u32 s6, $0x1;
	s7 =	sadd.s32 s21, s5  }
0xa3: {  	[timem:s22], [sflag:s8] =	dma.local [hbm:s7], s6  }
0xa4: {  	_ =	swait.ge [sflag:s8], s6  }
0xa5: {  	s6 =	ssub.s32 $0x0, s6;
	[sflag:s8] =	ssyncset.done $0x0  }
0xa6: {  	[sflag:s8] =	ssyncadd.s32 s6;
	_ =	sdelay $0x1  }
0xa7: {  	s23 =	simm.s32 $0x1B8B  }
0xa8: {  	_ =	swait.ge [sflag:s23], $0x1  }
0xa9: {  	[sflag:s23] =	ssyncset.done $0x0  }
0xaa: {  	[sflag:s23] =	ssyncadd.s32 $0xFFFFFFFF  }
0xab: {  	s6 =	sld [smem:$0x0]  }
0xac: {  	s7 =	sand.u32 $0xFFFFFFFE, s1  }
0xad: {  	p0 =	sne.s32 s1, s7  }
0xae: {  	s7 =	sshll.u32 @p0 s7, $0xE  }
0xaf: {  	s7 =	sadd.s32 @p0 $0x11B8D, s7;
	s8 =	sshll.u32 @p0 s6, $0x11  }
0xb0: {  	s7 =	sor.u32 @p0 s8, s7  }
0xb1: {  	[sflag:s7] =	ssyncadd.remote.s32 @p0 $0x1;
	_ =	sdelay $0x1  }
0xb2: {  	s7 =	simm.s32 @p0 $0x1B8D  }
0xb3: {  	_ =	swait.eq @p0 [sflag:s7], $0x1  }
0xb4: {  	[sflag:s7] =	ssyncadd.s32 @p0 $0xFFFFFFFF  }
0xb5: {  	s8 =	sshll.u32 @!p0 s1, $0xE  }
0xb6: {  	s8 =	sor.u32 @!p0 $0x4000, s8;
	s7 =	simm.s32 @!p0 $0x1B8D  }
0xb7: {  	s6 =	sshll.u32 @!p0 s6, $0x11;
	s8 =	sadd.s32 @!p0 $0x11B8D, s8;
	_ =	swait.eq @!p0 [sflag:s7], $0x1  }
0xb8: {  	s6 =	sor.u32 @!p0 s6, s8;
	[sflag:s7] =	ssyncadd.s32 @!p0 $0xFFFFFFFF  }
0xb9: {  	s25 =	simm.s32 $0x1B8E;
	s24 =	sld [smem:$0x3FFE];
	[sflag:s6] =	ssyncadd.remote.s32 @!p0 $0x1  }
0xba: {  	s26 =	simm.s32 $execute0_lowered;
	[smem:$0x3FD2] =	sst s25  }
0xbb: {  	s7 =	sshll.u32 s26, $0x1;
	_ =	strace $0x80000049;
	[dreg:$0x1] =	wrdreg $0xFFFFFFFF  }
0xbc: {  	s28 =	simm.s32 $_size_execute0_lowered;
	s5 =	sadd.s32 s5, s7;
	[dreg:$0x0] =	wrdreg $0x0  }
0xbd: {  	s7 =	sshll.u32 s28, $0x1;
	[dreg:$0x2] =	wrdreg s5  }
0xbe: {  	[dreg:$0x3] =	wrdreg s7  }
0xbf: {  	[dreg:$0x4] =	wrdreg $0xC0  }
0xc0: {  	_ =	task [dreg:s22], $0x5FFFF  }
0xc1: {  	[dreg:$0x1] =	wrdreg $0xFFFFFFFF  }
0xc2: {  	[dreg:$0x0] =	wrdreg $0x60  }
0xc3: {  	[dreg:$0x2] =	wrdreg s2  }
0xc4: {  	[dreg:$0x3] =	wrdreg s17  }
0xc5: {  	[dreg:$0x4] =	wrdreg s24  }
0xc6: {  	[dreg:$0x5] =	wrdreg $0xA  }
0xc7: {  	_ =	task.clear_ibuf [dreg:s22], $0x6FFFF;
	_ =	strace $0x90000049  }
0xc8: {  	s29 =	simm.s32 $0xA;
	_ =	strace $0x8000004B  }
0xc9: {  	_ =	swait.ge [sflag:s29], $0x1  }
0xca: {  	[sflag:s29] =	ssyncadd.s32 $0xFFFFFFFF  }
0xcb: {  	_ =	strace $0x9000004B  }
0xcc: {  	_ =	sfence  }
0xcd: {  	s30 =	sld [smem:$0x0];
	_ =	sdelay $0x2  }
0xce: {  	s31 =	sshll.u32 s1, $0xD;
	s1 =	sshrl.u32 s1, $0x2  }
0xcf: {  	s4 =	sand.u32 $0x4000, s31;
	s1 =	sadd.s32 s1, s30  }
0xd0: {  	s0 =	sor.u32 s4, s0;
	s1 =	sshll.u32 s1, $0x11  }
0xd1: {  	s0 =	sor.u32 s1, s0  }
0xd2: {  	s0 =	sadd.s32 $0x8F2B, s0  }
0xd3: {  	[sflag:s0] =	ssyncadd.remote.s32 $0x1  }
0xd4: {  	_ =	sfence.sel $0xFFFF  }
0xd5: {  	[dreg:$0x0] =	wrdreg $0xFFFFFFFF;
	(pc) =	sbr.abs _section_cstart, $3  }
0xd6: {  	[dreg:$0x1] =	wrdreg $0xFFFFFFFF  }
0xd7: {  	_ =	task.clear_ibuf [dreg:s22], $0x2FFFF;
	_ =	strace $0x9FFFFFFF  }
0xd8: {  	(tm) =	ssettm $0x7FFFFFFF  }
0xd9: {  	_ =	shalt  }
tec
execute0_lowered:
.L_overlay_start_1:
0x0: {  	(tag) =	ssettag $0x1  }
0x1: {  	s1 =	rddreg [dreg:$0x0]  }
0x2: {  	s4 =	rddreg [dreg:$0x1]  }
0x3: {  	s2 =	srdreg.scid;
	s0 =	stileid.u32  }
0x4: {  	s5 =	rddreg [dreg:$0x2];
	s3 =	simm.s32 $0x0;
	s12 =	simm.s32 $0x9000  }
0x5: {  	s13 =	simm.s32 $0xB800;
	s14 =	simm.s32 $0x1;
	s15 =	simm.s32 $0x2  }
0x6: {  	s16 =	simm.s32 $0x3;
	s17 =	simm.s32 $0x4;
	s18 =	simm.s32 $0x5  }
0x7: {  	s19 =	simm.s32 $0x3E00;
	s6 =	sand.u32 $0x1, s2;
	s2 =	rddreg [dreg:$0x3]  }
0x8: {  	s20 =	simm.s32 $0x0;
	s7 =	sshll.u32 s0, $0x1;
	[smem:$0x7FF] =	sst s3  }
0x9: {  	s10 =	sadd.s32 $0x4F6200, s5;
	s30 =	smul.u32 $0x4E200, s0;
	s7 =	sor.u32 s6, s7  }
0xa: {  	s8 =	ssub.s32 $0x2, s6;
	_ =	strace $0x8000004A;
	s11 =	smul.u32 $0x27100, s6  }
0xb: {  	s9 =	smul.u32 $0x138800, s7;
	s28 =	sshrl.u32 s8, $0x1;
	s7 =	sshll.u32 s7, $0xB  }
0xc: {  	s31 =	sadd.s32 s30, s10;
	s8 =	ssub.s32 s8, s28;
	s4 =	sadd.s32 s4, s7  }
0xd: {  	s7 =	sadd.s32 s11, s31;
	s11 =	simm.s32 $0x6800;
	s29 =	sshrl.u32 s9, $0x3  }
0xe: {  	s6 =	smax.u32 s8, $0x1;
	s8 =	simm.s32 $0x6;
	s5 =	sadd.s32 s10, s29  }
0xf: {  	s9 =	simm.s32 $0x50;
	s10 =	simm.s32 $0x4000;
	s5 =	sadd.s32 $0x26C00, s5  }
.LBB2_1:
0x10: {  	[tilespmem:s3], [sflag:$0x6] =	stream.linear.gather [hbm4b:s4+s3], $0x3E80, $0x38;
	[tilespmem:$0xE000] =	vst v63  }
0x11: {  	_ =	swait.ge [sflag:s8], $0x3E80  }
0x12: {  	[sflag:s8] =	ssyncset.done $0x0  }
0x13: {  	[sflag:s8] =	ssyncadd.s32 $0xFFFFC180  }
0x14: {  	[tilespmem:s10], [sflag:$0x1] =	stream.indirect.gather [hbm4b:s1+s9], $0x80, s3, s9, $0xb8;
	[tilespmem:$0xE000] =	vst v63  }
0x15: {  	s21 =	simm.s32 $0x80  }
0x16: {  	[tilespmem:s11], [sflag:$0x2] =	stream.indirect.gather [hbm4b:s1+s9], $0x80, s21, s9, $0xb8;
	[tilespmem:$0xE000] =	vst v63  }
0x17: {  	s28 =	simm.s32 $0x100  }
0x18: {  	[tilespmem:s12], [sflag:$0x3] =	stream.indirect.gather [hbm4b:s1+s9], $0x80, s28, s9, $0xb8;
	[tilespmem:$0xE000] =	vst v63  }
0x19: {  	s29 =	simm.s32 $0x180  }
0x1a: {  	[tilespmem:s13], [sflag:$0x4] =	stream.indirect.gather [hbm4b:s1+s9], $0x80, s29, s9, $0xb8;
	[tilespmem:$0xE000] =	vst v63  }
0x1b: {  	_ =	swait.ge [sflag:s14], $0x2800  }
0x1c: {  	[sflag:s14] =	ssyncset.done $0x0  }
0x1d: {  	s30 =	sadd.s32 $0x0, s7;
	[sflag:s14] =	ssyncadd.s32 $0xFFFFD800  }
0x1e: {  	[hbm4b:s30+s3] =	stream.linear.scatter [tilespmem:s10], [sflag:$0x5], $0x2800, $0x38;
	[tilespmem:$0xE000] =	vst v63  }
0x1f: {  	_ =	swait.ge [sflag:s15], $0x2800  }
0x20: {  	[sflag:s15] =	ssyncset.done $0x0  }
0x21: {  	s22 =	sadd.s32 $0x500, s30;
	[sflag:s15] =	ssyncadd.s32 $0xFFFFD800  }
0x22: {  	[hbm4b:s22+s3] =	stream.linear.scatter [tilespmem:s11], [sflag:$0x5], $0x2800, $0x38;
	[tilespmem:$0xE000] =	vst v63  }
0x23: {  	_ =	swait.ge [sflag:s16], $0x2800  }
0x24: {  	[sflag:s16] =	ssyncset.done $0x0  }
0x25: {  	s31 =	sadd.s32 $0xA00, s30;
	[sflag:s16] =	ssyncadd.s32 $0xFFFFD800  }
0x26: {  	[hbm4b:s31+s3] =	stream.linear.scatter [tilespmem:s12], [sflag:$0x5], $0x2800, $0x38;
	[tilespmem:$0xE000] =	vst v63  }
0x27: {  	_ =	swait.ge [sflag:s17], $0x2800  }
0x28: {  	[sflag:s17] =	ssyncset.done $0x0  }
0x29: {  	s21 =	sadd.s32 $0xF00, s30;
	[sflag:s17] =	ssyncadd.s32 $0xFFFFD800  }
0x2a: {  	[hbm4b:s21+s3] =	stream.linear.scatter [tilespmem:s13], [sflag:$0x5], $0x2800, $0x38;
	[tilespmem:$0xE000] =	vst v63  }
0x2b: {  	_ =	swait.ge [sflag:s18], $0x2800  }
0x2c: {  	[sflag:s18] =	ssyncset.done $0x0  }
0x2d: {  	[sflag:s18] =	ssyncadd.s32 $0xFFFFD800  }
0x2e: {  	_ =	swait.ge [sflag:s18], $0x2800  }
0x2f: {  	[sflag:s18] =	ssyncset.done $0x0  }
0x30: {  	[sflag:s18] =	ssyncadd.s32 $0xFFFFD800  }
0x31: {  	_ =	swait.ge [sflag:s18], $0x2800  }
0x32: {  	[sflag:s18] =	ssyncset.done $0x0  }
0x33: {  	[sflag:s18] =	ssyncadd.s32 $0xFFFFD800  }
0x34: {  	_ =	swait.ge [sflag:s18], $0x2800  }
0x35: {  	s22 =	simm.s32 $0x0;
	s21 =	simm.s32 $0x1400;
	[sflag:s18] =	ssyncset.done $0x0  }
.LBB2_2:
0x36: {  	p0 =	sne.s32 s21, $0x25800;
	[sflag:s18] =	ssyncadd.s32 $0xFFFFD800;
	s22 =	sadd.s32 $0x200, s22  }
0x37: {  	[tilespmem:s10], [sflag:$0x1] =	stream.indirect.gather [hbm4b:s1+s9], $0x80, s22, s9, $0xb8;
	[tilespmem:$0xE000] =	vst v63  }
0x38: {  	s24 =	smov.u32 s21;
	s21 =	sadd.s32 $0x1400, s21;
	s23 =	sadd.s32 $0x80, s22  }
0x39: {  	[tilespmem:s11], [sflag:$0x2] =	stream.indirect.gather [hbm4b:s1+s9], $0x80, s23, s9, $0xb8;
	[tilespmem:$0xE000] =	vst v63  }
0x3a: {  	s23 =	sadd.s32 $0x100, s22  }
0x3b: {  	[tilespmem:s12], [sflag:$0x3] =	stream.indirect.gather [hbm4b:s1+s9], $0x80, s23, s9, $0xb8;
	[tilespmem:$0xE000] =	vst v63  }
0x3c: {  	s23 =	sadd.s32 $0x180, s22  }
0x3d: {  	[tilespmem:s13], [sflag:$0x4] =	stream.indirect.gather [hbm4b:s1+s9], $0x80, s23, s9, $0xb8;
	[tilespmem:$0xE000] =	vst v63  }
0x3e: {  	_ =	swait.ge [sflag:s14], $0x2800  }
0x3f: {  	[sflag:s14] =	ssyncset.done $0x0  }
0x40: {  	s23 =	sadd.s32 s24, s7;
	[sflag:s14] =	ssyncadd.s32 $0xFFFFD800  }
0x41: {  	[hbm4b:s23+s3] =	stream.linear.scatter [tilespmem:s10], [sflag:$0x5], $0x2800, $0x38;
	[tilespmem:$0xE000] =	vst v63  }
0x42: {  	_ =	swait.ge [sflag:s15], $0x2800  }
0x43: {  	[sflag:s15] =	ssyncset.done $0x0  }
0x44: {  	s24 =	sadd.s32 $0x500, s23;
	[sflag:s15] =	ssyncadd.s32 $0xFFFFD800  }
0x45: {  	[hbm4b:s24+s3] =	stream.linear.scatter [tilespmem:s11], [sflag:$0x5], $0x2800, $0x38;
	[tilespmem:$0xE000] =	vst v63  }
0x46: {  	_ =	swait.ge [sflag:s16], $0x2800  }
0x47: {  	[sflag:s16] =	ssyncset.done $0x0  }
0x48: {  	s24 =	sadd.s32 $0xA00, s23;
	[sflag:s16] =	ssyncadd.s32 $0xFFFFD800  }
0x49: {  	[hbm4b:s24+s3] =	stream.linear.scatter [tilespmem:s12], [sflag:$0x5], $0x2800, $0x38;
	[tilespmem:$0xE000] =	vst v63  }
0x4a: {  	_ =	swait.ge [sflag:s17], $0x2800  }
0x4b: {  	[sflag:s17] =	ssyncset.done $0x0  }
0x4c: {  	s23 =	sadd.s32 $0xF00, s23;
	[sflag:s17] =	ssyncadd.s32 $0xFFFFD800  }
0x4d: {  	[hbm4b:s23+s3] =	stream.linear.scatter [tilespmem:s13], [sflag:$0x5], $0x2800, $0x38;
	[tilespmem:$0xE000] =	vst v63  }
0x4e: {  	_ =	swait.ge [sflag:s18], $0x2800  }
0x4f: {  	[sflag:s18] =	ssyncset.done $0x0  }
0x50: {  	[sflag:s18] =	ssyncadd.s32 $0xFFFFD800  }
0x51: {  	_ =	swait.ge [sflag:s18], $0x2800  }
0x52: {  	[sflag:s18] =	ssyncset.done $0x0  }
0x53: {  	[sflag:s18] =	ssyncadd.s32 $0xFFFFD800  }
.Ltmp0:
0x54: {  	_ =	swait.ge [sflag:s18], $0x2800;
	(pc) =	sbr.rel @p0 .LBB2_2-.Ltmp0, $4  }
0x55: {  	[sflag:s18] =	ssyncset.done $0x0  }
0x56: {  	[sflag:s18] =	ssyncadd.s32 $0xFFFFD800  }
0x57: {  	_ =	swait.ge [sflag:s18], $0x2800  }
0x58: {  	[sflag:s18] =	ssyncset.done $0x0  }
0x59: {  	[sflag:s18] =	ssyncadd.s32 $0xFFFFD800  }
0x5a: {  	[tilespmem:s10], [sflag:$0x1] =	stream.indirect.gather [hbm4b:s1+s9], $0x80, s19, s9, $0xb8;
	[tilespmem:$0xE000] =	vst v63  }
0x5b: {  	s20 =	sadd.s32 $0x1, s20;
	_ =	swait.ge [sflag:s14], $0x2800  }
0x5c: {  	p0 =	sne.s32 s20, s6;
	[sflag:s14] =	ssyncset.done $0x0  }
.Ltmp1:
0x5d: {  	[sflag:s14] =	ssyncadd.s32 $0xFFFFD800;
	(pc) =	sbr.rel @p0 .LBB2_1-.Ltmp1, $4  }
0x5e: {  	[hbm4b:s5+s3] =	stream.linear.scatter [tilespmem:s10], [sflag:$0x6], $0x2800, $0x38;
	[tilespmem:$0xE000] =	vst v63  }
0x5f: {  	_ =	swait.ge [sflag:s8], $0x2800  }
0x60: {  	[sflag:s8] =	ssyncset.done $0x0  }
0x61: {  	[sflag:s8] =	ssyncadd.s32 $0xFFFFD800  }
0x62: {  	_ =	sfence.sel $0x180000  }
0x63: {  	[bflag:$0x0] =	sbarrier.arrive $0xFFFF  }
0x64: {  	p0 =	sne.s32 s0, $0x0;
	_ =	strace $0x9000004A  }
0x65: {  	s0 =	sadd.s32 @!p0 $0x100000, s2;
	[bflag:$0x2] =	sbarrier.arrive $0xFFFF  }
0x66: {  	[sflag:s0] =	ssyncadd.tile.s32 @!p0 $0x1;
	_ =	shalt  }
.Lfunc_end2:
_tile_overlayer_lowered:
.L_overlay_start_2:
0x67: {  	(tag) =	ssettag $0x2  }
0x68: {  	s0 =	rddreg [dreg:$0x0];
	s2 =	stileid.u32  }
0x69: {  	s1 =	rddreg [dreg:$0x1];
	p0 =	sne.s32 s2, $0x0  }
0x6a: {  	s3 =	rddreg [dreg:$0x2];
	[bflag:$0x3] =	sbarrier.arrive $0xFFFF;
	s2 =	simm.s32 @!p0 $0x1C06  }
0x6b: {  	[timem:s3], [sflag:s2] =	dma.local @!p0 [hbm:s0], s1  }
0x6c: {  	s0 =	simm.s32 @!p0 $0x6  }
0x6d: {  	_ =	swait.ge @!p0 [sflag:s0], s1  }
0x6e: {  	s1 =	ssub.s32 @!p0 $0x0, s1;
	[sflag:s0] =	ssyncset.done @!p0 $0x0  }
0x6f: {  	[sflag:s0] =	ssyncadd.s32 @!p0 s1  }
0x70: {  	[bflag:$0x3] =	sbarrier.arrive $0xFFFF  }
0x71: {  	_ =	shalt  }

// kernel: kernel.17.cloned.1.call-start
scs
__scs_entry_jumppad:
0x0: {  	(pc) =	sbr.rel $0x88, $3  }
0x1: {  	(tag) =	ssettag $0x0;
	lr =	simm.s32 $0x1  }
0x2: {  	[smem:$0x3F95] =	sst lr;
	_ =	strace $0xD0000000  }
0x3: {  	_ = 	snop  }
0x4: {  	_ = 	snop  }
0x5: {  	_ = 	snop  }
0x6: {  	_ = 	snop  }
0x7: {  	_ = 	snop  }
__scs_overlays_trampoline_lowered:
0x8: {  	[smem:$0x3FA4] =	sst s0  }
0x9: {  	[smem:$0x3FA5] =	sst s1  }
0xa: {  	[smem:$0x3FA6] =	sst s2  }
0xb: {  	[smem:$0x3FA7] =	sst s3  }
0xc: {  	[smem:$0x3FA8] =	sst s4  }
0xd: {  	[smem:$0x3FA9] =	sst s5  }
0xe: {  	[smem:$0x3FAA] =	sst s6  }
0xf: {  	[smem:$0x3FAB] =	sst s7  }
0x10: {  	[smem:$0x3FAC] =	sst s8  }
0x11: {  	[smem:$0x3FAD] =	sst s9;
	s0 =	simm.s32 @!p0 $0x0  }
0x12: {  	s1 =	sld [smem:$0x3F93];
	s0 =	simm.s32 @p0 $0x1  }
0x13: {  	[smem:$0x3FAE] =	sst s0;
	s0 =	simm.s32 @!p1 $0x0  }
0x14: {  	s2 =	sld [smem:$0x3F92];
	s0 =	simm.s32 @p1 $0x1  }
0x15: {  	[smem:$0x3FAF] =	sst s0;
	s0 =	simm.s32 @!p2 $0x0  }
0x16: {  	s3 =	sld [smem:$0x3FDB];
	s0 =	simm.s32 @p2 $0x1  }
0x17: {  	s4 =	simm.s32 $0x1BF5;
	[smem:$0x3FB1] =	sst s0  }
0x18: {  	s0 =	sld [smem:$0x3F94];
	_ =	swait.ge [sflag:s4], $0x0  }
0x19: {  	s7 =	sld [smem:$0x3F95]  }
0x1a: {  	s8 =	sadd.s32 $0xFFFFE003, lr  }
0x1b: {  	s9 =	sadd.s32 $0xFFFFFEF7, lr;
	s5 =	simm.s32 $0xFFFFFFFF;
	p2 =	slt.u32 s8, $0xFFFFF086  }
0x1c: {  	p1 =	slt.u32 s9, $0xF7A;
	s5 =	simm.s32 @!p2 $0x0  }
0x1d: {  	s5 =	simm.s32 @p1 $0x1;
	p0 =	seq.s32 s7, s2  }
0x1e: {  	s7 =	smul.u32 @!p0 $0xF7A, s2;
	p2 =	seq.s32 @!p0 s5, $0x0  }
0x1f: {  	s9 =	smul.u32 $0xF7A, s1;
	s8 =	simm.s32 @!p0 $0x1BF5;
	p2 =	por !p2, p0  }
0x20: {  	[sflag:s8] =	ssyncset.s32 @!p0 $0xFFFFF086;
	s6 =	sadd.s32 @!p0 s3, s7;
	s7 =	simm.s32 @!p0 $0x108  }
0x21: {  	s3 =	sadd.s32 s3, s9;
	s6 =	sadd.s32 @!p0 $0x88, s6;
	s7 =	simm.s32 @p2 $0x1082  }
0x22: {  	[simem:s7], [sflag:s8] =	dma.local @!p0 [hbm:s6], $0xF7A  }
0x23: {  	s9 =	sor.u32 $0xD0000000, s2;
	s6 =	simm.s32 $0x108;
	_ =	swait.ge @!p0 [sflag:s8], $0x0  }
0x24: {  	s3 =	sadd.s32 $0x88, s3;
	s6 =	simm.s32 @!p1 $0x1082;
	[sflag:s4] =	ssyncset.s32 $0xFFFFF086  }
0x25: {  	[simem:s6], [sflag:s4] =	dma.local [hbm:s3], $0xF7A  }
0x26: {  	[smem:$0x3F95] =	sst s1;
	(tag) =	ssettag s2;
	_ =	strace s9  }
0x27: {  	s1 =	sld [smem:$0x3FA5]  }
0x28: {  	s2 =	sld [smem:$0x3FA6]  }
0x29: {  	s4 =	sld [smem:$0x3FA8]  }
0x2a: {  	p0 =	seq.s32 s5, $0x0;
	s5 =	sld [smem:$0x3FA9]  }
0x2b: {  	s6 =	sld [smem:$0x3FAA]  }
0x2c: {  	s7 =	sld [smem:$0x3FAB]  }
0x2d: {  	s3 =	simm.s32 $0x108;
	s8 =	sld [smem:$0x3FAC]  }
0x2e: {  	s3 =	simm.s32 @!p0 $0x1082;
	s9 =	sld [smem:$0x3FAD]  }
0x2f: {  	lr =	sadd.s32 s0, s3;
	s0 =	sld [smem:$0x3FA4]  }
0x30: {  	s3 =	sld [smem:$0x3FA7]  }
0x31: {  	[smem:$0x3FB0] =	sst s10  }
0x32: {  	s10 =	sld [smem:$0x3FAE];
	_ =	sdelay $0x3  }
0x33: {  	p0 =	seq.s32 s10, $0x1;
	s10 =	sld [smem:$0x3FB0];
	_ =	sdelay $0x3  }
0x34: {  	[smem:$0x3FB0] =	sst s10  }
0x35: {  	s10 =	sld [smem:$0x3FAF];
	_ =	sdelay $0x3  }
0x36: {  	p1 =	seq.s32 s10, $0x1;
	s10 =	sld [smem:$0x3FB0];
	_ =	sdelay $0x3  }
0x37: {  	[smem:$0x3FB0] =	sst s10  }
0x38: {  	s10 =	sld [smem:$0x3FB1]  }
0x39: {  	_ = 	snop;
	(pc) =	sbr.ind lr, $3  }
0x3a: {  	_ = 	snop  }
0x3b: {  	_ = 	snop  }
0x3c: {  	p2 =	seq.s32 s10, $0x1;
	s10 =	sld [smem:$0x3FB0]  }
0x3d: {  	_ =	shalt  }
0x3e: {  	_ =	shalt  }
0x3f: {  	_ =	shalt  }
0x40: {  	_ =	shalt  }
0x41: {  	_ =	shalt  }
0x42: {  	_ =	shalt  }
0x43: {  	_ =	shalt  }
0x44: {  	_ =	shalt  }
0x45: {  	_ =	shalt  }
0x46: {  	_ =	shalt  }
0x47: {  	_ =	shalt  }
0x48: {  	_ =	shalt  }
0x49: {  	_ =	shalt  }
0x4a: {  	_ =	shalt  }
0x4b: {  	_ =	shalt  }
0x4c: {  	_ =	shalt  }
0x4d: {  	_ =	shalt  }
0x4e: {  	_ =	shalt  }
0x4f: {  	_ =	shalt  }
0x50: {  	_ =	shalt  }
0x51: {  	_ =	shalt  }
0x52: {  	_ =	shalt  }
0x53: {  	_ =	shalt  }
0x54: {  	_ =	shalt  }
0x55: {  	_ =	shalt  }
0x56: {  	_ =	shalt  }
0x57: {  	_ =	shalt  }
0x58: {  	_ =	shalt  }
0x59: {  	_ =	shalt  }
0x5a: {  	_ =	shalt  }
0x5b: {  	_ =	shalt  }
0x5c: {  	_ =	shalt  }
0x5d: {  	_ =	shalt  }
0x5e: {  	_ =	shalt  }
0x5f: {  	_ =	shalt  }
0x60: {  	_ =	shalt  }
0x61: {  	_ =	shalt  }
0x62: {  	_ =	shalt  }
0x63: {  	_ =	shalt  }
0x64: {  	_ =	shalt  }
0x65: {  	_ =	shalt  }
0x66: {  	_ =	shalt  }
0x67: {  	_ =	shalt  }
0x68: {  	_ =	shalt  }
0x69: {  	_ =	shalt  }
0x6a: {  	_ =	shalt  }
0x6b: {  	_ =	shalt  }
0x6c: {  	_ =	shalt  }
0x6d: {  	_ =	shalt  }
0x6e: {  	_ =	shalt  }
0x6f: {  	_ =	shalt  }
0x70: {  	_ =	shalt  }
0x71: {  	_ =	shalt  }
0x72: {  	_ =	shalt  }
0x73: {  	_ =	shalt  }
0x74: {  	_ =	shalt  }
0x75: {  	_ =	shalt  }
0x76: {  	_ =	shalt  }
0x77: {  	_ =	shalt  }
0x78: {  	_ =	shalt  }
0x79: {  	_ =	shalt  }
0x7a: {  	_ =	shalt  }
0x7b: {  	_ =	shalt  }
0x7c: {  	_ =	shalt  }
0x7d: {  	_ =	shalt  }
0x7e: {  	_ =	shalt  }
0x7f: {  	_ =	shalt  }
0x80: {  	_ =	shalt  }
0x81: {  	_ =	shalt  }
0x82: {  	_ =	shalt  }
0x83: {  	_ =	shalt  }
0x84: {  	_ =	shalt  }
0x85: {  	_ =	shalt  }
0x86: {  	_ =	shalt  }
0x87: {  	_ =	shalt  }
.Lfunc_end0:
.L_simem_size_0:
called_computation.1_lowered:
.L_overlay_start_0:
0x88: {  	s2 =	sld [smem:$0x3FD9]  }
0x89: {  	s3 =	sld [smem:$0x3FFE];
	_ =	sdelay $0x1  }
0x8a: {  	s1 =	srdreg.scid  }
0x8b: {  	s0 =	sand.u32 $0x1, s1  }
0x8c: {  	s15 =	sshll.u32 s0, $0xA;
	s2 =	sadd.s32 s3, s2  }
0x8d: {  	s2 =	sadd.s32 s2, s15  }
0x8e: {  	[smem:$0x3FBC] =	sst s2  }
0x8f: {  	_ = 	snop  }
0x90: {  	s2 =	sld [smem:$0x3FD0];
	_ =	sdelay $0x2  }
0x91: {  	s16 =	simm.s32 $0xD;
	s4 =	simm.s32 $0x10  }
0x92: {  	[smem:s4], [sflag:s16] =	dma.local [hbm:s2], $0x1  }
0x93: {  	_ =	swait.eq [sflag:s16], $0x1  }
0x94: {  	[sflag:s16] =	ssyncset.done $0x0  }
0x95: {  	[sflag:s16] =	ssyncadd.s32 $0xFFFFFFFF  }
0x96: {  	s17 =	sld [smem:$0x10];
	(tm) =	ssettm $0x1  }
0x97: {  	s18 =	sld [smem:$0x3FFB];
	_ =	sdelay $0x3  }
0x98: {  	_ =	strace s18  }
0x99: {  	s2 =	sld [smem:$0x3FFC];
	_ =	sdelay $0x3  }
0x9a: {  	_ =	strace s2  }
0x9b: {  	s2 =	sld [smem:$0x3FFD];
	_ =	sdelay $0x3  }
0x9c: {  	_ =	strace s2  }
0x9d: {  	_ =	strace $0x8FFFFFFF  }
0x9e: {  	s19 =	sld [smem:$0x3FDB];
	_ =	sdelay $0x1  }
0x9f: {  	s20 =	simm.s32 $_scs_section_size  }
0xa0: {  	s5 =	simm.s32 $_size__tile_overlayer_lowered;
	s6 =	simm.s32 $_tile_overlayer_lowered  }
0xa1: {  	s7 =	simm.s32 $0x1BFF;
	s21 =	sshll.u32 s6, $0x1;
	s4 =	sadd.s32 s20, s19  }
0xa2: {  	s22 =	simm.s32 $0x0;
	s5 =	sshll.u32 s5, $0x1;
	s6 =	sadd.s32 s21, s4  }
0xa3: {  	[timem:s22], [sflag:s7] =	dma.local [hbm:s6], s5  }
0xa4: {  	_ =	swait.ge [sflag:s7], s5  }
0xa5: {  	s5 =	ssub.s32 $0x0, s5;
	[sflag:s7] =	ssyncset.done $0x0  }
0xa6: {  	[sflag:s7] =	ssyncadd.s32 s5;
	_ =	sdelay $0x1  }
0xa7: {  	s23 =	simm.s32 $0x1B8B  }
0xa8: {  	_ =	swait.ge [sflag:s23], $0x1  }
0xa9: {  	[sflag:s23] =	ssyncset.done $0x0  }
0xaa: {  	[sflag:s23] =	ssyncadd.s32 $0xFFFFFFFF  }
0xab: {  	s5 =	sld [smem:$0x0]  }
0xac: {  	s6 =	sand.u32 $0xFFFFFFFE, s1  }
0xad: {  	p0 =	sne.s32 s1, s6  }
0xae: {  	s6 =	sshll.u32 @p0 s6, $0xE  }
0xaf: {  	s6 =	sadd.s32 @p0 $0x11B8D, s6;
	s7 =	sshll.u32 @p0 s5, $0x11  }
0xb0: {  	s6 =	sor.u32 @p0 s7, s6  }
0xb1: {  	[sflag:s6] =	ssyncadd.remote.s32 @p0 $0x1;
	_ =	sdelay $0x1  }
0xb2: {  	s6 =	simm.s32 @p0 $0x1B8D  }
0xb3: {  	_ =	swait.eq @p0 [sflag:s6], $0x1  }
0xb4: {  	[sflag:s6] =	ssyncadd.s32 @p0 $0xFFFFFFFF  }
0xb5: {  	s7 =	sshll.u32 @!p0 s1, $0xE  }
0xb6: {  	s7 =	sor.u32 @!p0 $0x4000, s7;
	s6 =	simm.s32 @!p0 $0x1B8D  }
0xb7: {  	s5 =	sshll.u32 @!p0 s5, $0x11;
	s7 =	sadd.s32 @!p0 $0x11B8D, s7;
	_ =	swait.eq @!p0 [sflag:s6], $0x1  }
0xb8: {  	s5 =	sor.u32 @!p0 s5, s7;
	[sflag:s6] =	ssyncadd.s32 @!p0 $0xFFFFFFFF  }
0xb9: {  	s25 =	simm.s32 $0x1B8E;
	s24 =	sld [smem:$0x3FFE];
	[sflag:s5] =	ssyncadd.remote.s32 @!p0 $0x1  }
0xba: {  	s26 =	simm.s32 $execute0_lowered;
	[smem:$0x3FD2] =	sst s25  }
0xbb: {  	s6 =	sshll.u32 s26, $0x1;
	_ =	strace $0x80000055;
	[dreg:$0x1] =	wrdreg $0xFFFFFFFF  }
0xbc: {  	s28 =	simm.s32 $_size_execute0_lowered;
	s4 =	sadd.s32 s4, s6;
	[dreg:$0x0] =	wrdreg $0x0  }
0xbd: {  	s6 =	sshll.u32 s28, $0x1;
	[dreg:$0x2] =	wrdreg s4  }
0xbe: {  	[dreg:$0x3] =	wrdreg s6  }
0xbf: {  	[dreg:$0x4] =	wrdreg $0xC0  }
0xc0: {  	_ =	task [dreg:s22], $0x5FFFF  }
0xc1: {  	[dreg:$0x1] =	wrdreg $0xFFFFFFFF  }
0xc2: {  	[dreg:$0x0] =	wrdreg $0x60  }
0xc3: {  	[dreg:$0x2] =	wrdreg s24  }
0xc4: {  	[dreg:$0x3] =	wrdreg s17  }
0xc5: {  	[dreg:$0x4] =	wrdreg $0xB8000  }
0xc6: {  	[dreg:$0x5] =	wrdreg $0xA  }
0xc7: {  	_ =	task.clear_ibuf [dreg:s22], $0x6FFFF;
	_ =	strace $0x90000055  }
0xc8: {  	s29 =	simm.s32 $0xA;
	_ =	strace $0x80000057  }
0xc9: {  	_ =	swait.ge [sflag:s29], $0x1  }
0xca: {  	[sflag:s29] =	ssyncadd.s32 $0xFFFFFFFF  }
0xcb: {  	_ =	strace $0x90000057  }
0xcc: {  	_ =	sfence  }
0xcd: {  	s30 =	sld [smem:$0x0];
	_ =	sdelay $0x2  }
0xce: {  	s31 =	sshll.u32 s1, $0xD;
	s1 =	sshrl.u32 s1, $0x2  }
0xcf: {  	s4 =	sand.u32 $0x4000, s31;
	s1 =	sadd.s32 s1, s30  }
0xd0: {  	s0 =	sor.u32 s4, s0;
	s1 =	sshll.u32 s1, $0x11  }
0xd1: {  	s0 =	sor.u32 s1, s0  }
0xd2: {  	s0 =	sadd.s32 $0x8F2B, s0  }
0xd3: {  	[sflag:s0] =	ssyncadd.remote.s32 $0x1  }
0xd4: {  	_ =	sfence.sel $0xFFFF  }
0xd5: {  	[dreg:$0x0] =	wrdreg $0xFFFFFFFF;
	(pc) =	sbr.abs _section_cstart, $3  }
0xd6: {  	[dreg:$0x1] =	wrdreg $0xFFFFFFFF  }
0xd7: {  	_ =	task.clear_ibuf [dreg:s22], $0x2FFFF;
	_ =	strace $0x9FFFFFFF  }
0xd8: {  	(tm) =	ssettm $0x7FFFFFFF  }
0xd9: {  	_ =	shalt  }
tec
execute0_lowered:
.L_overlay_start_1:
0x0: {  	(tag) =	ssettag $0x1  }
0x1: {  	s0 =	rddreg [dreg:$0x0]  }
0x2: {  	s18 =	rddreg [dreg:$0x1];
	s19 =	stileid.u32  }
0x3: {  	s2 =	rddreg [dreg:$0x2];
	s7 =	smul.u32 $0x138800, s19  }
0x4: {  	s1 =	srdreg.scid;
	s4 =	simm.s32 $0x0;
	s10 =	smul.u32 $0x14000, s19  }
0x5: {  	s1 =	sand.u32 $0x1, s1;
	s5 =	sshll.u32 s19, $0xB;
	s29 =	smul.u32 $0x50000, s19  }
0x6: {  	s8 =	sadd.s32 $0xF1B800, s0;
	[smem:$0x7FF] =	sst s4;
	s3 =	smul.u32 $0x1388000, s1  }
0x7: {  	s6 =	ssub.s32 $0x2, s1;
	s5 =	sadd.s32 s5, s0;
	s0 =	sadd.s32 $0xB4400, s0  }
0x8: {  	s13 =	sshll.u32 s1, $0xF;
	s1 =	smul.u32 $0x140000, s1;
	s9 =	sshrl.u32 s6, $0x1  }
0x9: {  	s5 =	sadd.s32 s13, s5;
	s11 =	sadd.s32 $0x7800, s10;
	s12 =	sadd.s32 $0xA000, s10  }
0xa: {  	s13 =	sadd.s32 $0xC800, s10;
	s16 =	sadd.s32 $0xF000, s10;
	s6 =	ssub.s32 s6, s9  }
0xb: {  	s3 =	sadd.s32 s7, s3;
	s7 =	sor.u32 $0x2800, s10;
	s9 =	sadd.s32 $0x5000, s10  }
0xc: {  	s20 =	sadd.s32 s1, s11;
	s23 =	sadd.s32 s1, s13;
	s24 =	sadd.s32 s1, s16  }
0xd: {  	s14 =	sshrl.u32 s3, $0x3;
	s15 =	sadd.s32 s1, s7;
	s17 =	sadd.s32 s1, s9  }
0xe: {  	s26 =	sadd.s32 $0x5000, s3;
	s30 =	sadd.s32 s14, s8;
	s14 =	sadd.s32 s1, s10  }
0xf: {  	s28 =	sadd.s32 $0x2800, s3;
	s19 =	sadd.s32 s7, s2;
	s14 =	sshrl.u32 s14, $0x3  }
0x10: {  	s7 =	simm.s32 $0x5;
	s15 =	sshrl.u32 s15, $0x3;
	s14 =	sadd.s32 s0, s14  }
0x11: {  	s10 =	sadd.s32 $0x11800, s10;
	[dreg:$0x4] =	wrdreg s14;
	s14 =	sadd.s32 s0, s15  }
0x12: {  	s15 =	sshrl.u32 s20, $0x3;
	s20 =	sadd.s32 s9, s2;
	s9 =	simm.s32 $0x6800  }
0x13: {  	[dreg:$0x5] =	wrdreg s14;
	s14 =	sshrl.u32 s17, $0x3;
	s17 =	sadd.s32 s1, s12  }
0x14: {  	s21 =	sadd.s32 s0, s15;
	s15 =	sshrl.u32 s24, $0x3;
	s1 =	sadd.s32 s1, s10  }
0x15: {  	s24 =	sadd.s32 s16, s2;
	s16 =	sadd.s32 $0xA00, s18;
	s14 =	sadd.s32 s0, s14  }
0x16: {  	[dreg:$0x7] =	wrdreg s21;
	s22 =	sshrl.u32 s17, $0x3;
	s25 =	sadd.s32 s0, s15  }
0x17: {  	s1 =	sshrl.u32 s1, $0x3;
	[dreg:$0x6] =	wrdreg s14;
	s14 =	sadd.s32 s0, s22  }
0x18: {  	s21 =	sadd.s32 s11, s2;
	[dreg:$0x8] =	wrdreg s14;
	s14 =	sshrl.u32 s23, $0x3  }
0x19: {  	[dreg:$0xa] =	wrdreg s25;
	s22 =	sadd.s32 s12, s2;
	s14 =	sadd.s32 s0, s14  }
0x1a: {  	s0 =	sadd.s32 s0, s1;
	s1 =	sshrl.u32 s28, $0x3;
	[dreg:$0x9] =	wrdreg s14  }
0x1b: {  	[dreg:$0xb] =	wrdreg s0;
	s15 =	sadd.s32 s1, s8;
	s1 =	sadd.s32 $0x54400, s5  }
0x1c: {  	s12 =	sadd.s32 $0x26700, s30;
	_ =	strace $0x80000056;
	[dreg:$0xc] =	wrdreg s1  }
0x1d: {  	s23 =	sadd.s32 s13, s2;
	s13 =	sadd.s32 $0x26C00, s30;
	[dreg:$0xe] =	wrdreg s12  }
0x1e: {  	s11 =	simm.s32 $0x1;
	s14 =	sadd.s32 $0x500, s18;
	[dreg:$0xf] =	wrdreg s13  }
0x1f: {  	s25 =	sadd.s32 s10, s2;
	s10 =	simm.s32 $0x9000;
	[dreg:$0x10] =	wrdreg s14  }
0x20: {  	s0 =	sshrl.u32 s26, $0x3;
	s26 =	sadd.s32 $0xF00, s18;
	[dreg:$0x11] =	wrdreg s16  }
0x21: {  	s28 =	sadd.s32 $0x1400, s18;
	s5 =	sshrl.u32 s29, $0x2;
	[dreg:$0x12] =	wrdreg s26  }
0x22: {  	s29 =	sadd.s32 $0x1900, s18;
	s31 =	sadd.s32 s0, s8;
	[dreg:$0x13] =	wrdreg s28  }
0x23: {  	s17 =	sadd.s32 s5, s2;
	s8 =	smax.u32 s6, $0x1;
	[dreg:$0x14] =	wrdreg s29  }
0x24: {  	s1 =	sadd.s32 $0x1E00, s18;
	s6 =	sadd.s32 $0x2300, s18;
	s12 =	simm.s32 $0x50  }
0x25: {  	s13 =	simm.s32 $0x2;
	s16 =	simm.s32 $0x3;
	s18 =	simm.s32 $0x4  }
0x26: {  	s26 =	simm.s32 $0x0;
	[dreg:$0xd] =	wrdreg s8;
	s8 =	simm.s32 $0x4000  }
.LBB2_1:
0x27: {  	s0 =	rddreg [dreg:$0xc]  }
0x28: {  	[tilespmem:s4], [sflag:$0x5] =	stream.linear.gather [hbm4b:s0+s4], $0x3E80, $0x38;
	[tilespmem:$0x1F800] =	vst v63  }
0x29: {  	_ =	swait.ge [sflag:s7], $0x3E80  }
0x2a: {  	[sflag:s7] =	ssyncset.done $0x0  }
0x2b: {  	[sflag:s7] =	ssyncadd.s32 $0xFFFFC180  }
0x2c: {  	s3 =	rddreg [dreg:$0x1]  }
0x2d: {  	[tilespmem:s8], [sflag:$0x5] =	stream.linear.gather [hbm4b:s3+s4], $0x2800, $0x38;
	[tilespmem:$0x1F800] =	vst v63  }
0x2e: {  	_ =	swait.ge [sflag:s7], $0x2800  }
0x2f: {  	[sflag:s7] =	ssyncset.done $0x0  }
0x30: {  	[sflag:s7] =	ssyncadd.s32 $0xFFFFD800  }
0x31: {  	[spmem:s17] =	stream.linear.scatter [tilespmem:s8], [sflag:$0x5], $0x2800, $0x38;
	[tilespmem:$0x1F800] =	vst v63  }
0x32: {  	_ =	swait.ge [sflag:s7], $0x2800  }
0x33: {  	[sflag:s7] =	ssyncset.done $0x0  }
0x34: {  	s5 =	rddreg [dreg:$0x10];
	[sflag:s7] =	ssyncadd.s32 $0xFFFFD800  }
0x35: {  	[tilespmem:s8], [sflag:$0x5] =	stream.linear.gather [hbm4b:s5+s4], $0x2800, $0x38;
	[tilespmem:$0x1F800] =	vst v63  }
0x36: {  	_ =	swait.ge [sflag:s7], $0x2800  }
0x37: {  	[sflag:s7] =	ssyncset.done $0x0  }
0x38: {  	[sflag:s7] =	ssyncadd.s32 $0xFFFFD800  }
0x39: {  	[spmem:s19] =	stream.linear.scatter [tilespmem:s8], [sflag:$0x5], $0x2800, $0x38;
	[tilespmem:$0x1F800] =	vst v63  }
0x3a: {  	_ =	swait.ge [sflag:s7], $0x2800  }
0x3b: {  	[sflag:s7] =	ssyncset.done $0x0  }
0x3c: {  	s14 =	rddreg [dreg:$0x11];
	[sflag:s7] =	ssyncadd.s32 $0xFFFFD800  }
0x3d: {  	[tilespmem:s8], [sflag:$0x5] =	stream.linear.gather [hbm4b:s14+s4], $0x2800, $0x38;
	[tilespmem:$0x1F800] =	vst v63  }
0x3e: {  	_ =	swait.ge [sflag:s7], $0x2800  }
0x3f: {  	[sflag:s7] =	ssyncset.done $0x0  }
0x40: {  	[sflag:s7] =	ssyncadd.s32 $0xFFFFD800  }
0x41: {  	[spmem:s20] =	stream.linear.scatter [tilespmem:s8], [sflag:$0x5], $0x2800, $0x38;
	[tilespmem:$0x1F800] =	vst v63  }
0x42: {  	_ =	swait.ge [sflag:s7], $0x2800  }
0x43: {  	[sflag:s7] =	ssyncset.done $0x0  }
0x44: {  	s3 =	rddreg [dreg:$0x12];
	[sflag:s7] =	ssyncadd.s32 $0xFFFFD800  }
0x45: {  	[tilespmem:s8], [sflag:$0x5] =	stream.linear.gather [hbm4b:s3+s4], $0x2800, $0x38;
	[tilespmem:$0x1F800] =	vst v63  }
0x46: {  	_ =	swait.ge [sflag:s7], $0x2800  }
0x47: {  	[sflag:s7] =	ssyncset.done $0x0  }
0x48: {  	[sflag:s7] =	ssyncadd.s32 $0xFFFFD800  }
0x49: {  	[spmem:s21] =	stream.linear.scatter [tilespmem:s8], [sflag:$0x5], $0x2800, $0x38;
	[tilespmem:$0x1F800] =	vst v63  }
0x4a: {  	_ =	swait.ge [sflag:s7], $0x2800  }
0x4b: {  	[sflag:s7] =	ssyncset.done $0x0  }
0x4c: {  	s5 =	rddreg [dreg:$0x13];
	[sflag:s7] =	ssyncadd.s32 $0xFFFFD800  }
0x4d: {  	[tilespmem:s8], [sflag:$0x5] =	stream.linear.gather [hbm4b:s5+s4], $0x2800, $0x38;
	[tilespmem:$0x1F800] =	vst v63  }
0x4e: {  	_ =	swait.ge [sflag:s7], $0x2800  }
0x4f: {  	[sflag:s7] =	ssyncset.done $0x0  }
0x50: {  	[sflag:s7] =	ssyncadd.s32 $0xFFFFD800  }
0x51: {  	[spmem:s22] =	stream.linear.scatter [tilespmem:s8], [sflag:$0x5], $0x2800, $0x38;
	[tilespmem:$0x1F800] =	vst v63  }
0x52: {  	_ =	swait.ge [sflag:s7], $0x2800  }
0x53: {  	[sflag:s7] =	ssyncset.done $0x0  }
0x54: {  	s14 =	rddreg [dreg:$0x14];
	[sflag:s7] =	ssyncadd.s32 $0xFFFFD800  }
0x55: {  	[tilespmem:s8], [sflag:$0x5] =	stream.linear.gather [hbm4b:s14+s4], $0x2800, $0x38;
	[tilespmem:$0x1F800] =	vst v63  }
0x56: {  	_ =	swait.ge [sflag:s7], $0x2800  }
0x57: {  	[sflag:s7] =	ssyncset.done $0x0  }
0x58: {  	[sflag:s7] =	ssyncadd.s32 $0xFFFFD800  }
0x59: {  	[spmem:s23] =	stream.linear.scatter [tilespmem:s8], [sflag:$0x5], $0x2800, $0x38;
	[tilespmem:$0x1F800] =	vst v63  }
0x5a: {  	_ =	swait.ge [sflag:s7], $0x2800  }
0x5b: {  	[sflag:s7] =	ssyncset.done $0x0  }
0x5c: {  	[sflag:s7] =	ssyncadd.s32 $0xFFFFD800  }
0x5d: {  	[tilespmem:s8], [sflag:$0x5] =	stream.linear.gather [hbm4b:s1+s4], $0x2800, $0x38;
	[tilespmem:$0x1F800] =	vst v63  }
0x5e: {  	_ =	swait.ge [sflag:s7], $0x2800  }
0x5f: {  	[sflag:s7] =	ssyncset.done $0x0  }
0x60: {  	[sflag:s7] =	ssyncadd.s32 $0xFFFFD800  }
0x61: {  	[spmem:s24] =	stream.linear.scatter [tilespmem:s8], [sflag:$0x5], $0x2800, $0x38;
	[tilespmem:$0x1F800] =	vst v63  }
0x62: {  	_ =	swait.ge [sflag:s7], $0x2800  }
0x63: {  	[sflag:s7] =	ssyncset.done $0x0  }
0x64: {  	[sflag:s7] =	ssyncadd.s32 $0xFFFFD800  }
0x65: {  	[tilespmem:s8], [sflag:$0x5] =	stream.linear.gather [hbm4b:s6+s4], $0x2800, $0x38;
	[tilespmem:$0x1F800] =	vst v63  }
0x66: {  	_ =	swait.ge [sflag:s7], $0x2800  }
0x67: {  	[sflag:s7] =	ssyncset.done $0x0  }
0x68: {  	[sflag:s7] =	ssyncadd.s32 $0xFFFFD800  }
0x69: {  	[spmem:s25] =	stream.linear.scatter [tilespmem:s8], [sflag:$0x5], $0x2800, $0x38;
	[tilespmem:$0x1F800] =	vst v63  }
0x6a: {  	_ =	swait.ge [sflag:s7], $0x2800  }
0x6b: {  	[sflag:s7] =	ssyncset.done $0x0  }
0x6c: {  	[sflag:s7] =	ssyncadd.s32 $0xFFFFD800  }
0x6d: {  	[bflag:$0x0] =	sbarrier.arrive $0xFFFF  }
0x6e: {  	[tilespmem:s8], [sflag:$0x1] =	stream.linear.gather [hbm4b:s30+s4], $0x2800, $0x38;
	[tilespmem:$0x1F800] =	vst v63  }
0x6f: {  	_ = 	snop  }
0x70: {  	[tilespmem:s9], [sflag:$0x2] =	stream.linear.gather [hbm4b:s15+s4], $0x2800, $0x38;
	[tilespmem:$0x1F800] =	vst v63  }
0x71: {  	_ = 	snop  }
0x72: {  	[tilespmem:s10], [sflag:$0x3] =	stream.linear.gather [hbm4b:s31+s4], $0x2800, $0x38;
	[tilespmem:$0x1F800] =	vst v63  }
0x73: {  	_ =	swait.ge [sflag:s11], $0x2800  }
0x74: {  	[sflag:s11] =	ssyncset.done $0x0  }
0x75: {  	s5 =	simm.s32 $0x0;
	[sflag:s11] =	ssyncadd.s32 $0xFFFFD800  }
0x76: {  	[spmem:s2] =	stream.indirect.scatter.add.f32 [tilespmem:s8], [sflag:$0x4], $0x80, s5, s12, $0xb8;
	[tilespmem:$0x1F800] =	vst v63  }
0x77: {  	_ =	swait.ge [sflag:s13], $0x2800  }
0x78: {  	[sflag:s13] =	ssyncset.done $0x0  }
0x79: {  	s3 =	simm.s32 $0x80;
	[sflag:s13] =	ssyncadd.s32 $0xFFFFD800  }
0x7a: {  	[spmem:s2] =	stream.indirect.scatter.add.f32 [tilespmem:s9], [sflag:$0x4], $0x80, s3, s12, $0xb8;
	[tilespmem:$0x1F800] =	vst v63  }
0x7b: {  	_ =	swait.ge [sflag:s16], $0x2800  }
0x7c: {  	[sflag:s16] =	ssyncset.done $0x0  }
0x7d: {  	s14 =	simm.s32 $0x100;
	[sflag:s16] =	ssyncadd.s32 $0xFFFFD800  }
0x7e: {  	[spmem:s2] =	stream.indirect.scatter.add.f32 [tilespmem:s10], [sflag:$0x4], $0x80, s14, s12, $0xb8;
	[tilespmem:$0x1F800] =	vst v63  }
0x7f: {  	_ =	swait.ge [sflag:s18], $0x2800  }
0x80: {  	[sflag:s18] =	ssyncset.done $0x0  }
0x81: {  	[sflag:s18] =	ssyncadd.s32 $0xFFFFD800  }
0x82: {  	_ =	swait.ge [sflag:s18], $0x2800  }
0x83: {  	[sflag:s18] =	ssyncset.done $0x0  }
0x84: {  	[sflag:s18] =	ssyncadd.s32 $0xFFFFD800  }
0x85: {  	s28 =	simm.s32 $0x600;
	s29 =	sadd.s32 $0xF00, s15;
	_ =	swait.ge [sflag:s18], $0x2800  }
0x86: {  	s5 =	smov.u32 s30;
	s14 =	smov.u32 s31;
	[sflag:s18] =	ssyncset.done $0x0  }
.LBB2_2:
0x87: {  	[sflag:s18] =	ssyncadd.s32 $0xFFFFD800;
	s5 =	sadd.s32 $0xF00, s5;
	s14 =	sadd.s32 $0xF00, s14  }
0x88: {  	[tilespmem:s8], [sflag:$0x1] =	stream.linear.gather [hbm4b:s5+s4], $0x2800, $0x38;
	[tilespmem:$0x1F800] =	vst v63  }
0x89: {  	p0 =	sne.s32 s28, $0xF000;
	s0 =	smov.u32 s28;
	s28 =	sadd.s32 $0x600, s28  }
0x8a: {  	[tilespmem:s9], [sflag:$0x2] =	stream.linear.gather [hbm4b:s29+s4], $0x2800, $0x38;
	[tilespmem:$0x1F800] =	vst v63  }
0x8b: {  	_ = 	snop  }
0x8c: {  	[tilespmem:s10], [sflag:$0x3] =	stream.linear.gather [hbm4b:s14+s4], $0x2800, $0x38;
	[tilespmem:$0x1F800] =	vst v63  }
0x8d: {  	_ =	swait.ge [sflag:s11], $0x2800  }
0x8e: {  	[sflag:s11] =	ssyncset.done $0x0  }
0x8f: {  	s0 =	sshra.s32 s0, $0x2;
	[sflag:s11] =	ssyncadd.s32 $0xFFFFD800  }
0x90: {  	[spmem:s2] =	stream.indirect.scatter.add.f32 [tilespmem:s8], [sflag:$0x4], $0x80, s0, s12, $0xb8;
	[tilespmem:$0x1F800] =	vst v63  }
0x91: {  	_ =	swait.ge [sflag:s13], $0x2800  }
0x92: {  	[sflag:s13] =	ssyncset.done $0x0  }
0x93: {  	s3 =	sadd.s32 $0x80, s0;
	[sflag:s13] =	ssyncadd.s32 $0xFFFFD800  }
0x94: {  	[spmem:s2] =	stream.indirect.scatter.add.f32 [tilespmem:s9], [sflag:$0x4], $0x80, s3, s12, $0xb8;
	[tilespmem:$0x1F800] =	vst v63  }
0x95: {  	_ =	swait.ge [sflag:s16], $0x2800  }
0x96: {  	[sflag:s16] =	ssyncset.done $0x0  }
0x97: {  	s0 =	sadd.s32 $0x100, s0;
	[sflag:s16] =	ssyncadd.s32 $0xFFFFD800  }
0x98: {  	[spmem:s2] =	stream.indirect.scatter.add.f32 [tilespmem:s10], [sflag:$0x4], $0x80, s0, s12, $0xb8;
	[tilespmem:$0x1F800] =	vst v63  }
0x99: {  	_ =	swait.ge [sflag:s18], $0x2800  }
0x9a: {  	[sflag:s18] =	ssyncset.done $0x0  }
0x9b: {  	[sflag:s18] =	ssyncadd.s32 $0xFFFFD800  }
.Ltmp0:
0x9c: {  	_ =	swait.ge [sflag:s18], $0x2800;
	(pc) =	sbr.rel @p0 .LBB2_2-.Ltmp0, $4  }
0x9d: {  	[sflag:s18] =	ssyncset.done $0x0  }
0x9e: {  	[sflag:s18] =	ssyncadd.s32 $0xFFFFD800  }
0x9f: {  	_ =	swait.ge [sflag:s18], $0x2800  }
0xa0: {  	s29 =	sadd.s32 $0xF00, s29;
	[sflag:s18] =	ssyncset.done $0x0  }
0xa1: {  	[sflag:s18] =	ssyncadd.s32 $0xFFFFD800;
	s0 =	rddreg [dreg:$0xe]  }
0xa2: {  	[tilespmem:s8], [sflag:$0x5] =	stream.linear.gather [hbm4b:s0+s4], $0x2800, $0x38;
	[tilespmem:$0x1F800] =	vst v63  }
0xa3: {  	_ =	swait.ge [sflag:s7], $0x2800  }
0xa4: {  	[sflag:s7] =	ssyncset.done $0x0  }
0xa5: {  	s28 =	simm.s32 $0x3D80;
	[sflag:s7] =	ssyncadd.s32 $0xFFFFD800  }
0xa6: {  	[spmem:s2] =	stream.indirect.scatter.add.f32 [tilespmem:s8], [sflag:$0x5], $0x80, s28, s12, $0xb8;
	[tilespmem:$0x1F800] =	vst v63  }
0xa7: {  	_ =	swait.ge [sflag:s7], $0x2800  }
0xa8: {  	[sflag:s7] =	ssyncset.done $0x0  }
0xa9: {  	s29 =	rddreg [dreg:$0xf];
	[sflag:s7] =	ssyncadd.s32 $0xFFFFD800  }
0xaa: {  	[tilespmem:s8], [sflag:$0x5] =	stream.linear.gather [hbm4b:s29+s4], $0x2800, $0x38;
	[tilespmem:$0x1F800] =	vst v63  }
0xab: {  	_ =	swait.ge [sflag:s7], $0x2800  }
0xac: {  	[sflag:s7] =	ssyncset.done $0x0  }
0xad: {  	s3 =	simm.s32 $0x3E00;
	[sflag:s7] =	ssyncadd.s32 $0xFFFFD800  }
0xae: {  	[spmem:s2] =	stream.indirect.scatter.add.f32 [tilespmem:s8], [sflag:$0x5], $0x80, s3, s12, $0xb8;
	[tilespmem:$0x1F800] =	vst v63  }
0xaf: {  	_ =	swait.ge [sflag:s7], $0x2800  }
0xb0: {  	[sflag:s7] =	ssyncset.done $0x0  }
0xb1: {  	[sflag:s7] =	ssyncadd.s32 $0xFFFFD800  }
0xb2: {  	[bflag:$0x0] =	sbarrier.arrive $0xFFFF  }
0xb3: {  	[tilespmem:s8], [sflag:$0x5] =	stream.linear.gather [spmem:s17], $0x2800, $0x38;
	[tilespmem:$0x1F800] =	vst v63  }
0xb4: {  	_ =	swait.ge [sflag:s7], $0x2800  }
0xb5: {  	[sflag:s7] =	ssyncset.done $0x0  }
0xb6: {  	s5 =	rddreg [dreg:$0x4];
	[sflag:s7] =	ssyncadd.s32 $0xFFFFD800  }
0xb7: {  	[hbm4b:s5+s4] =	stream.linear.scatter [tilespmem:s8], [sflag:$0x5], $0x2800, $0x38;
	[tilespmem:$0x1F800] =	vst v63  }
0xb8: {  	_ =	swait.ge [sflag:s7], $0x2800  }
0xb9: {  	[sflag:s7] =	ssyncset.done $0x0  }
0xba: {  	[sflag:s7] =	ssyncadd.s32 $0xFFFFD800  }
0xbb: {  	[tilespmem:s8], [sflag:$0x5] =	stream.linear.gather [spmem:s19], $0x2800, $0x38;
	[tilespmem:$0x1F800] =	vst v63  }
0xbc: {  	_ =	swait.ge [sflag:s7], $0x2800  }
0xbd: {  	[sflag:s7] =	ssyncset.done $0x0  }
0xbe: {  	s14 =	rddreg [dreg:$0x5];
	[sflag:s7] =	ssyncadd.s32 $0xFFFFD800  }
0xbf: {  	[hbm4b:s14+s4] =	stream.linear.scatter [tilespmem:s8], [sflag:$0x5], $0x2800, $0x38;
	[tilespmem:$0x1F800] =	vst v63  }
0xc0: {  	_ =	swait.ge [sflag:s7], $0x2800  }
0xc1: {  	[sflag:s7] =	ssyncset.done $0x0  }
0xc2: {  	[sflag:s7] =	ssyncadd.s32 $0xFFFFD800  }
0xc3: {  	[tilespmem:s8], [sflag:$0x5] =	stream.linear.gather [spmem:s20], $0x2800, $0x38;
	[tilespmem:$0x1F800] =	vst v63  }
0xc4: {  	_ =	swait.ge [sflag:s7], $0x2800  }
0xc5: {  	[sflag:s7] =	ssyncset.done $0x0  }
0xc6: {  	s28 =	rddreg [dreg:$0x6];
	[sflag:s7] =	ssyncadd.s32 $0xFFFFD800  }
0xc7: {  	[hbm4b:s28+s4] =	stream.linear.scatter [tilespmem:s8], [sflag:$0x5], $0x2800, $0x38;
	[tilespmem:$0x1F800] =	vst v63  }
0xc8: {  	_ =	swait.ge [sflag:s7], $0x2800  }
0xc9: {  	[sflag:s7] =	ssyncset.done $0x0  }
0xca: {  	[sflag:s7] =	ssyncadd.s32 $0xFFFFD800  }
0xcb: {  	[tilespmem:s8], [sflag:$0x5] =	stream.linear.gather [spmem:s21], $0x2800, $0x38;
	[tilespmem:$0x1F800] =	vst v63  }
0xcc: {  	_ =	swait.ge [sflag:s7], $0x2800  }
0xcd: {  	[sflag:s7] =	ssyncset.done $0x0  }
0xce: {  	s29 =	rddreg [dreg:$0x7];
	[sflag:s7] =	ssyncadd.s32 $0xFFFFD800  }
0xcf: {  	[hbm4b:s29+s4] =	stream.linear.scatter [tilespmem:s8], [sflag:$0x5], $0x2800, $0x38;
	[tilespmem:$0x1F800] =	vst v63  }
0xd0: {  	_ =	swait.ge [sflag:s7], $0x2800  }
0xd1: {  	[sflag:s7] =	ssyncset.done $0x0  }
0xd2: {  	[sflag:s7] =	ssyncadd.s32 $0xFFFFD800  }
0xd3: {  	[tilespmem:s8], [sflag:$0x5] =	stream.linear.gather [spmem:s22], $0x2800, $0x38;
	[tilespmem:$0x1F800] =	vst v63  }
0xd4: {  	_ =	swait.ge [sflag:s7], $0x2800  }
0xd5: {  	[sflag:s7] =	ssyncset.done $0x0  }
0xd6: {  	s3 =	rddreg [dreg:$0x8];
	[sflag:s7] =	ssyncadd.s32 $0xFFFFD800  }
0xd7: {  	[hbm4b:s3+s4] =	stream.linear.scatter [tilespmem:s8], [sflag:$0x5], $0x2800, $0x38;
	[tilespmem:$0x1F800] =	vst v63  }
0xd8: {  	_ =	swait.ge [sflag:s7], $0x2800  }
0xd9: {  	[sflag:s7] =	ssyncset.done $0x0  }
0xda: {  	[sflag:s7] =	ssyncadd.s32 $0xFFFFD800  }
0xdb: {  	[tilespmem:s8], [sflag:$0x5] =	stream.linear.gather [spmem:s23], $0x2800, $0x38;
	[tilespmem:$0x1F800] =	vst v63  }
0xdc: {  	_ =	swait.ge [sflag:s7], $0x2800  }
0xdd: {  	[sflag:s7] =	ssyncset.done $0x0  }
0xde: {  	s5 =	rddreg [dreg:$0x9];
	[sflag:s7] =	ssyncadd.s32 $0xFFFFD800  }
0xdf: {  	[hbm4b:s5+s4] =	stream.linear.scatter [tilespmem:s8], [sflag:$0x5], $0x2800, $0x38;
	[tilespmem:$0x1F800] =	vst v63  }
0xe0: {  	_ =	swait.ge [sflag:s7], $0x2800  }
0xe1: {  	[sflag:s7] =	ssyncset.done $0x0  }
0xe2: {  	[sflag:s7] =	ssyncadd.s32 $0xFFFFD800  }
0xe3: {  	[tilespmem:s8], [sflag:$0x5] =	stream.linear.gather [spmem:s24], $0x2800, $0x38;
	[tilespmem:$0x1F800] =	vst v63  }
0xe4: {  	_ =	swait.ge [sflag:s7], $0x2800  }
0xe5: {  	[sflag:s7] =	ssyncset.done $0x0  }
0xe6: {  	s14 =	rddreg [dreg:$0xa];
	[sflag:s7] =	ssyncadd.s32 $0xFFFFD800  }
0xe7: {  	[hbm4b:s14+s4] =	stream.linear.scatter [tilespmem:s8], [sflag:$0x5], $0x2800, $0x38;
	[tilespmem:$0x1F800] =	vst v63  }
0xe8: {  	_ =	swait.ge [sflag:s7], $0x2800  }
0xe9: {  	[sflag:s7] =	ssyncset.done $0x0  }
0xea: {  	[sflag:s7] =	ssyncadd.s32 $0xFFFFD800  }
0xeb: {  	[tilespmem:s8], [sflag:$0x5] =	stream.linear.gather [spmem:s25], $0x2800, $0x38;
	[tilespmem:$0x1F800] =	vst v63  }
0xec: {  	_ =	swait.ge [sflag:s7], $0x2800  }
0xed: {  	[sflag:s7] =	ssyncset.done $0x0  }
0xee: {  	s28 =	rddreg [dreg:$0xb];
	[sflag:s7] =	ssyncadd.s32 $0xFFFFD800  }
0xef: {  	[hbm4b:s28+s4] =	stream.linear.scatter [tilespmem:s8], [sflag:$0x5], $0x2800, $0x38;
	[tilespmem:$0x1F800] =	vst v63  }
0xf0: {  	_ =	swait.ge [sflag:s7], $0x2800  }
0xf1: {  	s26 =	sadd.s32 $0x1, s26;
	s29 =	rddreg [dreg:$0xd]  }
0xf2: {  	p0 =	sne.s32 s26, s29  }
.Ltmp1:
0xf3: {  	_ = 	snop;
	(pc) =	sbr.rel @p0 .LBB2_1-.Ltmp1, $3  }
0xf4: {  	_ =	sdelay $0x1  }
0xf5: {  	[sflag:s7] =	ssyncset.done $0x0  }
0xf6: {  	[sflag:s7] =	ssyncadd.s32 $0xFFFFD800  }
0xf7: {  	_ =	sfence.sel $0x180000  }
0xf8: {  	[bflag:$0x0] =	sbarrier.arrive $0xFFFF  }
0xf9: {  	_ =	strace $0x90000056  }
0xfa: {  	s0 =	stileid.u32;
	[bflag:$0x2] =	sbarrier.arrive $0xFFFF  }
0xfb: {  	p0 =	sne.s32 s0, $0x0;
	s0 =	rddreg [dreg:$0x3]  }
0xfc: {  	s0 =	sadd.s32 @!p0 $0x100000, s0  }
0xfd: {  	[sflag:s0] =	ssyncadd.tile.s32 @!p0 $0x1;
	_ =	shalt  }
.Lfunc_end2:
_tile_overlayer_lowered:
.L_overlay_start_2:
0xfe: {  	(tag) =	ssettag $0x2  }
0xff: {  	s0 =	rddreg [dreg:$0x0];
	s2 =	stileid.u32  }
0x100: {  	s1 =	rddreg [dreg:$0x1];
	p0 =	sne.s32 s2, $0x0  }
0x101: {  	s3 =	rddreg [dreg:$0x2];
	[bflag:$0x3] =	sbarrier.arrive $0xFFFF;
	s2 =	simm.s32 @!p0 $0x1C05  }
0x102: {  	[timem:s3], [sflag:s2] =	dma.local @!p0 [hbm:s0], s1  }
0x103: {  	s0 =	simm.s32 @!p0 $0x5  }
0x104: {  	_ =	swait.ge @!p0 [sflag:s0], s1  }
0x105: {  	s1 =	ssub.s32 @!p0 $0x0, s1;
	[sflag:s0] =	ssyncset.done @!p0 $0x0  }
0x106: {  	[sflag:s0] =	ssyncadd.s32 @!p0 s1  }
0x107: {  	[bflag:$0x3] =	sbarrier.arrive $0xFFFF  }
0x108: {  	_ =	shalt  }

// kernel: kernel.20.cloned.1.call-start
scs
__scs_entry_jumppad:
0x0: {  	(pc) =	sbr.rel $0x88, $3  }
0x1: {  	(tag) =	ssettag $0x0;
	lr =	simm.s32 $0x1  }
0x2: {  	[smem:$0x3F95] =	sst lr;
	_ =	strace $0xD0000000  }
0x3: {  	_ = 	snop  }
0x4: {  	_ = 	snop  }
0x5: {  	_ = 	snop  }
0x6: {  	_ = 	snop  }
0x7: {  	_ = 	snop  }
__scs_overlays_trampoline_lowered:
0x8: {  	[smem:$0x3FA4] =	sst s0  }
0x9: {  	[smem:$0x3FA5] =	sst s1  }
0xa: {  	[smem:$0x3FA6] =	sst s2  }
0xb: {  	[smem:$0x3FA7] =	sst s3  }
0xc: {  	[smem:$0x3FA8] =	sst s4  }
0xd: {  	[smem:$0x3FA9] =	sst s5  }
0xe: {  	[smem:$0x3FAA] =	sst s6  }
0xf: {  	[smem:$0x3FAB] =	sst s7  }
0x10: {  	[smem:$0x3FAC] =	sst s8  }
0x11: {  	[smem:$0x3FAD] =	sst s9;
	s0 =	simm.s32 @!p0 $0x0  }
0x12: {  	s1 =	sld [smem:$0x3F93];
	s0 =	simm.s32 @p0 $0x1  }
0x13: {  	[smem:$0x3FAE] =	sst s0;
	s0 =	simm.s32 @!p1 $0x0  }
0x14: {  	s2 =	sld [smem:$0x3F92];
	s0 =	simm.s32 @p1 $0x1  }
0x15: {  	[smem:$0x3FAF] =	sst s0;
	s0 =	simm.s32 @!p2 $0x0  }
0x16: {  	s3 =	sld [smem:$0x3FDB];
	s0 =	simm.s32 @p2 $0x1  }
0x17: {  	s4 =	simm.s32 $0x1BF5;
	[smem:$0x3FB1] =	sst s0  }
0x18: {  	s0 =	sld [smem:$0x3F94];
	_ =	swait.ge [sflag:s4], $0x0  }
0x19: {  	s7 =	sld [smem:$0x3F95]  }
0x1a: {  	s8 =	sadd.s32 $0xFFFFE003, lr  }
0x1b: {  	s9 =	sadd.s32 $0xFFFFFEF7, lr;
	s5 =	simm.s32 $0xFFFFFFFF;
	p2 =	slt.u32 s8, $0xFFFFF086  }
0x1c: {  	p1 =	slt.u32 s9, $0xF7A;
	s5 =	simm.s32 @!p2 $0x0  }
0x1d: {  	s5 =	simm.s32 @p1 $0x1;
	p0 =	seq.s32 s7, s2  }
0x1e: {  	s7 =	smul.u32 @!p0 $0xF7A, s2;
	p2 =	seq.s32 @!p0 s5, $0x0  }
0x1f: {  	s9 =	smul.u32 $0xF7A, s1;
	s8 =	simm.s32 @!p0 $0x1BF5;
	p2 =	por !p2, p0  }
0x20: {  	[sflag:s8] =	ssyncset.s32 @!p0 $0xFFFFF086;
	s6 =	sadd.s32 @!p0 s3, s7;
	s7 =	simm.s32 @!p0 $0x108  }
0x21: {  	s3 =	sadd.s32 s3, s9;
	s6 =	sadd.s32 @!p0 $0x88, s6;
	s7 =	simm.s32 @p2 $0x1082  }
0x22: {  	[simem:s7], [sflag:s8] =	dma.local @!p0 [hbm:s6], $0xF7A  }
0x23: {  	s9 =	sor.u32 $0xD0000000, s2;
	s6 =	simm.s32 $0x108;
	_ =	swait.ge @!p0 [sflag:s8], $0x0  }
0x24: {  	s3 =	sadd.s32 $0x88, s3;
	s6 =	simm.s32 @!p1 $0x1082;
	[sflag:s4] =	ssyncset.s32 $0xFFFFF086  }
0x25: {  	[simem:s6], [sflag:s4] =	dma.local [hbm:s3], $0xF7A  }
0x26: {  	[smem:$0x3F95] =	sst s1;
	(tag) =	ssettag s2;
	_ =	strace s9  }
0x27: {  	s1 =	sld [smem:$0x3FA5]  }
0x28: {  	s2 =	sld [smem:$0x3FA6]  }
0x29: {  	s4 =	sld [smem:$0x3FA8]  }
0x2a: {  	p0 =	seq.s32 s5, $0x0;
	s5 =	sld [smem:$0x3FA9]  }
0x2b: {  	s6 =	sld [smem:$0x3FAA]  }
0x2c: {  	s7 =	sld [smem:$0x3FAB]  }
0x2d: {  	s3 =	simm.s32 $0x108;
	s8 =	sld [smem:$0x3FAC]  }
0x2e: {  	s3 =	simm.s32 @!p0 $0x1082;
	s9 =	sld [smem:$0x3FAD]  }
0x2f: {  	lr =	sadd.s32 s0, s3;
	s0 =	sld [smem:$0x3FA4]  }
0x30: {  	s3 =	sld [smem:$0x3FA7]  }
0x31: {  	[smem:$0x3FB0] =	sst s10  }
0x32: {  	s10 =	sld [smem:$0x3FAE];
	_ =	sdelay $0x3  }
0x33: {  	p0 =	seq.s32 s10, $0x1;
	s10 =	sld [smem:$0x3FB0];
	_ =	sdelay $0x3  }
0x34: {  	[smem:$0x3FB0] =	sst s10  }
0x35: {  	s10 =	sld [smem:$0x3FAF];
	_ =	sdelay $0x3  }
0x36: {  	p1 =	seq.s32 s10, $0x1;
	s10 =	sld [smem:$0x3FB0];
	_ =	sdelay $0x3  }
0x37: {  	[smem:$0x3FB0] =	sst s10  }
0x38: {  	s10 =	sld [smem:$0x3FB1]  }
0x39: {  	_ = 	snop;
	(pc) =	sbr.ind lr, $3  }
0x3a: {  	_ = 	snop  }
0x3b: {  	_ = 	snop  }
0x3c: {  	p2 =	seq.s32 s10, $0x1;
	s10 =	sld [smem:$0x3FB0]  }
0x3d: {  	_ =	shalt  }
0x3e: {  	_ =	shalt  }
0x3f: {  	_ =	shalt  }
0x40: {  	_ =	shalt  }
0x41: {  	_ =	shalt  }
0x42: {  	_ =	shalt  }
0x43: {  	_ =	shalt  }
0x44: {  	_ =	shalt  }
0x45: {  	_ =	shalt  }
0x46: {  	_ =	shalt  }
0x47: {  	_ =	shalt  }
0x48: {  	_ =	shalt  }
0x49: {  	_ =	shalt  }
0x4a: {  	_ =	shalt  }
0x4b: {  	_ =	shalt  }
0x4c: {  	_ =	shalt  }
0x4d: {  	_ =	shalt  }
0x4e: {  	_ =	shalt  }
0x4f: {  	_ =	shalt  }
0x50: {  	_ =	shalt  }
0x51: {  	_ =	shalt  }
0x52: {  	_ =	shalt  }
0x53: {  	_ =	shalt  }
0x54: {  	_ =	shalt  }
0x55: {  	_ =	shalt  }
0x56: {  	_ =	shalt  }
0x57: {  	_ =	shalt  }
0x58: {  	_ =	shalt  }
0x59: {  	_ =	shalt  }
0x5a: {  	_ =	shalt  }
0x5b: {  	_ =	shalt  }
0x5c: {  	_ =	shalt  }
0x5d: {  	_ =	shalt  }
0x5e: {  	_ =	shalt  }
0x5f: {  	_ =	shalt  }
0x60: {  	_ =	shalt  }
0x61: {  	_ =	shalt  }
0x62: {  	_ =	shalt  }
0x63: {  	_ =	shalt  }
0x64: {  	_ =	shalt  }
0x65: {  	_ =	shalt  }
0x66: {  	_ =	shalt  }
0x67: {  	_ =	shalt  }
0x68: {  	_ =	shalt  }
0x69: {  	_ =	shalt  }
0x6a: {  	_ =	shalt  }
0x6b: {  	_ =	shalt  }
0x6c: {  	_ =	shalt  }
0x6d: {  	_ =	shalt  }
0x6e: {  	_ =	shalt  }
0x6f: {  	_ =	shalt  }
0x70: {  	_ =	shalt  }
0x71: {  	_ =	shalt  }
0x72: {  	_ =	shalt  }
0x73: {  	_ =	shalt  }
0x74: {  	_ =	shalt  }
0x75: {  	_ =	shalt  }
0x76: {  	_ =	shalt  }
0x77: {  	_ =	shalt  }
0x78: {  	_ =	shalt  }
0x79: {  	_ =	shalt  }
0x7a: {  	_ =	shalt  }
0x7b: {  	_ =	shalt  }
0x7c: {  	_ =	shalt  }
0x7d: {  	_ =	shalt  }
0x7e: {  	_ =	shalt  }
0x7f: {  	_ =	shalt  }
0x80: {  	_ =	shalt  }
0x81: {  	_ =	shalt  }
0x82: {  	_ =	shalt  }
0x83: {  	_ =	shalt  }
0x84: {  	_ =	shalt  }
0x85: {  	_ =	shalt  }
0x86: {  	_ =	shalt  }
0x87: {  	_ =	shalt  }
.Lfunc_end0:
.L_simem_size_0:
called_computation.2_lowered:
.L_overlay_start_0:
0x88: {  	s2 =	sld [smem:$0x3FD9]  }
0x89: {  	s3 =	sld [smem:$0x3FFE];
	_ =	sdelay $0x1  }
0x8a: {  	s1 =	srdreg.scid  }
0x8b: {  	s0 =	sand.u32 $0x1, s1  }
0x8c: {  	s15 =	sshll.u32 s0, $0xA;
	s2 =	sadd.s32 s3, s2  }
0x8d: {  	s2 =	sadd.s32 s2, s15  }
0x8e: {  	[smem:$0x3FBC] =	sst s2  }
0x8f: {  	_ = 	snop  }
0x90: {  	s2 =	sld [smem:$0x3FD0];
	_ =	sdelay $0x2  }
0x91: {  	s16 =	simm.s32 $0xD;
	s4 =	simm.s32 $0x10  }
0x92: {  	[smem:s4], [sflag:s16] =	dma.local [hbm:s2], $0x1  }
0x93: {  	_ =	swait.eq [sflag:s16], $0x1  }
0x94: {  	[sflag:s16] =	ssyncset.done $0x0  }
0x95: {  	[sflag:s16] =	ssyncadd.s32 $0xFFFFFFFF  }
0x96: {  	s17 =	sld [smem:$0x10];
	(tm) =	ssettm $0x1  }
0x97: {  	s18 =	sld [smem:$0x3FFB];
	_ =	sdelay $0x3  }
0x98: {  	_ =	strace s18  }
0x99: {  	s2 =	sld [smem:$0x3FFC];
	_ =	sdelay $0x3  }
0x9a: {  	_ =	strace s2  }
0x9b: {  	s2 =	sld [smem:$0x3FFD];
	_ =	sdelay $0x3  }
0x9c: {  	_ =	strace s2  }
0x9d: {  	_ =	strace $0x8FFFFFFF  }
0x9e: {  	s19 =	sld [smem:$0x3FDB];
	_ =	sdelay $0x1  }
0x9f: {  	s20 =	simm.s32 $_scs_section_size  }
0xa0: {  	s5 =	simm.s32 $_size__tile_overlayer_lowered;
	s6 =	simm.s32 $_tile_overlayer_lowered  }
0xa1: {  	s7 =	simm.s32 $0x1BFF;
	s21 =	sshll.u32 s6, $0x1;
	s4 =	sadd.s32 s20, s19  }
0xa2: {  	s22 =	simm.s32 $0x0;
	s5 =	sshll.u32 s5, $0x1;
	s6 =	sadd.s32 s21, s4  }
0xa3: {  	[timem:s22], [sflag:s7] =	dma.local [hbm:s6], s5  }
0xa4: {  	_ =	swait.ge [sflag:s7], s5  }
0xa5: {  	s5 =	ssub.s32 $0x0, s5;
	[sflag:s7] =	ssyncset.done $0x0  }
0xa6: {  	[sflag:s7] =	ssyncadd.s32 s5;
	_ =	sdelay $0x1  }
0xa7: {  	s23 =	simm.s32 $0x1B8B  }
0xa8: {  	_ =	swait.ge [sflag:s23], $0x1  }
0xa9: {  	[sflag:s23] =	ssyncset.done $0x0  }
0xaa: {  	[sflag:s23] =	ssyncadd.s32 $0xFFFFFFFF  }
0xab: {  	s5 =	sld [smem:$0x0]  }
0xac: {  	s6 =	sand.u32 $0xFFFFFFFE, s1  }
0xad: {  	p0 =	sne.s32 s1, s6  }
0xae: {  	s6 =	sshll.u32 @p0 s6, $0xE  }
0xaf: {  	s6 =	sadd.s32 @p0 $0x11B8D, s6;
	s7 =	sshll.u32 @p0 s5, $0x11  }
0xb0: {  	s6 =	sor.u32 @p0 s7, s6  }
0xb1: {  	[sflag:s6] =	ssyncadd.remote.s32 @p0 $0x1;
	_ =	sdelay $0x1  }
0xb2: {  	s6 =	simm.s32 @p0 $0x1B8D  }
0xb3: {  	_ =	swait.eq @p0 [sflag:s6], $0x1  }
0xb4: {  	[sflag:s6] =	ssyncadd.s32 @p0 $0xFFFFFFFF  }
0xb5: {  	s7 =	sshll.u32 @!p0 s1, $0xE  }
0xb6: {  	s7 =	sor.u32 @!p0 $0x4000, s7;
	s6 =	simm.s32 @!p0 $0x1B8D  }
0xb7: {  	s5 =	sshll.u32 @!p0 s5, $0x11;
	s7 =	sadd.s32 @!p0 $0x11B8D, s7;
	_ =	swait.eq @!p0 [sflag:s6], $0x1  }
0xb8: {  	s5 =	sor.u32 @!p0 s5, s7;
	[sflag:s6] =	ssyncadd.s32 @!p0 $0xFFFFFFFF  }
0xb9: {  	s25 =	simm.s32 $0x1B8E;
	s24 =	sld [smem:$0x3FFE];
	[sflag:s5] =	ssyncadd.remote.s32 @!p0 $0x1  }
0xba: {  	s26 =	simm.s32 $execute0_lowered;
	[smem:$0x3FD2] =	sst s25  }
0xbb: {  	s6 =	sshll.u32 s26, $0x1;
	_ =	strace $0x80000052;
	[dreg:$0x1] =	wrdreg $0xFFFFFFFF  }
0xbc: {  	s28 =	simm.s32 $_size_execute0_lowered;
	s4 =	sadd.s32 s4, s6;
	[dreg:$0x0] =	wrdreg $0x0  }
0xbd: {  	s6 =	sshll.u32 s28, $0x1;
	[dreg:$0x2] =	wrdreg s4  }
0xbe: {  	[dreg:$0x3] =	wrdreg s6  }
0xbf: {  	[dreg:$0x4] =	wrdreg $0xC0  }
0xc0: {  	_ =	task [dreg:s22], $0x5FFFF  }
0xc1: {  	[dreg:$0x1] =	wrdreg $0xFFFFFFFF  }
0xc2: {  	[dreg:$0x0] =	wrdreg $0x60  }
0xc3: {  	[dreg:$0x2] =	wrdreg s24  }
0xc4: {  	[dreg:$0x3] =	wrdreg s17  }
0xc5: {  	[dreg:$0x4] =	wrdreg $0x88000  }
0xc6: {  	[dreg:$0x5] =	wrdreg $0xB  }
0xc7: {  	_ =	task.clear_ibuf [dreg:s22], $0x6FFFF;
	_ =	strace $0x90000052  }
0xc8: {  	s29 =	simm.s32 $0xB;
	_ =	strace $0x80000054  }
0xc9: {  	_ =	swait.ge [sflag:s29], $0x1  }
0xca: {  	[sflag:s29] =	ssyncadd.s32 $0xFFFFFFFF  }
0xcb: {  	_ =	strace $0x90000054  }
0xcc: {  	_ =	sfence  }
0xcd: {  	s30 =	sld [smem:$0x0];
	_ =	sdelay $0x2  }
0xce: {  	s31 =	sshll.u32 s1, $0xD;
	s1 =	sshrl.u32 s1, $0x2  }
0xcf: {  	s4 =	sand.u32 $0x4000, s31;
	s1 =	sadd.s32 s1, s30  }
0xd0: {  	s0 =	sor.u32 s4, s0;
	s1 =	sshll.u32 s1, $0x11  }
0xd1: {  	s0 =	sor.u32 s1, s0  }
0xd2: {  	s0 =	sadd.s32 $0x8F2B, s0  }
0xd3: {  	[sflag:s0] =	ssyncadd.remote.s32 $0x1  }
0xd4: {  	_ =	sfence.sel $0xFFFF  }
0xd5: {  	[dreg:$0x0] =	wrdreg $0xFFFFFFFF;
	(pc) =	sbr.abs _section_cstart, $3  }
0xd6: {  	[dreg:$0x1] =	wrdreg $0xFFFFFFFF  }
0xd7: {  	_ =	task.clear_ibuf [dreg:s22], $0x2FFFF;
	_ =	strace $0x9FFFFFFF  }
0xd8: {  	(tm) =	ssettm $0x7FFFFFFF  }
0xd9: {  	_ =	shalt  }
tec
execute0_lowered:
.L_overlay_start_1:
0x0: {  	(tag) =	ssettag $0x1  }
0x1: {  	s0 =	rddreg [dreg:$0x0]  }
0x2: {  	s18 =	rddreg [dreg:$0x1]  }
0x3: {  	s2 =	simm.s32 $0x0;
	s1 =	srdreg.scid;
	s17 =	stileid.u32  }
0x4: {  	[smem:$0x7FF] =	sst s2;
	s1 =	sand.u32 $0x1, s1;
	s7 =	smul.u32 $0x14000, s17  }
0x5: {  	s3 =	sshll.u32 s17, $0xB;
	s8 =	sadd.s32 $0x64400, s0;
	s17 =	smul.u32 $0x50000, s17  }
0x6: {  	s29 =	sadd.s32 $0x400, s18;
	s31 =	sadd.s32 $0x800, s18;
	s4 =	ssub.s32 $0x2, s1  }
0x7: {  	s5 =	smul.u32 $0x140000, s1;
	s3 =	sadd.s32 s3, s0;
	s1 =	sshll.u32 s1, $0xF  }
0x8: {  	s0 =	sadd.s32 $0x9E8200, s0;
	s6 =	sshrl.u32 s4, $0x1;
	s1 =	sadd.s32 s1, s3  }
0x9: {  	s10 =	sadd.s32 $0x4000, s7;
	s4 =	ssub.s32 s4, s6;
	s11 =	sadd.s32 s5, s7  }
0xa: {  	s6 =	sor.u32 $0x2000, s7;
	s13 =	sadd.s32 s5, s10;
	s3 =	sshrl.u32 s11, $0x3  }
0xb: {  	s9 =	sadd.s32 s5, s6;
	s14 =	sshrl.u32 s13, $0x3;
	s11 =	sadd.s32 $0x8000, s7  }
0xc: {  	s13 =	sadd.s32 $0xA000, s7;
	s3 =	sadd.s32 s8, s3;
	s12 =	sshrl.u32 s9, $0x3  }
0xd: {  	s9 =	sadd.s32 $0x6000, s7;
	s19 =	sadd.s32 s5, s13;
	[dreg:$0x4] =	wrdreg s3  }
0xe: {  	s3 =	sadd.s32 s8, s12;
	s15 =	sadd.s32 s5, s9;
	s12 =	sadd.s32 s5, s11  }
0xf: {  	s20 =	sshrl.u32 s19, $0x3;
	[dreg:$0x5] =	wrdreg s3;
	s3 =	sadd.s32 s8, s14  }
0x10: {  	s16 =	sshrl.u32 s12, $0x3;
	s14 =	sadd.s32 $0xC000, s7;
	s12 =	rddreg [dreg:$0x2]  }
0x11: {  	[dreg:$0x6] =	wrdreg s3;
	s3 =	sshrl.u32 s15, $0x3;
	s15 =	sadd.s32 $0xE000, s7  }
0x12: {  	s21 =	sadd.s32 s5, s14;
	s3 =	sadd.s32 s8, s3;
	s22 =	sadd.s32 s5, s15  }
0x13: {  	[dreg:$0x7] =	wrdreg s3;
	s3 =	sadd.s32 s8, s16;
	s16 =	sadd.s32 $0x10000, s7  }
0x14: {  	s23 =	sshrl.u32 s22, $0x3;
	[dreg:$0x8] =	wrdreg s3;
	s3 =	sadd.s32 s8, s20  }
0x15: {  	s7 =	sadd.s32 $0x12000, s7;
	[dreg:$0x9] =	wrdreg s3;
	s3 =	sshrl.u32 s21, $0x3  }
0x16: {  	s24 =	sadd.s32 s5, s16;
	s5 =	sadd.s32 s5, s7;
	s3 =	sadd.s32 s8, s3  }
0x17: {  	s25 =	sshrl.u32 s24, $0x3;
	[dreg:$0xa] =	wrdreg s3;
	s3 =	sadd.s32 s8, s23  }
0x18: {  	s26 =	sshrl.u32 s5, $0x3;
	[dreg:$0xb] =	wrdreg s3;
	s3 =	sadd.s32 s8, s25  }
0x19: {  	s28 =	sshrl.u32 s17, $0x2;
	[dreg:$0xc] =	wrdreg s3;
	s3 =	sadd.s32 s8, s26  }
0x1a: {  	s17 =	sadd.s32 s28, s12;
	s19 =	sadd.s32 s6, s12;
	[dreg:$0xd] =	wrdreg s3  }
0x1b: {  	s5 =	sadd.s32 $0x54400, s1;
	_ =	strace $0x80000053;
	[dreg:$0xe] =	wrdreg s0  }
0x1c: {  	s30 =	sadd.s32 $0x2000, s17;
	s8 =	smax.u32 s4, $0x1;
	[dreg:$0xf] =	wrdreg s5  }
0x1d: {  	s6 =	sadd.s32 $0xA000, s17;
	s22 =	sadd.s32 s11, s12;
	[dreg:$0x10] =	wrdreg s8  }
0x1e: {  	s11 =	sadd.s32 $0x4000, s17;
	s20 =	sadd.s32 s10, s12;
	[dreg:$0x11] =	wrdreg s19  }
0x1f: {  	s28 =	sadd.s32 s7, s12;
	s21 =	sadd.s32 s9, s12;
	[dreg:$0x12] =	wrdreg s20  }
0x20: {  	s7 =	sadd.s32 $0x1800, s18;
	s10 =	sadd.s32 $0xE000, s17;
	[dreg:$0x13] =	wrdreg s21  }
0x21: {  	s24 =	sadd.s32 s14, s12;
	s23 =	sadd.s32 s13, s12;
	[dreg:$0x14] =	wrdreg s22  }
0x22: {  	s1 =	sadd.s32 $0x6000, s17;
	s9 =	sadd.s32 $0x1C00, s18;
	[dreg:$0x15] =	wrdreg s23  }
0x23: {  	s14 =	sadd.s32 $0x10000, s17;
	s25 =	sadd.s32 s15, s12;
	[dreg:$0x16] =	wrdreg s24  }
0x24: {  	s13 =	sadd.s32 $0x2000, s18;
	s26 =	sadd.s32 s16, s12;
	[dreg:$0x17] =	wrdreg s25  }
0x25: {  	s15 =	sadd.s32 $0x2400, s18;
	s4 =	sadd.s32 $0x8000, s17;
	[dreg:$0x18] =	wrdreg s26  }
0x26: {  	s16 =	sadd.s32 $0x12000, s17;
	s3 =	sadd.s32 $0x1000, s18;
	[dreg:$0x19] =	wrdreg s28  }
0x27: {  	s0 =	sadd.s32 $0xC00, s18;
	s5 =	sadd.s32 $0x1400, s18;
	s8 =	sadd.s32 $0xC000, s17  }
0x28: {  	s18 =	simm.s32 $0x2;
	s19 =	simm.s32 $0x4000;
	s20 =	simm.s32 $0x6800  }
0x29: {  	s21 =	simm.s32 $0x50;
	s22 =	simm.s32 $0x1;
	s23 =	simm.s32 $0x0  }
.LBB2_1:
0x2a: {  	s24 =	rddreg [dreg:$0xf]  }
0x2b: {  	[tilespmem:s2], [sflag:$0x2] =	stream.linear.gather [hbm4b:s24+s2], $0x3E80, $0x38;
	[tilespmem:$0x1C800] =	vst v63  }
0x2c: {  	_ =	swait.ge [sflag:s18], $0x3E80  }
0x2d: {  	[sflag:s18] =	ssyncset.done $0x0  }
0x2e: {  	s28 =	rddreg [dreg:$0xe];
	[sflag:s18] =	ssyncadd.s32 $0xFFFFC180  }
0x2f: {  	[tilespmem:s19], [sflag:$0x2] =	stream.linear.gather [hbm4b:s28+s2], $0x2800, $0x38;
	[tilespmem:$0x1C800] =	vst v63  }
0x30: {  	_ =	swait.ge [sflag:s18], $0x2800  }
0x31: {  	[sflag:s18] =	ssyncset.done $0x0  }
0x32: {  	[sflag:s18] =	ssyncadd.s32 $0xFFFFD800  }
0x33: {  	s25 =	rddreg [dreg:$0x1]  }
0x34: {  	[tilespmem:s20], [sflag:$0x2] =	stream.linear.gather [hbm4b:s25+s2], $0x2000, $0x38;
	[tilespmem:$0x1C800] =	vst v63  }
0x35: {  	_ =	swait.ge [sflag:s18], $0x2000  }
0x36: {  	[sflag:s18] =	ssyncset.done $0x0  }
0x37: {  	[sflag:s18] =	ssyncadd.s32 $0xFFFFE000  }
0x38: {  	[spmem:s17] =	stream.linear.scatter [tilespmem:s20], [sflag:$0x2], $0x2000, $0x38;
	[tilespmem:$0x1C800] =	vst v63  }
0x39: {  	_ =	swait.ge [sflag:s18], $0x2000  }
0x3a: {  	[sflag:s18] =	ssyncset.done $0x0  }
0x3b: {  	[sflag:s18] =	ssyncadd.s32 $0xFFFFE000  }
0x3c: {  	[tilespmem:s20], [sflag:$0x2] =	stream.linear.gather [hbm4b:s29+s2], $0x2000, $0x38;
	[tilespmem:$0x1C800] =	vst v63  }
0x3d: {  	_ =	swait.ge [sflag:s18], $0x2000  }
0x3e: {  	[sflag:s18] =	ssyncset.done $0x0  }
0x3f: {  	[sflag:s18] =	ssyncadd.s32 $0xFFFFE000  }
0x40: {  	[spmem:s30] =	stream.linear.scatter [tilespmem:s20], [sflag:$0x2], $0x2000, $0x38;
	[tilespmem:$0x1C800] =	vst v63  }
0x41: {  	_ =	swait.ge [sflag:s18], $0x2000  }
0x42: {  	[sflag:s18] =	ssyncset.done $0x0  }
0x43: {  	[sflag:s18] =	ssyncadd.s32 $0xFFFFE000  }
0x44: {  	[tilespmem:s20], [sflag:$0x2] =	stream.linear.gather [hbm4b:s31+s2], $0x2000, $0x38;
	[tilespmem:$0x1C800] =	vst v63  }
0x45: {  	_ =	swait.ge [sflag:s18], $0x2000  }
0x46: {  	[sflag:s18] =	ssyncset.done $0x0  }
0x47: {  	[sflag:s18] =	ssyncadd.s32 $0xFFFFE000  }
0x48: {  	[spmem:s11] =	stream.linear.scatter [tilespmem:s20], [sflag:$0x2], $0x2000, $0x38;
	[tilespmem:$0x1C800] =	vst v63  }
0x49: {  	_ =	swait.ge [sflag:s18], $0x2000  }
0x4a: {  	[sflag:s18] =	ssyncset.done $0x0  }
0x4b: {  	[sflag:s18] =	ssyncadd.s32 $0xFFFFE000  }
0x4c: {  	[tilespmem:s20], [sflag:$0x2] =	stream.linear.gather [hbm4b:s0+s2], $0x2000, $0x38;
	[tilespmem:$0x1C800] =	vst v63  }
0x4d: {  	_ =	swait.ge [sflag:s18], $0x2000  }
0x4e: {  	[sflag:s18] =	ssyncset.done $0x0  }
0x4f: {  	[sflag:s18] =	ssyncadd.s32 $0xFFFFE000  }
0x50: {  	[spmem:s1] =	stream.linear.scatter [tilespmem:s20], [sflag:$0x2], $0x2000, $0x38;
	[tilespmem:$0x1C800] =	vst v63  }
0x51: {  	_ =	swait.ge [sflag:s18], $0x2000  }
0x52: {  	[sflag:s18] =	ssyncset.done $0x0  }
0x53: {  	[sflag:s18] =	ssyncadd.s32 $0xFFFFE000  }
0x54: {  	[tilespmem:s20], [sflag:$0x2] =	stream.linear.gather [hbm4b:s3+s2], $0x2000, $0x38;
	[tilespmem:$0x1C800] =	vst v63  }
0x55: {  	_ =	swait.ge [sflag:s18], $0x2000  }
0x56: {  	[sflag:s18] =	ssyncset.done $0x0  }
0x57: {  	[sflag:s18] =	ssyncadd.s32 $0xFFFFE000  }
0x58: {  	[spmem:s4] =	stream.linear.scatter [tilespmem:s20], [sflag:$0x2], $0x2000, $0x38;
	[tilespmem:$0x1C800] =	vst v63  }
0x59: {  	_ =	swait.ge [sflag:s18], $0x2000  }
0x5a: {  	[sflag:s18] =	ssyncset.done $0x0  }
0x5b: {  	[sflag:s18] =	ssyncadd.s32 $0xFFFFE000  }
0x5c: {  	[tilespmem:s20], [sflag:$0x2] =	stream.linear.gather [hbm4b:s5+s2], $0x2000, $0x38;
	[tilespmem:$0x1C800] =	vst v63  }
0x5d: {  	_ =	swait.ge [sflag:s18], $0x2000  }
0x5e: {  	[sflag:s18] =	ssyncset.done $0x0  }
0x5f: {  	[sflag:s18] =	ssyncadd.s32 $0xFFFFE000  }
0x60: {  	[spmem:s6] =	stream.linear.scatter [tilespmem:s20], [sflag:$0x2], $0x2000, $0x38;
	[tilespmem:$0x1C800] =	vst v63  }
0x61: {  	_ =	swait.ge [sflag:s18], $0x2000  }
0x62: {  	[sflag:s18] =	ssyncset.done $0x0  }
0x63: {  	[sflag:s18] =	ssyncadd.s32 $0xFFFFE000  }
0x64: {  	[tilespmem:s20], [sflag:$0x2] =	stream.linear.gather [hbm4b:s7+s2], $0x2000, $0x38;
	[tilespmem:$0x1C800] =	vst v63  }
0x65: {  	_ =	swait.ge [sflag:s18], $0x2000  }
0x66: {  	[sflag:s18] =	ssyncset.done $0x0  }
0x67: {  	[sflag:s18] =	ssyncadd.s32 $0xFFFFE000  }
0x68: {  	[spmem:s8] =	stream.linear.scatter [tilespmem:s20], [sflag:$0x2], $0x2000, $0x38;
	[tilespmem:$0x1C800] =	vst v63  }
0x69: {  	_ =	swait.ge [sflag:s18], $0x2000  }
0x6a: {  	[sflag:s18] =	ssyncset.done $0x0  }
0x6b: {  	[sflag:s18] =	ssyncadd.s32 $0xFFFFE000  }
0x6c: {  	[tilespmem:s20], [sflag:$0x2] =	stream.linear.gather [hbm4b:s9+s2], $0x2000, $0x38;
	[tilespmem:$0x1C800] =	vst v63  }
0x6d: {  	_ =	swait.ge [sflag:s18], $0x2000  }
0x6e: {  	[sflag:s18] =	ssyncset.done $0x0  }
0x6f: {  	[sflag:s18] =	ssyncadd.s32 $0xFFFFE000  }
0x70: {  	[spmem:s10] =	stream.linear.scatter [tilespmem:s20], [sflag:$0x2], $0x2000, $0x38;
	[tilespmem:$0x1C800] =	vst v63  }
0x71: {  	_ =	swait.ge [sflag:s18], $0x2000  }
0x72: {  	[sflag:s18] =	ssyncset.done $0x0  }
0x73: {  	[sflag:s18] =	ssyncadd.s32 $0xFFFFE000  }
0x74: {  	[tilespmem:s20], [sflag:$0x2] =	stream.linear.gather [hbm4b:s13+s2], $0x2000, $0x38;
	[tilespmem:$0x1C800] =	vst v63  }
0x75: {  	_ =	swait.ge [sflag:s18], $0x2000  }
0x76: {  	[sflag:s18] =	ssyncset.done $0x0  }
0x77: {  	[sflag:s18] =	ssyncadd.s32 $0xFFFFE000  }
0x78: {  	[spmem:s14] =	stream.linear.scatter [tilespmem:s20], [sflag:$0x2], $0x2000, $0x38;
	[tilespmem:$0x1C800] =	vst v63  }
0x79: {  	_ =	swait.ge [sflag:s18], $0x2000  }
0x7a: {  	[sflag:s18] =	ssyncset.done $0x0  }
0x7b: {  	[sflag:s18] =	ssyncadd.s32 $0xFFFFE000  }
0x7c: {  	[tilespmem:s20], [sflag:$0x2] =	stream.linear.gather [hbm4b:s15+s2], $0x2000, $0x38;
	[tilespmem:$0x1C800] =	vst v63  }
0x7d: {  	_ =	swait.ge [sflag:s18], $0x2000  }
0x7e: {  	[sflag:s18] =	ssyncset.done $0x0  }
0x7f: {  	[sflag:s18] =	ssyncadd.s32 $0xFFFFE000  }
0x80: {  	[spmem:s16] =	stream.linear.scatter [tilespmem:s20], [sflag:$0x2], $0x2000, $0x38;
	[tilespmem:$0x1C800] =	vst v63  }
0x81: {  	_ =	swait.ge [sflag:s18], $0x2000  }
0x82: {  	[sflag:s18] =	ssyncset.done $0x0  }
0x83: {  	[sflag:s18] =	ssyncadd.s32 $0xFFFFE000  }
0x84: {  	s26 =	simm.s32 $0x0;
	[bflag:$0x0] =	sbarrier.arrive $0xFFFF  }
0x85: {  	[spmem:s12] =	stream.indirect.scatter.add.f32 [tilespmem:s19], [sflag:$0x1], $0x80, s26, s21, $0xb8;
	[tilespmem:$0x1C800] =	vst v63  }
0x86: {  	s28 =	simm.s32 $0x80  }
0x87: {  	[spmem:s12] =	stream.indirect.scatter.add.f32 [tilespmem:s19], [sflag:$0x1], $0x80, s28, s21, $0xb8;
	[tilespmem:$0x1C800] =	vst v63  }
0x88: {  	s25 =	simm.s32 $0x100  }
0x89: {  	[spmem:s12] =	stream.indirect.scatter.add.f32 [tilespmem:s19], [sflag:$0x1], $0x80, s25, s21, $0xb8;
	[tilespmem:$0x1C800] =	vst v63  }
0x8a: {  	s26 =	simm.s32 $0x180  }
0x8b: {  	[spmem:s12] =	stream.indirect.scatter.add.f32 [tilespmem:s19], [sflag:$0x1], $0x80, s26, s21, $0xb8;
	[tilespmem:$0x1C800] =	vst v63  }
0x8c: {  	s28 =	simm.s32 $0x200  }
0x8d: {  	[spmem:s12] =	stream.indirect.scatter.add.f32 [tilespmem:s19], [sflag:$0x1], $0x80, s28, s21, $0xb8;
	[tilespmem:$0x1C800] =	vst v63  }
0x8e: {  	s25 =	simm.s32 $0x280  }
0x8f: {  	[spmem:s12] =	stream.indirect.scatter.add.f32 [tilespmem:s19], [sflag:$0x1], $0x80, s25, s21, $0xb8;
	[tilespmem:$0x1C800] =	vst v63  }
0x90: {  	s26 =	simm.s32 $0x300  }
0x91: {  	[spmem:s12] =	stream.indirect.scatter.add.f32 [tilespmem:s19], [sflag:$0x1], $0x80, s26, s21, $0xb8;
	[tilespmem:$0x1C800] =	vst v63  }
0x92: {  	s28 =	simm.s32 $0x380  }
0x93: {  	[spmem:s12] =	stream.indirect.scatter.add.f32 [tilespmem:s19], [sflag:$0x1], $0x80, s28, s21, $0xb8;
	[tilespmem:$0x1C800] =	vst v63  }
0x94: {  	_ =	swait.ge [sflag:s22], $0x2800  }
0x95: {  	[sflag:s22] =	ssyncset.done $0x0  }
0x96: {  	[sflag:s22] =	ssyncadd.s32 $0xFFFFD800  }
0x97: {  	_ =	swait.ge [sflag:s22], $0x2800  }
0x98: {  	[sflag:s22] =	ssyncset.done $0x0  }
0x99: {  	[sflag:s22] =	ssyncadd.s32 $0xFFFFD800  }
0x9a: {  	_ =	swait.ge [sflag:s22], $0x2800  }
0x9b: {  	[sflag:s22] =	ssyncset.done $0x0  }
0x9c: {  	[sflag:s22] =	ssyncadd.s32 $0xFFFFD800  }
0x9d: {  	_ =	swait.ge [sflag:s22], $0x2800  }
0x9e: {  	[sflag:s22] =	ssyncset.done $0x0  }
0x9f: {  	[sflag:s22] =	ssyncadd.s32 $0xFFFFD800  }
0xa0: {  	_ =	swait.ge [sflag:s22], $0x2800  }
0xa1: {  	[sflag:s22] =	ssyncset.done $0x0  }
0xa2: {  	[sflag:s22] =	ssyncadd.s32 $0xFFFFD800  }
0xa3: {  	_ =	swait.ge [sflag:s22], $0x2800  }
0xa4: {  	[sflag:s22] =	ssyncset.done $0x0  }
0xa5: {  	[sflag:s22] =	ssyncadd.s32 $0xFFFFD800  }
0xa6: {  	_ =	swait.ge [sflag:s22], $0x2800  }
0xa7: {  	[sflag:s22] =	ssyncset.done $0x0  }
0xa8: {  	[sflag:s22] =	ssyncadd.s32 $0xFFFFD800  }
0xa9: {  	_ =	swait.ge [sflag:s22], $0x2800  }
0xaa: {  	s24 =	simm.s32 $0x1000;
	s25 =	simm.s32 $0x2000;
	[sflag:s22] =	ssyncset.done $0x0  }
.LBB2_2:
0xab: {  	s28 =	sshra.s32 s24, $0x2  }
0xac: {  	[sflag:s22] =	ssyncadd.s32 $0xFFFFD800;
	s24 =	smov.u32 s25;
	s26 =	sadd.s32 $0x1000, s25  }
0xad: {  	[spmem:s12] =	stream.indirect.scatter.add.f32 [tilespmem:s19], [sflag:$0x1], $0x80, s28, s21, $0xb8;
	[tilespmem:$0x1C800] =	vst v63  }
0xae: {  	p0 =	sne.s32 s25, $0xE000;
	s25 =	sadd.s32 $0x80, s28  }
0xaf: {  	[spmem:s12] =	stream.indirect.scatter.add.f32 [tilespmem:s19], [sflag:$0x1], $0x80, s25, s21, $0xb8;
	[tilespmem:$0x1C800] =	vst v63  }
0xb0: {  	s25 =	sadd.s32 $0x100, s28  }
0xb1: {  	[spmem:s12] =	stream.indirect.scatter.add.f32 [tilespmem:s19], [sflag:$0x1], $0x80, s25, s21, $0xb8;
	[tilespmem:$0x1C800] =	vst v63  }
0xb2: {  	s25 =	sadd.s32 $0x180, s28  }
0xb3: {  	[spmem:s12] =	stream.indirect.scatter.add.f32 [tilespmem:s19], [sflag:$0x1], $0x80, s25, s21, $0xb8;
	[tilespmem:$0x1C800] =	vst v63  }
0xb4: {  	s25 =	sadd.s32 $0x200, s28  }
0xb5: {  	[spmem:s12] =	stream.indirect.scatter.add.f32 [tilespmem:s19], [sflag:$0x1], $0x80, s25, s21, $0xb8;
	[tilespmem:$0x1C800] =	vst v63  }
0xb6: {  	s25 =	sadd.s32 $0x280, s28  }
0xb7: {  	[spmem:s12] =	stream.indirect.scatter.add.f32 [tilespmem:s19], [sflag:$0x1], $0x80, s25, s21, $0xb8;
	[tilespmem:$0x1C800] =	vst v63  }
0xb8: {  	s25 =	sadd.s32 $0x300, s28  }
0xb9: {  	[spmem:s12] =	stream.indirect.scatter.add.f32 [tilespmem:s19], [sflag:$0x1], $0x80, s25, s21, $0xb8;
	[tilespmem:$0x1C800] =	vst v63  }
0xba: {  	s25 =	sadd.s32 $0x380, s28  }
0xbb: {  	[spmem:s12] =	stream.indirect.scatter.add.f32 [tilespmem:s19], [sflag:$0x1], $0x80, s25, s21, $0xb8;
	[tilespmem:$0x1C800] =	vst v63  }
0xbc: {  	_ =	swait.ge [sflag:s22], $0x2800  }
0xbd: {  	[sflag:s22] =	ssyncset.done $0x0  }
0xbe: {  	[sflag:s22] =	ssyncadd.s32 $0xFFFFD800  }
0xbf: {  	_ =	swait.ge [sflag:s22], $0x2800  }
0xc0: {  	[sflag:s22] =	ssyncset.done $0x0  }
0xc1: {  	[sflag:s22] =	ssyncadd.s32 $0xFFFFD800  }
0xc2: {  	_ =	swait.ge [sflag:s22], $0x2800  }
0xc3: {  	[sflag:s22] =	ssyncset.done $0x0  }
0xc4: {  	[sflag:s22] =	ssyncadd.s32 $0xFFFFD800  }
0xc5: {  	_ =	swait.ge [sflag:s22], $0x2800  }
0xc6: {  	[sflag:s22] =	ssyncset.done $0x0  }
0xc7: {  	[sflag:s22] =	ssyncadd.s32 $0xFFFFD800  }
0xc8: {  	_ =	swait.ge [sflag:s22], $0x2800  }
0xc9: {  	[sflag:s22] =	ssyncset.done $0x0  }
0xca: {  	[sflag:s22] =	ssyncadd.s32 $0xFFFFD800  }
0xcb: {  	_ =	swait.ge [sflag:s22], $0x2800  }
0xcc: {  	[sflag:s22] =	ssyncset.done $0x0  }
0xcd: {  	[sflag:s22] =	ssyncadd.s32 $0xFFFFD800  }
.Ltmp0:
0xce: {  	_ =	swait.ge [sflag:s22], $0x2800;
	(pc) =	sbr.rel @p0 .LBB2_2-.Ltmp0, $4  }
0xcf: {  	[sflag:s22] =	ssyncset.done $0x0  }
0xd0: {  	[sflag:s22] =	ssyncadd.s32 $0xFFFFD800  }
0xd1: {  	_ =	swait.ge [sflag:s22], $0x2800  }
0xd2: {  	s25 =	smov.u32 s26;
	[sflag:s22] =	ssyncset.done $0x0  }
0xd3: {  	s24 =	sshra.s32 s24, $0x2;
	[sflag:s22] =	ssyncadd.s32 $0xFFFFD800  }
0xd4: {  	[spmem:s12] =	stream.indirect.scatter.add.f32 [tilespmem:s19], [sflag:$0x1], $0x80, s24, s21, $0xb8;
	[tilespmem:$0x1C800] =	vst v63  }
0xd5: {  	s25 =	sadd.s32 $0x80, s24  }
0xd6: {  	[spmem:s12] =	stream.indirect.scatter.add.f32 [tilespmem:s19], [sflag:$0x1], $0x80, s25, s21, $0xb8;
	[tilespmem:$0x1C800] =	vst v63  }
0xd7: {  	s26 =	sadd.s32 $0x100, s24  }
0xd8: {  	[spmem:s12] =	stream.indirect.scatter.add.f32 [tilespmem:s19], [sflag:$0x1], $0x80, s26, s21, $0xb8;
	[tilespmem:$0x1C800] =	vst v63  }
0xd9: {  	s28 =	sadd.s32 $0x180, s24  }
0xda: {  	[spmem:s12] =	stream.indirect.scatter.add.f32 [tilespmem:s19], [sflag:$0x1], $0x80, s28, s21, $0xb8;
	[tilespmem:$0x1C800] =	vst v63  }
0xdb: {  	s26 =	sadd.s32 $0x200, s24  }
0xdc: {  	[spmem:s12] =	stream.indirect.scatter.add.f32 [tilespmem:s19], [sflag:$0x1], $0x80, s26, s21, $0xb8;
	[tilespmem:$0x1C800] =	vst v63  }
0xdd: {  	s28 =	sadd.s32 $0x280, s24  }
0xde: {  	[spmem:s12] =	stream.indirect.scatter.add.f32 [tilespmem:s19], [sflag:$0x1], $0x80, s28, s21, $0xb8;
	[tilespmem:$0x1C800] =	vst v63  }
0xdf: {  	s26 =	sadd.s32 $0x300, s24  }
0xe0: {  	[spmem:s12] =	stream.indirect.scatter.add.f32 [tilespmem:s19], [sflag:$0x1], $0x80, s26, s21, $0xb8;
	[tilespmem:$0x1C800] =	vst v63  }
0xe1: {  	s24 =	sadd.s32 $0x380, s24  }
0xe2: {  	[spmem:s12] =	stream.indirect.scatter.add.f32 [tilespmem:s19], [sflag:$0x1], $0x80, s24, s21, $0xb8;
	[tilespmem:$0x1C800] =	vst v63  }
0xe3: {  	_ =	swait.ge [sflag:s22], $0x2800  }
0xe4: {  	[sflag:s22] =	ssyncset.done $0x0  }
0xe5: {  	[sflag:s22] =	ssyncadd.s32 $0xFFFFD800  }
0xe6: {  	_ =	swait.ge [sflag:s22], $0x2800  }
0xe7: {  	[sflag:s22] =	ssyncset.done $0x0  }
0xe8: {  	[sflag:s22] =	ssyncadd.s32 $0xFFFFD800  }
0xe9: {  	_ =	swait.ge [sflag:s22], $0x2800  }
0xea: {  	[sflag:s22] =	ssyncset.done $0x0  }
0xeb: {  	[sflag:s22] =	ssyncadd.s32 $0xFFFFD800  }
0xec: {  	_ =	swait.ge [sflag:s22], $0x2800  }
0xed: {  	[sflag:s22] =	ssyncset.done $0x0  }
0xee: {  	[sflag:s22] =	ssyncadd.s32 $0xFFFFD800  }
0xef: {  	_ =	swait.ge [sflag:s22], $0x2800  }
0xf0: {  	[sflag:s22] =	ssyncset.done $0x0  }
0xf1: {  	[sflag:s22] =	ssyncadd.s32 $0xFFFFD800  }
0xf2: {  	_ =	swait.ge [sflag:s22], $0x2800  }
0xf3: {  	[sflag:s22] =	ssyncset.done $0x0  }
0xf4: {  	[sflag:s22] =	ssyncadd.s32 $0xFFFFD800  }
0xf5: {  	_ =	swait.ge [sflag:s22], $0x2800  }
0xf6: {  	[sflag:s22] =	ssyncset.done $0x0  }
0xf7: {  	[sflag:s22] =	ssyncadd.s32 $0xFFFFD800  }
0xf8: {  	_ =	swait.ge [sflag:s22], $0x2800  }
0xf9: {  	[sflag:s22] =	ssyncset.done $0x0  }
0xfa: {  	s28 =	simm.s32 $0x3C00;
	[sflag:s22] =	ssyncadd.s32 $0xFFFFD800  }
0xfb: {  	[spmem:s12] =	stream.indirect.scatter.add.f32 [tilespmem:s19], [sflag:$0x2], $0x80, s28, s21, $0xb8;
	[tilespmem:$0x1C800] =	vst v63  }
0xfc: {  	_ =	swait.ge [sflag:s18], $0x2800  }
0xfd: {  	[sflag:s18] =	ssyncset.done $0x0  }
0xfe: {  	s25 =	simm.s32 $0x3C80;
	[sflag:s18] =	ssyncadd.s32 $0xFFFFD800  }
0xff: {  	[spmem:s12] =	stream.indirect.scatter.add.f32 [tilespmem:s19], [sflag:$0x2], $0x80, s25, s21, $0xb8;
	[tilespmem:$0x1C800] =	vst v63  }
0x100: {  	_ =	swait.ge [sflag:s18], $0x2800  }
0x101: {  	[sflag:s18] =	ssyncset.done $0x0  }
0x102: {  	s26 =	simm.s32 $0x3D00;
	[sflag:s18] =	ssyncadd.s32 $0xFFFFD800  }
0x103: {  	[spmem:s12] =	stream.indirect.scatter.add.f32 [tilespmem:s19], [sflag:$0x2], $0x80, s26, s21, $0xb8;
	[tilespmem:$0x1C800] =	vst v63  }
0x104: {  	_ =	swait.ge [sflag:s18], $0x2800  }
0x105: {  	[sflag:s18] =	ssyncset.done $0x0  }
0x106: {  	s28 =	simm.s32 $0x3D80;
	[sflag:s18] =	ssyncadd.s32 $0xFFFFD800  }
0x107: {  	[spmem:s12] =	stream.indirect.scatter.add.f32 [tilespmem:s19], [sflag:$0x2], $0x80, s28, s21, $0xb8;
	[tilespmem:$0x1C800] =	vst v63  }
0x108: {  	_ =	swait.ge [sflag:s18], $0x2800  }
0x109: {  	[sflag:s18] =	ssyncset.done $0x0  }
0x10a: {  	s25 =	simm.s32 $0x3E00;
	[sflag:s18] =	ssyncadd.s32 $0xFFFFD800  }
0x10b: {  	[spmem:s12] =	stream.indirect.scatter.add.f32 [tilespmem:s19], [sflag:$0x2], $0x80, s25, s21, $0xb8;
	[tilespmem:$0x1C800] =	vst v63  }
0x10c: {  	_ =	swait.ge [sflag:s18], $0x2800  }
0x10d: {  	[sflag:s18] =	ssyncset.done $0x0  }
0x10e: {  	[sflag:s18] =	ssyncadd.s32 $0xFFFFD800  }
0x10f: {  	[bflag:$0x0] =	sbarrier.arrive $0xFFFF  }
0x110: {  	[tilespmem:s20], [sflag:$0x2] =	stream.linear.gather [spmem:s17], $0x2000, $0x38;
	[tilespmem:$0x1C800] =	vst v63  }
0x111: {  	_ =	swait.ge [sflag:s18], $0x2000  }
0x112: {  	[sflag:s18] =	ssyncset.done $0x0  }
0x113: {  	s26 =	rddreg [dreg:$0x4];
	[sflag:s18] =	ssyncadd.s32 $0xFFFFE000  }
0x114: {  	[hbm4b:s26+s2] =	stream.linear.scatter [tilespmem:s20], [sflag:$0x2], $0x2000, $0x38;
	[tilespmem:$0x1C800] =	vst v63  }
0x115: {  	_ =	swait.ge [sflag:s18], $0x2000  }
0x116: {  	[sflag:s18] =	ssyncset.done $0x0  }
0x117: {  	s28 =	rddreg [dreg:$0x11];
	[sflag:s18] =	ssyncadd.s32 $0xFFFFE000  }
0x118: {  	[tilespmem:s20], [sflag:$0x2] =	stream.linear.gather [spmem:s28], $0x2000, $0x38;
	[tilespmem:$0x1C800] =	vst v63  }
0x119: {  	_ =	swait.ge [sflag:s18], $0x2000  }
0x11a: {  	[sflag:s18] =	ssyncset.done $0x0  }
0x11b: {  	s25 =	rddreg [dreg:$0x5];
	[sflag:s18] =	ssyncadd.s32 $0xFFFFE000  }
0x11c: {  	[hbm4b:s25+s2] =	stream.linear.scatter [tilespmem:s20], [sflag:$0x2], $0x2000, $0x38;
	[tilespmem:$0x1C800] =	vst v63  }
0x11d: {  	_ =	swait.ge [sflag:s18], $0x2000  }
0x11e: {  	[sflag:s18] =	ssyncset.done $0x0  }
0x11f: {  	s26 =	rddreg [dreg:$0x12];
	[sflag:s18] =	ssyncadd.s32 $0xFFFFE000  }
0x120: {  	[tilespmem:s20], [sflag:$0x2] =	stream.linear.gather [spmem:s26], $0x2000, $0x38;
	[tilespmem:$0x1C800] =	vst v63  }
0x121: {  	_ =	swait.ge [sflag:s18], $0x2000  }
0x122: {  	[sflag:s18] =	ssyncset.done $0x0  }
0x123: {  	s28 =	rddreg [dreg:$0x6];
	[sflag:s18] =	ssyncadd.s32 $0xFFFFE000  }
0x124: {  	[hbm4b:s28+s2] =	stream.linear.scatter [tilespmem:s20], [sflag:$0x2], $0x2000, $0x38;
	[tilespmem:$0x1C800] =	vst v63  }
0x125: {  	_ =	swait.ge [sflag:s18], $0x2000  }
0x126: {  	[sflag:s18] =	ssyncset.done $0x0  }
0x127: {  	s25 =	rddreg [dreg:$0x13];
	[sflag:s18] =	ssyncadd.s32 $0xFFFFE000  }
0x128: {  	[tilespmem:s20], [sflag:$0x2] =	stream.linear.gather [spmem:s25], $0x2000, $0x38;
	[tilespmem:$0x1C800] =	vst v63  }
0x129: {  	_ =	swait.ge [sflag:s18], $0x2000  }
0x12a: {  	[sflag:s18] =	ssyncset.done $0x0  }
0x12b: {  	s26 =	rddreg [dreg:$0x7];
	[sflag:s18] =	ssyncadd.s32 $0xFFFFE000  }
0x12c: {  	[hbm4b:s26+s2] =	stream.linear.scatter [tilespmem:s20], [sflag:$0x2], $0x2000, $0x38;
	[tilespmem:$0x1C800] =	vst v63  }
0x12d: {  	_ =	swait.ge [sflag:s18], $0x2000  }
0x12e: {  	[sflag:s18] =	ssyncset.done $0x0  }
0x12f: {  	s28 =	rddreg [dreg:$0x14];
	[sflag:s18] =	ssyncadd.s32 $0xFFFFE000  }
0x130: {  	[tilespmem:s20], [sflag:$0x2] =	stream.linear.gather [spmem:s28], $0x2000, $0x38;
	[tilespmem:$0x1C800] =	vst v63  }
0x131: {  	_ =	swait.ge [sflag:s18], $0x2000  }
0x132: {  	[sflag:s18] =	ssyncset.done $0x0  }
0x133: {  	s25 =	rddreg [dreg:$0x8];
	[sflag:s18] =	ssyncadd.s32 $0xFFFFE000  }
0x134: {  	[hbm4b:s25+s2] =	stream.linear.scatter [tilespmem:s20], [sflag:$0x2], $0x2000, $0x38;
	[tilespmem:$0x1C800] =	vst v63  }
0x135: {  	_ =	swait.ge [sflag:s18], $0x2000  }
0x136: {  	[sflag:s18] =	ssyncset.done $0x0  }
0x137: {  	s26 =	rddreg [dreg:$0x15];
	[sflag:s18] =	ssyncadd.s32 $0xFFFFE000  }
0x138: {  	[tilespmem:s20], [sflag:$0x2] =	stream.linear.gather [spmem:s26], $0x2000, $0x38;
	[tilespmem:$0x1C800] =	vst v63  }
0x139: {  	_ =	swait.ge [sflag:s18], $0x2000  }
0x13a: {  	[sflag:s18] =	ssyncset.done $0x0  }
0x13b: {  	s28 =	rddreg [dreg:$0x9];
	[sflag:s18] =	ssyncadd.s32 $0xFFFFE000  }
0x13c: {  	[hbm4b:s28+s2] =	stream.linear.scatter [tilespmem:s20], [sflag:$0x2], $0x2000, $0x38;
	[tilespmem:$0x1C800] =	vst v63  }
0x13d: {  	_ =	swait.ge [sflag:s18], $0x2000  }
0x13e: {  	[sflag:s18] =	ssyncset.done $0x0  }
0x13f: {  	s25 =	rddreg [dreg:$0x16];
	[sflag:s18] =	ssyncadd.s32 $0xFFFFE000  }
0x140: {  	[tilespmem:s20], [sflag:$0x2] =	stream.linear.gather [spmem:s25], $0x2000, $0x38;
	[tilespmem:$0x1C800] =	vst v63  }
0x141: {  	_ =	swait.ge [sflag:s18], $0x2000  }
0x142: {  	[sflag:s18] =	ssyncset.done $0x0  }
0x143: {  	s26 =	rddreg [dreg:$0xa];
	[sflag:s18] =	ssyncadd.s32 $0xFFFFE000  }
0x144: {  	[hbm4b:s26+s2] =	stream.linear.scatter [tilespmem:s20], [sflag:$0x2], $0x2000, $0x38;
	[tilespmem:$0x1C800] =	vst v63  }
0x145: {  	_ =	swait.ge [sflag:s18], $0x2000  }
0x146: {  	[sflag:s18] =	ssyncset.done $0x0  }
0x147: {  	s28 =	rddreg [dreg:$0x17];
	[sflag:s18] =	ssyncadd.s32 $0xFFFFE000  }
0x148: {  	[tilespmem:s20], [sflag:$0x2] =	stream.linear.gather [spmem:s28], $0x2000, $0x38;
	[tilespmem:$0x1C800] =	vst v63  }
0x149: {  	_ =	swait.ge [sflag:s18], $0x2000  }
0x14a: {  	[sflag:s18] =	ssyncset.done $0x0  }
0x14b: {  	s25 =	rddreg [dreg:$0xb];
	[sflag:s18] =	ssyncadd.s32 $0xFFFFE000  }
0x14c: {  	[hbm4b:s25+s2] =	stream.linear.scatter [tilespmem:s20], [sflag:$0x2], $0x2000, $0x38;
	[tilespmem:$0x1C800] =	vst v63  }
0x14d: {  	_ =	swait.ge [sflag:s18], $0x2000  }
0x14e: {  	[sflag:s18] =	ssyncset.done $0x0  }
0x14f: {  	s26 =	rddreg [dreg:$0x18];
	[sflag:s18] =	ssyncadd.s32 $0xFFFFE000  }
0x150: {  	[tilespmem:s20], [sflag:$0x2] =	stream.linear.gather [spmem:s26], $0x2000, $0x38;
	[tilespmem:$0x1C800] =	vst v63  }
0x151: {  	_ =	swait.ge [sflag:s18], $0x2000  }
0x152: {  	[sflag:s18] =	ssyncset.done $0x0  }
0x153: {  	s28 =	rddreg [dreg:$0xc];
	[sflag:s18] =	ssyncadd.s32 $0xFFFFE000  }
0x154: {  	[hbm4b:s28+s2] =	stream.linear.scatter [tilespmem:s20], [sflag:$0x2], $0x2000, $0x38;
	[tilespmem:$0x1C800] =	vst v63  }
0x155: {  	_ =	swait.ge [sflag:s18], $0x2000  }
0x156: {  	[sflag:s18] =	ssyncset.done $0x0  }
0x157: {  	s25 =	rddreg [dreg:$0x19];
	[sflag:s18] =	ssyncadd.s32 $0xFFFFE000  }
0x158: {  	[tilespmem:s20], [sflag:$0x2] =	stream.linear.gather [spmem:s25], $0x2000, $0x38;
	[tilespmem:$0x1C800] =	vst v63  }
0x159: {  	_ =	swait.ge [sflag:s18], $0x2000  }
0x15a: {  	[sflag:s18] =	ssyncset.done $0x0  }
0x15b: {  	s26 =	rddreg [dreg:$0xd];
	[sflag:s18] =	ssyncadd.s32 $0xFFFFE000  }
0x15c: {  	[hbm4b:s26+s2] =	stream.linear.scatter [tilespmem:s20], [sflag:$0x2], $0x2000, $0x38;
	[tilespmem:$0x1C800] =	vst v63  }
0x15d: {  	_ =	swait.ge [sflag:s18], $0x2000  }
0x15e: {  	s23 =	sadd.s32 $0x1, s23;
	s28 =	rddreg [dreg:$0x10]  }
0x15f: {  	p0 =	sne.s32 s23, s28  }
.Ltmp1:
0x160: {  	_ = 	snop;
	(pc) =	sbr.rel @p0 .LBB2_1-.Ltmp1, $3  }
0x161: {  	_ =	sdelay $0x1  }
0x162: {  	[sflag:s18] =	ssyncset.done $0x0  }
0x163: {  	[sflag:s18] =	ssyncadd.s32 $0xFFFFE000  }
0x164: {  	_ =	sfence.sel $0x180000  }
0x165: {  	[bflag:$0x0] =	sbarrier.arrive $0xFFFF  }
0x166: {  	_ =	strace $0x90000053  }
0x167: {  	s0 =	stileid.u32;
	[bflag:$0x2] =	sbarrier.arrive $0xFFFF  }
0x168: {  	p0 =	sne.s32 s0, $0x0;
	s0 =	rddreg [dreg:$0x3]  }
0x169: {  	s0 =	sadd.s32 @!p0 $0x100000, s0  }
0x16a: {  	[sflag:s0] =	ssyncadd.tile.s32 @!p0 $0x1;
	_ =	shalt  }
.Lfunc_end2:
_tile_overlayer_lowered:
.L_overlay_start_2:
0x16b: {  	(tag) =	ssettag $0x2  }
0x16c: {  	s0 =	rddreg [dreg:$0x0];
	s2 =	stileid.u32  }
0x16d: {  	s1 =	rddreg [dreg:$0x1];
	p0 =	sne.s32 s2, $0x0  }
0x16e: {  	s3 =	rddreg [dreg:$0x2];
	[bflag:$0x3] =	sbarrier.arrive $0xFFFF;
	s2 =	simm.s32 @!p0 $0x1C02  }
0x16f: {  	[timem:s3], [sflag:s2] =	dma.local @!p0 [hbm:s0], s1  }
0x170: {  	s0 =	simm.s32 @!p0 $0x2  }
0x171: {  	_ =	swait.ge @!p0 [sflag:s0], s1  }
0x172: {  	s1 =	ssub.s32 @!p0 $0x0, s1;
	[sflag:s0] =	ssyncset.done @!p0 $0x0  }
0x173: {  	[sflag:s0] =	ssyncadd.s32 @!p0 s1  }
0x174: {  	[bflag:$0x3] =	sbarrier.arrive $0xFFFF  }
0x175: {  	_ =	shalt  }

// kernel: kernel.23.cloned.1.call-start
scs
__scs_entry_jumppad:
0x0: {  	(pc) =	sbr.rel $0x88, $3  }
0x1: {  	(tag) =	ssettag $0x0;
	lr =	simm.s32 $0x1  }
0x2: {  	[smem:$0x3F95] =	sst lr;
	_ =	strace $0xD0000000  }
0x3: {  	_ = 	snop  }
0x4: {  	_ = 	snop  }
0x5: {  	_ = 	snop  }
0x6: {  	_ = 	snop  }
0x7: {  	_ = 	snop  }
__scs_overlays_trampoline_lowered:
0x8: {  	[smem:$0x3FA4] =	sst s0  }
0x9: {  	[smem:$0x3FA5] =	sst s1  }
0xa: {  	[smem:$0x3FA6] =	sst s2  }
0xb: {  	[smem:$0x3FA7] =	sst s3  }
0xc: {  	[smem:$0x3FA8] =	sst s4  }
0xd: {  	[smem:$0x3FA9] =	sst s5  }
0xe: {  	[smem:$0x3FAA] =	sst s6  }
0xf: {  	[smem:$0x3FAB] =	sst s7  }
0x10: {  	[smem:$0x3FAC] =	sst s8  }
0x11: {  	[smem:$0x3FAD] =	sst s9;
	s0 =	simm.s32 @!p0 $0x0  }
0x12: {  	s1 =	sld [smem:$0x3F93];
	s0 =	simm.s32 @p0 $0x1  }
0x13: {  	[smem:$0x3FAE] =	sst s0;
	s0 =	simm.s32 @!p1 $0x0  }
0x14: {  	s2 =	sld [smem:$0x3F92];
	s0 =	simm.s32 @p1 $0x1  }
0x15: {  	[smem:$0x3FAF] =	sst s0;
	s0 =	simm.s32 @!p2 $0x0  }
0x16: {  	s3 =	sld [smem:$0x3FDB];
	s0 =	simm.s32 @p2 $0x1  }
0x17: {  	s4 =	simm.s32 $0x1BF5;
	[smem:$0x3FB1] =	sst s0  }
0x18: {  	s0 =	sld [smem:$0x3F94];
	_ =	swait.ge [sflag:s4], $0x0  }
0x19: {  	s7 =	sld [smem:$0x3F95]  }
0x1a: {  	s8 =	sadd.s32 $0xFFFFE003, lr  }
0x1b: {  	s9 =	sadd.s32 $0xFFFFFEF7, lr;
	s5 =	simm.s32 $0xFFFFFFFF;
	p2 =	slt.u32 s8, $0xFFFFF086  }
0x1c: {  	p1 =	slt.u32 s9, $0xF7A;
	s5 =	simm.s32 @!p2 $0x0  }
0x1d: {  	s5 =	simm.s32 @p1 $0x1;
	p0 =	seq.s32 s7, s2  }
0x1e: {  	s7 =	smul.u32 @!p0 $0xF7A, s2;
	p2 =	seq.s32 @!p0 s5, $0x0  }
0x1f: {  	s9 =	smul.u32 $0xF7A, s1;
	s8 =	simm.s32 @!p0 $0x1BF5;
	p2 =	por !p2, p0  }
0x20: {  	[sflag:s8] =	ssyncset.s32 @!p0 $0xFFFFF086;
	s6 =	sadd.s32 @!p0 s3, s7;
	s7 =	simm.s32 @!p0 $0x108  }
0x21: {  	s3 =	sadd.s32 s3, s9;
	s6 =	sadd.s32 @!p0 $0x88, s6;
	s7 =	simm.s32 @p2 $0x1082  }
0x22: {  	[simem:s7], [sflag:s8] =	dma.local @!p0 [hbm:s6], $0xF7A  }
0x23: {  	s9 =	sor.u32 $0xD0000000, s2;
	s6 =	simm.s32 $0x108;
	_ =	swait.ge @!p0 [sflag:s8], $0x0  }
0x24: {  	s3 =	sadd.s32 $0x88, s3;
	s6 =	simm.s32 @!p1 $0x1082;
	[sflag:s4] =	ssyncset.s32 $0xFFFFF086  }
0x25: {  	[simem:s6], [sflag:s4] =	dma.local [hbm:s3], $0xF7A  }
0x26: {  	[smem:$0x3F95] =	sst s1;
	(tag) =	ssettag s2;
	_ =	strace s9  }
0x27: {  	s1 =	sld [smem:$0x3FA5]  }
0x28: {  	s2 =	sld [smem:$0x3FA6]  }
0x29: {  	s4 =	sld [smem:$0x3FA8]  }
0x2a: {  	p0 =	seq.s32 s5, $0x0;
	s5 =	sld [smem:$0x3FA9]  }
0x2b: {  	s6 =	sld [smem:$0x3FAA]  }
0x2c: {  	s7 =	sld [smem:$0x3FAB]  }
0x2d: {  	s3 =	simm.s32 $0x108;
	s8 =	sld [smem:$0x3FAC]  }
0x2e: {  	s3 =	simm.s32 @!p0 $0x1082;
	s9 =	sld [smem:$0x3FAD]  }
0x2f: {  	lr =	sadd.s32 s0, s3;
	s0 =	sld [smem:$0x3FA4]  }
0x30: {  	s3 =	sld [smem:$0x3FA7]  }
0x31: {  	[smem:$0x3FB0] =	sst s10  }
0x32: {  	s10 =	sld [smem:$0x3FAE];
	_ =	sdelay $0x3  }
0x33: {  	p0 =	seq.s32 s10, $0x1;
	s10 =	sld [smem:$0x3FB0];
	_ =	sdelay $0x3  }
0x34: {  	[smem:$0x3FB0] =	sst s10  }
0x35: {  	s10 =	sld [smem:$0x3FAF];
	_ =	sdelay $0x3  }
0x36: {  	p1 =	seq.s32 s10, $0x1;
	s10 =	sld [smem:$0x3FB0];
	_ =	sdelay $0x3  }
0x37: {  	[smem:$0x3FB0] =	sst s10  }
0x38: {  	s10 =	sld [smem:$0x3FB1]  }
0x39: {  	_ = 	snop;
	(pc) =	sbr.ind lr, $3  }
0x3a: {  	_ = 	snop  }
0x3b: {  	_ = 	snop  }
0x3c: {  	p2 =	seq.s32 s10, $0x1;
	s10 =	sld [smem:$0x3FB0]  }
0x3d: {  	_ =	shalt  }
0x3e: {  	_ =	shalt  }
0x3f: {  	_ =	shalt  }
0x40: {  	_ =	shalt  }
0x41: {  	_ =	shalt  }
0x42: {  	_ =	shalt  }
0x43: {  	_ =	shalt  }
0x44: {  	_ =	shalt  }
0x45: {  	_ =	shalt  }
0x46: {  	_ =	shalt  }
0x47: {  	_ =	shalt  }
0x48: {  	_ =	shalt  }
0x49: {  	_ =	shalt  }
0x4a: {  	_ =	shalt  }
0x4b: {  	_ =	shalt  }
0x4c: {  	_ =	shalt  }
0x4d: {  	_ =	shalt  }
0x4e: {  	_ =	shalt  }
0x4f: {  	_ =	shalt  }
0x50: {  	_ =	shalt  }
0x51: {  	_ =	shalt  }
0x52: {  	_ =	shalt  }
0x53: {  	_ =	shalt  }
0x54: {  	_ =	shalt  }
0x55: {  	_ =	shalt  }
0x56: {  	_ =	shalt  }
0x57: {  	_ =	shalt  }
0x58: {  	_ =	shalt  }
0x59: {  	_ =	shalt  }
0x5a: {  	_ =	shalt  }
0x5b: {  	_ =	shalt  }
0x5c: {  	_ =	shalt  }
0x5d: {  	_ =	shalt  }
0x5e: {  	_ =	shalt  }
0x5f: {  	_ =	shalt  }
0x60: {  	_ =	shalt  }
0x61: {  	_ =	shalt  }
0x62: {  	_ =	shalt  }
0x63: {  	_ =	shalt  }
0x64: {  	_ =	shalt  }
0x65: {  	_ =	shalt  }
0x66: {  	_ =	shalt  }
0x67: {  	_ =	shalt  }
0x68: {  	_ =	shalt  }
0x69: {  	_ =	shalt  }
0x6a: {  	_ =	shalt  }
0x6b: {  	_ =	shalt  }
0x6c: {  	_ =	shalt  }
0x6d: {  	_ =	shalt  }
0x6e: {  	_ =	shalt  }
0x6f: {  	_ =	shalt  }
0x70: {  	_ =	shalt  }
0x71: {  	_ =	shalt  }
0x72: {  	_ =	shalt  }
0x73: {  	_ =	shalt  }
0x74: {  	_ =	shalt  }
0x75: {  	_ =	shalt  }
0x76: {  	_ =	shalt  }
0x77: {  	_ =	shalt  }
0x78: {  	_ =	shalt  }
0x79: {  	_ =	shalt  }
0x7a: {  	_ =	shalt  }
0x7b: {  	_ =	shalt  }
0x7c: {  	_ =	shalt  }
0x7d: {  	_ =	shalt  }
0x7e: {  	_ =	shalt  }
0x7f: {  	_ =	shalt  }
0x80: {  	_ =	shalt  }
0x81: {  	_ =	shalt  }
0x82: {  	_ =	shalt  }
0x83: {  	_ =	shalt  }
0x84: {  	_ =	shalt  }
0x85: {  	_ =	shalt  }
0x86: {  	_ =	shalt  }
0x87: {  	_ =	shalt  }
.Lfunc_end0:
.L_simem_size_0:
called_computation.3_lowered:
.L_overlay_start_0:
0x88: {  	s2 =	sld [smem:$0x3FD9]  }
0x89: {  	s3 =	sld [smem:$0x3FFE];
	_ =	sdelay $0x1  }
0x8a: {  	s1 =	srdreg.scid  }
0x8b: {  	s0 =	sand.u32 $0x1, s1  }
0x8c: {  	s17 =	sshll.u32 s0, $0xA;
	s2 =	sadd.s32 s3, s2  }
0x8d: {  	s2 =	sadd.s32 s2, s17  }
0x8e: {  	[smem:$0x3FBC] =	sst s2  }
0x8f: {  	_ = 	snop  }
0x90: {  	s2 =	sld [smem:$0x3FC8];
	(tm) =	ssettm $0x1  }
0x91: {  	s18 =	sld [smem:$0x3FFB];
	_ =	sdelay $0x3  }
0x92: {  	_ =	strace s18  }
0x93: {  	s3 =	sld [smem:$0x3FFC];
	_ =	sdelay $0x3  }
0x94: {  	_ =	strace s3  }
0x95: {  	s3 =	sld [smem:$0x3FFD];
	_ =	sdelay $0x3  }
0x96: {  	_ =	strace s3  }
0x97: {  	_ =	strace $0x8FFFFFFF  }
0x98: {  	s19 =	sld [smem:$0x3FDB];
	_ =	sdelay $0x1  }
0x99: {  	s4 =	simm.s32 $_scs_section_size  }
0x9a: {  	s5 =	simm.s32 $_size__tile_overlayer_lowered;
	s6 =	simm.s32 $_tile_overlayer_lowered  }
0x9b: {  	s22 =	simm.s32 $0x1BFF;
	s21 =	sshll.u32 s6, $0x1;
	s3 =	sadd.s32 s4, s19  }
0x9c: {  	s7 =	simm.s32 $0x0;
	s20 =	sshll.u32 s5, $0x1;
	s5 =	sadd.s32 s21, s3  }
0x9d: {  	[timem:s7], [sflag:s22] =	dma.local [hbm:s5], s20  }
0x9e: {  	_ =	swait.ge [sflag:s22], s20  }
0x9f: {  	s4 =	ssub.s32 $0x0, s20;
	[sflag:s22] =	ssyncset.done $0x0  }
0xa0: {  	[sflag:s22] =	ssyncadd.s32 s4;
	_ =	sdelay $0x1  }
0xa1: {  	s23 =	simm.s32 $0x1B8B  }
0xa2: {  	_ =	swait.ge [sflag:s23], $0x1  }
0xa3: {  	[sflag:s23] =	ssyncset.done $0x0  }
0xa4: {  	s25 =	simm.s32 $0x1B8E;
	s24 =	sld [smem:$0x3FFE];
	[sflag:s23] =	ssyncadd.s32 $0xFFFFFFFF  }
0xa5: {  	s26 =	simm.s32 $execute0_lowered;
	[smem:$0x3FD2] =	sst s25  }
0xa6: {  	s5 =	sshll.u32 s26, $0x1;
	_ =	strace $0x80000046;
	[dreg:$0x1] =	wrdreg $0xFFFFFFFF  }
0xa7: {  	s28 =	simm.s32 $_size_execute0_lowered;
	s3 =	sadd.s32 s3, s5;
	[dreg:$0x0] =	wrdreg $0x0  }
0xa8: {  	s5 =	sshll.u32 s28, $0x1;
	[dreg:$0x2] =	wrdreg s3  }
0xa9: {  	[dreg:$0x3] =	wrdreg s5  }
0xaa: {  	[dreg:$0x4] =	wrdreg $0xC0  }
0xab: {  	_ =	task [dreg:s7], $0x5FFFF  }
0xac: {  	[dreg:$0x1] =	wrdreg $0xFFFFFFFF  }
0xad: {  	[dreg:$0x0] =	wrdreg $0x60  }
0xae: {  	[dreg:$0x2] =	wrdreg s2  }
0xaf: {  	[dreg:$0x3] =	wrdreg s24  }
0xb0: {  	[dreg:$0x4] =	wrdreg $0xB  }
0xb1: {  	_ =	task.clear_ibuf [dreg:s7], $0x5FFFF;
	_ =	strace $0x90000046  }
0xb2: {  	s29 =	simm.s32 $0xB;
	_ =	strace $0x80000048  }
0xb3: {  	_ =	swait.ge [sflag:s29], $0x1  }
0xb4: {  	[sflag:s29] =	ssyncadd.s32 $0xFFFFFFFF  }
0xb5: {  	_ =	strace $0x90000048  }
0xb6: {  	_ =	sfence  }
0xb7: {  	s30 =	sld [smem:$0x0];
	_ =	sdelay $0x2  }
0xb8: {  	s31 =	sshll.u32 s1, $0xD;
	s1 =	sshrl.u32 s1, $0x2  }
0xb9: {  	s3 =	sand.u32 $0x4000, s31;
	s1 =	sadd.s32 s1, s30  }
0xba: {  	s0 =	sor.u32 s3, s0;
	s1 =	sshll.u32 s1, $0x11  }
0xbb: {  	s0 =	sor.u32 s1, s0  }
0xbc: {  	s0 =	sadd.s32 $0x8F2B, s0  }
0xbd: {  	[sflag:s0] =	ssyncadd.remote.s32 $0x1  }
0xbe: {  	_ =	sfence.sel $0xFFFF  }
0xbf: {  	[dreg:$0x0] =	wrdreg $0xFFFFFFFF;
	(pc) =	sbr.abs _section_cstart, $3  }
0xc0: {  	[dreg:$0x1] =	wrdreg $0xFFFFFFFF  }
0xc1: {  	_ =	task.clear_ibuf [dreg:s7], $0x2FFFF;
	_ =	strace $0x9FFFFFFF  }
0xc2: {  	(tm) =	ssettm $0x7FFFFFFF  }
0xc3: {  	_ =	shalt  }
tec
execute0_lowered:
.L_overlay_start_1:
0x0: {  	(tag) =	ssettag $0x1  }
0x1: {  	s1 =	rddreg [dreg:$0x0]  }
0x2: {  	s4 =	rddreg [dreg:$0x1]  }
0x3: {  	s0 =	rddreg [dreg:$0x2];
	s3 =	simm.s32 $0x0  }
0x4: {  	s5 =	srdreg.scid;
	s2 =	stileid.u32;
	s12 =	simm.s32 $0x9000  }
0x5: {  	s13 =	simm.s32 $0xB800;
	s14 =	simm.s32 $0x1;
	s15 =	simm.s32 $0x2  }
0x6: {  	s16 =	simm.s32 $0x3;
	s17 =	simm.s32 $0x4;
	s18 =	simm.s32 $0x5  }
0x7: {  	s19 =	simm.s32 $0x3E00;
	s20 =	simm.s32 $0x0;
	[smem:$0x7FF] =	sst s3  }
0x8: {  	s5 =	sand.u32 $0x1, s5;
	s6 =	sshll.u32 s2, $0x1;
	s8 =	sadd.s32 $0x14200, s4  }
0x9: {  	s10 =	smul.u32 $0x4E200, s2;
	_ =	strace $0x80000047;
	s6 =	sor.u32 s5, s6  }
0xa: {  	s30 =	ssub.s32 $0x2, s5;
	s11 =	smul.u32 $0x27100, s5;
	s7 =	sshll.u32 s6, $0xB  }
0xb: {  	s6 =	smul.u32 $0x138800, s6;
	s9 =	sshrl.u32 s30, $0x1;
	s31 =	sadd.s32 s10, s8  }
0xc: {  	s10 =	simm.s32 $0x4000;
	s7 =	sadd.s32 s7, s4;
	s9 =	ssub.s32 s30, s9  }
0xd: {  	s6 =	sshrl.u32 s6, $0x3;
	s4 =	sadd.s32 $0x4200, s7;
	s7 =	sadd.s32 s11, s31  }
0xe: {  	s11 =	simm.s32 $0x6800;
	s6 =	sadd.s32 s8, s6;
	s8 =	simm.s32 $0x6  }
0xf: {  	s5 =	sadd.s32 $0x26C00, s6;
	s6 =	smax.u32 s9, $0x1;
	s9 =	simm.s32 $0x50  }
.LBB2_1:
0x10: {  	[tilespmem:s3], [sflag:$0x6] =	stream.linear.gather [hbm4b:s4+s3], $0x3E80, $0x38;
	[tilespmem:$0xE000] =	vst v63  }
0x11: {  	_ =	swait.ge [sflag:s8], $0x3E80  }
0x12: {  	[sflag:s8] =	ssyncset.done $0x0  }
0x13: {  	[sflag:s8] =	ssyncadd.s32 $0xFFFFC180  }
0x14: {  	[tilespmem:s10], [sflag:$0x1] =	stream.indirect.gather [hbm4b:s1+s9], $0x80, s3, s9, $0xb8;
	[tilespmem:$0xE000] =	vst v63  }
0x15: {  	s21 =	simm.s32 $0x80  }
0x16: {  	[tilespmem:s11], [sflag:$0x2] =	stream.indirect.gather [hbm4b:s1+s9], $0x80, s21, s9, $0xb8;
	[tilespmem:$0xE000] =	vst v63  }
0x17: {  	s28 =	simm.s32 $0x100  }
0x18: {  	[tilespmem:s12], [sflag:$0x3] =	stream.indirect.gather [hbm4b:s1+s9], $0x80, s28, s9, $0xb8;
	[tilespmem:$0xE000] =	vst v63  }
0x19: {  	s29 =	simm.s32 $0x180  }
0x1a: {  	[tilespmem:s13], [sflag:$0x4] =	stream.indirect.gather [hbm4b:s1+s9], $0x80, s29, s9, $0xb8;
	[tilespmem:$0xE000] =	vst v63  }
0x1b: {  	_ =	swait.ge [sflag:s14], $0x2800  }
0x1c: {  	[sflag:s14] =	ssyncset.done $0x0  }
0x1d: {  	s30 =	sadd.s32 $0x0, s7;
	[sflag:s14] =	ssyncadd.s32 $0xFFFFD800  }
0x1e: {  	[hbm4b:s30+s3] =	stream.linear.scatter [tilespmem:s10], [sflag:$0x5], $0x2800, $0x38;
	[tilespmem:$0xE000] =	vst v63  }
0x1f: {  	_ =	swait.ge [sflag:s15], $0x2800  }
0x20: {  	[sflag:s15] =	ssyncset.done $0x0  }
0x21: {  	s22 =	sadd.s32 $0x500, s30;
	[sflag:s15] =	ssyncadd.s32 $0xFFFFD800  }
0x22: {  	[hbm4b:s22+s3] =	stream.linear.scatter [tilespmem:s11], [sflag:$0x5], $0x2800, $0x38;
	[tilespmem:$0xE000] =	vst v63  }
0x23: {  	_ =	swait.ge [sflag:s16], $0x2800  }
0x24: {  	[sflag:s16] =	ssyncset.done $0x0  }
0x25: {  	s31 =	sadd.s32 $0xA00, s30;
	[sflag:s16] =	ssyncadd.s32 $0xFFFFD800  }
0x26: {  	[hbm4b:s31+s3] =	stream.linear.scatter [tilespmem:s12], [sflag:$0x5], $0x2800, $0x38;
	[tilespmem:$0xE000] =	vst v63  }
0x27: {  	_ =	swait.ge [sflag:s17], $0x2800  }
0x28: {  	[sflag:s17] =	ssyncset.done $0x0  }
0x29: {  	s21 =	sadd.s32 $0xF00, s30;
	[sflag:s17] =	ssyncadd.s32 $0xFFFFD800  }
0x2a: {  	[hbm4b:s21+s3] =	stream.linear.scatter [tilespmem:s13], [sflag:$0x5], $0x2800, $0x38;
	[tilespmem:$0xE000] =	vst v63  }
0x2b: {  	_ =	swait.ge [sflag:s18], $0x2800  }
0x2c: {  	[sflag:s18] =	ssyncset.done $0x0  }
0x2d: {  	[sflag:s18] =	ssyncadd.s32 $0xFFFFD800  }
0x2e: {  	_ =	swait.ge [sflag:s18], $0x2800  }
0x2f: {  	[sflag:s18] =	ssyncset.done $0x0  }
0x30: {  	[sflag:s18] =	ssyncadd.s32 $0xFFFFD800  }
0x31: {  	_ =	swait.ge [sflag:s18], $0x2800  }
0x32: {  	[sflag:s18] =	ssyncset.done $0x0  }
0x33: {  	[sflag:s18] =	ssyncadd.s32 $0xFFFFD800  }
0x34: {  	_ =	swait.ge [sflag:s18], $0x2800  }
0x35: {  	s22 =	simm.s32 $0x0;
	s21 =	simm.s32 $0x1400;
	[sflag:s18] =	ssyncset.done $0x0  }
.LBB2_2:
0x36: {  	p0 =	sne.s32 s21, $0x25800;
	[sflag:s18] =	ssyncadd.s32 $0xFFFFD800;
	s22 =	sadd.s32 $0x200, s22  }
0x37: {  	[tilespmem:s10], [sflag:$0x1] =	stream.indirect.gather [hbm4b:s1+s9], $0x80, s22, s9, $0xb8;
	[tilespmem:$0xE000] =	vst v63  }
0x38: {  	s24 =	smov.u32 s21;
	s21 =	sadd.s32 $0x1400, s21;
	s23 =	sadd.s32 $0x80, s22  }
0x39: {  	[tilespmem:s11], [sflag:$0x2] =	stream.indirect.gather [hbm4b:s1+s9], $0x80, s23, s9, $0xb8;
	[tilespmem:$0xE000] =	vst v63  }
0x3a: {  	s23 =	sadd.s32 $0x100, s22  }
0x3b: {  	[tilespmem:s12], [sflag:$0x3] =	stream.indirect.gather [hbm4b:s1+s9], $0x80, s23, s9, $0xb8;
	[tilespmem:$0xE000] =	vst v63  }
0x3c: {  	s23 =	sadd.s32 $0x180, s22  }
0x3d: {  	[tilespmem:s13], [sflag:$0x4] =	stream.indirect.gather [hbm4b:s1+s9], $0x80, s23, s9, $0xb8;
	[tilespmem:$0xE000] =	vst v63  }
0x3e: {  	_ =	swait.ge [sflag:s14], $0x2800  }
0x3f: {  	[sflag:s14] =	ssyncset.done $0x0  }
0x40: {  	s23 =	sadd.s32 s24, s7;
	[sflag:s14] =	ssyncadd.s32 $0xFFFFD800  }
0x41: {  	[hbm4b:s23+s3] =	stream.linear.scatter [tilespmem:s10], [sflag:$0x5], $0x2800, $0x38;
	[tilespmem:$0xE000] =	vst v63  }
0x42: {  	_ =	swait.ge [sflag:s15], $0x2800  }
0x43: {  	[sflag:s15] =	ssyncset.done $0x0  }
0x44: {  	s24 =	sadd.s32 $0x500, s23;
	[sflag:s15] =	ssyncadd.s32 $0xFFFFD800  }
0x45: {  	[hbm4b:s24+s3] =	stream.linear.scatter [tilespmem:s11], [sflag:$0x5], $0x2800, $0x38;
	[tilespmem:$0xE000] =	vst v63  }
0x46: {  	_ =	swait.ge [sflag:s16], $0x2800  }
0x47: {  	[sflag:s16] =	ssyncset.done $0x0  }
0x48: {  	s24 =	sadd.s32 $0xA00, s23;
	[sflag:s16] =	ssyncadd.s32 $0xFFFFD800  }
0x49: {  	[hbm4b:s24+s3] =	stream.linear.scatter [tilespmem:s12], [sflag:$0x5], $0x2800, $0x38;
	[tilespmem:$0xE000] =	vst v63  }
0x4a: {  	_ =	swait.ge [sflag:s17], $0x2800  }
0x4b: {  	[sflag:s17] =	ssyncset.done $0x0  }
0x4c: {  	s23 =	sadd.s32 $0xF00, s23;
	[sflag:s17] =	ssyncadd.s32 $0xFFFFD800  }
0x4d: {  	[hbm4b:s23+s3] =	stream.linear.scatter [tilespmem:s13], [sflag:$0x5], $0x2800, $0x38;
	[tilespmem:$0xE000] =	vst v63  }
0x4e: {  	_ =	swait.ge [sflag:s18], $0x2800  }
0x4f: {  	[sflag:s18] =	ssyncset.done $0x0  }
0x50: {  	[sflag:s18] =	ssyncadd.s32 $0xFFFFD800  }
0x51: {  	_ =	swait.ge [sflag:s18], $0x2800  }
0x52: {  	[sflag:s18] =	ssyncset.done $0x0  }
0x53: {  	[sflag:s18] =	ssyncadd.s32 $0xFFFFD800  }
.Ltmp0:
0x54: {  	_ =	swait.ge [sflag:s18], $0x2800;
	(pc) =	sbr.rel @p0 .LBB2_2-.Ltmp0, $4  }
0x55: {  	[sflag:s18] =	ssyncset.done $0x0  }
0x56: {  	[sflag:s18] =	ssyncadd.s32 $0xFFFFD800  }
0x57: {  	_ =	swait.ge [sflag:s18], $0x2800  }
0x58: {  	[sflag:s18] =	ssyncset.done $0x0  }
0x59: {  	[sflag:s18] =	ssyncadd.s32 $0xFFFFD800  }
0x5a: {  	[tilespmem:s10], [sflag:$0x1] =	stream.indirect.gather [hbm4b:s1+s9], $0x80, s19, s9, $0xb8;
	[tilespmem:$0xE000] =	vst v63  }
0x5b: {  	s20 =	sadd.s32 $0x1, s20;
	_ =	swait.ge [sflag:s14], $0x2800  }
0x5c: {  	p0 =	sne.s32 s20, s6;
	[sflag:s14] =	ssyncset.done $0x0  }
.Ltmp1:
0x5d: {  	[sflag:s14] =	ssyncadd.s32 $0xFFFFD800;
	(pc) =	sbr.rel @p0 .LBB2_1-.Ltmp1, $4  }
0x5e: {  	[hbm4b:s5+s3] =	stream.linear.scatter [tilespmem:s10], [sflag:$0x6], $0x2800, $0x38;
	[tilespmem:$0xE000] =	vst v63  }
0x5f: {  	_ =	swait.ge [sflag:s8], $0x2800  }
0x60: {  	[sflag:s8] =	ssyncset.done $0x0  }
0x61: {  	[sflag:s8] =	ssyncadd.s32 $0xFFFFD800  }
0x62: {  	_ =	sfence.sel $0x180000  }
0x63: {  	[bflag:$0x0] =	sbarrier.arrive $0xFFFF  }
0x64: {  	p0 =	sne.s32 s2, $0x0;
	_ =	strace $0x90000047  }
0x65: {  	s0 =	sadd.s32 @!p0 $0x100000, s0;
	[bflag:$0x2] =	sbarrier.arrive $0xFFFF  }
0x66: {  	[sflag:s0] =	ssyncadd.tile.s32 @!p0 $0x1;
	_ =	shalt  }
.Lfunc_end2:
_tile_overlayer_lowered:
.L_overlay_start_2:
0x67: {  	(tag) =	ssettag $0x2  }
0x68: {  	s0 =	rddreg [dreg:$0x0];
	s2 =	stileid.u32  }
0x69: {  	s1 =	rddreg [dreg:$0x1];
	p0 =	sne.s32 s2, $0x0  }
0x6a: {  	s3 =	rddreg [dreg:$0x2];
	[bflag:$0x3] =	sbarrier.arrive $0xFFFF;
	s2 =	simm.s32 @!p0 $0x1C06  }
0x6b: {  	[timem:s3], [sflag:s2] =	dma.local @!p0 [hbm:s0], s1  }
0x6c: {  	s0 =	simm.s32 @!p0 $0x6  }
0x6d: {  	_ =	swait.ge @!p0 [sflag:s0], s1  }
0x6e: {  	s1 =	ssub.s32 @!p0 $0x0, s1;
	[sflag:s0] =	ssyncset.done @!p0 $0x0  }
0x6f: {  	[sflag:s0] =	ssyncadd.s32 @!p0 s1  }
0x70: {  	[bflag:$0x3] =	sbarrier.arrive $0xFFFF  }
0x71: {  	_ =	shalt  }

// kernel: kernel.26.cloned.1.call-start
scs
__scs_entry_jumppad:
0x0: {  	(pc) =	sbr.rel $0x88, $3  }
0x1: {  	(tag) =	ssettag $0x0;
	lr =	simm.s32 $0x1  }
0x2: {  	[smem:$0x3F95] =	sst lr;
	_ =	strace $0xD0000000  }
0x3: {  	_ = 	snop  }
0x4: {  	_ = 	snop  }
0x5: {  	_ = 	snop  }
0x6: {  	_ = 	snop  }
0x7: {  	_ = 	snop  }
__scs_overlays_trampoline_lowered:
0x8: {  	[smem:$0x3FA4] =	sst s0  }
0x9: {  	[smem:$0x3FA5] =	sst s1  }
0xa: {  	[smem:$0x3FA6] =	sst s2  }
0xb: {  	[smem:$0x3FA7] =	sst s3  }
0xc: {  	[smem:$0x3FA8] =	sst s4  }
0xd: {  	[smem:$0x3FA9] =	sst s5  }
0xe: {  	[smem:$0x3FAA] =	sst s6  }
0xf: {  	[smem:$0x3FAB] =	sst s7  }
0x10: {  	[smem:$0x3FAC] =	sst s8  }
0x11: {  	[smem:$0x3FAD] =	sst s9;
	s0 =	simm.s32 @!p0 $0x0  }
0x12: {  	s1 =	sld [smem:$0x3F93];
	s0 =	simm.s32 @p0 $0x1  }
0x13: {  	[smem:$0x3FAE] =	sst s0;
	s0 =	simm.s32 @!p1 $0x0  }
0x14: {  	s2 =	sld [smem:$0x3F92];
	s0 =	simm.s32 @p1 $0x1  }
0x15: {  	[smem:$0x3FAF] =	sst s0;
	s0 =	simm.s32 @!p2 $0x0  }
0x16: {  	s3 =	sld [smem:$0x3FDB];
	s0 =	simm.s32 @p2 $0x1  }
0x17: {  	s4 =	simm.s32 $0x1BF5;
	[smem:$0x3FB1] =	sst s0  }
0x18: {  	s0 =	sld [smem:$0x3F94];
	_ =	swait.ge [sflag:s4], $0x0  }
0x19: {  	s7 =	sld [smem:$0x3F95]  }
0x1a: {  	s8 =	sadd.s32 $0xFFFFE003, lr  }
0x1b: {  	s9 =	sadd.s32 $0xFFFFFEF7, lr;
	s5 =	simm.s32 $0xFFFFFFFF;
	p2 =	slt.u32 s8, $0xFFFFF086  }
0x1c: {  	p1 =	slt.u32 s9, $0xF7A;
	s5 =	simm.s32 @!p2 $0x0  }
0x1d: {  	s5 =	simm.s32 @p1 $0x1;
	p0 =	seq.s32 s7, s2  }
0x1e: {  	s7 =	smul.u32 @!p0 $0xF7A, s2;
	p2 =	seq.s32 @!p0 s5, $0x0  }
0x1f: {  	s9 =	smul.u32 $0xF7A, s1;
	s8 =	simm.s32 @!p0 $0x1BF5;
	p2 =	por !p2, p0  }
0x20: {  	[sflag:s8] =	ssyncset.s32 @!p0 $0xFFFFF086;
	s6 =	sadd.s32 @!p0 s3, s7;
	s7 =	simm.s32 @!p0 $0x108  }
0x21: {  	s3 =	sadd.s32 s3, s9;
	s6 =	sadd.s32 @!p0 $0x88, s6;
	s7 =	simm.s32 @p2 $0x1082  }
0x22: {  	[simem:s7], [sflag:s8] =	dma.local @!p0 [hbm:s6], $0xF7A  }
0x23: {  	s9 =	sor.u32 $0xD0000000, s2;
	s6 =	simm.s32 $0x108;
	_ =	swait.ge @!p0 [sflag:s8], $0x0  }
0x24: {  	s3 =	sadd.s32 $0x88, s3;
	s6 =	simm.s32 @!p1 $0x1082;
	[sflag:s4] =	ssyncset.s32 $0xFFFFF086  }
0x25: {  	[simem:s6], [sflag:s4] =	dma.local [hbm:s3], $0xF7A  }
0x26: {  	[smem:$0x3F95] =	sst s1;
	(tag) =	ssettag s2;
	_ =	strace s9  }
0x27: {  	s1 =	sld [smem:$0x3FA5]  }
0x28: {  	s2 =	sld [smem:$0x3FA6]  }
0x29: {  	s4 =	sld [smem:$0x3FA8]  }
0x2a: {  	p0 =	seq.s32 s5, $0x0;
	s5 =	sld [smem:$0x3FA9]  }
0x2b: {  	s6 =	sld [smem:$0x3FAA]  }
0x2c: {  	s7 =	sld [smem:$0x3FAB]  }
0x2d: {  	s3 =	simm.s32 $0x108;
	s8 =	sld [smem:$0x3FAC]  }
0x2e: {  	s3 =	simm.s32 @!p0 $0x1082;
	s9 =	sld [smem:$0x3FAD]  }
0x2f: {  	lr =	sadd.s32 s0, s3;
	s0 =	sld [smem:$0x3FA4]  }
0x30: {  	s3 =	sld [smem:$0x3FA7]  }
0x31: {  	[smem:$0x3FB0] =	sst s10  }
0x32: {  	s10 =	sld [smem:$0x3FAE];
	_ =	sdelay $0x3  }
0x33: {  	p0 =	seq.s32 s10, $0x1;
	s10 =	sld [smem:$0x3FB0];
	_ =	sdelay $0x3  }
0x34: {  	[smem:$0x3FB0] =	sst s10  }
0x35: {  	s10 =	sld [smem:$0x3FAF];
	_ =	sdelay $0x3  }
0x36: {  	p1 =	seq.s32 s10, $0x1;
	s10 =	sld [smem:$0x3FB0];
	_ =	sdelay $0x3  }
0x37: {  	[smem:$0x3FB0] =	sst s10  }
0x38: {  	s10 =	sld [smem:$0x3FB1]  }
0x39: {  	_ = 	snop;
	(pc) =	sbr.ind lr, $3  }
0x3a: {  	_ = 	snop  }
0x3b: {  	_ = 	snop  }
0x3c: {  	p2 =	seq.s32 s10, $0x1;
	s10 =	sld [smem:$0x3FB0]  }
0x3d: {  	_ =	shalt  }
0x3e: {  	_ =	shalt  }
0x3f: {  	_ =	shalt  }
0x40: {  	_ =	shalt  }
0x41: {  	_ =	shalt  }
0x42: {  	_ =	shalt  }
0x43: {  	_ =	shalt  }
0x44: {  	_ =	shalt  }
0x45: {  	_ =	shalt  }
0x46: {  	_ =	shalt  }
0x47: {  	_ =	shalt  }
0x48: {  	_ =	shalt  }
0x49: {  	_ =	shalt  }
0x4a: {  	_ =	shalt  }
0x4b: {  	_ =	shalt  }
0x4c: {  	_ =	shalt  }
0x4d: {  	_ =	shalt  }
0x4e: {  	_ =	shalt  }
0x4f: {  	_ =	shalt  }
0x50: {  	_ =	shalt  }
0x51: {  	_ =	shalt  }
0x52: {  	_ =	shalt  }
0x53: {  	_ =	shalt  }
0x54: {  	_ =	shalt  }
0x55: {  	_ =	shalt  }
0x56: {  	_ =	shalt  }
0x57: {  	_ =	shalt  }
0x58: {  	_ =	shalt  }
0x59: {  	_ =	shalt  }
0x5a: {  	_ =	shalt  }
0x5b: {  	_ =	shalt  }
0x5c: {  	_ =	shalt  }
0x5d: {  	_ =	shalt  }
0x5e: {  	_ =	shalt  }
0x5f: {  	_ =	shalt  }
0x60: {  	_ =	shalt  }
0x61: {  	_ =	shalt  }
0x62: {  	_ =	shalt  }
0x63: {  	_ =	shalt  }
0x64: {  	_ =	shalt  }
0x65: {  	_ =	shalt  }
0x66: {  	_ =	shalt  }
0x67: {  	_ =	shalt  }
0x68: {  	_ =	shalt  }
0x69: {  	_ =	shalt  }
0x6a: {  	_ =	shalt  }
0x6b: {  	_ =	shalt  }
0x6c: {  	_ =	shalt  }
0x6d: {  	_ =	shalt  }
0x6e: {  	_ =	shalt  }
0x6f: {  	_ =	shalt  }
0x70: {  	_ =	shalt  }
0x71: {  	_ =	shalt  }
0x72: {  	_ =	shalt  }
0x73: {  	_ =	shalt  }
0x74: {  	_ =	shalt  }
0x75: {  	_ =	shalt  }
0x76: {  	_ =	shalt  }
0x77: {  	_ =	shalt  }
0x78: {  	_ =	shalt  }
0x79: {  	_ =	shalt  }
0x7a: {  	_ =	shalt  }
0x7b: {  	_ =	shalt  }
0x7c: {  	_ =	shalt  }
0x7d: {  	_ =	shalt  }
0x7e: {  	_ =	shalt  }
0x7f: {  	_ =	shalt  }
0x80: {  	_ =	shalt  }
0x81: {  	_ =	shalt  }
0x82: {  	_ =	shalt  }
0x83: {  	_ =	shalt  }
0x84: {  	_ =	shalt  }
0x85: {  	_ =	shalt  }
0x86: {  	_ =	shalt  }
0x87: {  	_ =	shalt  }
.Lfunc_end0:
.L_simem_size_0:
called_computation.4_lowered:
.L_overlay_start_0:
0x88: {  	s2 =	sld [smem:$0x3FD9]  }
0x89: {  	s3 =	sld [smem:$0x3FFE];
	_ =	sdelay $0x1  }
0x8a: {  	s1 =	srdreg.scid  }
0x8b: {  	s0 =	sand.u32 $0x1, s1  }
0x8c: {  	s15 =	sshll.u32 s0, $0xA;
	s2 =	sadd.s32 s3, s2  }
0x8d: {  	s2 =	sadd.s32 s2, s15  }
0x8e: {  	[smem:$0x3FBC] =	sst s2  }
0x8f: {  	_ = 	snop  }
0x90: {  	s2 =	sld [smem:$0x3FD0];
	_ =	sdelay $0x2  }
0x91: {  	s16 =	simm.s32 $0xD;
	s4 =	simm.s32 $0x10  }
0x92: {  	[smem:s4], [sflag:s16] =	dma.local [hbm:s2], $0x1  }
0x93: {  	_ =	swait.eq [sflag:s16], $0x1  }
0x94: {  	[sflag:s16] =	ssyncset.done $0x0  }
0x95: {  	[sflag:s16] =	ssyncadd.s32 $0xFFFFFFFF  }
0x96: {  	s17 =	sld [smem:$0x10];
	(tm) =	ssettm $0x1  }
0x97: {  	s18 =	sld [smem:$0x3FFB];
	_ =	sdelay $0x3  }
0x98: {  	_ =	strace s18  }
0x99: {  	s2 =	sld [smem:$0x3FFC];
	_ =	sdelay $0x3  }
0x9a: {  	_ =	strace s2  }
0x9b: {  	s2 =	sld [smem:$0x3FFD];
	_ =	sdelay $0x3  }
0x9c: {  	_ =	strace s2  }
0x9d: {  	_ =	strace $0x8FFFFFFF  }
0x9e: {  	s19 =	sld [smem:$0x3FDB];
	_ =	sdelay $0x1  }
0x9f: {  	s20 =	simm.s32 $_scs_section_size  }
0xa0: {  	s5 =	simm.s32 $_size__tile_overlayer_lowered;
	s6 =	simm.s32 $_tile_overlayer_lowered  }
0xa1: {  	s7 =	simm.s32 $0x1BFF;
	s21 =	sshll.u32 s6, $0x1;
	s4 =	sadd.s32 s20, s19  }
0xa2: {  	s22 =	simm.s32 $0x0;
	s5 =	sshll.u32 s5, $0x1;
	s6 =	sadd.s32 s21, s4  }
0xa3: {  	[timem:s22], [sflag:s7] =	dma.local [hbm:s6], s5  }
0xa4: {  	_ =	swait.ge [sflag:s7], s5  }
0xa5: {  	s5 =	ssub.s32 $0x0, s5;
	[sflag:s7] =	ssyncset.done $0x0  }
0xa6: {  	[sflag:s7] =	ssyncadd.s32 s5;
	_ =	sdelay $0x1  }
0xa7: {  	s23 =	simm.s32 $0x1B8B  }
0xa8: {  	_ =	swait.ge [sflag:s23], $0x1  }
0xa9: {  	[sflag:s23] =	ssyncset.done $0x0  }
0xaa: {  	[sflag:s23] =	ssyncadd.s32 $0xFFFFFFFF  }
0xab: {  	s5 =	sld [smem:$0x0]  }
0xac: {  	s6 =	sand.u32 $0xFFFFFFFE, s1  }
0xad: {  	p0 =	sne.s32 s1, s6  }
0xae: {  	s6 =	sshll.u32 @p0 s6, $0xE  }
0xaf: {  	s6 =	sadd.s32 @p0 $0x11B8D, s6;
	s7 =	sshll.u32 @p0 s5, $0x11  }
0xb0: {  	s6 =	sor.u32 @p0 s7, s6  }
0xb1: {  	[sflag:s6] =	ssyncadd.remote.s32 @p0 $0x1;
	_ =	sdelay $0x1  }
0xb2: {  	s6 =	simm.s32 @p0 $0x1B8D  }
0xb3: {  	_ =	swait.eq @p0 [sflag:s6], $0x1  }
0xb4: {  	[sflag:s6] =	ssyncadd.s32 @p0 $0xFFFFFFFF  }
0xb5: {  	s7 =	sshll.u32 @!p0 s1, $0xE  }
0xb6: {  	s7 =	sor.u32 @!p0 $0x4000, s7;
	s6 =	simm.s32 @!p0 $0x1B8D  }
0xb7: {  	s5 =	sshll.u32 @!p0 s5, $0x11;
	s7 =	sadd.s32 @!p0 $0x11B8D, s7;
	_ =	swait.eq @!p0 [sflag:s6], $0x1  }
0xb8: {  	s5 =	sor.u32 @!p0 s5, s7;
	[sflag:s6] =	ssyncadd.s32 @!p0 $0xFFFFFFFF  }
0xb9: {  	s25 =	simm.s32 $0x1B8E;
	s24 =	sld [smem:$0x3FFE];
	[sflag:s5] =	ssyncadd.remote.s32 @!p0 $0x1  }
0xba: {  	s26 =	simm.s32 $execute0_lowered;
	[smem:$0x3FD2] =	sst s25  }
0xbb: {  	s6 =	sshll.u32 s26, $0x1;
	_ =	strace $0x8000004F;
	[dreg:$0x1] =	wrdreg $0xFFFFFFFF  }
0xbc: {  	s28 =	simm.s32 $_size_execute0_lowered;
	s4 =	sadd.s32 s4, s6;
	[dreg:$0x0] =	wrdreg $0x0  }
0xbd: {  	s6 =	sshll.u32 s28, $0x1;
	[dreg:$0x2] =	wrdreg s4  }
0xbe: {  	[dreg:$0x3] =	wrdreg s6  }
0xbf: {  	[dreg:$0x4] =	wrdreg $0xC0  }
0xc0: {  	_ =	task [dreg:s22], $0x5FFFF  }
0xc1: {  	[dreg:$0x1] =	wrdreg $0xFFFFFFFF  }
0xc2: {  	[dreg:$0x0] =	wrdreg $0x60  }
0xc3: {  	[dreg:$0x2] =	wrdreg s24  }
0xc4: {  	[dreg:$0x3] =	wrdreg s17  }
0xc5: {  	[dreg:$0x4] =	wrdreg $0xB8000  }
0xc6: {  	[dreg:$0x5] =	wrdreg $0xC  }
0xc7: {  	_ =	task.clear_ibuf [dreg:s22], $0x6FFFF;
	_ =	strace $0x9000004F  }
0xc8: {  	s29 =	simm.s32 $0xC;
	_ =	strace $0x80000051  }
0xc9: {  	_ =	swait.ge [sflag:s29], $0x1  }
0xca: {  	[sflag:s29] =	ssyncadd.s32 $0xFFFFFFFF  }
0xcb: {  	_ =	strace $0x90000051  }
0xcc: {  	_ =	sfence  }
0xcd: {  	s30 =	sld [smem:$0x0];
	_ =	sdelay $0x2  }
0xce: {  	s31 =	sshll.u32 s1, $0xD;
	s1 =	sshrl.u32 s1, $0x2  }
0xcf: {  	s4 =	sand.u32 $0x4000, s31;
	s1 =	sadd.s32 s1, s30  }
0xd0: {  	s0 =	sor.u32 s4, s0;
	s1 =	sshll.u32 s1, $0x11  }
0xd1: {  	s0 =	sor.u32 s1, s0  }
0xd2: {  	s0 =	sadd.s32 $0x8F2B, s0  }
0xd3: {  	[sflag:s0] =	ssyncadd.remote.s32 $0x1  }
0xd4: {  	_ =	sfence.sel $0xFFFF  }
0xd5: {  	[dreg:$0x0] =	wrdreg $0xFFFFFFFF;
	(pc) =	sbr.abs _section_cstart, $3  }
0xd6: {  	[dreg:$0x1] =	wrdreg $0xFFFFFFFF  }
0xd7: {  	_ =	task.clear_ibuf [dreg:s22], $0x2FFFF;
	_ =	strace $0x9FFFFFFF  }
0xd8: {  	(tm) =	ssettm $0x7FFFFFFF  }
0xd9: {  	_ =	shalt  }
tec
execute0_lowered:
.L_overlay_start_1:
0x0: {  	(tag) =	ssettag $0x1  }
0x1: {  	s0 =	rddreg [dreg:$0x0]  }
0x2: {  	s18 =	rddreg [dreg:$0x1];
	s19 =	stileid.u32  }
0x3: {  	s2 =	rddreg [dreg:$0x2];
	s7 =	smul.u32 $0x138800, s19  }
0x4: {  	s1 =	srdreg.scid;
	s4 =	simm.s32 $0x0;
	s10 =	smul.u32 $0x14000, s19  }
0x5: {  	s1 =	sand.u32 $0x1, s1;
	s5 =	sshll.u32 s19, $0xB;
	s29 =	smul.u32 $0x50000, s19  }
0x6: {  	s8 =	sadd.s32 $0xA39800, s0;
	[smem:$0x7FF] =	sst s4;
	s3 =	smul.u32 $0x1388000, s1  }
0x7: {  	s6 =	ssub.s32 $0x2, s1;
	s5 =	sadd.s32 s5, s0;
	s0 =	sadd.s32 $0x4400, s0  }
0x8: {  	s13 =	sshll.u32 s1, $0xF;
	s1 =	smul.u32 $0x140000, s1;
	s9 =	sshrl.u32 s6, $0x1  }
0x9: {  	s5 =	sadd.s32 s13, s5;
	s11 =	sadd.s32 $0x7800, s10;
	s12 =	sadd.s32 $0xA000, s10  }
0xa: {  	s13 =	sadd.s32 $0xC800, s10;
	s16 =	sadd.s32 $0xF000, s10;
	s6 =	ssub.s32 s6, s9  }
0xb: {  	s3 =	sadd.s32 s7, s3;
	s7 =	sor.u32 $0x2800, s10;
	s9 =	sadd.s32 $0x5000, s10  }
0xc: {  	s20 =	sadd.s32 s1, s11;
	s23 =	sadd.s32 s1, s13;
	s24 =	sadd.s32 s1, s16  }
0xd: {  	s14 =	sshrl.u32 s3, $0x3;
	s15 =	sadd.s32 s1, s7;
	s17 =	sadd.s32 s1, s9  }
0xe: {  	s26 =	sadd.s32 $0x5000, s3;
	s30 =	sadd.s32 s14, s8;
	s14 =	sadd.s32 s1, s10  }
0xf: {  	s28 =	sadd.s32 $0x2800, s3;
	s19 =	sadd.s32 s7, s2;
	s14 =	sshrl.u32 s14, $0x3  }
0x10: {  	s7 =	simm.s32 $0x5;
	s15 =	sshrl.u32 s15, $0x3;
	s14 =	sadd.s32 s0, s14  }
0x11: {  	s10 =	sadd.s32 $0x11800, s10;
	[dreg:$0x4] =	wrdreg s14;
	s14 =	sadd.s32 s0, s15  }
0x12: {  	s15 =	sshrl.u32 s20, $0x3;
	s20 =	sadd.s32 s9, s2;
	s9 =	simm.s32 $0x6800  }
0x13: {  	[dreg:$0x5] =	wrdreg s14;
	s14 =	sshrl.u32 s17, $0x3;
	s17 =	sadd.s32 s1, s12  }
0x14: {  	s21 =	sadd.s32 s0, s15;
	s15 =	sshrl.u32 s24, $0x3;
	s1 =	sadd.s32 s1, s10  }
0x15: {  	s24 =	sadd.s32 s16, s2;
	s16 =	sadd.s32 $0xA00, s18;
	s14 =	sadd.s32 s0, s14  }
0x16: {  	[dreg:$0x7] =	wrdreg s21;
	s22 =	sshrl.u32 s17, $0x3;
	s25 =	sadd.s32 s0, s15  }
0x17: {  	s1 =	sshrl.u32 s1, $0x3;
	[dreg:$0x6] =	wrdreg s14;
	s14 =	sadd.s32 s0, s22  }
0x18: {  	s21 =	sadd.s32 s11, s2;
	[dreg:$0x8] =	wrdreg s14;
	s14 =	sshrl.u32 s23, $0x3  }
0x19: {  	[dreg:$0xa] =	wrdreg s25;
	s22 =	sadd.s32 s12, s2;
	s14 =	sadd.s32 s0, s14  }
0x1a: {  	s0 =	sadd.s32 s0, s1;
	s1 =	sshrl.u32 s28, $0x3;
	[dreg:$0x9] =	wrdreg s14  }
0x1b: {  	[dreg:$0xb] =	wrdreg s0;
	s15 =	sadd.s32 s1, s8;
	s1 =	sadd.s32 $0x9D8200, s5  }
0x1c: {  	s12 =	sadd.s32 $0x26700, s30;
	_ =	strace $0x80000050;
	[dreg:$0xc] =	wrdreg s1  }
0x1d: {  	s23 =	sadd.s32 s13, s2;
	s13 =	sadd.s32 $0x26C00, s30;
	[dreg:$0xe] =	wrdreg s12  }
0x1e: {  	s11 =	simm.s32 $0x1;
	s14 =	sadd.s32 $0x500, s18;
	[dreg:$0xf] =	wrdreg s13  }
0x1f: {  	s25 =	sadd.s32 s10, s2;
	s10 =	simm.s32 $0x9000;
	[dreg:$0x10] =	wrdreg s14  }
0x20: {  	s0 =	sshrl.u32 s26, $0x3;
	s26 =	sadd.s32 $0xF00, s18;
	[dreg:$0x11] =	wrdreg s16  }
0x21: {  	s28 =	sadd.s32 $0x1400, s18;
	s5 =	sshrl.u32 s29, $0x2;
	[dreg:$0x12] =	wrdreg s26  }
0x22: {  	s29 =	sadd.s32 $0x1900, s18;
	s31 =	sadd.s32 s0, s8;
	[dreg:$0x13] =	wrdreg s28  }
0x23: {  	s17 =	sadd.s32 s5, s2;
	s8 =	smax.u32 s6, $0x1;
	[dreg:$0x14] =	wrdreg s29  }
0x24: {  	s1 =	sadd.s32 $0x1E00, s18;
	s6 =	sadd.s32 $0x2300, s18;
	s12 =	simm.s32 $0x50  }
0x25: {  	s13 =	simm.s32 $0x2;
	s16 =	simm.s32 $0x3;
	s18 =	simm.s32 $0x4  }
0x26: {  	s26 =	simm.s32 $0x0;
	[dreg:$0xd] =	wrdreg s8;
	s8 =	simm.s32 $0x4000  }
.LBB2_1:
0x27: {  	s0 =	rddreg [dreg:$0xc]  }
0x28: {  	[tilespmem:s4], [sflag:$0x5] =	stream.linear.gather [hbm4b:s0+s4], $0x3E80, $0x38;
	[tilespmem:$0x1F800] =	vst v63  }
0x29: {  	_ =	swait.ge [sflag:s7], $0x3E80  }
0x2a: {  	[sflag:s7] =	ssyncset.done $0x0  }
0x2b: {  	[sflag:s7] =	ssyncadd.s32 $0xFFFFC180  }
0x2c: {  	s3 =	rddreg [dreg:$0x1]  }
0x2d: {  	[tilespmem:s8], [sflag:$0x5] =	stream.linear.gather [hbm4b:s3+s4], $0x2800, $0x38;
	[tilespmem:$0x1F800] =	vst v63  }
0x2e: {  	_ =	swait.ge [sflag:s7], $0x2800  }
0x2f: {  	[sflag:s7] =	ssyncset.done $0x0  }
0x30: {  	[sflag:s7] =	ssyncadd.s32 $0xFFFFD800  }
0x31: {  	[spmem:s17] =	stream.linear.scatter [tilespmem:s8], [sflag:$0x5], $0x2800, $0x38;
	[tilespmem:$0x1F800] =	vst v63  }
0x32: {  	_ =	swait.ge [sflag:s7], $0x2800  }
0x33: {  	[sflag:s7] =	ssyncset.done $0x0  }
0x34: {  	s5 =	rddreg [dreg:$0x10];
	[sflag:s7] =	ssyncadd.s32 $0xFFFFD800  }
0x35: {  	[tilespmem:s8], [sflag:$0x5] =	stream.linear.gather [hbm4b:s5+s4], $0x2800, $0x38;
	[tilespmem:$0x1F800] =	vst v63  }
0x36: {  	_ =	swait.ge [sflag:s7], $0x2800  }
0x37: {  	[sflag:s7] =	ssyncset.done $0x0  }
0x38: {  	[sflag:s7] =	ssyncadd.s32 $0xFFFFD800  }
0x39: {  	[spmem:s19] =	stream.linear.scatter [tilespmem:s8], [sflag:$0x5], $0x2800, $0x38;
	[tilespmem:$0x1F800] =	vst v63  }
0x3a: {  	_ =	swait.ge [sflag:s7], $0x2800  }
0x3b: {  	[sflag:s7] =	ssyncset.done $0x0  }
0x3c: {  	s14 =	rddreg [dreg:$0x11];
	[sflag:s7] =	ssyncadd.s32 $0xFFFFD800  }
0x3d: {  	[tilespmem:s8], [sflag:$0x5] =	stream.linear.gather [hbm4b:s14+s4], $0x2800, $0x38;
	[tilespmem:$0x1F800] =	vst v63  }
0x3e: {  	_ =	swait.ge [sflag:s7], $0x2800  }
0x3f: {  	[sflag:s7] =	ssyncset.done $0x0  }
0x40: {  	[sflag:s7] =	ssyncadd.s32 $0xFFFFD800  }
0x41: {  	[spmem:s20] =	stream.linear.scatter [tilespmem:s8], [sflag:$0x5], $0x2800, $0x38;
	[tilespmem:$0x1F800] =	vst v63  }
0x42: {  	_ =	swait.ge [sflag:s7], $0x2800  }
0x43: {  	[sflag:s7] =	ssyncset.done $0x0  }
0x44: {  	s3 =	rddreg [dreg:$0x12];
	[sflag:s7] =	ssyncadd.s32 $0xFFFFD800  }
0x45: {  	[tilespmem:s8], [sflag:$0x5] =	stream.linear.gather [hbm4b:s3+s4], $0x2800, $0x38;
	[tilespmem:$0x1F800] =	vst v63  }
0x46: {  	_ =	swait.ge [sflag:s7], $0x2800  }
0x47: {  	[sflag:s7] =	ssyncset.done $0x0  }
0x48: {  	[sflag:s7] =	ssyncadd.s32 $0xFFFFD800  }
0x49: {  	[spmem:s21] =	stream.linear.scatter [tilespmem:s8], [sflag:$0x5], $0x2800, $0x38;
	[tilespmem:$0x1F800] =	vst v63  }
0x4a: {  	_ =	swait.ge [sflag:s7], $0x2800  }
0x4b: {  	[sflag:s7] =	ssyncset.done $0x0  }
0x4c: {  	s5 =	rddreg [dreg:$0x13];
	[sflag:s7] =	ssyncadd.s32 $0xFFFFD800  }
0x4d: {  	[tilespmem:s8], [sflag:$0x5] =	stream.linear.gather [hbm4b:s5+s4], $0x2800, $0x38;
	[tilespmem:$0x1F800] =	vst v63  }
0x4e: {  	_ =	swait.ge [sflag:s7], $0x2800  }
0x4f: {  	[sflag:s7] =	ssyncset.done $0x0  }
0x50: {  	[sflag:s7] =	ssyncadd.s32 $0xFFFFD800  }
0x51: {  	[spmem:s22] =	stream.linear.scatter [tilespmem:s8], [sflag:$0x5], $0x2800, $0x38;
	[tilespmem:$0x1F800] =	vst v63  }
0x52: {  	_ =	swait.ge [sflag:s7], $0x2800  }
0x53: {  	[sflag:s7] =	ssyncset.done $0x0  }
0x54: {  	s14 =	rddreg [dreg:$0x14];
	[sflag:s7] =	ssyncadd.s32 $0xFFFFD800  }
0x55: {  	[tilespmem:s8], [sflag:$0x5] =	stream.linear.gather [hbm4b:s14+s4], $0x2800, $0x38;
	[tilespmem:$0x1F800] =	vst v63  }
0x56: {  	_ =	swait.ge [sflag:s7], $0x2800  }
0x57: {  	[sflag:s7] =	ssyncset.done $0x0  }
0x58: {  	[sflag:s7] =	ssyncadd.s32 $0xFFFFD800  }
0x59: {  	[spmem:s23] =	stream.linear.scatter [tilespmem:s8], [sflag:$0x5], $0x2800, $0x38;
	[tilespmem:$0x1F800] =	vst v63  }
0x5a: {  	_ =	swait.ge [sflag:s7], $0x2800  }
0x5b: {  	[sflag:s7] =	ssyncset.done $0x0  }
0x5c: {  	[sflag:s7] =	ssyncadd.s32 $0xFFFFD800  }
0x5d: {  	[tilespmem:s8], [sflag:$0x5] =	stream.linear.gather [hbm4b:s1+s4], $0x2800, $0x38;
	[tilespmem:$0x1F800] =	vst v63  }
0x5e: {  	_ =	swait.ge [sflag:s7], $0x2800  }
0x5f: {  	[sflag:s7] =	ssyncset.done $0x0  }
0x60: {  	[sflag:s7] =	ssyncadd.s32 $0xFFFFD800  }
0x61: {  	[spmem:s24] =	stream.linear.scatter [tilespmem:s8], [sflag:$0x5], $0x2800, $0x38;
	[tilespmem:$0x1F800] =	vst v63  }
0x62: {  	_ =	swait.ge [sflag:s7], $0x2800  }
0x63: {  	[sflag:s7] =	ssyncset.done $0x0  }
0x64: {  	[sflag:s7] =	ssyncadd.s32 $0xFFFFD800  }
0x65: {  	[tilespmem:s8], [sflag:$0x5] =	stream.linear.gather [hbm4b:s6+s4], $0x2800, $0x38;
	[tilespmem:$0x1F800] =	vst v63  }
0x66: {  	_ =	swait.ge [sflag:s7], $0x2800  }
0x67: {  	[sflag:s7] =	ssyncset.done $0x0  }
0x68: {  	[sflag:s7] =	ssyncadd.s32 $0xFFFFD800  }
0x69: {  	[spmem:s25] =	stream.linear.scatter [tilespmem:s8], [sflag:$0x5], $0x2800, $0x38;
	[tilespmem:$0x1F800] =	vst v63  }
0x6a: {  	_ =	swait.ge [sflag:s7], $0x2800  }
0x6b: {  	[sflag:s7] =	ssyncset.done $0x0  }
0x6c: {  	[sflag:s7] =	ssyncadd.s32 $0xFFFFD800  }
0x6d: {  	[bflag:$0x0] =	sbarrier.arrive $0xFFFF  }
0x6e: {  	[tilespmem:s8], [sflag:$0x1] =	stream.linear.gather [hbm4b:s30+s4], $0x2800, $0x38;
	[tilespmem:$0x1F800] =	vst v63  }
0x6f: {  	_ = 	snop  }
0x70: {  	[tilespmem:s9], [sflag:$0x2] =	stream.linear.gather [hbm4b:s15+s4], $0x2800, $0x38;
	[tilespmem:$0x1F800] =	vst v63  }
0x71: {  	_ = 	snop  }
0x72: {  	[tilespmem:s10], [sflag:$0x3] =	stream.linear.gather [hbm4b:s31+s4], $0x2800, $0x38;
	[tilespmem:$0x1F800] =	vst v63  }
0x73: {  	_ =	swait.ge [sflag:s11], $0x2800  }
0x74: {  	[sflag:s11] =	ssyncset.done $0x0  }
0x75: {  	s5 =	simm.s32 $0x0;
	[sflag:s11] =	ssyncadd.s32 $0xFFFFD800  }
0x76: {  	[spmem:s2] =	stream.indirect.scatter.add.f32 [tilespmem:s8], [sflag:$0x4], $0x80, s5, s12, $0xb8;
	[tilespmem:$0x1F800] =	vst v63  }
0x77: {  	_ =	swait.ge [sflag:s13], $0x2800  }
0x78: {  	[sflag:s13] =	ssyncset.done $0x0  }
0x79: {  	s3 =	simm.s32 $0x80;
	[sflag:s13] =	ssyncadd.s32 $0xFFFFD800  }
0x7a: {  	[spmem:s2] =	stream.indirect.scatter.add.f32 [tilespmem:s9], [sflag:$0x4], $0x80, s3, s12, $0xb8;
	[tilespmem:$0x1F800] =	vst v63  }
0x7b: {  	_ =	swait.ge [sflag:s16], $0x2800  }
0x7c: {  	[sflag:s16] =	ssyncset.done $0x0  }
0x7d: {  	s14 =	simm.s32 $0x100;
	[sflag:s16] =	ssyncadd.s32 $0xFFFFD800  }
0x7e: {  	[spmem:s2] =	stream.indirect.scatter.add.f32 [tilespmem:s10], [sflag:$0x4], $0x80, s14, s12, $0xb8;
	[tilespmem:$0x1F800] =	vst v63  }
0x7f: {  	_ =	swait.ge [sflag:s18], $0x2800  }
0x80: {  	[sflag:s18] =	ssyncset.done $0x0  }
0x81: {  	[sflag:s18] =	ssyncadd.s32 $0xFFFFD800  }
0x82: {  	_ =	swait.ge [sflag:s18], $0x2800  }
0x83: {  	[sflag:s18] =	ssyncset.done $0x0  }
0x84: {  	[sflag:s18] =	ssyncadd.s32 $0xFFFFD800  }
0x85: {  	s28 =	simm.s32 $0x600;
	s29 =	sadd.s32 $0xF00, s15;
	_ =	swait.ge [sflag:s18], $0x2800  }
0x86: {  	s5 =	smov.u32 s30;
	s14 =	smov.u32 s31;
	[sflag:s18] =	ssyncset.done $0x0  }
.LBB2_2:
0x87: {  	[sflag:s18] =	ssyncadd.s32 $0xFFFFD800;
	s5 =	sadd.s32 $0xF00, s5;
	s14 =	sadd.s32 $0xF00, s14  }
0x88: {  	[tilespmem:s8], [sflag:$0x1] =	stream.linear.gather [hbm4b:s5+s4], $0x2800, $0x38;
	[tilespmem:$0x1F800] =	vst v63  }
0x89: {  	p0 =	sne.s32 s28, $0xF000;
	s0 =	smov.u32 s28;
	s28 =	sadd.s32 $0x600, s28  }
0x8a: {  	[tilespmem:s9], [sflag:$0x2] =	stream.linear.gather [hbm4b:s29+s4], $0x2800, $0x38;
	[tilespmem:$0x1F800] =	vst v63  }
0x8b: {  	_ = 	snop  }
0x8c: {  	[tilespmem:s10], [sflag:$0x3] =	stream.linear.gather [hbm4b:s14+s4], $0x2800, $0x38;
	[tilespmem:$0x1F800] =	vst v63  }
0x8d: {  	_ =	swait.ge [sflag:s11], $0x2800  }
0x8e: {  	[sflag:s11] =	ssyncset.done $0x0  }
0x8f: {  	s0 =	sshra.s32 s0, $0x2;
	[sflag:s11] =	ssyncadd.s32 $0xFFFFD800  }
0x90: {  	[spmem:s2] =	stream.indirect.scatter.add.f32 [tilespmem:s8], [sflag:$0x4], $0x80, s0, s12, $0xb8;
	[tilespmem:$0x1F800] =	vst v63  }
0x91: {  	_ =	swait.ge [sflag:s13], $0x2800  }
0x92: {  	[sflag:s13] =	ssyncset.done $0x0  }
0x93: {  	s3 =	sadd.s32 $0x80, s0;
	[sflag:s13] =	ssyncadd.s32 $0xFFFFD800  }
0x94: {  	[spmem:s2] =	stream.indirect.scatter.add.f32 [tilespmem:s9], [sflag:$0x4], $0x80, s3, s12, $0xb8;
	[tilespmem:$0x1F800] =	vst v63  }
0x95: {  	_ =	swait.ge [sflag:s16], $0x2800  }
0x96: {  	[sflag:s16] =	ssyncset.done $0x0  }
0x97: {  	s0 =	sadd.s32 $0x100, s0;
	[sflag:s16] =	ssyncadd.s32 $0xFFFFD800  }
0x98: {  	[spmem:s2] =	stream.indirect.scatter.add.f32 [tilespmem:s10], [sflag:$0x4], $0x80, s0, s12, $0xb8;
	[tilespmem:$0x1F800] =	vst v63  }
0x99: {  	_ =	swait.ge [sflag:s18], $0x2800  }
0x9a: {  	[sflag:s18] =	ssyncset.done $0x0  }
0x9b: {  	[sflag:s18] =	ssyncadd.s32 $0xFFFFD800  }
.Ltmp0:
0x9c: {  	_ =	swait.ge [sflag:s18], $0x2800;
	(pc) =	sbr.rel @p0 .LBB2_2-.Ltmp0, $4  }
0x9d: {  	[sflag:s18] =	ssyncset.done $0x0  }
0x9e: {  	[sflag:s18] =	ssyncadd.s32 $0xFFFFD800  }
0x9f: {  	_ =	swait.ge [sflag:s18], $0x2800  }
0xa0: {  	s29 =	sadd.s32 $0xF00, s29;
	[sflag:s18] =	ssyncset.done $0x0  }
0xa1: {  	[sflag:s18] =	ssyncadd.s32 $0xFFFFD800;
	s0 =	rddreg [dreg:$0xe]  }
0xa2: {  	[tilespmem:s8], [sflag:$0x5] =	stream.linear.gather [hbm4b:s0+s4], $0x2800, $0x38;
	[tilespmem:$0x1F800] =	vst v63  }
0xa3: {  	_ =	swait.ge [sflag:s7], $0x2800  }
0xa4: {  	[sflag:s7] =	ssyncset.done $0x0  }
0xa5: {  	s28 =	simm.s32 $0x3D80;
	[sflag:s7] =	ssyncadd.s32 $0xFFFFD800  }
0xa6: {  	[spmem:s2] =	stream.indirect.scatter.add.f32 [tilespmem:s8], [sflag:$0x5], $0x80, s28, s12, $0xb8;
	[tilespmem:$0x1F800] =	vst v63  }
0xa7: {  	_ =	swait.ge [sflag:s7], $0x2800  }
0xa8: {  	[sflag:s7] =	ssyncset.done $0x0  }
0xa9: {  	s29 =	rddreg [dreg:$0xf];
	[sflag:s7] =	ssyncadd.s32 $0xFFFFD800  }
0xaa: {  	[tilespmem:s8], [sflag:$0x5] =	stream.linear.gather [hbm4b:s29+s4], $0x2800, $0x38;
	[tilespmem:$0x1F800] =	vst v63  }
0xab: {  	_ =	swait.ge [sflag:s7], $0x2800  }
0xac: {  	[sflag:s7] =	ssyncset.done $0x0  }
0xad: {  	s3 =	simm.s32 $0x3E00;
	[sflag:s7] =	ssyncadd.s32 $0xFFFFD800  }
0xae: {  	[spmem:s2] =	stream.indirect.scatter.add.f32 [tilespmem:s8], [sflag:$0x5], $0x80, s3, s12, $0xb8;
	[tilespmem:$0x1F800] =	vst v63  }
0xaf: {  	_ =	swait.ge [sflag:s7], $0x2800  }
0xb0: {  	[sflag:s7] =	ssyncset.done $0x0  }
0xb1: {  	[sflag:s7] =	ssyncadd.s32 $0xFFFFD800  }
0xb2: {  	[bflag:$0x0] =	sbarrier.arrive $0xFFFF  }
0xb3: {  	[tilespmem:s8], [sflag:$0x5] =	stream.linear.gather [spmem:s17], $0x2800, $0x38;
	[tilespmem:$0x1F800] =	vst v63  }
0xb4: {  	_ =	swait.ge [sflag:s7], $0x2800  }
0xb5: {  	[sflag:s7] =	ssyncset.done $0x0  }
0xb6: {  	s5 =	rddreg [dreg:$0x4];
	[sflag:s7] =	ssyncadd.s32 $0xFFFFD800  }
0xb7: {  	[hbm4b:s5+s4] =	stream.linear.scatter [tilespmem:s8], [sflag:$0x5], $0x2800, $0x38;
	[tilespmem:$0x1F800] =	vst v63  }
0xb8: {  	_ =	swait.ge [sflag:s7], $0x2800  }
0xb9: {  	[sflag:s7] =	ssyncset.done $0x0  }
0xba: {  	[sflag:s7] =	ssyncadd.s32 $0xFFFFD800  }
0xbb: {  	[tilespmem:s8], [sflag:$0x5] =	stream.linear.gather [spmem:s19], $0x2800, $0x38;
	[tilespmem:$0x1F800] =	vst v63  }
0xbc: {  	_ =	swait.ge [sflag:s7], $0x2800  }
0xbd: {  	[sflag:s7] =	ssyncset.done $0x0  }
0xbe: {  	s14 =	rddreg [dreg:$0x5];
	[sflag:s7] =	ssyncadd.s32 $0xFFFFD800  }
0xbf: {  	[hbm4b:s14+s4] =	stream.linear.scatter [tilespmem:s8], [sflag:$0x5], $0x2800, $0x38;
	[tilespmem:$0x1F800] =	vst v63  }
0xc0: {  	_ =	swait.ge [sflag:s7], $0x2800  }
0xc1: {  	[sflag:s7] =	ssyncset.done $0x0  }
0xc2: {  	[sflag:s7] =	ssyncadd.s32 $0xFFFFD800  }
0xc3: {  	[tilespmem:s8], [sflag:$0x5] =	stream.linear.gather [spmem:s20], $0x2800, $0x38;
	[tilespmem:$0x1F800] =	vst v63  }
0xc4: {  	_ =	swait.ge [sflag:s7], $0x2800  }
0xc5: {  	[sflag:s7] =	ssyncset.done $0x0  }
0xc6: {  	s28 =	rddreg [dreg:$0x6];
	[sflag:s7] =	ssyncadd.s32 $0xFFFFD800  }
0xc7: {  	[hbm4b:s28+s4] =	stream.linear.scatter [tilespmem:s8], [sflag:$0x5], $0x2800, $0x38;
	[tilespmem:$0x1F800] =	vst v63  }
0xc8: {  	_ =	swait.ge [sflag:s7], $0x2800  }
0xc9: {  	[sflag:s7] =	ssyncset.done $0x0  }
0xca: {  	[sflag:s7] =	ssyncadd.s32 $0xFFFFD800  }
0xcb: {  	[tilespmem:s8], [sflag:$0x5] =	stream.linear.gather [spmem:s21], $0x2800, $0x38;
	[tilespmem:$0x1F800] =	vst v63  }
0xcc: {  	_ =	swait.ge [sflag:s7], $0x2800  }
0xcd: {  	[sflag:s7] =	ssyncset.done $0x0  }
0xce: {  	s29 =	rddreg [dreg:$0x7];
	[sflag:s7] =	ssyncadd.s32 $0xFFFFD800  }
0xcf: {  	[hbm4b:s29+s4] =	stream.linear.scatter [tilespmem:s8], [sflag:$0x5], $0x2800, $0x38;
	[tilespmem:$0x1F800] =	vst v63  }
0xd0: {  	_ =	swait.ge [sflag:s7], $0x2800  }
0xd1: {  	[sflag:s7] =	ssyncset.done $0x0  }
0xd2: {  	[sflag:s7] =	ssyncadd.s32 $0xFFFFD800  }
0xd3: {  	[tilespmem:s8], [sflag:$0x5] =	stream.linear.gather [spmem:s22], $0x2800, $0x38;
	[tilespmem:$0x1F800] =	vst v63  }
0xd4: {  	_ =	swait.ge [sflag:s7], $0x2800  }
0xd5: {  	[sflag:s7] =	ssyncset.done $0x0  }
0xd6: {  	s3 =	rddreg [dreg:$0x8];
	[sflag:s7] =	ssyncadd.s32 $0xFFFFD800  }
0xd7: {  	[hbm4b:s3+s4] =	stream.linear.scatter [tilespmem:s8], [sflag:$0x5], $0x2800, $0x38;
	[tilespmem:$0x1F800] =	vst v63  }
0xd8: {  	_ =	swait.ge [sflag:s7], $0x2800  }
0xd9: {  	[sflag:s7] =	ssyncset.done $0x0  }
0xda: {  	[sflag:s7] =	ssyncadd.s32 $0xFFFFD800  }
0xdb: {  	[tilespmem:s8], [sflag:$0x5] =	stream.linear.gather [spmem:s23], $0x2800, $0x38;
	[tilespmem:$0x1F800] =	vst v63  }
0xdc: {  	_ =	swait.ge [sflag:s7], $0x2800  }
0xdd: {  	[sflag:s7] =	ssyncset.done $0x0  }
0xde: {  	s5 =	rddreg [dreg:$0x9];
	[sflag:s7] =	ssyncadd.s32 $0xFFFFD800  }
0xdf: {  	[hbm4b:s5+s4] =	stream.linear.scatter [tilespmem:s8], [sflag:$0x5], $0x2800, $0x38;
	[tilespmem:$0x1F800] =	vst v63  }
0xe0: {  	_ =	swait.ge [sflag:s7], $0x2800  }
0xe1: {  	[sflag:s7] =	ssyncset.done $0x0  }
0xe2: {  	[sflag:s7] =	ssyncadd.s32 $0xFFFFD800  }
0xe3: {  	[tilespmem:s8], [sflag:$0x5] =	stream.linear.gather [spmem:s24], $0x2800, $0x38;
	[tilespmem:$0x1F800] =	vst v63  }
0xe4: {  	_ =	swait.ge [sflag:s7], $0x2800  }
0xe5: {  	[sflag:s7] =	ssyncset.done $0x0  }
0xe6: {  	s14 =	rddreg [dreg:$0xa];
	[sflag:s7] =	ssyncadd.s32 $0xFFFFD800  }
0xe7: {  	[hbm4b:s14+s4] =	stream.linear.scatter [tilespmem:s8], [sflag:$0x5], $0x2800, $0x38;
	[tilespmem:$0x1F800] =	vst v63  }
0xe8: {  	_ =	swait.ge [sflag:s7], $0x2800  }
0xe9: {  	[sflag:s7] =	ssyncset.done $0x0  }
0xea: {  	[sflag:s7] =	ssyncadd.s32 $0xFFFFD800  }
0xeb: {  	[tilespmem:s8], [sflag:$0x5] =	stream.linear.gather [spmem:s25], $0x2800, $0x38;
	[tilespmem:$0x1F800] =	vst v63  }
0xec: {  	_ =	swait.ge [sflag:s7], $0x2800  }
0xed: {  	[sflag:s7] =	ssyncset.done $0x0  }
0xee: {  	s28 =	rddreg [dreg:$0xb];
	[sflag:s7] =	ssyncadd.s32 $0xFFFFD800  }
0xef: {  	[hbm4b:s28+s4] =	stream.linear.scatter [tilespmem:s8], [sflag:$0x5], $0x2800, $0x38;
	[tilespmem:$0x1F800] =	vst v63  }
0xf0: {  	_ =	swait.ge [sflag:s7], $0x2800  }
0xf1: {  	s26 =	sadd.s32 $0x1, s26;
	s29 =	rddreg [dreg:$0xd]  }
0xf2: {  	p0 =	sne.s32 s26, s29  }
.Ltmp1:
0xf3: {  	_ = 	snop;
	(pc) =	sbr.rel @p0 .LBB2_1-.Ltmp1, $3  }
0xf4: {  	_ =	sdelay $0x1  }
0xf5: {  	[sflag:s7] =	ssyncset.done $0x0  }
0xf6: {  	[sflag:s7] =	ssyncadd.s32 $0xFFFFD800  }
0xf7: {  	_ =	sfence.sel $0x180000  }
0xf8: {  	[bflag:$0x0] =	sbarrier.arrive $0xFFFF  }
0xf9: {  	_ =	strace $0x90000050  }
0xfa: {  	s0 =	stileid.u32;
	[bflag:$0x2] =	sbarrier.arrive $0xFFFF  }
0xfb: {  	p0 =	sne.s32 s0, $0x0;
	s0 =	rddreg [dreg:$0x3]  }
0xfc: {  	s0 =	sadd.s32 @!p0 $0x100000, s0  }
0xfd: {  	[sflag:s0] =	ssyncadd.tile.s32 @!p0 $0x1;
	_ =	shalt  }
.Lfunc_end2:
_tile_overlayer_lowered:
.L_overlay_start_2:
0xfe: {  	(tag) =	ssettag $0x2  }
0xff: {  	s0 =	rddreg [dreg:$0x0];
	s2 =	stileid.u32  }
0x100: {  	s1 =	rddreg [dreg:$0x1];
	p0 =	sne.s32 s2, $0x0  }
0x101: {  	s3 =	rddreg [dreg:$0x2];
	[bflag:$0x3] =	sbarrier.arrive $0xFFFF;
	s2 =	simm.s32 @!p0 $0x1C05  }
0x102: {  	[timem:s3], [sflag:s2] =	dma.local @!p0 [hbm:s0], s1  }
0x103: {  	s0 =	simm.s32 @!p0 $0x5  }
0x104: {  	_ =	swait.ge @!p0 [sflag:s0], s1  }
0x105: {  	s1 =	ssub.s32 @!p0 $0x0, s1;
	[sflag:s0] =	ssyncset.done @!p0 $0x0  }
0x106: {  	[sflag:s0] =	ssyncadd.s32 @!p0 s1  }
0x107: {  	[bflag:$0x3] =	sbarrier.arrive $0xFFFF  }
0x108: {  	_ =	shalt  }

// kernel: kernel.29.cloned.1.call-start
scs
__scs_entry_jumppad:
0x0: {  	(pc) =	sbr.rel $0x88, $3  }
0x1: {  	(tag) =	ssettag $0x0;
	lr =	simm.s32 $0x1  }
0x2: {  	[smem:$0x3F95] =	sst lr;
	_ =	strace $0xD0000000  }
0x3: {  	_ = 	snop  }
0x4: {  	_ = 	snop  }
0x5: {  	_ = 	snop  }
0x6: {  	_ = 	snop  }
0x7: {  	_ = 	snop  }
__scs_overlays_trampoline_lowered:
0x8: {  	[smem:$0x3FA4] =	sst s0  }
0x9: {  	[smem:$0x3FA5] =	sst s1  }
0xa: {  	[smem:$0x3FA6] =	sst s2  }
0xb: {  	[smem:$0x3FA7] =	sst s3  }
0xc: {  	[smem:$0x3FA8] =	sst s4  }
0xd: {  	[smem:$0x3FA9] =	sst s5  }
0xe: {  	[smem:$0x3FAA] =	sst s6  }
0xf: {  	[smem:$0x3FAB] =	sst s7  }
0x10: {  	[smem:$0x3FAC] =	sst s8  }
0x11: {  	[smem:$0x3FAD] =	sst s9;
	s0 =	simm.s32 @!p0 $0x0  }
0x12: {  	s1 =	sld [smem:$0x3F93];
	s0 =	simm.s32 @p0 $0x1  }
0x13: {  	[smem:$0x3FAE] =	sst s0;
	s0 =	simm.s32 @!p1 $0x0  }
0x14: {  	s2 =	sld [smem:$0x3F92];
	s0 =	simm.s32 @p1 $0x1  }
0x15: {  	[smem:$0x3FAF] =	sst s0;
	s0 =	simm.s32 @!p2 $0x0  }
0x16: {  	s3 =	sld [smem:$0x3FDB];
	s0 =	simm.s32 @p2 $0x1  }
0x17: {  	s4 =	simm.s32 $0x1BF5;
	[smem:$0x3FB1] =	sst s0  }
0x18: {  	s0 =	sld [smem:$0x3F94];
	_ =	swait.ge [sflag:s4], $0x0  }
0x19: {  	s7 =	sld [smem:$0x3F95]  }
0x1a: {  	s8 =	sadd.s32 $0xFFFFE003, lr  }
0x1b: {  	s9 =	sadd.s32 $0xFFFFFEF7, lr;
	s5 =	simm.s32 $0xFFFFFFFF;
	p2 =	slt.u32 s8, $0xFFFFF086  }
0x1c: {  	p1 =	slt.u32 s9, $0xF7A;
	s5 =	simm.s32 @!p2 $0x0  }
0x1d: {  	s5 =	simm.s32 @p1 $0x1;
	p0 =	seq.s32 s7, s2  }
0x1e: {  	s7 =	smul.u32 @!p0 $0xF7A, s2;
	p2 =	seq.s32 @!p0 s5, $0x0  }
0x1f: {  	s9 =	smul.u32 $0xF7A, s1;
	s8 =	simm.s32 @!p0 $0x1BF5;
	p2 =	por !p2, p0  }
0x20: {  	[sflag:s8] =	ssyncset.s32 @!p0 $0xFFFFF086;
	s6 =	sadd.s32 @!p0 s3, s7;
	s7 =	simm.s32 @!p0 $0x108  }
0x21: {  	s3 =	sadd.s32 s3, s9;
	s6 =	sadd.s32 @!p0 $0x88, s6;
	s7 =	simm.s32 @p2 $0x1082  }
0x22: {  	[simem:s7], [sflag:s8] =	dma.local @!p0 [hbm:s6], $0xF7A  }
0x23: {  	s9 =	sor.u32 $0xD0000000, s2;
	s6 =	simm.s32 $0x108;
	_ =	swait.ge @!p0 [sflag:s8], $0x0  }
0x24: {  	s3 =	sadd.s32 $0x88, s3;
	s6 =	simm.s32 @!p1 $0x1082;
	[sflag:s4] =	ssyncset.s32 $0xFFFFF086  }
0x25: {  	[simem:s6], [sflag:s4] =	dma.local [hbm:s3], $0xF7A  }
0x26: {  	[smem:$0x3F95] =	sst s1;
	(tag) =	ssettag s2;
	_ =	strace s9  }
0x27: {  	s1 =	sld [smem:$0x3FA5]  }
0x28: {  	s2 =	sld [smem:$0x3FA6]  }
0x29: {  	s4 =	sld [smem:$0x3FA8]  }
0x2a: {  	p0 =	seq.s32 s5, $0x0;
	s5 =	sld [smem:$0x3FA9]  }
0x2b: {  	s6 =	sld [smem:$0x3FAA]  }
0x2c: {  	s7 =	sld [smem:$0x3FAB]  }
0x2d: {  	s3 =	simm.s32 $0x108;
	s8 =	sld [smem:$0x3FAC]  }
0x2e: {  	s3 =	simm.s32 @!p0 $0x1082;
	s9 =	sld [smem:$0x3FAD]  }
0x2f: {  	lr =	sadd.s32 s0, s3;
	s0 =	sld [smem:$0x3FA4]  }
0x30: {  	s3 =	sld [smem:$0x3FA7]  }
0x31: {  	[smem:$0x3FB0] =	sst s10  }
0x32: {  	s10 =	sld [smem:$0x3FAE];
	_ =	sdelay $0x3  }
0x33: {  	p0 =	seq.s32 s10, $0x1;
	s10 =	sld [smem:$0x3FB0];
	_ =	sdelay $0x3  }
0x34: {  	[smem:$0x3FB0] =	sst s10  }
0x35: {  	s10 =	sld [smem:$0x3FAF];
	_ =	sdelay $0x3  }
0x36: {  	p1 =	seq.s32 s10, $0x1;
	s10 =	sld [smem:$0x3FB0];
	_ =	sdelay $0x3  }
0x37: {  	[smem:$0x3FB0] =	sst s10  }
0x38: {  	s10 =	sld [smem:$0x3FB1]  }
0x39: {  	_ = 	snop;
	(pc) =	sbr.ind lr, $3  }
0x3a: {  	_ = 	snop  }
0x3b: {  	_ = 	snop  }
0x3c: {  	p2 =	seq.s32 s10, $0x1;
	s10 =	sld [smem:$0x3FB0]  }
0x3d: {  	_ =	shalt  }
0x3e: {  	_ =	shalt  }
0x3f: {  	_ =	shalt  }
0x40: {  	_ =	shalt  }
0x41: {  	_ =	shalt  }
0x42: {  	_ =	shalt  }
0x43: {  	_ =	shalt  }
0x44: {  	_ =	shalt  }
0x45: {  	_ =	shalt  }
0x46: {  	_ =	shalt  }
0x47: {  	_ =	shalt  }
0x48: {  	_ =	shalt  }
0x49: {  	_ =	shalt  }
0x4a: {  	_ =	shalt  }
0x4b: {  	_ =	shalt  }
0x4c: {  	_ =	shalt  }
0x4d: {  	_ =	shalt  }
0x4e: {  	_ =	shalt  }
0x4f: {  	_ =	shalt  }
0x50: {  	_ =	shalt  }
0x51: {  	_ =	shalt  }
0x52: {  	_ =	shalt  }
0x53: {  	_ =	shalt  }
0x54: {  	_ =	shalt  }
0x55: {  	_ =	shalt  }
0x56: {  	_ =	shalt  }
0x57: {  	_ =	shalt  }
0x58: {  	_ =	shalt  }
0x59: {  	_ =	shalt  }
0x5a: {  	_ =	shalt  }
0x5b: {  	_ =	shalt  }
0x5c: {  	_ =	shalt  }
0x5d: {  	_ =	shalt  }
0x5e: {  	_ =	shalt  }
0x5f: {  	_ =	shalt  }
0x60: {  	_ =	shalt  }
0x61: {  	_ =	shalt  }
0x62: {  	_ =	shalt  }
0x63: {  	_ =	shalt  }
0x64: {  	_ =	shalt  }
0x65: {  	_ =	shalt  }
0x66: {  	_ =	shalt  }
0x67: {  	_ =	shalt  }
0x68: {  	_ =	shalt  }
0x69: {  	_ =	shalt  }
0x6a: {  	_ =	shalt  }
0x6b: {  	_ =	shalt  }
0x6c: {  	_ =	shalt  }
0x6d: {  	_ =	shalt  }
0x6e: {  	_ =	shalt  }
0x6f: {  	_ =	shalt  }
0x70: {  	_ =	shalt  }
0x71: {  	_ =	shalt  }
0x72: {  	_ =	shalt  }
0x73: {  	_ =	shalt  }
0x74: {  	_ =	shalt  }
0x75: {  	_ =	shalt  }
0x76: {  	_ =	shalt  }
0x77: {  	_ =	shalt  }
0x78: {  	_ =	shalt  }
0x79: {  	_ =	shalt  }
0x7a: {  	_ =	shalt  }
0x7b: {  	_ =	shalt  }
0x7c: {  	_ =	shalt  }
0x7d: {  	_ =	shalt  }
0x7e: {  	_ =	shalt  }
0x7f: {  	_ =	shalt  }
0x80: {  	_ =	shalt  }
0x81: {  	_ =	shalt  }
0x82: {  	_ =	shalt  }
0x83: {  	_ =	shalt  }
0x84: {  	_ =	shalt  }
0x85: {  	_ =	shalt  }
0x86: {  	_ =	shalt  }
0x87: {  	_ =	shalt  }
.Lfunc_end0:
.L_simem_size_0:
called_computation.5_lowered:
.L_overlay_start_0:
0x88: {  	s2 =	sld [smem:$0x3FD9]  }
0x89: {  	s3 =	sld [smem:$0x3FFE];
	_ =	sdelay $0x1  }
0x8a: {  	s1 =	srdreg.scid  }
0x8b: {  	s0 =	sand.u32 $0x1, s1  }
0x8c: {  	s15 =	sshll.u32 s0, $0xA;
	s2 =	sadd.s32 s3, s2  }
0x8d: {  	s2 =	sadd.s32 s2, s15  }
0x8e: {  	[smem:$0x3FBC] =	sst s2  }
0x8f: {  	_ = 	snop  }
0x90: {  	s2 =	sld [smem:$0x3FD0];
	_ =	sdelay $0x2  }
0x91: {  	s16 =	simm.s32 $0xD;
	s4 =	simm.s32 $0x10  }
0x92: {  	[smem:s4], [sflag:s16] =	dma.local [hbm:s2], $0x1  }
0x93: {  	_ =	swait.eq [sflag:s16], $0x1  }
0x94: {  	[sflag:s16] =	ssyncset.done $0x0  }
0x95: {  	[sflag:s16] =	ssyncadd.s32 $0xFFFFFFFF  }
0x96: {  	s17 =	sld [smem:$0x10];
	(tm) =	ssettm $0x1  }
0x97: {  	s18 =	sld [smem:$0x3FFB];
	_ =	sdelay $0x3  }
0x98: {  	_ =	strace s18  }
0x99: {  	s2 =	sld [smem:$0x3FFC];
	_ =	sdelay $0x3  }
0x9a: {  	_ =	strace s2  }
0x9b: {  	s2 =	sld [smem:$0x3FFD];
	_ =	sdelay $0x3  }
0x9c: {  	_ =	strace s2  }
0x9d: {  	_ =	strace $0x8FFFFFFF  }
0x9e: {  	s19 =	sld [smem:$0x3FDB];
	_ =	sdelay $0x1  }
0x9f: {  	s20 =	simm.s32 $_scs_section_size  }
0xa0: {  	s5 =	simm.s32 $_size__tile_overlayer_lowered;
	s6 =	simm.s32 $_tile_overlayer_lowered  }
0xa1: {  	s7 =	simm.s32 $0x1BFF;
	s21 =	sshll.u32 s6, $0x1;
	s4 =	sadd.s32 s20, s19  }
0xa2: {  	s22 =	simm.s32 $0x0;
	s5 =	sshll.u32 s5, $0x1;
	s6 =	sadd.s32 s21, s4  }
0xa3: {  	[timem:s22], [sflag:s7] =	dma.local [hbm:s6], s5  }
0xa4: {  	_ =	swait.ge [sflag:s7], s5  }
0xa5: {  	s5 =	ssub.s32 $0x0, s5;
	[sflag:s7] =	ssyncset.done $0x0  }
0xa6: {  	[sflag:s7] =	ssyncadd.s32 s5;
	_ =	sdelay $0x1  }
0xa7: {  	s23 =	simm.s32 $0x1B8B  }
0xa8: {  	_ =	swait.ge [sflag:s23], $0x1  }
0xa9: {  	[sflag:s23] =	ssyncset.done $0x0  }
0xaa: {  	[sflag:s23] =	ssyncadd.s32 $0xFFFFFFFF  }
0xab: {  	s5 =	sld [smem:$0x0]  }
0xac: {  	s6 =	sand.u32 $0xFFFFFFFE, s1  }
0xad: {  	p0 =	sne.s32 s1, s6  }
0xae: {  	s6 =	sshll.u32 @p0 s6, $0xE  }
0xaf: {  	s6 =	sadd.s32 @p0 $0x11B8D, s6;
	s7 =	sshll.u32 @p0 s5, $0x11  }
0xb0: {  	s6 =	sor.u32 @p0 s7, s6  }
0xb1: {  	[sflag:s6] =	ssyncadd.remote.s32 @p0 $0x1;
	_ =	sdelay $0x1  }
0xb2: {  	s6 =	simm.s32 @p0 $0x1B8D  }
0xb3: {  	_ =	swait.eq @p0 [sflag:s6], $0x1  }
0xb4: {  	[sflag:s6] =	ssyncadd.s32 @p0 $0xFFFFFFFF  }
0xb5: {  	s7 =	sshll.u32 @!p0 s1, $0xE  }
0xb6: {  	s7 =	sor.u32 @!p0 $0x4000, s7;
	s6 =	simm.s32 @!p0 $0x1B8D  }
0xb7: {  	s5 =	sshll.u32 @!p0 s5, $0x11;
	s7 =	sadd.s32 @!p0 $0x11B8D, s7;
	_ =	swait.eq @!p0 [sflag:s6], $0x1  }
0xb8: {  	s5 =	sor.u32 @!p0 s5, s7;
	[sflag:s6] =	ssyncadd.s32 @!p0 $0xFFFFFFFF  }
0xb9: {  	s25 =	simm.s32 $0x1B8E;
	s24 =	sld [smem:$0x3FFE];
	[sflag:s5] =	ssyncadd.remote.s32 @!p0 $0x1  }
0xba: {  	s26 =	simm.s32 $execute0_lowered;
	[smem:$0x3FD2] =	sst s25  }
0xbb: {  	s6 =	sshll.u32 s26, $0x1;
	_ =	strace $0x8000004C;
	[dreg:$0x1] =	wrdreg $0xFFFFFFFF  }
0xbc: {  	s28 =	simm.s32 $_size_execute0_lowered;
	s4 =	sadd.s32 s4, s6;
	[dreg:$0x0] =	wrdreg $0x0  }
0xbd: {  	s6 =	sshll.u32 s28, $0x1;
	[dreg:$0x2] =	wrdreg s4  }
0xbe: {  	[dreg:$0x3] =	wrdreg s6  }
0xbf: {  	[dreg:$0x4] =	wrdreg $0xC0  }
0xc0: {  	_ =	task [dreg:s22], $0x5FFFF  }
0xc1: {  	[dreg:$0x1] =	wrdreg $0xFFFFFFFF  }
0xc2: {  	[dreg:$0x0] =	wrdreg $0x60  }
0xc3: {  	[dreg:$0x2] =	wrdreg s24  }
0xc4: {  	[dreg:$0x3] =	wrdreg s17  }
0xc5: {  	[dreg:$0x4] =	wrdreg $0x88000  }
0xc6: {  	[dreg:$0x5] =	wrdreg $0x9  }
0xc7: {  	_ =	task.clear_ibuf [dreg:s22], $0x6FFFF;
	_ =	strace $0x9000004C  }
0xc8: {  	s29 =	simm.s32 $0x9;
	_ =	strace $0x8000004E  }
0xc9: {  	_ =	swait.ge [sflag:s29], $0x1  }
0xca: {  	[sflag:s29] =	ssyncadd.s32 $0xFFFFFFFF  }
0xcb: {  	_ =	strace $0x9000004E  }
0xcc: {  	_ =	sfence  }
0xcd: {  	s30 =	sld [smem:$0x0];
	_ =	sdelay $0x2  }
0xce: {  	s31 =	sshll.u32 s1, $0xD;
	s1 =	sshrl.u32 s1, $0x2  }
0xcf: {  	s4 =	sand.u32 $0x4000, s31;
	s1 =	sadd.s32 s1, s30  }
0xd0: {  	s0 =	sor.u32 s4, s0;
	s1 =	sshll.u32 s1, $0x11  }
0xd1: {  	s0 =	sor.u32 s1, s0  }
0xd2: {  	s0 =	sadd.s32 $0x8F2B, s0  }
0xd3: {  	[sflag:s0] =	ssyncadd.remote.s32 $0x1  }
0xd4: {  	_ =	sfence.sel $0xFFFF  }
0xd5: {  	[dreg:$0x0] =	wrdreg $0xFFFFFFFF;
	(pc) =	sbr.abs _section_cstart, $3  }
0xd6: {  	[dreg:$0x1] =	wrdreg $0xFFFFFFFF  }
0xd7: {  	_ =	task.clear_ibuf [dreg:s22], $0x2FFFF;
	_ =	strace $0x9FFFFFFF  }
0xd8: {  	(tm) =	ssettm $0x7FFFFFFF  }
0xd9: {  	_ =	shalt  }
tec
execute0_lowered:
.L_overlay_start_1:
0x0: {  	(tag) =	ssettag $0x1  }
0x1: {  	s0 =	rddreg [dreg:$0x0]  }
0x2: {  	s18 =	rddreg [dreg:$0x1]  }
0x3: {  	s2 =	simm.s32 $0x0;
	s1 =	srdreg.scid;
	s17 =	stileid.u32  }
0x4: {  	[smem:$0x7FF] =	sst s2;
	s1 =	sand.u32 $0x1, s1;
	s7 =	smul.u32 $0x14000, s17  }
0x5: {  	s3 =	sshll.u32 s17, $0xB;
	s8 =	sadd.s32 $0x9E8800, s0;
	s17 =	smul.u32 $0x50000, s17  }
0x6: {  	s29 =	sadd.s32 $0x400, s18;
	s31 =	sadd.s32 $0x800, s18;
	s4 =	ssub.s32 $0x2, s1  }
0x7: {  	s5 =	smul.u32 $0x140000, s1;
	s3 =	sadd.s32 s3, s0;
	s1 =	sshll.u32 s1, $0xF  }
0x8: {  	s0 =	sadd.s32 $0x9E8200, s0;
	s6 =	sshrl.u32 s4, $0x1;
	s1 =	sadd.s32 s1, s3  }
0x9: {  	s10 =	sadd.s32 $0x4000, s7;
	s4 =	ssub.s32 s4, s6;
	s11 =	sadd.s32 s5, s7  }
0xa: {  	s6 =	sor.u32 $0x2000, s7;
	s13 =	sadd.s32 s5, s10;
	s3 =	sshrl.u32 s11, $0x3  }
0xb: {  	s9 =	sadd.s32 s5, s6;
	s14 =	sshrl.u32 s13, $0x3;
	s11 =	sadd.s32 $0x8000, s7  }
0xc: {  	s13 =	sadd.s32 $0xA000, s7;
	s3 =	sadd.s32 s8, s3;
	s12 =	sshrl.u32 s9, $0x3  }
0xd: {  	s9 =	sadd.s32 $0x6000, s7;
	s19 =	sadd.s32 s5, s13;
	[dreg:$0x4] =	wrdreg s3  }
0xe: {  	s3 =	sadd.s32 s8, s12;
	s15 =	sadd.s32 s5, s9;
	s12 =	sadd.s32 s5, s11  }
0xf: {  	s20 =	sshrl.u32 s19, $0x3;
	[dreg:$0x5] =	wrdreg s3;
	s3 =	sadd.s32 s8, s14  }
0x10: {  	s16 =	sshrl.u32 s12, $0x3;
	s14 =	sadd.s32 $0xC000, s7;
	s12 =	rddreg [dreg:$0x2]  }
0x11: {  	[dreg:$0x6] =	wrdreg s3;
	s3 =	sshrl.u32 s15, $0x3;
	s15 =	sadd.s32 $0xE000, s7  }
0x12: {  	s21 =	sadd.s32 s5, s14;
	s3 =	sadd.s32 s8, s3;
	s22 =	sadd.s32 s5, s15  }
0x13: {  	[dreg:$0x7] =	wrdreg s3;
	s3 =	sadd.s32 s8, s16;
	s16 =	sadd.s32 $0x10000, s7  }
0x14: {  	s23 =	sshrl.u32 s22, $0x3;
	[dreg:$0x8] =	wrdreg s3;
	s3 =	sadd.s32 s8, s20  }
0x15: {  	s7 =	sadd.s32 $0x12000, s7;
	[dreg:$0x9] =	wrdreg s3;
	s3 =	sshrl.u32 s21, $0x3  }
0x16: {  	s24 =	sadd.s32 s5, s16;
	s5 =	sadd.s32 s5, s7;
	s3 =	sadd.s32 s8, s3  }
0x17: {  	s25 =	sshrl.u32 s24, $0x3;
	[dreg:$0xa] =	wrdreg s3;
	s3 =	sadd.s32 s8, s23  }
0x18: {  	s26 =	sshrl.u32 s5, $0x3;
	[dreg:$0xb] =	wrdreg s3;
	s3 =	sadd.s32 s8, s25  }
0x19: {  	s28 =	sshrl.u32 s17, $0x2;
	[dreg:$0xc] =	wrdreg s3;
	s3 =	sadd.s32 s8, s26  }
0x1a: {  	s17 =	sadd.s32 s28, s12;
	s19 =	sadd.s32 s6, s12;
	[dreg:$0xd] =	wrdreg s3  }
0x1b: {  	s5 =	sadd.s32 $0x9D8200, s1;
	_ =	strace $0x8000004D;
	[dreg:$0xe] =	wrdreg s0  }
0x1c: {  	s30 =	sadd.s32 $0x2000, s17;
	s8 =	smax.u32 s4, $0x1;
	[dreg:$0xf] =	wrdreg s5  }
0x1d: {  	s6 =	sadd.s32 $0xA000, s17;
	s22 =	sadd.s32 s11, s12;
	[dreg:$0x10] =	wrdreg s8  }
0x1e: {  	s11 =	sadd.s32 $0x4000, s17;
	s20 =	sadd.s32 s10, s12;
	[dreg:$0x11] =	wrdreg s19  }
0x1f: {  	s28 =	sadd.s32 s7, s12;
	s21 =	sadd.s32 s9, s12;
	[dreg:$0x12] =	wrdreg s20  }
0x20: {  	s7 =	sadd.s32 $0x1800, s18;
	s10 =	sadd.s32 $0xE000, s17;
	[dreg:$0x13] =	wrdreg s21  }
0x21: {  	s24 =	sadd.s32 s14, s12;
	s23 =	sadd.s32 s13, s12;
	[dreg:$0x14] =	wrdreg s22  }
0x22: {  	s1 =	sadd.s32 $0x6000, s17;
	s9 =	sadd.s32 $0x1C00, s18;
	[dreg:$0x15] =	wrdreg s23  }
0x23: {  	s14 =	sadd.s32 $0x10000, s17;
	s25 =	sadd.s32 s15, s12;
	[dreg:$0x16] =	wrdreg s24  }
0x24: {  	s13 =	sadd.s32 $0x2000, s18;
	s26 =	sadd.s32 s16, s12;
	[dreg:$0x17] =	wrdreg s25  }
0x25: {  	s15 =	sadd.s32 $0x2400, s18;
	s4 =	sadd.s32 $0x8000, s17;
	[dreg:$0x18] =	wrdreg s26  }
0x26: {  	s16 =	sadd.s32 $0x12000, s17;
	s3 =	sadd.s32 $0x1000, s18;
	[dreg:$0x19] =	wrdreg s28  }
0x27: {  	s0 =	sadd.s32 $0xC00, s18;
	s5 =	sadd.s32 $0x1400, s18;
	s8 =	sadd.s32 $0xC000, s17  }
0x28: {  	s18 =	simm.s32 $0x2;
	s19 =	simm.s32 $0x4000;
	s20 =	simm.s32 $0x6800  }
0x29: {  	s21 =	simm.s32 $0x50;
	s22 =	simm.s32 $0x1;
	s23 =	simm.s32 $0x0  }
.LBB2_1:
0x2a: {  	s24 =	rddreg [dreg:$0xf]  }
0x2b: {  	[tilespmem:s2], [sflag:$0x2] =	stream.linear.gather [hbm4b:s24+s2], $0x3E80, $0x38;
	[tilespmem:$0x1C800] =	vst v63  }
0x2c: {  	_ =	swait.ge [sflag:s18], $0x3E80  }
0x2d: {  	[sflag:s18] =	ssyncset.done $0x0  }
0x2e: {  	s28 =	rddreg [dreg:$0xe];
	[sflag:s18] =	ssyncadd.s32 $0xFFFFC180  }
0x2f: {  	[tilespmem:s19], [sflag:$0x2] =	stream.linear.gather [hbm4b:s28+s2], $0x2800, $0x38;
	[tilespmem:$0x1C800] =	vst v63  }
0x30: {  	_ =	swait.ge [sflag:s18], $0x2800  }
0x31: {  	[sflag:s18] =	ssyncset.done $0x0  }
0x32: {  	[sflag:s18] =	ssyncadd.s32 $0xFFFFD800  }
0x33: {  	s25 =	rddreg [dreg:$0x1]  }
0x34: {  	[tilespmem:s20], [sflag:$0x2] =	stream.linear.gather [hbm4b:s25+s2], $0x2000, $0x38;
	[tilespmem:$0x1C800] =	vst v63  }
0x35: {  	_ =	swait.ge [sflag:s18], $0x2000  }
0x36: {  	[sflag:s18] =	ssyncset.done $0x0  }
0x37: {  	[sflag:s18] =	ssyncadd.s32 $0xFFFFE000  }
0x38: {  	[spmem:s17] =	stream.linear.scatter [tilespmem:s20], [sflag:$0x2], $0x2000, $0x38;
	[tilespmem:$0x1C800] =	vst v63  }
0x39: {  	_ =	swait.ge [sflag:s18], $0x2000  }
0x3a: {  	[sflag:s18] =	ssyncset.done $0x0  }
0x3b: {  	[sflag:s18] =	ssyncadd.s32 $0xFFFFE000  }
0x3c: {  	[tilespmem:s20], [sflag:$0x2] =	stream.linear.gather [hbm4b:s29+s2], $0x2000, $0x38;
	[tilespmem:$0x1C800] =	vst v63  }
0x3d: {  	_ =	swait.ge [sflag:s18], $0x2000  }
0x3e: {  	[sflag:s18] =	ssyncset.done $0x0  }
0x3f: {  	[sflag:s18] =	ssyncadd.s32 $0xFFFFE000  }
0x40: {  	[spmem:s30] =	stream.linear.scatter [tilespmem:s20], [sflag:$0x2], $0x2000, $0x38;
	[tilespmem:$0x1C800] =	vst v63  }
0x41: {  	_ =	swait.ge [sflag:s18], $0x2000  }
0x42: {  	[sflag:s18] =	ssyncset.done $0x0  }
0x43: {  	[sflag:s18] =	ssyncadd.s32 $0xFFFFE000  }
0x44: {  	[tilespmem:s20], [sflag:$0x2] =	stream.linear.gather [hbm4b:s31+s2], $0x2000, $0x38;
	[tilespmem:$0x1C800] =	vst v63  }
0x45: {  	_ =	swait.ge [sflag:s18], $0x2000  }
0x46: {  	[sflag:s18] =	ssyncset.done $0x0  }
0x47: {  	[sflag:s18] =	ssyncadd.s32 $0xFFFFE000  }
0x48: {  	[spmem:s11] =	stream.linear.scatter [tilespmem:s20], [sflag:$0x2], $0x2000, $0x38;
	[tilespmem:$0x1C800] =	vst v63  }
0x49: {  	_ =	swait.ge [sflag:s18], $0x2000  }
0x4a: {  	[sflag:s18] =	ssyncset.done $0x0  }
0x4b: {  	[sflag:s18] =	ssyncadd.s32 $0xFFFFE000  }
0x4c: {  	[tilespmem:s20], [sflag:$0x2] =	stream.linear.gather [hbm4b:s0+s2], $0x2000, $0x38;
	[tilespmem:$0x1C800] =	vst v63  }
0x4d: {  	_ =	swait.ge [sflag:s18], $0x2000  }
0x4e: {  	[sflag:s18] =	ssyncset.done $0x0  }
0x4f: {  	[sflag:s18] =	ssyncadd.s32 $0xFFFFE000  }
0x50: {  	[spmem:s1] =	stream.linear.scatter [tilespmem:s20], [sflag:$0x2], $0x2000, $0x38;
	[tilespmem:$0x1C800] =	vst v63  }
0x51: {  	_ =	swait.ge [sflag:s18], $0x2000  }
0x52: {  	[sflag:s18] =	ssyncset.done $0x0  }
0x53: {  	[sflag:s18] =	ssyncadd.s32 $0xFFFFE000  }
0x54: {  	[tilespmem:s20], [sflag:$0x2] =	stream.linear.gather [hbm4b:s3+s2], $0x2000, $0x38;
	[tilespmem:$0x1C800] =	vst v63  }
0x55: {  	_ =	swait.ge [sflag:s18], $0x2000  }
0x56: {  	[sflag:s18] =	ssyncset.done $0x0  }
0x57: {  	[sflag:s18] =	ssyncadd.s32 $0xFFFFE000  }
0x58: {  	[spmem:s4] =	stream.linear.scatter [tilespmem:s20], [sflag:$0x2], $0x2000, $0x38;
	[tilespmem:$0x1C800] =	vst v63  }
0x59: {  	_ =	swait.ge [sflag:s18], $0x2000  }
0x5a: {  	[sflag:s18] =	ssyncset.done $0x0  }
0x5b: {  	[sflag:s18] =	ssyncadd.s32 $0xFFFFE000  }
0x5c: {  	[tilespmem:s20], [sflag:$0x2] =	stream.linear.gather [hbm4b:s5+s2], $0x2000, $0x38;
	[tilespmem:$0x1C800] =	vst v63  }
0x5d: {  	_ =	swait.ge [sflag:s18], $0x2000  }
0x5e: {  	[sflag:s18] =	ssyncset.done $0x0  }
0x5f: {  	[sflag:s18] =	ssyncadd.s32 $0xFFFFE000  }
0x60: {  	[spmem:s6] =	stream.linear.scatter [tilespmem:s20], [sflag:$0x2], $0x2000, $0x38;
	[tilespmem:$0x1C800] =	vst v63  }
0x61: {  	_ =	swait.ge [sflag:s18], $0x2000  }
0x62: {  	[sflag:s18] =	ssyncset.done $0x0  }
0x63: {  	[sflag:s18] =	ssyncadd.s32 $0xFFFFE000  }
0x64: {  	[tilespmem:s20], [sflag:$0x2] =	stream.linear.gather [hbm4b:s7+s2], $0x2000, $0x38;
	[tilespmem:$0x1C800] =	vst v63  }
0x65: {  	_ =	swait.ge [sflag:s18], $0x2000  }
0x66: {  	[sflag:s18] =	ssyncset.done $0x0  }
0x67: {  	[sflag:s18] =	ssyncadd.s32 $0xFFFFE000  }
0x68: {  	[spmem:s8] =	stream.linear.scatter [tilespmem:s20], [sflag:$0x2], $0x2000, $0x38;
	[tilespmem:$0x1C800] =	vst v63  }
0x69: {  	_ =	swait.ge [sflag:s18], $0x2000  }
0x6a: {  	[sflag:s18] =	ssyncset.done $0x0  }
0x6b: {  	[sflag:s18] =	ssyncadd.s32 $0xFFFFE000  }
0x6c: {  	[tilespmem:s20], [sflag:$0x2] =	stream.linear.gather [hbm4b:s9+s2], $0x2000, $0x38;
	[tilespmem:$0x1C800] =	vst v63  }
0x6d: {  	_ =	swait.ge [sflag:s18], $0x2000  }
0x6e: {  	[sflag:s18] =	ssyncset.done $0x0  }
0x6f: {  	[sflag:s18] =	ssyncadd.s32 $0xFFFFE000  }
0x70: {  	[spmem:s10] =	stream.linear.scatter [tilespmem:s20], [sflag:$0x2], $0x2000, $0x38;
	[tilespmem:$0x1C800] =	vst v63  }
0x71: {  	_ =	swait.ge [sflag:s18], $0x2000  }
0x72: {  	[sflag:s18] =	ssyncset.done $0x0  }
0x73: {  	[sflag:s18] =	ssyncadd.s32 $0xFFFFE000  }
0x74: {  	[tilespmem:s20], [sflag:$0x2] =	stream.linear.gather [hbm4b:s13+s2], $0x2000, $0x38;
	[tilespmem:$0x1C800] =	vst v63  }
0x75: {  	_ =	swait.ge [sflag:s18], $0x2000  }
0x76: {  	[sflag:s18] =	ssyncset.done $0x0  }
0x77: {  	[sflag:s18] =	ssyncadd.s32 $0xFFFFE000  }
0x78: {  	[spmem:s14] =	stream.linear.scatter [tilespmem:s20], [sflag:$0x2], $0x2000, $0x38;
	[tilespmem:$0x1C800] =	vst v63  }
0x79: {  	_ =	swait.ge [sflag:s18], $0x2000  }
0x7a: {  	[sflag:s18] =	ssyncset.done $0x0  }
0x7b: {  	[sflag:s18] =	ssyncadd.s32 $0xFFFFE000  }
0x7c: {  	[tilespmem:s20], [sflag:$0x2] =	stream.linear.gather [hbm4b:s15+s2], $0x2000, $0x38;
	[tilespmem:$0x1C800] =	vst v63  }
0x7d: {  	_ =	swait.ge [sflag:s18], $0x2000  }
0x7e: {  	[sflag:s18] =	ssyncset.done $0x0  }
0x7f: {  	[sflag:s18] =	ssyncadd.s32 $0xFFFFE000  }
0x80: {  	[spmem:s16] =	stream.linear.scatter [tilespmem:s20], [sflag:$0x2], $0x2000, $0x38;
	[tilespmem:$0x1C800] =	vst v63  }
0x81: {  	_ =	swait.ge [sflag:s18], $0x2000  }
0x82: {  	[sflag:s18] =	ssyncset.done $0x0  }
0x83: {  	[sflag:s18] =	ssyncadd.s32 $0xFFFFE000  }
0x84: {  	s26 =	simm.s32 $0x0;
	[bflag:$0x0] =	sbarrier.arrive $0xFFFF  }
0x85: {  	[spmem:s12] =	stream.indirect.scatter.add.f32 [tilespmem:s19], [sflag:$0x1], $0x80, s26, s21, $0xb8;
	[tilespmem:$0x1C800] =	vst v63  }
0x86: {  	s28 =	simm.s32 $0x80  }
0x87: {  	[spmem:s12] =	stream.indirect.scatter.add.f32 [tilespmem:s19], [sflag:$0x1], $0x80, s28, s21, $0xb8;
	[tilespmem:$0x1C800] =	vst v63  }
0x88: {  	s25 =	simm.s32 $0x100  }
0x89: {  	[spmem:s12] =	stream.indirect.scatter.add.f32 [tilespmem:s19], [sflag:$0x1], $0x80, s25, s21, $0xb8;
	[tilespmem:$0x1C800] =	vst v63  }
0x8a: {  	s26 =	simm.s32 $0x180  }
0x8b: {  	[spmem:s12] =	stream.indirect.scatter.add.f32 [tilespmem:s19], [sflag:$0x1], $0x80, s26, s21, $0xb8;
	[tilespmem:$0x1C800] =	vst v63  }
0x8c: {  	s28 =	simm.s32 $0x200  }
0x8d: {  	[spmem:s12] =	stream.indirect.scatter.add.f32 [tilespmem:s19], [sflag:$0x1], $0x80, s28, s21, $0xb8;
	[tilespmem:$0x1C800] =	vst v63  }
0x8e: {  	s25 =	simm.s32 $0x280  }
0x8f: {  	[spmem:s12] =	stream.indirect.scatter.add.f32 [tilespmem:s19], [sflag:$0x1], $0x80, s25, s21, $0xb8;
	[tilespmem:$0x1C800] =	vst v63  }
0x90: {  	s26 =	simm.s32 $0x300  }
0x91: {  	[spmem:s12] =	stream.indirect.scatter.add.f32 [tilespmem:s19], [sflag:$0x1], $0x80, s26, s21, $0xb8;
	[tilespmem:$0x1C800] =	vst v63  }
0x92: {  	s28 =	simm.s32 $0x380  }
0x93: {  	[spmem:s12] =	stream.indirect.scatter.add.f32 [tilespmem:s19], [sflag:$0x1], $0x80, s28, s21, $0xb8;
	[tilespmem:$0x1C800] =	vst v63  }
0x94: {  	_ =	swait.ge [sflag:s22], $0x2800  }
0x95: {  	[sflag:s22] =	ssyncset.done $0x0  }
0x96: {  	[sflag:s22] =	ssyncadd.s32 $0xFFFFD800  }
0x97: {  	_ =	swait.ge [sflag:s22], $0x2800  }
0x98: {  	[sflag:s22] =	ssyncset.done $0x0  }
0x99: {  	[sflag:s22] =	ssyncadd.s32 $0xFFFFD800  }
0x9a: {  	_ =	swait.ge [sflag:s22], $0x2800  }
0x9b: {  	[sflag:s22] =	ssyncset.done $0x0  }
0x9c: {  	[sflag:s22] =	ssyncadd.s32 $0xFFFFD800  }
0x9d: {  	_ =	swait.ge [sflag:s22], $0x2800  }
0x9e: {  	[sflag:s22] =	ssyncset.done $0x0  }
0x9f: {  	[sflag:s22] =	ssyncadd.s32 $0xFFFFD800  }
0xa0: {  	_ =	swait.ge [sflag:s22], $0x2800  }
0xa1: {  	[sflag:s22] =	ssyncset.done $0x0  }
0xa2: {  	[sflag:s22] =	ssyncadd.s32 $0xFFFFD800  }
0xa3: {  	_ =	swait.ge [sflag:s22], $0x2800  }
0xa4: {  	[sflag:s22] =	ssyncset.done $0x0  }
0xa5: {  	[sflag:s22] =	ssyncadd.s32 $0xFFFFD800  }
0xa6: {  	_ =	swait.ge [sflag:s22], $0x2800  }
0xa7: {  	[sflag:s22] =	ssyncset.done $0x0  }
0xa8: {  	[sflag:s22] =	ssyncadd.s32 $0xFFFFD800  }
0xa9: {  	_ =	swait.ge [sflag:s22], $0x2800  }
0xaa: {  	s24 =	simm.s32 $0x1000;
	s25 =	simm.s32 $0x2000;
	[sflag:s22] =	ssyncset.done $0x0  }
.LBB2_2:
0xab: {  	s28 =	sshra.s32 s24, $0x2  }
0xac: {  	[sflag:s22] =	ssyncadd.s32 $0xFFFFD800;
	s24 =	smov.u32 s25;
	s26 =	sadd.s32 $0x1000, s25  }
0xad: {  	[spmem:s12] =	stream.indirect.scatter.add.f32 [tilespmem:s19], [sflag:$0x1], $0x80, s28, s21, $0xb8;
	[tilespmem:$0x1C800] =	vst v63  }
0xae: {  	p0 =	sne.s32 s25, $0xE000;
	s25 =	sadd.s32 $0x80, s28  }
0xaf: {  	[spmem:s12] =	stream.indirect.scatter.add.f32 [tilespmem:s19], [sflag:$0x1], $0x80, s25, s21, $0xb8;
	[tilespmem:$0x1C800] =	vst v63  }
0xb0: {  	s25 =	sadd.s32 $0x100, s28  }
0xb1: {  	[spmem:s12] =	stream.indirect.scatter.add.f32 [tilespmem:s19], [sflag:$0x1], $0x80, s25, s21, $0xb8;
	[tilespmem:$0x1C800] =	vst v63  }
0xb2: {  	s25 =	sadd.s32 $0x180, s28  }
0xb3: {  	[spmem:s12] =	stream.indirect.scatter.add.f32 [tilespmem:s19], [sflag:$0x1], $0x80, s25, s21, $0xb8;
	[tilespmem:$0x1C800] =	vst v63  }
0xb4: {  	s25 =	sadd.s32 $0x200, s28  }
0xb5: {  	[spmem:s12] =	stream.indirect.scatter.add.f32 [tilespmem:s19], [sflag:$0x1], $0x80, s25, s21, $0xb8;
	[tilespmem:$0x1C800] =	vst v63  }
0xb6: {  	s25 =	sadd.s32 $0x280, s28  }
0xb7: {  	[spmem:s12] =	stream.indirect.scatter.add.f32 [tilespmem:s19], [sflag:$0x1], $0x80, s25, s21, $0xb8;
	[tilespmem:$0x1C800] =	vst v63  }
0xb8: {  	s25 =	sadd.s32 $0x300, s28  }
0xb9: {  	[spmem:s12] =	stream.indirect.scatter.add.f32 [tilespmem:s19], [sflag:$0x1], $0x80, s25, s21, $0xb8;
	[tilespmem:$0x1C800] =	vst v63  }
0xba: {  	s25 =	sadd.s32 $0x380, s28  }
0xbb: {  	[spmem:s12] =	stream.indirect.scatter.add.f32 [tilespmem:s19], [sflag:$0x1], $0x80, s25, s21, $0xb8;
	[tilespmem:$0x1C800] =	vst v63  }
0xbc: {  	_ =	swait.ge [sflag:s22], $0x2800  }
0xbd: {  	[sflag:s22] =	ssyncset.done $0x0  }
0xbe: {  	[sflag:s22] =	ssyncadd.s32 $0xFFFFD800  }
0xbf: {  	_ =	swait.ge [sflag:s22], $0x2800  }
0xc0: {  	[sflag:s22] =	ssyncset.done $0x0  }
0xc1: {  	[sflag:s22] =	ssyncadd.s32 $0xFFFFD800  }
0xc2: {  	_ =	swait.ge [sflag:s22], $0x2800  }
0xc3: {  	[sflag:s22] =	ssyncset.done $0x0  }
0xc4: {  	[sflag:s22] =	ssyncadd.s32 $0xFFFFD800  }
0xc5: {  	_ =	swait.ge [sflag:s22], $0x2800  }
0xc6: {  	[sflag:s22] =	ssyncset.done $0x0  }
0xc7: {  	[sflag:s22] =	ssyncadd.s32 $0xFFFFD800  }
0xc8: {  	_ =	swait.ge [sflag:s22], $0x2800  }
0xc9: {  	[sflag:s22] =	ssyncset.done $0x0  }
0xca: {  	[sflag:s22] =	ssyncadd.s32 $0xFFFFD800  }
0xcb: {  	_ =	swait.ge [sflag:s22], $0x2800  }
0xcc: {  	[sflag:s22] =	ssyncset.done $0x0  }
0xcd: {  	[sflag:s22] =	ssyncadd.s32 $0xFFFFD800  }
.Ltmp0:
0xce: {  	_ =	swait.ge [sflag:s22], $0x2800;
	(pc) =	sbr.rel @p0 .LBB2_2-.Ltmp0, $4  }
0xcf: {  	[sflag:s22] =	ssyncset.done $0x0  }
0xd0: {  	[sflag:s22] =	ssyncadd.s32 $0xFFFFD800  }
0xd1: {  	_ =	swait.ge [sflag:s22], $0x2800  }
0xd2: {  	s25 =	smov.u32 s26;
	[sflag:s22] =	ssyncset.done $0x0  }
0xd3: {  	s24 =	sshra.s32 s24, $0x2;
	[sflag:s22] =	ssyncadd.s32 $0xFFFFD800  }
0xd4: {  	[spmem:s12] =	stream.indirect.scatter.add.f32 [tilespmem:s19], [sflag:$0x1], $0x80, s24, s21, $0xb8;
	[tilespmem:$0x1C800] =	vst v63  }
0xd5: {  	s25 =	sadd.s32 $0x80, s24  }
0xd6: {  	[spmem:s12] =	stream.indirect.scatter.add.f32 [tilespmem:s19], [sflag:$0x1], $0x80, s25, s21, $0xb8;
	[tilespmem:$0x1C800] =	vst v63  }
0xd7: {  	s26 =	sadd.s32 $0x100, s24  }
0xd8: {  	[spmem:s12] =	stream.indirect.scatter.add.f32 [tilespmem:s19], [sflag:$0x1], $0x80, s26, s21, $0xb8;
	[tilespmem:$0x1C800] =	vst v63  }
0xd9: {  	s28 =	sadd.s32 $0x180, s24  }
0xda: {  	[spmem:s12] =	stream.indirect.scatter.add.f32 [tilespmem:s19], [sflag:$0x1], $0x80, s28, s21, $0xb8;
	[tilespmem:$0x1C800] =	vst v63  }
0xdb: {  	s26 =	sadd.s32 $0x200, s24  }
0xdc: {  	[spmem:s12] =	stream.indirect.scatter.add.f32 [tilespmem:s19], [sflag:$0x1], $0x80, s26, s21, $0xb8;
	[tilespmem:$0x1C800] =	vst v63  }
0xdd: {  	s28 =	sadd.s32 $0x280, s24  }
0xde: {  	[spmem:s12] =	stream.indirect.scatter.add.f32 [tilespmem:s19], [sflag:$0x1], $0x80, s28, s21, $0xb8;
	[tilespmem:$0x1C800] =	vst v63  }
0xdf: {  	s26 =	sadd.s32 $0x300, s24  }
0xe0: {  	[spmem:s12] =	stream.indirect.scatter.add.f32 [tilespmem:s19], [sflag:$0x1], $0x80, s26, s21, $0xb8;
	[tilespmem:$0x1C800] =	vst v63  }
0xe1: {  	s24 =	sadd.s32 $0x380, s24  }
0xe2: {  	[spmem:s12] =	stream.indirect.scatter.add.f32 [tilespmem:s19], [sflag:$0x1], $0x80, s24, s21, $0xb8;
	[tilespmem:$0x1C800] =	vst v63  }
0xe3: {  	_ =	swait.ge [sflag:s22], $0x2800  }
0xe4: {  	[sflag:s22] =	ssyncset.done $0x0  }
0xe5: {  	[sflag:s22] =	ssyncadd.s32 $0xFFFFD800  }
0xe6: {  	_ =	swait.ge [sflag:s22], $0x2800  }
0xe7: {  	[sflag:s22] =	ssyncset.done $0x0  }
0xe8: {  	[sflag:s22] =	ssyncadd.s32 $0xFFFFD800  }
0xe9: {  	_ =	swait.ge [sflag:s22], $0x2800  }
0xea: {  	[sflag:s22] =	ssyncset.done $0x0  }
0xeb: {  	[sflag:s22] =	ssyncadd.s32 $0xFFFFD800  }
0xec: {  	_ =	swait.ge [sflag:s22], $0x2800  }
0xed: {  	[sflag:s22] =	ssyncset.done $0x0  }
0xee: {  	[sflag:s22] =	ssyncadd.s32 $0xFFFFD800  }
0xef: {  	_ =	swait.ge [sflag:s22], $0x2800  }
0xf0: {  	[sflag:s22] =	ssyncset.done $0x0  }
0xf1: {  	[sflag:s22] =	ssyncadd.s32 $0xFFFFD800  }
0xf2: {  	_ =	swait.ge [sflag:s22], $0x2800  }
0xf3: {  	[sflag:s22] =	ssyncset.done $0x0  }
0xf4: {  	[sflag:s22] =	ssyncadd.s32 $0xFFFFD800  }
0xf5: {  	_ =	swait.ge [sflag:s22], $0x2800  }
0xf6: {  	[sflag:s22] =	ssyncset.done $0x0  }
0xf7: {  	[sflag:s22] =	ssyncadd.s32 $0xFFFFD800  }
0xf8: {  	_ =	swait.ge [sflag:s22], $0x2800  }
0xf9: {  	[sflag:s22] =	ssyncset.done $0x0  }
0xfa: {  	s28 =	simm.s32 $0x3C00;
	[sflag:s22] =	ssyncadd.s32 $0xFFFFD800  }
0xfb: {  	[spmem:s12] =	stream.indirect.scatter.add.f32 [tilespmem:s19], [sflag:$0x2], $0x80, s28, s21, $0xb8;
	[tilespmem:$0x1C800] =	vst v63  }
0xfc: {  	_ =	swait.ge [sflag:s18], $0x2800  }
0xfd: {  	[sflag:s18] =	ssyncset.done $0x0  }
0xfe: {  	s25 =	simm.s32 $0x3C80;
	[sflag:s18] =	ssyncadd.s32 $0xFFFFD800  }
0xff: {  	[spmem:s12] =	stream.indirect.scatter.add.f32 [tilespmem:s19], [sflag:$0x2], $0x80, s25, s21, $0xb8;
	[tilespmem:$0x1C800] =	vst v63  }
0x100: {  	_ =	swait.ge [sflag:s18], $0x2800  }
0x101: {  	[sflag:s18] =	ssyncset.done $0x0  }
0x102: {  	s26 =	simm.s32 $0x3D00;
	[sflag:s18] =	ssyncadd.s32 $0xFFFFD800  }
0x103: {  	[spmem:s12] =	stream.indirect.scatter.add.f32 [tilespmem:s19], [sflag:$0x2], $0x80, s26, s21, $0xb8;
	[tilespmem:$0x1C800] =	vst v63  }
0x104: {  	_ =	swait.ge [sflag:s18], $0x2800  }
0x105: {  	[sflag:s18] =	ssyncset.done $0x0  }
0x106: {  	s28 =	simm.s32 $0x3D80;
	[sflag:s18] =	ssyncadd.s32 $0xFFFFD800  }
0x107: {  	[spmem:s12] =	stream.indirect.scatter.add.f32 [tilespmem:s19], [sflag:$0x2], $0x80, s28, s21, $0xb8;
	[tilespmem:$0x1C800] =	vst v63  }
0x108: {  	_ =	swait.ge [sflag:s18], $0x2800  }
0x109: {  	[sflag:s18] =	ssyncset.done $0x0  }
0x10a: {  	s25 =	simm.s32 $0x3E00;
	[sflag:s18] =	ssyncadd.s32 $0xFFFFD800  }
0x10b: {  	[spmem:s12] =	stream.indirect.scatter.add.f32 [tilespmem:s19], [sflag:$0x2], $0x80, s25, s21, $0xb8;
	[tilespmem:$0x1C800] =	vst v63  }
0x10c: {  	_ =	swait.ge [sflag:s18], $0x2800  }
0x10d: {  	[sflag:s18] =	ssyncset.done $0x0  }
0x10e: {  	[sflag:s18] =	ssyncadd.s32 $0xFFFFD800  }
0x10f: {  	[bflag:$0x0] =	sbarrier.arrive $0xFFFF  }
0x110: {  	[tilespmem:s20], [sflag:$0x2] =	stream.linear.gather [spmem:s17], $0x2000, $0x38;
	[tilespmem:$0x1C800] =	vst v63  }
0x111: {  	_ =	swait.ge [sflag:s18], $0x2000  }
0x112: {  	[sflag:s18] =	ssyncset.done $0x0  }
0x113: {  	s26 =	rddreg [dreg:$0x4];
	[sflag:s18] =	ssyncadd.s32 $0xFFFFE000  }
0x114: {  	[hbm4b:s26+s2] =	stream.linear.scatter [tilespmem:s20], [sflag:$0x2], $0x2000, $0x38;
	[tilespmem:$0x1C800] =	vst v63  }
0x115: {  	_ =	swait.ge [sflag:s18], $0x2000  }
0x116: {  	[sflag:s18] =	ssyncset.done $0x0  }
0x117: {  	s28 =	rddreg [dreg:$0x11];
	[sflag:s18] =	ssyncadd.s32 $0xFFFFE000  }
0x118: {  	[tilespmem:s20], [sflag:$0x2] =	stream.linear.gather [spmem:s28], $0x2000, $0x38;
	[tilespmem:$0x1C800] =	vst v63  }
0x119: {  	_ =	swait.ge [sflag:s18], $0x2000  }
0x11a: {  	[sflag:s18] =	ssyncset.done $0x0  }
0x11b: {  	s25 =	rddreg [dreg:$0x5];
	[sflag:s18] =	ssyncadd.s32 $0xFFFFE000  }
0x11c: {  	[hbm4b:s25+s2] =	stream.linear.scatter [tilespmem:s20], [sflag:$0x2], $0x2000, $0x38;
	[tilespmem:$0x1C800] =	vst v63  }
0x11d: {  	_ =	swait.ge [sflag:s18], $0x2000  }
0x11e: {  	[sflag:s18] =	ssyncset.done $0x0  }
0x11f: {  	s26 =	rddreg [dreg:$0x12];
	[sflag:s18] =	ssyncadd.s32 $0xFFFFE000  }
0x120: {  	[tilespmem:s20], [sflag:$0x2] =	stream.linear.gather [spmem:s26], $0x2000, $0x38;
	[tilespmem:$0x1C800] =	vst v63  }
0x121: {  	_ =	swait.ge [sflag:s18], $0x2000  }
0x122: {  	[sflag:s18] =	ssyncset.done $0x0  }
0x123: {  	s28 =	rddreg [dreg:$0x6];
	[sflag:s18] =	ssyncadd.s32 $0xFFFFE000  }
0x124: {  	[hbm4b:s28+s2] =	stream.linear.scatter [tilespmem:s20], [sflag:$0x2], $0x2000, $0x38;
	[tilespmem:$0x1C800] =	vst v63  }
0x125: {  	_ =	swait.ge [sflag:s18], $0x2000  }
0x126: {  	[sflag:s18] =	ssyncset.done $0x0  }
0x127: {  	s25 =	rddreg [dreg:$0x13];
	[sflag:s18] =	ssyncadd.s32 $0xFFFFE000  }
0x128: {  	[tilespmem:s20], [sflag:$0x2] =	stream.linear.gather [spmem:s25], $0x2000, $0x38;
	[tilespmem:$0x1C800] =	vst v63  }
0x129: {  	_ =	swait.ge [sflag:s18], $0x2000  }
0x12a: {  	[sflag:s18] =	ssyncset.done $0x0  }
0x12b: {  	s26 =	rddreg [dreg:$0x7];
	[sflag:s18] =	ssyncadd.s32 $0xFFFFE000  }
0x12c: {  	[hbm4b:s26+s2] =	stream.linear.scatter [tilespmem:s20], [sflag:$0x2], $0x2000, $0x38;
	[tilespmem:$0x1C800] =	vst v63  }
0x12d: {  	_ =	swait.ge [sflag:s18], $0x2000  }
0x12e: {  	[sflag:s18] =	ssyncset.done $0x0  }
0x12f: {  	s28 =	rddreg [dreg:$0x14];
	[sflag:s18] =	ssyncadd.s32 $0xFFFFE000  }
0x130: {  	[tilespmem:s20], [sflag:$0x2] =	stream.linear.gather [spmem:s28], $0x2000, $0x38;
	[tilespmem:$0x1C800] =	vst v63  }
0x131: {  	_ =	swait.ge [sflag:s18], $0x2000  }
0x132: {  	[sflag:s18] =	ssyncset.done $0x0  }
0x133: {  	s25 =	rddreg [dreg:$0x8];
	[sflag:s18] =	ssyncadd.s32 $0xFFFFE000  }
0x134: {  	[hbm4b:s25+s2] =	stream.linear.scatter [tilespmem:s20], [sflag:$0x2], $0x2000, $0x38;
	[tilespmem:$0x1C800] =	vst v63  }
0x135: {  	_ =	swait.ge [sflag:s18], $0x2000  }
0x136: {  	[sflag:s18] =	ssyncset.done $0x0  }
0x137: {  	s26 =	rddreg [dreg:$0x15];
	[sflag:s18] =	ssyncadd.s32 $0xFFFFE000  }
0x138: {  	[tilespmem:s20], [sflag:$0x2] =	stream.linear.gather [spmem:s26], $0x2000, $0x38;
	[tilespmem:$0x1C800] =	vst v63  }
0x139: {  	_ =	swait.ge [sflag:s18], $0x2000  }
0x13a: {  	[sflag:s18] =	ssyncset.done $0x0  }
0x13b: {  	s28 =	rddreg [dreg:$0x9];
	[sflag:s18] =	ssyncadd.s32 $0xFFFFE000  }
0x13c: {  	[hbm4b:s28+s2] =	stream.linear.scatter [tilespmem:s20], [sflag:$0x2], $0x2000, $0x38;
	[tilespmem:$0x1C800] =	vst v63  }
0x13d: {  	_ =	swait.ge [sflag:s18], $0x2000  }
0x13e: {  	[sflag:s18] =	ssyncset.done $0x0  }
0x13f: {  	s25 =	rddreg [dreg:$0x16];
	[sflag:s18] =	ssyncadd.s32 $0xFFFFE000  }
0x140: {  	[tilespmem:s20], [sflag:$0x2] =	stream.linear.gather [spmem:s25], $0x2000, $0x38;
	[tilespmem:$0x1C800] =	vst v63  }
0x141: {  	_ =	swait.ge [sflag:s18], $0x2000  }
0x142: {  	[sflag:s18] =	ssyncset.done $0x0  }
0x143: {  	s26 =	rddreg [dreg:$0xa];
	[sflag:s18] =	ssyncadd.s32 $0xFFFFE000  }
0x144: {  	[hbm4b:s26+s2] =	stream.linear.scatter [tilespmem:s20], [sflag:$0x2], $0x2000, $0x38;
	[tilespmem:$0x1C800] =	vst v63  }
0x145: {  	_ =	swait.ge [sflag:s18], $0x2000  }
0x146: {  	[sflag:s18] =	ssyncset.done $0x0  }
0x147: {  	s28 =	rddreg [dreg:$0x17];
	[sflag:s18] =	ssyncadd.s32 $0xFFFFE000  }
0x148: {  	[tilespmem:s20], [sflag:$0x2] =	stream.linear.gather [spmem:s28], $0x2000, $0x38;
	[tilespmem:$0x1C800] =	vst v63  }
0x149: {  	_ =	swait.ge [sflag:s18], $0x2000  }
0x14a: {  	[sflag:s18] =	ssyncset.done $0x0  }
0x14b: {  	s25 =	rddreg [dreg:$0xb];
	[sflag:s18] =	ssyncadd.s32 $0xFFFFE000  }
0x14c: {  	[hbm4b:s25+s2] =	stream.linear.scatter [tilespmem:s20], [sflag:$0x2], $0x2000, $0x38;
	[tilespmem:$0x1C800] =	vst v63  }
0x14d: {  	_ =	swait.ge [sflag:s18], $0x2000  }
0x14e: {  	[sflag:s18] =	ssyncset.done $0x0  }
0x14f: {  	s26 =	rddreg [dreg:$0x18];
	[sflag:s18] =	ssyncadd.s32 $0xFFFFE000  }
0x150: {  	[tilespmem:s20], [sflag:$0x2] =	stream.linear.gather [spmem:s26], $0x2000, $0x38;
	[tilespmem:$0x1C800] =	vst v63  }
0x151: {  	_ =	swait.ge [sflag:s18], $0x2000  }
0x152: {  	[sflag:s18] =	ssyncset.done $0x0  }
0x153: {  	s28 =	rddreg [dreg:$0xc];
	[sflag:s18] =	ssyncadd.s32 $0xFFFFE000  }
0x154: {  	[hbm4b:s28+s2] =	stream.linear.scatter [tilespmem:s20], [sflag:$0x2], $0x2000, $0x38;
	[tilespmem:$0x1C800] =	vst v63  }
0x155: {  	_ =	swait.ge [sflag:s18], $0x2000  }
0x156: {  	[sflag:s18] =	ssyncset.done $0x0  }
0x157: {  	s25 =	rddreg [dreg:$0x19];
	[sflag:s18] =	ssyncadd.s32 $0xFFFFE000  }
0x158: {  	[tilespmem:s20], [sflag:$0x2] =	stream.linear.gather [spmem:s25], $0x2000, $0x38;
	[tilespmem:$0x1C800] =	vst v63  }
0x159: {  	_ =	swait.ge [sflag:s18], $0x2000  }
0x15a: {  	[sflag:s18] =	ssyncset.done $0x0  }
0x15b: {  	s26 =	rddreg [dreg:$0xd];
	[sflag:s18] =	ssyncadd.s32 $0xFFFFE000  }
0x15c: {  	[hbm4b:s26+s2] =	stream.linear.scatter [tilespmem:s20], [sflag:$0x2], $0x2000, $0x38;
	[tilespmem:$0x1C800] =	vst v63  }
0x15d: {  	_ =	swait.ge [sflag:s18], $0x2000  }
0x15e: {  	s23 =	sadd.s32 $0x1, s23;
	s28 =	rddreg [dreg:$0x10]  }
0x15f: {  	p0 =	sne.s32 s23, s28  }
.Ltmp1:
0x160: {  	_ = 	snop;
	(pc) =	sbr.rel @p0 .LBB2_1-.Ltmp1, $3  }
0x161: {  	_ =	sdelay $0x1  }
0x162: {  	[sflag:s18] =	ssyncset.done $0x0  }
0x163: {  	[sflag:s18] =	ssyncadd.s32 $0xFFFFE000  }
0x164: {  	_ =	sfence.sel $0x180000  }
0x165: {  	[bflag:$0x0] =	sbarrier.arrive $0xFFFF  }
0x166: {  	_ =	strace $0x9000004D  }
0x167: {  	s0 =	stileid.u32;
	[bflag:$0x2] =	sbarrier.arrive $0xFFFF  }
0x168: {  	p0 =	sne.s32 s0, $0x0;
	s0 =	rddreg [dreg:$0x3]  }
0x169: {  	s0 =	sadd.s32 @!p0 $0x100000, s0  }
0x16a: {  	[sflag:s0] =	ssyncadd.tile.s32 @!p0 $0x1;
	_ =	shalt  }
.Lfunc_end2:
_tile_overlayer_lowered:
.L_overlay_start_2:
0x16b: {  	(tag) =	ssettag $0x2  }
0x16c: {  	s0 =	rddreg [dreg:$0x0];
	s2 =	stileid.u32  }
0x16d: {  	s1 =	rddreg [dreg:$0x1];
	p0 =	sne.s32 s2, $0x0  }
0x16e: {  	s3 =	rddreg [dreg:$0x2];
	[bflag:$0x3] =	sbarrier.arrive $0xFFFF;
	s2 =	simm.s32 @!p0 $0x1C02  }
0x16f: {  	[timem:s3], [sflag:s2] =	dma.local @!p0 [hbm:s0], s1  }
0x170: {  	s0 =	simm.s32 @!p0 $0x2  }
0x171: {  	_ =	swait.ge @!p0 [sflag:s0], s1  }
0x172: {  	s1 =	ssub.s32 @!p0 $0x0, s1;
	[sflag:s0] =	ssyncset.done @!p0 $0x0  }
0x173: {  	[sflag:s0] =	ssyncadd.s32 @!p0 s1  }
0x174: {  	[bflag:$0x3] =	sbarrier.arrive $0xFFFF  }
0x175: {  	_ =	shalt  }

</sc_bundles>
